<compile_context>
chip_gen: v7x
topology: tpu7x:2x2x1
jax: 0.10.2.dev20260603
libtpu: 0.0.44.dev20260713+nightly
codegen_flags: <defaults>
</compile_context>

<pallas_src>
import functools

import jax
import jax.numpy as jnp
from jax import lax
from jax.experimental import pallas as pl
from jax.experimental.pallas import tpu as pltpu
from jax.experimental.pallas import tpu_sc as plsc

N = 10000
E = 320000
D_IN = 128
DH = 16

NC = 2
NS = 16
NW = NC * NS
CH = 128
J = 80
KB = 4
TOT_B = NW * J
J0 = 128
J1 = 2 * J - J0
JMX = max(J0, J1)
E_PAD = TOT_B * CH
N_PAD = 10112
RPT = N_PAD // NS


def _deg_body(dst_hbm, ones_hbm, zeros_hbm, out_hbm, dst_v, ones_v, z_v, acc):
    c = lax.axis_index("c")
    s = lax.axis_index("s")
    wid = s * NC + c

    pltpu.sync_copy(zeros_hbm, z_v)
    pltpu.sync_copy(z_v, acc.at[pl.ds(s * RPT, RPT)])
    pltpu.sync_copy(ones_hbm, ones_v)
    pltpu.sync_copy(dst_hbm.at[pl.ds(wid * J, J)], dst_v)
    plsc.subcore_barrier()

    def step(j, _):
        pltpu.sync_copy(ones_v, acc.at[dst_v.at[j]], add=True)
        return ()

    lax.fori_loop(0, J, step, ())
    plsc.subcore_barrier()
    pltpu.sync_copy(acc.at[pl.ds(s * RPT, RPT)], z_v)
    pltpu.sync_copy(z_v, out_hbm.at[pl.ds(c * N_PAD + s * RPT, RPT)])



def _agg_body(h_hbm, src_hbm, dst_hbm, zrows_hbm, out_hbm,
              src_v, dst_v, rows_v, z_v, gsem, ssemA, ssemB, acc):
    c = lax.axis_index("c")
    s = lax.axis_index("s")
    wid = s * NC + c

    start = jnp.where(c == 0, s * J0, NS * J0 + s * J1)
    n_my = jnp.where(c == 0, J0, J1)

    pltpu.sync_copy(zrows_hbm, z_v)
    pltpu.sync_copy(z_v, acc.at[pl.ds(s * RPT, RPT)])
    pltpu.sync_copy(src_hbm.at[pl.ds(start, JMX)], src_v)
    pltpu.sync_copy(dst_hbm.at[pl.ds(start, JMX)], dst_v)
    plsc.subcore_barrier()

    def drain(set_idx, sem, base):
        for b in range(KB):
            pltpu.make_async_copy(
                rows_v.at[set_idx, b], acc.at[dst_v.at[base + b]], sem
            ).wait()

    def half(set_idx, sem, base):
        g = [pltpu.async_copy(h_hbm.at[src_v.at[base + b]],
                              rows_v.at[set_idx, b], gsem)
             for b in range(KB)]
        for b in range(KB):
            g[b].wait()
        for b in range(KB):
            pltpu.async_copy(rows_v.at[set_idx, b],
                             acc.at[dst_v.at[base + b]], sem, add=True)

    def step(k, _):
        base = k * 2 * KB

        @pl.when(k > 0)
        def _():
            drain(0, ssemA, base - 2 * KB)

        half(0, ssemA, base)

        @pl.when(k > 0)
        def _():
            drain(1, ssemB, base - KB)

        half(1, ssemB, base + KB)
        return ()

    lax.fori_loop(0, n_my // (2 * KB), step, ())
    drain(0, ssemA, n_my - 2 * KB)
    drain(1, ssemB, n_my - KB)
    plsc.subcore_barrier()
    pltpu.sync_copy(acc.at[pl.ds(s * RPT, RPT)], z_v)
    pltpu.sync_copy(z_v, out_hbm.at[pl.ds(c * N_PAD + s * RPT, RPT)])


@functools.cache
def _sc_kernels():
    mesh = plsc.VectorSubcoreMesh(core_axis_name="c", subcore_axis_name="s")
    params = pltpu.CompilerParams(use_tc_tiling_on_sc=False)
    deg = pl.kernel(
        _deg_body,
        mesh=mesh,
        compiler_params=params,
        out_type=jax.ShapeDtypeStruct((NC * N_PAD,), jnp.float32),
        scratch_types=[
            pltpu.VMEM((J, CH), jnp.int32),
            pltpu.VMEM((CH,), jnp.float32),
            pltpu.VMEM((RPT,), jnp.float32),
            pltpu.VMEM_SHARED((N_PAD,), jnp.float32),
        ],
    )
    agg = pl.kernel(
        _agg_body,
        mesh=mesh,
        compiler_params=params,
        out_type=jax.ShapeDtypeStruct((NC * N_PAD, DH), jnp.float32),
        scratch_types=[
            pltpu.VMEM((JMX, CH), jnp.int32),
            pltpu.VMEM((JMX, CH), jnp.int32),
            pltpu.VMEM((2, KB, CH, DH), jnp.float32),
            pltpu.VMEM((RPT, DH), jnp.float32),
            pltpu.SemaphoreType.DMA,
            pltpu.SemaphoreType.DMA,
            pltpu.SemaphoreType.DMA,
            pltpu.VMEM_SHARED((N_PAD, DH), jnp.float32),
        ],
    )
    return deg, agg


NR = N // 8
NR_PAD = N_PAD // 8

def _dinv8(degp_ref):
    deg = degp_ref[0] + degp_ref[1] + 1.0
    dinvm = lax.rsqrt(deg)
    g = lax.broadcasted_iota(jnp.int32, (8, 128), 1) // DH
    r = lax.broadcasted_iota(jnp.int32, (8, 128), 0)
    G = (g == r).astype(jnp.float32)
    return jnp.dot(dinvm, G, preferred_element_type=jnp.float32,
                   precision=lax.Precision.HIGHEST)


def _in_body(degp_ref, x8_ref, w8_ref, h_ref):
    dinv8 = _dinv8(degp_ref)
    h8 = jnp.dot(x8_ref[...], w8_ref[...], preferred_element_type=jnp.float32)
    h_ref[0:NR, :] = h8 * dinv8[0:NR, :]
    h_ref[NR:NR_PAD, :] = jnp.zeros((NR_PAD - NR, 128), jnp.float32)


def _mid_body(degp_ref, aggp_ref, h1_ref, b_ref, w28_ref, h_ref):
    dinv8 = _dinv8(degp_ref)
    su = aggp_ref[0, 0:NR, :] + aggp_ref[1, 0:NR, :] + h1_ref[0:NR, :]
    z = jnp.maximum(su * dinv8[0:NR, :] + b_ref[...], 0.0)
    h2 = jnp.dot(z, w28_ref[...], preferred_element_type=jnp.float32)
    h_ref[0:NR, :] = h2 * dinv8[0:NR, :]
    h_ref[NR:NR_PAD, :] = jnp.zeros((NR_PAD - NR, 128), jnp.float32)


def _out_body(degp_ref, aggp_ref, h2_ref, b_ref, out_ref):
    dinv8 = _dinv8(degp_ref)
    su = aggp_ref[0, 0:NR, :] + aggp_ref[1, 0:NR, :] + h2_ref[0:NR, :]
    t = su * dinv8[0:NR, :] + b_ref[...]
    gj = lax.broadcasted_iota(jnp.int32, (128, 128), 0) // DH
    gk = lax.broadcasted_iota(jnp.int32, (128, 128), 1) // DH
    GT = (gj == gk).astype(jnp.float32)
    mu = jnp.dot(t, GT / DH, preferred_element_type=jnp.float32)
    u = t - mu
    ssum = jnp.dot(jnp.exp(u), GT, preferred_element_type=jnp.float32,
                   precision=lax.Precision.HIGHEST)
    out_ref[...] = u - jnp.log(ssum)


_in_call = pl.pallas_call(
    _in_body,
    out_shape=jax.ShapeDtypeStruct((NR_PAD, 128), jnp.float32),
)

_mid_call = pl.pallas_call(
    _mid_body,
    out_shape=jax.ShapeDtypeStruct((NR_PAD, 128), jnp.float32),
)

_out_call = pl.pallas_call(
    _out_body,
    out_shape=jax.ShapeDtypeStruct((NR, 128), jnp.float32),
)


@jax.jit
def kernel(x, edge_index, W1, b1, W2, b2):
    ei = edge_index.astype(jnp.int32)
    pad = jnp.full((E_PAD - E,), N, jnp.int32)
    src = jnp.concatenate([ei[0], pad]).reshape(TOT_B, CH)
    dst = jnp.concatenate([ei[1], pad]).reshape(TOT_B, CH)

    ones_c = jnp.ones((CH,), jnp.float32)
    zeros_r = jnp.zeros((RPT,), jnp.float32)
    zrows = jnp.zeros((RPT, DH), jnp.float32)

    x8 = x.reshape(NR, 8 * D_IN)
    w8 = jnp.kron(jnp.eye(8, dtype=jnp.float32), W1)
    w28 = jnp.kron(jnp.eye(8, dtype=jnp.float32), W2)
    b1t = jnp.tile(b1, 8)[None, :]
    b2t = jnp.tile(b2, 8)[None, :]

    deg_kernel, agg_kernel = _sc_kernels()
    degp8 = deg_kernel(dst, ones_c, zeros_r).reshape(NC, NR_PAD, 8)

    h1p = _in_call(degp8, x8, w8)
    agg1 = agg_kernel(h1p.reshape(N_PAD, DH), src, dst, zrows)
    h2p = _mid_call(degp8, agg1.reshape(NC, NR_PAD, 128), h1p, b1t, w28)
    agg2 = agg_kernel(h2p.reshape(N_PAD, DH), src, dst, zrows)
    out8 = _out_call(degp8, agg2.reshape(NC, NR_PAD, 128), h2p, b2t)
    return out8.reshape(N, DH)

# --- scband reference (transcript-rebuilt; emitter-appended) ---
"""Pipeline reference for scband-gnn-37941741093521 (READ-ONLY COPY).

The authoritative reference and input builder live on the scoring server;
editing this copy changes nothing except your own understanding.
"""

import jax, jax.numpy as jnp
import numpy as np

N_NODES = 10000
N_EDGES = 320000
D_IN = 128
D_HID = 16
D_OUT = 16


def gcn_conv(x, edge_index, W, b, num_nodes):
    # PyG GCNConv semantics: add self-loops, symmetric normalization, linear transform, scatter-add aggregation
    src = edge_index[0]
    dst = edge_index[1]
    loop = jnp.arange(num_nodes, dtype=edge_index.dtype)
    src = jnp.concatenate([src, loop])
    dst = jnp.concatenate([dst, loop])
    deg = jnp.zeros((num_nodes,), dtype=x.dtype).at[dst].add(1.0)
    deg_inv_sqrt = jnp.where(deg > 0, 1.0 / jnp.sqrt(deg), 0.0)
    norm = deg_inv_sqrt[src] * deg_inv_sqrt[dst]
    h = x @ W  # [N, d_out]
    msg = h[src] * norm[:, None]  # gather (SparseCore-friendly)
    out = jnp.zeros((num_nodes, W.shape[1]), dtype=x.dtype).at[dst].add(msg)  # scatter-add
    return out + b


def setup_inputs(seed: int = 0) -> dict:
    key = jax.random.key(seed)
    k1, k2, k3, k4, k5 = jax.random.split(key, 5)
    x = jax.random.normal(k1, (N_NODES, D_IN), dtype=jnp.float32)
    edge_index = jax.random.randint(k2, (2, N_EDGES), 0, N_NODES, dtype=jnp.int64)
    W1 = jax.random.normal(k3, (D_IN, D_HID), dtype=jnp.float32) * (1.0 / np.sqrt(D_IN))
    b1 = jnp.zeros((D_HID,), dtype=jnp.float32)
    W2 = jax.random.normal(k4, (D_HID, D_OUT), dtype=jnp.float32) * (1.0 / np.sqrt(D_HID))
    b2 = jnp.zeros((D_OUT,), dtype=jnp.float32)
    return {"x": x, "edge_index": edge_index, "W1": W1, "b1": b1, "W2": W2, "b2": b2}


def reference(x, edge_index, W1, b1, W2, b2):
    h = gcn_conv(x, edge_index, W1, b1, N_NODES)
    h = jax.nn.relu(h)
    # dropout is identity in eval mode
    h = gcn_conv(h, edge_index, W2, b2, N_NODES)
    return jax.nn.log_softmax(h, axis=1)

if __name__ == "__main__":
    import jax
    _d = setup_inputs()
    print(jax.jit(kernel)(*tuple(_d.values())))

</pallas_src>

<mosaic_0001>
#map = affine_map<(d0, d1) -> (0, 0)>
module attributes {stable_mosaic.version = 14 : i64} {
  func.func @_agg_body(%arg0: i32, %arg1: i32, %arg2: memref<10112x16xf32, #tpu.memory_space<hbm>>, %arg3: memref<2560x128xi32, #tpu.memory_space<hbm>>, %arg4: memref<2560x128xi32, #tpu.memory_space<hbm>>, %arg5: memref<632x16xf32, #tpu.memory_space<hbm>>, %arg6: memref<20224x16xf32, #tpu.memory_space<hbm>>, %arg7: memref<128x128xi32, #tpu.memory_space<vmem>>, %arg8: memref<128x128xi32, #tpu.memory_space<vmem>>, %arg9: memref<2x4x128x16xf32, #tpu.memory_space<vmem>>, %arg10: memref<632x16xf32, #tpu.memory_space<vmem>>, %arg11: memref<!tpu.dma_semaphore, #tpu.memory_space<semaphore_mem>>, %arg12: memref<!tpu.dma_semaphore, #tpu.memory_space<semaphore_mem>>, %arg13: memref<!tpu.dma_semaphore, #tpu.memory_space<semaphore_mem>>, %arg14: memref<10112x16xf32, #tpu.memory_space<vmem_shared>>) attributes {dimension_semantics = [#tpu.dimension_semantics<core_parallel>, #tpu.dimension_semantics<subcore_parallel>], iteration_bounds = array<i64: 2, 16>, scalar_prefetch = 0 : i64, scratch_operands = 8 : i64, tpu.core_type = #tpu.core_type<sc_vector_subcore>, window_params = [{transform_indices = #map}, {transform_indices = #map}, {transform_indices = #map}, {transform_indices = #map}, {transform_indices = #map}]} {
    %mul3A = arith.constant 2 : i32
    %mul3A_0 = arith.muli %arg1, %mul3A : i32
    %add3A = arith.addi %mul3A_0, %arg0 : i32
    %eq3A = arith.constant 0 : i32
    %eq3A_1 = arith.cmpi eq, %arg0, %eq3A : i32
    %mul3A_2 = arith.constant 128 : i32
    %mul3A_3 = arith.muli %arg1, %mul3A_2 : i32
    %mul3A_4 = arith.constant 32 : i32
    %mul3A_5 = arith.muli %arg1, %mul3A_4 : i32
    %add3A_6 = arith.constant 2048 : i32
    %add3A_7 = arith.addi %add3A_6, %mul3A_5 : i32
    %select_n3A = arith.select %eq3A_1, %mul3A_3, %add3A_7 : i32
    %eq3A_8 = arith.constant 0 : i32
    %eq3A_9 = arith.cmpi eq, %arg0, %eq3A_8 : i32
    %jit3A = arith.constant 128 : i32
    %jit3A_10 = arith.constant 32 : i32
    %select_n3A_11 = arith.select %eq3A_9, %jit3A, %jit3A_10 : i32
    "tpu.region"() ({
      %run_scoped3A = tpu.sem_alloc : memref<!tpu.dma_semaphore, #tpu.memory_space<semaphore_mem>>
      tpu.enqueue_dma source(%arg5 : memref<632x16xf32, #tpu.memory_space<hbm>>) target(%arg10 : memref<632x16xf32, #tpu.memory_space<vmem>>) target_semaphore(%run_scoped3A : memref<!tpu.dma_semaphore, #tpu.memory_space<semaphore_mem>>)
      tpu.wait_dma2 semaphore(%run_scoped3A : memref<!tpu.dma_semaphore, #tpu.memory_space<semaphore_mem>>) src(%arg5 : memref<632x16xf32, #tpu.memory_space<hbm>>) dst(%arg10 : memref<632x16xf32, #tpu.memory_space<vmem>>)
      tpu.yield
    }) : () -> ()
    %mul3A_12 = arith.constant 632 : i32
    %mul3A_13 = arith.muli %arg1, %mul3A_12 : i32
    "tpu.region"() ({
      %run_scoped3A = tpu.sem_alloc : memref<!tpu.dma_semaphore, #tpu.memory_space<semaphore_mem>>
      %dma_start3A = arith.constant 0 : i32
      %dma_start3A_163 = tpu.memref_slice %arg14[%mul3A_13, %dma_start3A] : memref<10112x16xf32, #tpu.memory_space<vmem_shared>> -> memref<632x16xf32, #tpu.memory_space<vmem_shared>>
      %dma_start3A_164 = arith.constant 0 : i32
      %dma_start3A_165 = tpu.memref_slice %arg14[%mul3A_13, %dma_start3A_164] : memref<10112x16xf32, #tpu.memory_space<vmem_shared>> -> memref<632x16xf32, #tpu.memory_space<vmem_shared>>
      tpu.enqueue_dma source(%arg10 : memref<632x16xf32, #tpu.memory_space<vmem>>) target(%dma_start3A_165 : memref<632x16xf32, #tpu.memory_space<vmem_shared>>) target_semaphore(%run_scoped3A : memref<!tpu.dma_semaphore, #tpu.memory_space<semaphore_mem>>)
      %dma_wait3A_166 = arith.constant 0 : i32
      %dma_wait3A_167 = tpu.memref_slice %arg14[%mul3A_13, %dma_wait3A_166] : memref<10112x16xf32, #tpu.memory_space<vmem_shared>> -> memref<632x16xf32, #tpu.memory_space<vmem_shared>>
      %dma_wait3A_168 = arith.constant 0 : i32
      %dma_wait3A_169 = tpu.memref_slice %arg14[%mul3A_13, %dma_wait3A_168] : memref<10112x16xf32, #tpu.memory_space<vmem_shared>> -> memref<632x16xf32, #tpu.memory_space<vmem_shared>>
      tpu.wait_dma2 semaphore(%run_scoped3A : memref<!tpu.dma_semaphore, #tpu.memory_space<semaphore_mem>>) src(%arg10 : memref<632x16xf32, #tpu.memory_space<vmem>>) dst(%dma_wait3A_169 : memref<632x16xf32, #tpu.memory_space<vmem_shared>>)
      tpu.yield
    }) : () -> ()
    "tpu.region"() ({
      %run_scoped3A = tpu.sem_alloc : memref<!tpu.dma_semaphore, #tpu.memory_space<semaphore_mem>>
      %dma_start3A = arith.constant 0 : i32
      %dma_start3A_163 = tpu.memref_slice %arg3[%select_n3A, %dma_start3A] : memref<2560x128xi32, #tpu.memory_space<hbm>> -> memref<128x128xi32, #tpu.memory_space<hbm>>
      %dma_start3A_164 = arith.constant 0 : i32
      %dma_start3A_165 = tpu.memref_slice %arg3[%select_n3A, %dma_start3A_164] : memref<2560x128xi32, #tpu.memory_space<hbm>> -> memref<128x128xi32, #tpu.memory_space<hbm>>
      tpu.enqueue_dma source(%dma_start3A_165 : memref<128x128xi32, #tpu.memory_space<hbm>>) target(%arg7 : memref<128x128xi32, #tpu.memory_space<vmem>>) target_semaphore(%run_scoped3A : memref<!tpu.dma_semaphore, #tpu.memory_space<semaphore_mem>>)
      %dma_wait3A_166 = arith.constant 0 : i32
      %dma_wait3A_167 = tpu.memref_slice %arg3[%select_n3A, %dma_wait3A_166] : memref<2560x128xi32, #tpu.memory_space<hbm>> -> memref<128x128xi32, #tpu.memory_space<hbm>>
      %dma_wait3A_168 = arith.constant 0 : i32
      %dma_wait3A_169 = tpu.memref_slice %arg3[%select_n3A, %dma_wait3A_168] : memref<2560x128xi32, #tpu.memory_space<hbm>> -> memref<128x128xi32, #tpu.memory_space<hbm>>
      tpu.wait_dma2 semaphore(%run_scoped3A : memref<!tpu.dma_semaphore, #tpu.memory_space<semaphore_mem>>) src(%dma_wait3A_169 : memref<128x128xi32, #tpu.memory_space<hbm>>) dst(%arg7 : memref<128x128xi32, #tpu.memory_space<vmem>>)
      tpu.yield
    }) : () -> ()
    "tpu.region"() ({
      %run_scoped3A = tpu.sem_alloc : memref<!tpu.dma_semaphore, #tpu.memory_space<semaphore_mem>>
      %dma_start3A = arith.constant 0 : i32
      %dma_start3A_163 = tpu.memref_slice %arg4[%select_n3A, %dma_start3A] : memref<2560x128xi32, #tpu.memory_space<hbm>> -> memref<128x128xi32, #tpu.memory_space<hbm>>
      %dma_start3A_164 = arith.constant 0 : i32
      %dma_start3A_165 = tpu.memref_slice %arg4[%select_n3A, %dma_start3A_164] : memref<2560x128xi32, #tpu.memory_space<hbm>> -> memref<128x128xi32, #tpu.memory_space<hbm>>
      tpu.enqueue_dma source(%dma_start3A_165 : memref<128x128xi32, #tpu.memory_space<hbm>>) target(%arg8 : memref<128x128xi32, #tpu.memory_space<vmem>>) target_semaphore(%run_scoped3A : memref<!tpu.dma_semaphore, #tpu.memory_space<semaphore_mem>>)
      %dma_wait3A_166 = arith.constant 0 : i32
      %dma_wait3A_167 = tpu.memref_slice %arg4[%select_n3A, %dma_wait3A_166] : memref<2560x128xi32, #tpu.memory_space<hbm>> -> memref<128x128xi32, #tpu.memory_space<hbm>>
      %dma_wait3A_168 = arith.constant 0 : i32
      %dma_wait3A_169 = tpu.memref_slice %arg4[%select_n3A, %dma_wait3A_168] : memref<2560x128xi32, #tpu.memory_space<hbm>> -> memref<128x128xi32, #tpu.memory_space<hbm>>
      tpu.wait_dma2 semaphore(%run_scoped3A : memref<!tpu.dma_semaphore, #tpu.memory_space<semaphore_mem>>) src(%dma_wait3A_169 : memref<128x128xi32, #tpu.memory_space<hbm>>) dst(%arg8 : memref<128x128xi32, #tpu.memory_space<vmem>>)
      tpu.yield
    }) : () -> ()
    %barrier3A = arith.constant 0 : index
    tpu.barrier barrier_id(%barrier3A)
    %jit3A_14 = arith.constant 8 : i32
    %div3A = arith.divsi %select_n3A_11, %jit3A_14 : i32
    %sign3A = arith.constant 0 : i32
    %sign3A_15 = arith.cmpi sgt, %select_n3A_11, %sign3A : i32
    %sign3A_16 = arith.extui %sign3A_15 : i1 to i32
    %sign3A_17 = arith.constant 0 : i32
    %sign3A_18 = arith.cmpi slt, %select_n3A_11, %sign3A_17 : i32
    %sign3A_19 = arith.extui %sign3A_18 : i1 to i32
    %sign3A_20 = arith.subi %sign3A_16, %sign3A_19 : i32
    %sign3A_21 = arith.constant 0 : i32
    %sign3A_22 = arith.cmpi sgt, %jit3A_14, %sign3A_21 : i32
    %sign3A_23 = arith.extui %sign3A_22 : i1 to i32
    %sign3A_24 = arith.constant 0 : i32
    %sign3A_25 = arith.cmpi slt, %jit3A_14, %sign3A_24 : i32
    %sign3A_26 = arith.extui %sign3A_25 : i1 to i32
    %sign3A_27 = arith.subi %sign3A_23, %sign3A_26 : i32
    %ne3A = arith.cmpi ne, %sign3A_20, %sign3A_27 : i32
    %rem3A = arith.remsi %select_n3A_11, %jit3A_14 : i32
    %ne3A_28 = arith.constant 0 : i32
    %ne3A_29 = arith.cmpi ne, %rem3A, %ne3A_28 : i32
    %and3A = arith.andi %ne3A, %ne3A_29 : i1
    %sub3A = arith.constant 1 : i32
    %sub3A_30 = arith.subi %div3A, %sub3A : i32
    %select_n3A_31 = arith.select %and3A, %sub3A_30, %div3A : i32
    %while3A = arith.constant 0 : i32
    %while3A_32 = arith.subi %select_n3A_31, %while3A : i32
    %while3A_33 = arith.addi %while3A, %while3A_32 : i32
    %while3A_34 = arith.constant 1 : i32
    %while3A_35 = arith.divsi %while3A_32, %while3A_34 : i32
    %while3A_36 = arith.muli %while3A_35, %while3A_34 : i32
    %while3A_37 = arith.addi %while3A, %while3A_36 : i32
    %while3A_38 = arith.constant 1 : i32
    scf.for %while3A_163 = %while3A to %while3A_37 step %while3A_38  : i32 {
      %mul3A_164 = arith.constant 2 : i32
      %mul3A_165 = arith.muli %while3A_163, %mul3A_164 : i32
      %mul3A_166 = arith.constant 4 : i32
      %mul3A_167 = arith.muli %mul3A_165, %mul3A_166 : i32
      %gt3A = arith.constant 0 : i32
      %gt3A_168 = arith.cmpi sgt, %while3A_163, %gt3A : i32
      %convert_element_type3A = arith.extui %gt3A_168 : i1 to i32
      %cond3A = arith.constant 0 : i32
      %cond3A_169 = arith.cmpi ne, %convert_element_type3A, %cond3A : i32
      scf.if %cond3A_169 {
        %sub3A_496 = arith.constant 8 : i32
        %sub3A_497 = arith.subi %mul3A_167, %sub3A_496 : i32
        %add3A_498 = arith.constant 0 : i32
        %add3A_499 = arith.addi %sub3A_497, %add3A_498 : i32
        %dma_wait3A_500 = arith.constant 0 : i32
        %dma_wait3A_501 = arith.constant 0 : i32
        %dma_wait3A_502 = arith.constant 0 : i32
        %dma_wait3A_503 = arith.constant 0 : i32
        %dma_wait3A_504 = tpu.memref_slice %arg9[%dma_wait3A_500, %dma_wait3A_501, %dma_wait3A_502, %dma_wait3A_503] : memref<2x4x128x16xf32, #tpu.memory_space<vmem>> -> memref<1x1x128x16xf32, #tpu.memory_space<vmem>>
        %dma_wait3A_505 = tpu.memref_squeeze %dma_wait3A_504 : memref<1x1x128x16xf32, #tpu.memory_space<vmem>> -> memref<128x16xf32, #tpu.memory_space<vmem>>
        %dma_wait3A_506 = arith.constant 0 : i32
        %dma_wait3A_507 = tpu.memref_slice %arg8[%add3A_499, %dma_wait3A_506] : memref<128x128xi32, #tpu.memory_space<vmem>> -> memref<1x128xi32, #tpu.memory_space<vmem>>
        %dma_wait3A_508 = tpu.memref_squeeze %dma_wait3A_507 : memref<1x128xi32, #tpu.memory_space<vmem>> -> memref<128xi32, #tpu.memory_space<vmem>>
        %dma_wait3A_509 = arith.constant 0 : i32
        %dma_wait3A_510 = arith.constant 0 : i32
        %dma_wait3A_511 = tpu.memref_slice %arg14[%dma_wait3A_509, %dma_wait3A_510] : memref<10112x16xf32, #tpu.memory_space<vmem_shared>> -> memref<10112x16xf32, #tpu.memory_space<vmem_shared>>
        tpu.wait_indirect_dma semaphore(%arg12 : memref<!tpu.dma_semaphore, #tpu.memory_space<semaphore_mem>>) src(%dma_wait3A_505 : memref<128x16xf32, #tpu.memory_space<vmem>>) dst(%dma_wait3A_511 : memref<10112x16xf32, #tpu.memory_space<vmem_shared>>)
        %add3A_512 = arith.constant 1 : i32
        %add3A_513 = arith.addi %sub3A_497, %add3A_512 : i32
        %dma_wait3A_514 = arith.constant 0 : i32
        %dma_wait3A_515 = arith.constant 1 : i32
        %dma_wait3A_516 = arith.constant 0 : i32
        %dma_wait3A_517 = arith.constant 0 : i32
        %dma_wait3A_518 = tpu.memref_slice %arg9[%dma_wait3A_514, %dma_wait3A_515, %dma_wait3A_516, %dma_wait3A_517] : memref<2x4x128x16xf32, #tpu.memory_space<vmem>> -> memref<1x1x128x16xf32, #tpu.memory_space<vmem>>
        %dma_wait3A_519 = tpu.memref_squeeze %dma_wait3A_518 : memref<1x1x128x16xf32, #tpu.memory_space<vmem>> -> memref<128x16xf32, #tpu.memory_space<vmem>>
        %dma_wait3A_520 = arith.constant 0 : i32
        %dma_wait3A_521 = tpu.memref_slice %arg8[%add3A_513, %dma_wait3A_520] : memref<128x128xi32, #tpu.memory_space<vmem>> -> memref<1x128xi32, #tpu.memory_space<vmem>>
        %dma_wait3A_522 = tpu.memref_squeeze %dma_wait3A_521 : memref<1x128xi32, #tpu.memory_space<vmem>> -> memref<128xi32, #tpu.memory_space<vmem>>
        %dma_wait3A_523 = arith.constant 0 : i32
        %dma_wait3A_524 = arith.constant 0 : i32
        %dma_wait3A_525 = tpu.memref_slice %arg14[%dma_wait3A_523, %dma_wait3A_524] : memref<10112x16xf32, #tpu.memory_space<vmem_shared>> -> memref<10112x16xf32, #tpu.memory_space<vmem_shared>>
        tpu.wait_indirect_dma semaphore(%arg12 : memref<!tpu.dma_semaphore, #tpu.memory_space<semaphore_mem>>) src(%dma_wait3A_519 : memref<128x16xf32, #tpu.memory_space<vmem>>) dst(%dma_wait3A_525 : memref<10112x16xf32, #tpu.memory_space<vmem_shared>>)
        %add3A_526 = arith.constant 2 : i32
        %add3A_527 = arith.addi %sub3A_497, %add3A_526 : i32
        %dma_wait3A_528 = arith.constant 0 : i32
        %dma_wait3A_529 = arith.constant 2 : i32
        %dma_wait3A_530 = arith.constant 0 : i32
        %dma_wait3A_531 = arith.constant 0 : i32
        %dma_wait3A_532 = tpu.memref_slice %arg9[%dma_wait3A_528, %dma_wait3A_529, %dma_wait3A_530, %dma_wait3A_531] : memref<2x4x128x16xf32, #tpu.memory_space<vmem>> -> memref<1x1x128x16xf32, #tpu.memory_space<vmem>>
        %dma_wait3A_533 = tpu.memref_squeeze %dma_wait3A_532 : memref<1x1x128x16xf32, #tpu.memory_space<vmem>> -> memref<128x16xf32, #tpu.memory_space<vmem>>
        %dma_wait3A_534 = arith.constant 0 : i32
        %dma_wait3A_535 = tpu.memref_slice %arg8[%add3A_527, %dma_wait3A_534] : memref<128x128xi32, #tpu.memory_space<vmem>> -> memref<1x128xi32, #tpu.memory_space<vmem>>
        %dma_wait3A_536 = tpu.memref_squeeze %dma_wait3A_535 : memref<1x128xi32, #tpu.memory_space<vmem>> -> memref<128xi32, #tpu.memory_space<vmem>>
        %dma_wait3A_537 = arith.constant 0 : i32
        %dma_wait3A_538 = arith.constant 0 : i32
        %dma_wait3A_539 = tpu.memref_slice %arg14[%dma_wait3A_537, %dma_wait3A_538] : memref<10112x16xf32, #tpu.memory_space<vmem_shared>> -> memref<10112x16xf32, #tpu.memory_space<vmem_shared>>
        tpu.wait_indirect_dma semaphore(%arg12 : memref<!tpu.dma_semaphore, #tpu.memory_space<semaphore_mem>>) src(%dma_wait3A_533 : memref<128x16xf32, #tpu.memory_space<vmem>>) dst(%dma_wait3A_539 : memref<10112x16xf32, #tpu.memory_space<vmem_shared>>)
        %add3A_540 = arith.constant 3 : i32
        %add3A_541 = arith.addi %sub3A_497, %add3A_540 : i32
        %dma_wait3A_542 = arith.constant 0 : i32
        %dma_wait3A_543 = arith.constant 3 : i32
        %dma_wait3A_544 = arith.constant 0 : i32
        %dma_wait3A_545 = arith.constant 0 : i32
        %dma_wait3A_546 = tpu.memref_slice %arg9[%dma_wait3A_542, %dma_wait3A_543, %dma_wait3A_544, %dma_wait3A_545] : memref<2x4x128x16xf32, #tpu.memory_space<vmem>> -> memref<1x1x128x16xf32, #tpu.memory_space<vmem>>
        %dma_wait3A_547 = tpu.memref_squeeze %dma_wait3A_546 : memref<1x1x128x16xf32, #tpu.memory_space<vmem>> -> memref<128x16xf32, #tpu.memory_space<vmem>>
        %dma_wait3A_548 = arith.constant 0 : i32
        %dma_wait3A_549 = tpu.memref_slice %arg8[%add3A_541, %dma_wait3A_548] : memref<128x128xi32, #tpu.memory_space<vmem>> -> memref<1x128xi32, #tpu.memory_space<vmem>>
        %dma_wait3A_550 = tpu.memref_squeeze %dma_wait3A_549 : memref<1x128xi32, #tpu.memory_space<vmem>> -> memref<128xi32, #tpu.memory_space<vmem>>
        %dma_wait3A_551 = arith.constant 0 : i32
        %dma_wait3A_552 = arith.constant 0 : i32
        %dma_wait3A_553 = tpu.memref_slice %arg14[%dma_wait3A_551, %dma_wait3A_552] : memref<10112x16xf32, #tpu.memory_space<vmem_shared>> -> memref<10112x16xf32, #tpu.memory_space<vmem_shared>>
        tpu.wait_indirect_dma semaphore(%arg12 : memref<!tpu.dma_semaphore, #tpu.memory_space<semaphore_mem>>) src(%dma_wait3A_547 : memref<128x16xf32, #tpu.memory_space<vmem>>) dst(%dma_wait3A_553 : memref<10112x16xf32, #tpu.memory_space<vmem_shared>>)
      } else {
      }
      %add3A_170 = arith.constant 0 : i32
      %add3A_171 = arith.addi %mul3A_167, %add3A_170 : i32
      %dma_start3A = arith.constant 0 : i32
      %dma_start3A_172 = arith.constant 0 : i32
      %dma_start3A_173 = arith.constant 0 : i32
      %dma_start3A_174 = arith.constant 0 : i32
      %dma_start3A_175 = tpu.memref_slice %arg9[%dma_start3A, %dma_start3A_172, %dma_start3A_173, %dma_start3A_174] : memref<2x4x128x16xf32, #tpu.memory_space<vmem>> -> memref<1x1x128x16xf32, #tpu.memory_space<vmem>>
      %dma_start3A_176 = tpu.memref_squeeze %dma_start3A_175 : memref<1x1x128x16xf32, #tpu.memory_space<vmem>> -> memref<128x16xf32, #tpu.memory_space<vmem>>
      %dma_start3A_177 = arith.constant 0 : i32
      %dma_start3A_178 = tpu.memref_slice %arg7[%add3A_171, %dma_start3A_177] : memref<128x128xi32, #tpu.memory_space<vmem>> -> memref<1x128xi32, #tpu.memory_space<vmem>>
      %dma_start3A_179 = tpu.memref_squeeze %dma_start3A_178 : memref<1x128xi32, #tpu.memory_space<vmem>> -> memref<128xi32, #tpu.memory_space<vmem>>
      %dma_start3A_180 = arith.constant 0 : i32
      %dma_start3A_181 = arith.constant 0 : i32
      %dma_start3A_182 = tpu.memref_slice %arg2[%dma_start3A_180, %dma_start3A_181] : memref<10112x16xf32, #tpu.memory_space<hbm>> -> memref<10112x16xf32, #tpu.memory_space<hbm>>
      tpu.enqueue_indirect_dma source(%dma_start3A_182 : memref<10112x16xf32, #tpu.memory_space<hbm>>) target(%dma_start3A_176 : memref<128x16xf32, #tpu.memory_space<vmem>>) offsets(%dma_start3A_179 : memref<128xi32, #tpu.memory_space<vmem>>) semaphore(%arg11 : memref<!tpu.dma_semaphore, #tpu.memory_space<semaphore_mem>>)
      %add3A_183 = arith.constant 1 : i32
      %add3A_184 = arith.addi %mul3A_167, %add3A_183 : i32
      %dma_start3A_185 = arith.constant 0 : i32
      %dma_start3A_186 = arith.constant 1 : i32
      %dma_start3A_187 = arith.constant 0 : i32
      %dma_start3A_188 = arith.constant 0 : i32
      %dma_start3A_189 = tpu.memref_slice %arg9[%dma_start3A_185, %dma_start3A_186, %dma_start3A_187, %dma_start3A_188] : memref<2x4x128x16xf32, #tpu.memory_space<vmem>> -> memref<1x1x128x16xf32, #tpu.memory_space<vmem>>
      %dma_start3A_190 = tpu.memref_squeeze %dma_start3A_189 : memref<1x1x128x16xf32, #tpu.memory_space<vmem>> -> memref<128x16xf32, #tpu.memory_space<vmem>>
      %dma_start3A_191 = arith.constant 0 : i32
      %dma_start3A_192 = tpu.memref_slice %arg7[%add3A_184, %dma_start3A_191] : memref<128x128xi32, #tpu.memory_space<vmem>> -> memref<1x128xi32, #tpu.memory_space<vmem>>
      %dma_start3A_193 = tpu.memref_squeeze %dma_start3A_192 : memref<1x128xi32, #tpu.memory_space<vmem>> -> memref<128xi32, #tpu.memory_space<vmem>>
      %dma_start3A_194 = arith.constant 0 : i32
      %dma_start3A_195 = arith.constant 0 : i32
      %dma_start3A_196 = tpu.memref_slice %arg2[%dma_start3A_194, %dma_start3A_195] : memref<10112x16xf32, #tpu.memory_space<hbm>> -> memref<10112x16xf32, #tpu.memory_space<hbm>>
      tpu.enqueue_indirect_dma source(%dma_start3A_196 : memref<10112x16xf32, #tpu.memory_space<hbm>>) target(%dma_start3A_190 : memref<128x16xf32, #tpu.memory_space<vmem>>) offsets(%dma_start3A_193 : memref<128xi32, #tpu.memory_space<vmem>>) semaphore(%arg11 : memref<!tpu.dma_semaphore, #tpu.memory_space<semaphore_mem>>)
      %add3A_197 = arith.constant 2 : i32
      %add3A_198 = arith.addi %mul3A_167, %add3A_197 : i32
      %dma_start3A_199 = arith.constant 0 : i32
      %dma_start3A_200 = arith.constant 2 : i32
      %dma_start3A_201 = arith.constant 0 : i32
      %dma_start3A_202 = arith.constant 0 : i32
      %dma_start3A_203 = tpu.memref_slice %arg9[%dma_start3A_199, %dma_start3A_200, %dma_start3A_201, %dma_start3A_202] : memref<2x4x128x16xf32, #tpu.memory_space<vmem>> -> memref<1x1x128x16xf32, #tpu.memory_space<vmem>>
      %dma_start3A_204 = tpu.memref_squeeze %dma_start3A_203 : memref<1x1x128x16xf32, #tpu.memory_space<vmem>> -> memref<128x16xf32, #tpu.memory_space<vmem>>
      %dma_start3A_205 = arith.constant 0 : i32
      %dma_start3A_206 = tpu.memref_slice %arg7[%add3A_198, %dma_start3A_205] : memref<128x128xi32, #tpu.memory_space<vmem>> -> memref<1x128xi32, #tpu.memory_space<vmem>>
      %dma_start3A_207 = tpu.memref_squeeze %dma_start3A_206 : memref<1x128xi32, #tpu.memory_space<vmem>> -> memref<128xi32, #tpu.memory_space<vmem>>
      %dma_start3A_208 = arith.constant 0 : i32
      %dma_start3A_209 = arith.constant 0 : i32
      %dma_start3A_210 = tpu.memref_slice %arg2[%dma_start3A_208, %dma_start3A_209] : memref<10112x16xf32, #tpu.memory_space<hbm>> -> memref<10112x16xf32, #tpu.memory_space<hbm>>
      tpu.enqueue_indirect_dma source(%dma_start3A_210 : memref<10112x16xf32, #tpu.memory_space<hbm>>) target(%dma_start3A_204 : memref<128x16xf32, #tpu.memory_space<vmem>>) offsets(%dma_start3A_207 : memref<128xi32, #tpu.memory_space<vmem>>) semaphore(%arg11 : memref<!tpu.dma_semaphore, #tpu.memory_space<semaphore_mem>>)
      %add3A_211 = arith.constant 3 : i32
      %add3A_212 = arith.addi %mul3A_167, %add3A_211 : i32
      %dma_start3A_213 = arith.constant 0 : i32
      %dma_start3A_214 = arith.constant 3 : i32
      %dma_start3A_215 = arith.constant 0 : i32
      %dma_start3A_216 = arith.constant 0 : i32
      %dma_start3A_217 = tpu.memref_slice %arg9[%dma_start3A_213, %dma_start3A_214, %dma_start3A_215, %dma_start3A_216] : memref<2x4x128x16xf32, #tpu.memory_space<vmem>> -> memref<1x1x128x16xf32, #tpu.memory_space<vmem>>
      %dma_start3A_218 = tpu.memref_squeeze %dma_start3A_217 : memref<1x1x128x16xf32, #tpu.memory_space<vmem>> -> memref<128x16xf32, #tpu.memory_space<vmem>>
      %dma_start3A_219 = arith.constant 0 : i32
      %dma_start3A_220 = tpu.memref_slice %arg7[%add3A_212, %dma_start3A_219] : memref<128x128xi32, #tpu.memory_space<vmem>> -> memref<1x128xi32, #tpu.memory_space<vmem>>
      %dma_start3A_221 = tpu.memref_squeeze %dma_start3A_220 : memref<1x128xi32, #tpu.memory_space<vmem>> -> memref<128xi32, #tpu.memory_space<vmem>>
      %dma_start3A_222 = arith.constant 0 : i32
      %dma_start3A_223 = arith.constant 0 : i32
      %dma_start3A_224 = tpu.memref_slice %arg2[%dma_start3A_222, %dma_start3A_223] : memref<10112x16xf32, #tpu.memory_space<hbm>> -> memref<10112x16xf32, #tpu.memory_space<hbm>>
      tpu.enqueue_indirect_dma source(%dma_start3A_224 : memref<10112x16xf32, #tpu.memory_space<hbm>>) target(%dma_start3A_218 : memref<128x16xf32, #tpu.memory_space<vmem>>) offsets(%dma_start3A_221 : memref<128xi32, #tpu.memory_space<vmem>>) semaphore(%arg11 : memref<!tpu.dma_semaphore, #tpu.memory_space<semaphore_mem>>)
      %dma_wait3A_225 = arith.constant 0 : i32
      %dma_wait3A_226 = arith.constant 0 : i32
      %dma_wait3A_227 = arith.constant 0 : i32
      %dma_wait3A_228 = arith.constant 0 : i32
      %dma_wait3A_229 = tpu.memref_slice %arg9[%dma_wait3A_225, %dma_wait3A_226, %dma_wait3A_227, %dma_wait3A_228] : memref<2x4x128x16xf32, #tpu.memory_space<vmem>> -> memref<1x1x128x16xf32, #tpu.memory_space<vmem>>
      %dma_wait3A_230 = tpu.memref_squeeze %dma_wait3A_229 : memref<1x1x128x16xf32, #tpu.memory_space<vmem>> -> memref<128x16xf32, #tpu.memory_space<vmem>>
      %dma_wait3A_231 = arith.constant 0 : i32
      %dma_wait3A_232 = tpu.memref_slice %arg7[%add3A_171, %dma_wait3A_231] : memref<128x128xi32, #tpu.memory_space<vmem>> -> memref<1x128xi32, #tpu.memory_space<vmem>>
      %dma_wait3A_233 = tpu.memref_squeeze %dma_wait3A_232 : memref<1x128xi32, #tpu.memory_space<vmem>> -> memref<128xi32, #tpu.memory_space<vmem>>
      %dma_wait3A_234 = arith.constant 0 : i32
      %dma_wait3A_235 = arith.constant 0 : i32
      %dma_wait3A_236 = tpu.memref_slice %arg2[%dma_wait3A_234, %dma_wait3A_235] : memref<10112x16xf32, #tpu.memory_space<hbm>> -> memref<10112x16xf32, #tpu.memory_space<hbm>>
      tpu.wait_indirect_dma semaphore(%arg11 : memref<!tpu.dma_semaphore, #tpu.memory_space<semaphore_mem>>) src(%dma_wait3A_236 : memref<10112x16xf32, #tpu.memory_space<hbm>>) dst(%dma_wait3A_230 : memref<128x16xf32, #tpu.memory_space<vmem>>)
      %dma_wait3A_237 = arith.constant 0 : i32
      %dma_wait3A_238 = arith.constant 1 : i32
      %dma_wait3A_239 = arith.constant 0 : i32
      %dma_wait3A_240 = arith.constant 0 : i32
      %dma_wait3A_241 = tpu.memref_slice %arg9[%dma_wait3A_237, %dma_wait3A_238, %dma_wait3A_239, %dma_wait3A_240] : memref<2x4x128x16xf32, #tpu.memory_space<vmem>> -> memref<1x1x128x16xf32, #tpu.memory_space<vmem>>
      %dma_wait3A_242 = tpu.memref_squeeze %dma_wait3A_241 : memref<1x1x128x16xf32, #tpu.memory_space<vmem>> -> memref<128x16xf32, #tpu.memory_space<vmem>>
      %dma_wait3A_243 = arith.constant 0 : i32
      %dma_wait3A_244 = tpu.memref_slice %arg7[%add3A_184, %dma_wait3A_243] : memref<128x128xi32, #tpu.memory_space<vmem>> -> memref<1x128xi32, #tpu.memory_space<vmem>>
      %dma_wait3A_245 = tpu.memref_squeeze %dma_wait3A_244 : memref<1x128xi32, #tpu.memory_space<vmem>> -> memref<128xi32, #tpu.memory_space<vmem>>
      %dma_wait3A_246 = arith.constant 0 : i32
      %dma_wait3A_247 = arith.constant 0 : i32
      %dma_wait3A_248 = tpu.memref_slice %arg2[%dma_wait3A_246, %dma_wait3A_247] : memref<10112x16xf32, #tpu.memory_space<hbm>> -> memref<10112x16xf32, #tpu.memory_space<hbm>>
      tpu.wait_indirect_dma semaphore(%arg11 : memref<!tpu.dma_semaphore, #tpu.memory_space<semaphore_mem>>) src(%dma_wait3A_248 : memref<10112x16xf32, #tpu.memory_space<hbm>>) dst(%dma_wait3A_242 : memref<128x16xf32, #tpu.memory_space<vmem>>)
      %dma_wait3A_249 = arith.constant 0 : i32
      %dma_wait3A_250 = arith.constant 2 : i32
      %dma_wait3A_251 = arith.constant 0 : i32
      %dma_wait3A_252 = arith.constant 0 : i32
      %dma_wait3A_253 = tpu.memref_slice %arg9[%dma_wait3A_249, %dma_wait3A_250, %dma_wait3A_251, %dma_wait3A_252] : memref<2x4x128x16xf32, #tpu.memory_space<vmem>> -> memref<1x1x128x16xf32, #tpu.memory_space<vmem>>
      %dma_wait3A_254 = tpu.memref_squeeze %dma_wait3A_253 : memref<1x1x128x16xf32, #tpu.memory_space<vmem>> -> memref<128x16xf32, #tpu.memory_space<vmem>>
      %dma_wait3A_255 = arith.constant 0 : i32
      %dma_wait3A_256 = tpu.memref_slice %arg7[%add3A_198, %dma_wait3A_255] : memref<128x128xi32, #tpu.memory_space<vmem>> -> memref<1x128xi32, #tpu.memory_space<vmem>>
      %dma_wait3A_257 = tpu.memref_squeeze %dma_wait3A_256 : memref<1x128xi32, #tpu.memory_space<vmem>> -> memref<128xi32, #tpu.memory_space<vmem>>
      %dma_wait3A_258 = arith.constant 0 : i32
      %dma_wait3A_259 = arith.constant 0 : i32
      %dma_wait3A_260 = tpu.memref_slice %arg2[%dma_wait3A_258, %dma_wait3A_259] : memref<10112x16xf32, #tpu.memory_space<hbm>> -> memref<10112x16xf32, #tpu.memory_space<hbm>>
      tpu.wait_indirect_dma semaphore(%arg11 : memref<!tpu.dma_semaphore, #tpu.memory_space<semaphore_mem>>) src(%dma_wait3A_260 : memref<10112x16xf32, #tpu.memory_space<hbm>>) dst(%dma_wait3A_254 : memref<128x16xf32, #tpu.memory_space<vmem>>)
      %dma_wait3A_261 = arith.constant 0 : i32
      %dma_wait3A_262 = arith.constant 3 : i32
      %dma_wait3A_263 = arith.constant 0 : i32
      %dma_wait3A_264 = arith.constant 0 : i32
      %dma_wait3A_265 = tpu.memref_slice %arg9[%dma_wait3A_261, %dma_wait3A_262, %dma_wait3A_263, %dma_wait3A_264] : memref<2x4x128x16xf32, #tpu.memory_space<vmem>> -> memref<1x1x128x16xf32, #tpu.memory_space<vmem>>
      %dma_wait3A_266 = tpu.memref_squeeze %dma_wait3A_265 : memref<1x1x128x16xf32, #tpu.memory_space<vmem>> -> memref<128x16xf32, #tpu.memory_space<vmem>>
      %dma_wait3A_267 = arith.constant 0 : i32
      %dma_wait3A_268 = tpu.memref_slice %arg7[%add3A_212, %dma_wait3A_267] : memref<128x128xi32, #tpu.memory_space<vmem>> -> memref<1x128xi32, #tpu.memory_space<vmem>>
      %dma_wait3A_269 = tpu.memref_squeeze %dma_wait3A_268 : memref<1x128xi32, #tpu.memory_space<vmem>> -> memref<128xi32, #tpu.memory_space<vmem>>
      %dma_wait3A_270 = arith.constant 0 : i32
      %dma_wait3A_271 = arith.constant 0 : i32
      %dma_wait3A_272 = tpu.memref_slice %arg2[%dma_wait3A_270, %dma_wait3A_271] : memref<10112x16xf32, #tpu.memory_space<hbm>> -> memref<10112x16xf32, #tpu.memory_space<hbm>>
      tpu.wait_indirect_dma semaphore(%arg11 : memref<!tpu.dma_semaphore, #tpu.memory_space<semaphore_mem>>) src(%dma_wait3A_272 : memref<10112x16xf32, #tpu.memory_space<hbm>>) dst(%dma_wait3A_266 : memref<128x16xf32, #tpu.memory_space<vmem>>)
      %add3A_273 = arith.constant 0 : i32
      %add3A_274 = arith.addi %mul3A_167, %add3A_273 : i32
      %dma_start3A_275 = arith.constant 0 : i32
      %dma_start3A_276 = arith.constant 0 : i32
      %dma_start3A_277 = arith.constant 0 : i32
      %dma_start3A_278 = arith.constant 0 : i32
      %dma_start3A_279 = tpu.memref_slice %arg9[%dma_start3A_275, %dma_start3A_276, %dma_start3A_277, %dma_start3A_278] : memref<2x4x128x16xf32, #tpu.memory_space<vmem>> -> memref<1x1x128x16xf32, #tpu.memory_space<vmem>>
      %dma_start3A_280 = tpu.memref_squeeze %dma_start3A_279 : memref<1x1x128x16xf32, #tpu.memory_space<vmem>> -> memref<128x16xf32, #tpu.memory_space<vmem>>
      %dma_start3A_281 = arith.constant 0 : i32
      %dma_start3A_282 = tpu.memref_slice %arg8[%add3A_274, %dma_start3A_281] : memref<128x128xi32, #tpu.memory_space<vmem>> -> memref<1x128xi32, #tpu.memory_space<vmem>>
      %dma_start3A_283 = tpu.memref_squeeze %dma_start3A_282 : memref<1x128xi32, #tpu.memory_space<vmem>> -> memref<128xi32, #tpu.memory_space<vmem>>
      %dma_start3A_284 = arith.constant 0 : i32
      %dma_start3A_285 = arith.constant 0 : i32
      %dma_start3A_286 = tpu.memref_slice %arg14[%dma_start3A_284, %dma_start3A_285] : memref<10112x16xf32, #tpu.memory_space<vmem_shared>> -> memref<10112x16xf32, #tpu.memory_space<vmem_shared>>
      tpu.enqueue_indirect_dma source(%dma_start3A_280 : memref<128x16xf32, #tpu.memory_space<vmem>>) target(%dma_start3A_286 : memref<10112x16xf32, #tpu.memory_space<vmem_shared>>) offsets(%dma_start3A_283 : memref<128xi32, #tpu.memory_space<vmem>>) semaphore(%arg12 : memref<!tpu.dma_semaphore, #tpu.memory_space<semaphore_mem>>) {add = true}
      %add3A_287 = arith.constant 1 : i32
      %add3A_288 = arith.addi %mul3A_167, %add3A_287 : i32
      %dma_start3A_289 = arith.constant 0 : i32
      %dma_start3A_290 = arith.constant 1 : i32
      %dma_start3A_291 = arith.constant 0 : i32
      %dma_start3A_292 = arith.constant 0 : i32
      %dma_start3A_293 = tpu.memref_slice %arg9[%dma_start3A_289, %dma_start3A_290, %dma_start3A_291, %dma_start3A_292] : memref<2x4x128x16xf32, #tpu.memory_space<vmem>> -> memref<1x1x128x16xf32, #tpu.memory_space<vmem>>
      %dma_start3A_294 = tpu.memref_squeeze %dma_start3A_293 : memref<1x1x128x16xf32, #tpu.memory_space<vmem>> -> memref<128x16xf32, #tpu.memory_space<vmem>>
      %dma_start3A_295 = arith.constant 0 : i32
      %dma_start3A_296 = tpu.memref_slice %arg8[%add3A_288, %dma_start3A_295] : memref<128x128xi32, #tpu.memory_space<vmem>> -> memref<1x128xi32, #tpu.memory_space<vmem>>
      %dma_start3A_297 = tpu.memref_squeeze %dma_start3A_296 : memref<1x128xi32, #tpu.memory_space<vmem>> -> memref<128xi32, #tpu.memory_space<vmem>>
      %dma_start3A_298 = arith.constant 0 : i32
      %dma_start3A_299 = arith.constant 0 : i32
      %dma_start3A_300 = tpu.memref_slice %arg14[%dma_start3A_298, %dma_start3A_299] : memref<10112x16xf32, #tpu.memory_space<vmem_shared>> -> memref<10112x16xf32, #tpu.memory_space<vmem_shared>>
      tpu.enqueue_indirect_dma source(%dma_start3A_294 : memref<128x16xf32, #tpu.memory_space<vmem>>) target(%dma_start3A_300 : memref<10112x16xf32, #tpu.memory_space<vmem_shared>>) offsets(%dma_start3A_297 : memref<128xi32, #tpu.memory_space<vmem>>) semaphore(%arg12 : memref<!tpu.dma_semaphore, #tpu.memory_space<semaphore_mem>>) {add = true}
      %add3A_301 = arith.constant 2 : i32
      %add3A_302 = arith.addi %mul3A_167, %add3A_301 : i32
      %dma_start3A_303 = arith.constant 0 : i32
      %dma_start3A_304 = arith.constant 2 : i32
      %dma_start3A_305 = arith.constant 0 : i32
      %dma_start3A_306 = arith.constant 0 : i32
      %dma_start3A_307 = tpu.memref_slice %arg9[%dma_start3A_303, %dma_start3A_304, %dma_start3A_305, %dma_start3A_306] : memref<2x4x128x16xf32, #tpu.memory_space<vmem>> -> memref<1x1x128x16xf32, #tpu.memory_space<vmem>>
      %dma_start3A_308 = tpu.memref_squeeze %dma_start3A_307 : memref<1x1x128x16xf32, #tpu.memory_space<vmem>> -> memref<128x16xf32, #tpu.memory_space<vmem>>
      %dma_start3A_309 = arith.constant 0 : i32
      %dma_start3A_310 = tpu.memref_slice %arg8[%add3A_302, %dma_start3A_309] : memref<128x128xi32, #tpu.memory_space<vmem>> -> memref<1x128xi32, #tpu.memory_space<vmem>>
      %dma_start3A_311 = tpu.memref_squeeze %dma_start3A_310 : memref<1x128xi32, #tpu.memory_space<vmem>> -> memref<128xi32, #tpu.memory_space<vmem>>
      %dma_start3A_312 = arith.constant 0 : i32
      %dma_start3A_313 = arith.constant 0 : i32
      %dma_start3A_314 = tpu.memref_slice %arg14[%dma_start3A_312, %dma_start3A_313] : memref<10112x16xf32, #tpu.memory_space<vmem_shared>> -> memref<10112x16xf32, #tpu.memory_space<vmem_shared>>
      tpu.enqueue_indirect_dma source(%dma_start3A_308 : memref<128x16xf32, #tpu.memory_space<vmem>>) target(%dma_start3A_314 : memref<10112x16xf32, #tpu.memory_space<vmem_shared>>) offsets(%dma_start3A_311 : memref<128xi32, #tpu.memory_space<vmem>>) semaphore(%arg12 : memref<!tpu.dma_semaphore, #tpu.memory_space<semaphore_mem>>) {add = true}
      %add3A_315 = arith.constant 3 : i32
      %add3A_316 = arith.addi %mul3A_167, %add3A_315 : i32
      %dma_start3A_317 = arith.constant 0 : i32
      %dma_start3A_318 = arith.constant 3 : i32
      %dma_start3A_319 = arith.constant 0 : i32
      %dma_start3A_320 = arith.constant 0 : i32
      %dma_start3A_321 = tpu.memref_slice %arg9[%dma_start3A_317, %dma_start3A_318, %dma_start3A_319, %dma_start3A_320] : memref<2x4x128x16xf32, #tpu.memory_space<vmem>> -> memref<1x1x128x16xf32, #tpu.memory_space<vmem>>
      %dma_start3A_322 = tpu.memref_squeeze %dma_start3A_321 : memref<1x1x128x16xf32, #tpu.memory_space<vmem>> -> memref<128x16xf32, #tpu.memory_space<vmem>>
      %dma_start3A_323 = arith.constant 0 : i32
      %dma_start3A_324 = tpu.memref_slice %arg8[%add3A_316, %dma_start3A_323] : memref<128x128xi32, #tpu.memory_space<vmem>> -> memref<1x128xi32, #tpu.memory_space<vmem>>
      %dma_start3A_325 = tpu.memref_squeeze %dma_start3A_324 : memref<1x128xi32, #tpu.memory_space<vmem>> -> memref<128xi32, #tpu.memory_space<vmem>>
      %dma_start3A_326 = arith.constant 0 : i32
      %dma_start3A_327 = arith.constant 0 : i32
      %dma_start3A_328 = tpu.memref_slice %arg14[%dma_start3A_326, %dma_start3A_327] : memref<10112x16xf32, #tpu.memory_space<vmem_shared>> -> memref<10112x16xf32, #tpu.memory_space<vmem_shared>>
      tpu.enqueue_indirect_dma source(%dma_start3A_322 : memref<128x16xf32, #tpu.memory_space<vmem>>) target(%dma_start3A_328 : memref<10112x16xf32, #tpu.memory_space<vmem_shared>>) offsets(%dma_start3A_325 : memref<128xi32, #tpu.memory_space<vmem>>) semaphore(%arg12 : memref<!tpu.dma_semaphore, #tpu.memory_space<semaphore_mem>>) {add = true}
      %gt3A_329 = arith.constant 0 : i32
      %gt3A_330 = arith.cmpi sgt, %while3A_163, %gt3A_329 : i32
      %convert_element_type3A_331 = arith.extui %gt3A_330 : i1 to i32
      %cond3A_332 = arith.constant 0 : i32
      %cond3A_333 = arith.cmpi ne, %convert_element_type3A_331, %cond3A_332 : i32
      scf.if %cond3A_333 {
        %sub3A_496 = arith.constant 4 : i32
        %sub3A_497 = arith.subi %mul3A_167, %sub3A_496 : i32
        %add3A_498 = arith.constant 0 : i32
        %add3A_499 = arith.addi %sub3A_497, %add3A_498 : i32
        %dma_wait3A_500 = arith.constant 1 : i32
        %dma_wait3A_501 = arith.constant 0 : i32
        %dma_wait3A_502 = arith.constant 0 : i32
        %dma_wait3A_503 = arith.constant 0 : i32
        %dma_wait3A_504 = tpu.memref_slice %arg9[%dma_wait3A_500, %dma_wait3A_501, %dma_wait3A_502, %dma_wait3A_503] : memref<2x4x128x16xf32, #tpu.memory_space<vmem>> -> memref<1x1x128x16xf32, #tpu.memory_space<vmem>>
        %dma_wait3A_505 = tpu.memref_squeeze %dma_wait3A_504 : memref<1x1x128x16xf32, #tpu.memory_space<vmem>> -> memref<128x16xf32, #tpu.memory_space<vmem>>
        %dma_wait3A_506 = arith.constant 0 : i32
        %dma_wait3A_507 = tpu.memref_slice %arg8[%add3A_499, %dma_wait3A_506] : memref<128x128xi32, #tpu.memory_space<vmem>> -> memref<1x128xi32, #tpu.memory_space<vmem>>
        %dma_wait3A_508 = tpu.memref_squeeze %dma_wait3A_507 : memref<1x128xi32, #tpu.memory_space<vmem>> -> memref<128xi32, #tpu.memory_space<vmem>>
        %dma_wait3A_509 = arith.constant 0 : i32
        %dma_wait3A_510 = arith.constant 0 : i32
        %dma_wait3A_511 = tpu.memref_slice %arg14[%dma_wait3A_509, %dma_wait3A_510] : memref<10112x16xf32, #tpu.memory_space<vmem_shared>> -> memref<10112x16xf32, #tpu.memory_space<vmem_shared>>
        tpu.wait_indirect_dma semaphore(%arg13 : memref<!tpu.dma_semaphore, #tpu.memory_space<semaphore_mem>>) src(%dma_wait3A_505 : memref<128x16xf32, #tpu.memory_space<vmem>>) dst(%dma_wait3A_511 : memref<10112x16xf32, #tpu.memory_space<vmem_shared>>)
        %add3A_512 = arith.constant 1 : i32
        %add3A_513 = arith.addi %sub3A_497, %add3A_512 : i32
        %dma_wait3A_514 = arith.constant 1 : i32
        %dma_wait3A_515 = arith.constant 1 : i32
        %dma_wait3A_516 = arith.constant 0 : i32
        %dma_wait3A_517 = arith.constant 0 : i32
        %dma_wait3A_518 = tpu.memref_slice %arg9[%dma_wait3A_514, %dma_wait3A_515, %dma_wait3A_516, %dma_wait3A_517] : memref<2x4x128x16xf32, #tpu.memory_space<vmem>> -> memref<1x1x128x16xf32, #tpu.memory_space<vmem>>
        %dma_wait3A_519 = tpu.memref_squeeze %dma_wait3A_518 : memref<1x1x128x16xf32, #tpu.memory_space<vmem>> -> memref<128x16xf32, #tpu.memory_space<vmem>>
        %dma_wait3A_520 = arith.constant 0 : i32
        %dma_wait3A_521 = tpu.memref_slice %arg8[%add3A_513, %dma_wait3A_520] : memref<128x128xi32, #tpu.memory_space<vmem>> -> memref<1x128xi32, #tpu.memory_space<vmem>>
        %dma_wait3A_522 = tpu.memref_squeeze %dma_wait3A_521 : memref<1x128xi32, #tpu.memory_space<vmem>> -> memref<128xi32, #tpu.memory_space<vmem>>
        %dma_wait3A_523 = arith.constant 0 : i32
        %dma_wait3A_524 = arith.constant 0 : i32
        %dma_wait3A_525 = tpu.memref_slice %arg14[%dma_wait3A_523, %dma_wait3A_524] : memref<10112x16xf32, #tpu.memory_space<vmem_shared>> -> memref<10112x16xf32, #tpu.memory_space<vmem_shared>>
        tpu.wait_indirect_dma semaphore(%arg13 : memref<!tpu.dma_semaphore, #tpu.memory_space<semaphore_mem>>) src(%dma_wait3A_519 : memref<128x16xf32, #tpu.memory_space<vmem>>) dst(%dma_wait3A_525 : memref<10112x16xf32, #tpu.memory_space<vmem_shared>>)
        %add3A_526 = arith.constant 2 : i32
        %add3A_527 = arith.addi %sub3A_497, %add3A_526 : i32
        %dma_wait3A_528 = arith.constant 1 : i32
        %dma_wait3A_529 = arith.constant 2 : i32
        %dma_wait3A_530 = arith.constant 0 : i32
        %dma_wait3A_531 = arith.constant 0 : i32
        %dma_wait3A_532 = tpu.memref_slice %arg9[%dma_wait3A_528, %dma_wait3A_529, %dma_wait3A_530, %dma_wait3A_531] : memref<2x4x128x16xf32, #tpu.memory_space<vmem>> -> memref<1x1x128x16xf32, #tpu.memory_space<vmem>>
        %dma_wait3A_533 = tpu.memref_squeeze %dma_wait3A_532 : memref<1x1x128x16xf32, #tpu.memory_space<vmem>> -> memref<128x16xf32, #tpu.memory_space<vmem>>
        %dma_wait3A_534 = arith.constant 0 : i32
        %dma_wait3A_535 = tpu.memref_slice %arg8[%add3A_527, %dma_wait3A_534] : memref<128x128xi32, #tpu.memory_space<vmem>> -> memref<1x128xi32, #tpu.memory_space<vmem>>
        %dma_wait3A_536 = tpu.memref_squeeze %dma_wait3A_535 : memref<1x128xi32, #tpu.memory_space<vmem>> -> memref<128xi32, #tpu.memory_space<vmem>>
        %dma_wait3A_537 = arith.constant 0 : i32
        %dma_wait3A_538 = arith.constant 0 : i32
        %dma_wait3A_539 = tpu.memref_slice %arg14[%dma_wait3A_537, %dma_wait3A_538] : memref<10112x16xf32, #tpu.memory_space<vmem_shared>> -> memref<10112x16xf32, #tpu.memory_space<vmem_shared>>
        tpu.wait_indirect_dma semaphore(%arg13 : memref<!tpu.dma_semaphore, #tpu.memory_space<semaphore_mem>>) src(%dma_wait3A_533 : memref<128x16xf32, #tpu.memory_space<vmem>>) dst(%dma_wait3A_539 : memref<10112x16xf32, #tpu.memory_space<vmem_shared>>)
        %add3A_540 = arith.constant 3 : i32
        %add3A_541 = arith.addi %sub3A_497, %add3A_540 : i32
        %dma_wait3A_542 = arith.constant 1 : i32
        %dma_wait3A_543 = arith.constant 3 : i32
        %dma_wait3A_544 = arith.constant 0 : i32
        %dma_wait3A_545 = arith.constant 0 : i32
        %dma_wait3A_546 = tpu.memref_slice %arg9[%dma_wait3A_542, %dma_wait3A_543, %dma_wait3A_544, %dma_wait3A_545] : memref<2x4x128x16xf32, #tpu.memory_space<vmem>> -> memref<1x1x128x16xf32, #tpu.memory_space<vmem>>
        %dma_wait3A_547 = tpu.memref_squeeze %dma_wait3A_546 : memref<1x1x128x16xf32, #tpu.memory_space<vmem>> -> memref<128x16xf32, #tpu.memory_space<vmem>>
        %dma_wait3A_548 = arith.constant 0 : i32
        %dma_wait3A_549 = tpu.memref_slice %arg8[%add3A_541, %dma_wait3A_548] : memref<128x128xi32, #tpu.memory_space<vmem>> -> memref<1x128xi32, #tpu.memory_space<vmem>>
        %dma_wait3A_550 = tpu.memref_squeeze %dma_wait3A_549 : memref<1x128xi32, #tpu.memory_space<vmem>> -> memref<128xi32, #tpu.memory_space<vmem>>
        %dma_wait3A_551 = arith.constant 0 : i32
        %dma_wait3A_552 = arith.constant 0 : i32
        %dma_wait3A_553 = tpu.memref_slice %arg14[%dma_wait3A_551, %dma_wait3A_552] : memref<10112x16xf32, #tpu.memory_space<vmem_shared>> -> memref<10112x16xf32, #tpu.memory_space<vmem_shared>>
        tpu.wait_indirect_dma semaphore(%arg13 : memref<!tpu.dma_semaphore, #tpu.memory_space<semaphore_mem>>) src(%dma_wait3A_547 : memref<128x16xf32, #tpu.memory_space<vmem>>) dst(%dma_wait3A_553 : memref<10112x16xf32, #tpu.memory_space<vmem_shared>>)
      } else {
      }
      %add3A_334 = arith.constant 4 : i32
      %add3A_335 = arith.addi %mul3A_167, %add3A_334 : i32
      %add3A_336 = arith.constant 0 : i32
      %add3A_337 = arith.addi %add3A_335, %add3A_336 : i32
      %dma_start3A_338 = arith.constant 1 : i32
      %dma_start3A_339 = arith.constant 0 : i32
      %dma_start3A_340 = arith.constant 0 : i32
      %dma_start3A_341 = arith.constant 0 : i32
      %dma_start3A_342 = tpu.memref_slice %arg9[%dma_start3A_338, %dma_start3A_339, %dma_start3A_340, %dma_start3A_341] : memref<2x4x128x16xf32, #tpu.memory_space<vmem>> -> memref<1x1x128x16xf32, #tpu.memory_space<vmem>>
      %dma_start3A_343 = tpu.memref_squeeze %dma_start3A_342 : memref<1x1x128x16xf32, #tpu.memory_space<vmem>> -> memref<128x16xf32, #tpu.memory_space<vmem>>
      %dma_start3A_344 = arith.constant 0 : i32
      %dma_start3A_345 = tpu.memref_slice %arg7[%add3A_337, %dma_start3A_344] : memref<128x128xi32, #tpu.memory_space<vmem>> -> memref<1x128xi32, #tpu.memory_space<vmem>>
      %dma_start3A_346 = tpu.memref_squeeze %dma_start3A_345 : memref<1x128xi32, #tpu.memory_space<vmem>> -> memref<128xi32, #tpu.memory_space<vmem>>
      %dma_start3A_347 = arith.constant 0 : i32
      %dma_start3A_348 = arith.constant 0 : i32
      %dma_start3A_349 = tpu.memref_slice %arg2[%dma_start3A_347, %dma_start3A_348] : memref<10112x16xf32, #tpu.memory_space<hbm>> -> memref<10112x16xf32, #tpu.memory_space<hbm>>
      tpu.enqueue_indirect_dma source(%dma_start3A_349 : memref<10112x16xf32, #tpu.memory_space<hbm>>) target(%dma_start3A_343 : memref<128x16xf32, #tpu.memory_space<vmem>>) offsets(%dma_start3A_346 : memref<128xi32, #tpu.memory_space<vmem>>) semaphore(%arg11 : memref<!tpu.dma_semaphore, #tpu.memory_space<semaphore_mem>>)
      %add3A_350 = arith.constant 1 : i32
      %add3A_351 = arith.addi %add3A_335, %add3A_350 : i32
      %dma_start3A_352 = arith.constant 1 : i32
      %dma_start3A_353 = arith.constant 1 : i32
      %dma_start3A_354 = arith.constant 0 : i32
      %dma_start3A_355 = arith.constant 0 : i32
      %dma_start3A_356 = tpu.memref_slice %arg9[%dma_start3A_352, %dma_start3A_353, %dma_start3A_354, %dma_start3A_355] : memref<2x4x128x16xf32, #tpu.memory_space<vmem>> -> memref<1x1x128x16xf32, #tpu.memory_space<vmem>>
      %dma_start3A_357 = tpu.memref_squeeze %dma_start3A_356 : memref<1x1x128x16xf32, #tpu.memory_space<vmem>> -> memref<128x16xf32, #tpu.memory_space<vmem>>
      %dma_start3A_358 = arith.constant 0 : i32
      %dma_start3A_359 = tpu.memref_slice %arg7[%add3A_351, %dma_start3A_358] : memref<128x128xi32, #tpu.memory_space<vmem>> -> memref<1x128xi32, #tpu.memory_space<vmem>>
      %dma_start3A_360 = tpu.memref_squeeze %dma_start3A_359 : memref<1x128xi32, #tpu.memory_space<vmem>> -> memref<128xi32, #tpu.memory_space<vmem>>
      %dma_start3A_361 = arith.constant 0 : i32
      %dma_start3A_362 = arith.constant 0 : i32
      %dma_start3A_363 = tpu.memref_slice %arg2[%dma_start3A_361, %dma_start3A_362] : memref<10112x16xf32, #tpu.memory_space<hbm>> -> memref<10112x16xf32, #tpu.memory_space<hbm>>
      tpu.enqueue_indirect_dma source(%dma_start3A_363 : memref<10112x16xf32, #tpu.memory_space<hbm>>) target(%dma_start3A_357 : memref<128x16xf32, #tpu.memory_space<vmem>>) offsets(%dma_start3A_360 : memref<128xi32, #tpu.memory_space<vmem>>) semaphore(%arg11 : memref<!tpu.dma_semaphore, #tpu.memory_space<semaphore_mem>>)
      %add3A_364 = arith.constant 2 : i32
      %add3A_365 = arith.addi %add3A_335, %add3A_364 : i32
      %dma_start3A_366 = arith.constant 1 : i32
      %dma_start3A_367 = arith.constant 2 : i32
      %dma_start3A_368 = arith.constant 0 : i32
      %dma_start3A_369 = arith.constant 0 : i32
      %dma_start3A_370 = tpu.memref_slice %arg9[%dma_start3A_366, %dma_start3A_367, %dma_start3A_368, %dma_start3A_369] : memref<2x4x128x16xf32, #tpu.memory_space<vmem>> -> memref<1x1x128x16xf32, #tpu.memory_space<vmem>>
      %dma_start3A_371 = tpu.memref_squeeze %dma_start3A_370 : memref<1x1x128x16xf32, #tpu.memory_space<vmem>> -> memref<128x16xf32, #tpu.memory_space<vmem>>
      %dma_start3A_372 = arith.constant 0 : i32
      %dma_start3A_373 = tpu.memref_slice %arg7[%add3A_365, %dma_start3A_372] : memref<128x128xi32, #tpu.memory_space<vmem>> -> memref<1x128xi32, #tpu.memory_space<vmem>>
      %dma_start3A_374 = tpu.memref_squeeze %dma_start3A_373 : memref<1x128xi32, #tpu.memory_space<vmem>> -> memref<128xi32, #tpu.memory_space<vmem>>
      %dma_start3A_375 = arith.constant 0 : i32
      %dma_start3A_376 = arith.constant 0 : i32
      %dma_start3A_377 = tpu.memref_slice %arg2[%dma_start3A_375, %dma_start3A_376] : memref<10112x16xf32, #tpu.memory_space<hbm>> -> memref<10112x16xf32, #tpu.memory_space<hbm>>
      tpu.enqueue_indirect_dma source(%dma_start3A_377 : memref<10112x16xf32, #tpu.memory_space<hbm>>) target(%dma_start3A_371 : memref<128x16xf32, #tpu.memory_space<vmem>>) offsets(%dma_start3A_374 : memref<128xi32, #tpu.memory_space<vmem>>) semaphore(%arg11 : memref<!tpu.dma_semaphore, #tpu.memory_space<semaphore_mem>>)
      %add3A_378 = arith.constant 3 : i32
      %add3A_379 = arith.addi %add3A_335, %add3A_378 : i32
      %dma_start3A_380 = arith.constant 1 : i32
      %dma_start3A_381 = arith.constant 3 : i32
      %dma_start3A_382 = arith.constant 0 : i32
      %dma_start3A_383 = arith.constant 0 : i32
      %dma_start3A_384 = tpu.memref_slice %arg9[%dma_start3A_380, %dma_start3A_381, %dma_start3A_382, %dma_start3A_383] : memref<2x4x128x16xf32, #tpu.memory_space<vmem>> -> memref<1x1x128x16xf32, #tpu.memory_space<vmem>>
      %dma_start3A_385 = tpu.memref_squeeze %dma_start3A_384 : memref<1x1x128x16xf32, #tpu.memory_space<vmem>> -> memref<128x16xf32, #tpu.memory_space<vmem>>
      %dma_start3A_386 = arith.constant 0 : i32
      %dma_start3A_387 = tpu.memref_slice %arg7[%add3A_379, %dma_start3A_386] : memref<128x128xi32, #tpu.memory_space<vmem>> -> memref<1x128xi32, #tpu.memory_space<vmem>>
      %dma_start3A_388 = tpu.memref_squeeze %dma_start3A_387 : memref<1x128xi32, #tpu.memory_space<vmem>> -> memref<128xi32, #tpu.memory_space<vmem>>
      %dma_start3A_389 = arith.constant 0 : i32
      %dma_start3A_390 = arith.constant 0 : i32
      %dma_start3A_391 = tpu.memref_slice %arg2[%dma_start3A_389, %dma_start3A_390] : memref<10112x16xf32, #tpu.memory_space<hbm>> -> memref<10112x16xf32, #tpu.memory_space<hbm>>
      tpu.enqueue_indirect_dma source(%dma_start3A_391 : memref<10112x16xf32, #tpu.memory_space<hbm>>) target(%dma_start3A_385 : memref<128x16xf32, #tpu.memory_space<vmem>>) offsets(%dma_start3A_388 : memref<128xi32, #tpu.memory_space<vmem>>) semaphore(%arg11 : memref<!tpu.dma_semaphore, #tpu.memory_space<semaphore_mem>>)
      %dma_wait3A_392 = arith.constant 1 : i32
      %dma_wait3A_393 = arith.constant 0 : i32
      %dma_wait3A_394 = arith.constant 0 : i32
      %dma_wait3A_395 = arith.constant 0 : i32
      %dma_wait3A_396 = tpu.memref_slice %arg9[%dma_wait3A_392, %dma_wait3A_393, %dma_wait3A_394, %dma_wait3A_395] : memref<2x4x128x16xf32, #tpu.memory_space<vmem>> -> memref<1x1x128x16xf32, #tpu.memory_space<vmem>>
      %dma_wait3A_397 = tpu.memref_squeeze %dma_wait3A_396 : memref<1x1x128x16xf32, #tpu.memory_space<vmem>> -> memref<128x16xf32, #tpu.memory_space<vmem>>
      %dma_wait3A_398 = arith.constant 0 : i32
      %dma_wait3A_399 = tpu.memref_slice %arg7[%add3A_337, %dma_wait3A_398] : memref<128x128xi32, #tpu.memory_space<vmem>> -> memref<1x128xi32, #tpu.memory_space<vmem>>
      %dma_wait3A_400 = tpu.memref_squeeze %dma_wait3A_399 : memref<1x128xi32, #tpu.memory_space<vmem>> -> memref<128xi32, #tpu.memory_space<vmem>>
      %dma_wait3A_401 = arith.constant 0 : i32
      %dma_wait3A_402 = arith.constant 0 : i32
      %dma_wait3A_403 = tpu.memref_slice %arg2[%dma_wait3A_401, %dma_wait3A_402] : memref<10112x16xf32, #tpu.memory_space<hbm>> -> memref<10112x16xf32, #tpu.memory_space<hbm>>
      tpu.wait_indirect_dma semaphore(%arg11 : memref<!tpu.dma_semaphore, #tpu.memory_space<semaphore_mem>>) src(%dma_wait3A_403 : memref<10112x16xf32, #tpu.memory_space<hbm>>) dst(%dma_wait3A_397 : memref<128x16xf32, #tpu.memory_space<vmem>>)
      %dma_wait3A_404 = arith.constant 1 : i32
      %dma_wait3A_405 = arith.constant 1 : i32
      %dma_wait3A_406 = arith.constant 0 : i32
      %dma_wait3A_407 = arith.constant 0 : i32
      %dma_wait3A_408 = tpu.memref_slice %arg9[%dma_wait3A_404, %dma_wait3A_405, %dma_wait3A_406, %dma_wait3A_407] : memref<2x4x128x16xf32, #tpu.memory_space<vmem>> -> memref<1x1x128x16xf32, #tpu.memory_space<vmem>>
      %dma_wait3A_409 = tpu.memref_squeeze %dma_wait3A_408 : memref<1x1x128x16xf32, #tpu.memory_space<vmem>> -> memref<128x16xf32, #tpu.memory_space<vmem>>
      %dma_wait3A_410 = arith.constant 0 : i32
      %dma_wait3A_411 = tpu.memref_slice %arg7[%add3A_351, %dma_wait3A_410] : memref<128x128xi32, #tpu.memory_space<vmem>> -> memref<1x128xi32, #tpu.memory_space<vmem>>
      %dma_wait3A_412 = tpu.memref_squeeze %dma_wait3A_411 : memref<1x128xi32, #tpu.memory_space<vmem>> -> memref<128xi32, #tpu.memory_space<vmem>>
      %dma_wait3A_413 = arith.constant 0 : i32
      %dma_wait3A_414 = arith.constant 0 : i32
      %dma_wait3A_415 = tpu.memref_slice %arg2[%dma_wait3A_413, %dma_wait3A_414] : memref<10112x16xf32, #tpu.memory_space<hbm>> -> memref<10112x16xf32, #tpu.memory_space<hbm>>
      tpu.wait_indirect_dma semaphore(%arg11 : memref<!tpu.dma_semaphore, #tpu.memory_space<semaphore_mem>>) src(%dma_wait3A_415 : memref<10112x16xf32, #tpu.memory_space<hbm>>) dst(%dma_wait3A_409 : memref<128x16xf32, #tpu.memory_space<vmem>>)
      %dma_wait3A_416 = arith.constant 1 : i32
      %dma_wait3A_417 = arith.constant 2 : i32
      %dma_wait3A_418 = arith.constant 0 : i32
      %dma_wait3A_419 = arith.constant 0 : i32
      %dma_wait3A_420 = tpu.memref_slice %arg9[%dma_wait3A_416, %dma_wait3A_417, %dma_wait3A_418, %dma_wait3A_419] : memref<2x4x128x16xf32, #tpu.memory_space<vmem>> -> memref<1x1x128x16xf32, #tpu.memory_space<vmem>>
      %dma_wait3A_421 = tpu.memref_squeeze %dma_wait3A_420 : memref<1x1x128x16xf32, #tpu.memory_space<vmem>> -> memref<128x16xf32, #tpu.memory_space<vmem>>
      %dma_wait3A_422 = arith.constant 0 : i32
      %dma_wait3A_423 = tpu.memref_slice %arg7[%add3A_365, %dma_wait3A_422] : memref<128x128xi32, #tpu.memory_space<vmem>> -> memref<1x128xi32, #tpu.memory_space<vmem>>
      %dma_wait3A_424 = tpu.memref_squeeze %dma_wait3A_423 : memref<1x128xi32, #tpu.memory_space<vmem>> -> memref<128xi32, #tpu.memory_space<vmem>>
      %dma_wait3A_425 = arith.constant 0 : i32
      %dma_wait3A_426 = arith.constant 0 : i32
      %dma_wait3A_427 = tpu.memref_slice %arg2[%dma_wait3A_425, %dma_wait3A_426] : memref<10112x16xf32, #tpu.memory_space<hbm>> -> memref<10112x16xf32, #tpu.memory_space<hbm>>
      tpu.wait_indirect_dma semaphore(%arg11 : memref<!tpu.dma_semaphore, #tpu.memory_space<semaphore_mem>>) src(%dma_wait3A_427 : memref<10112x16xf32, #tpu.memory_space<hbm>>) dst(%dma_wait3A_421 : memref<128x16xf32, #tpu.memory_space<vmem>>)
      %dma_wait3A_428 = arith.constant 1 : i32
      %dma_wait3A_429 = arith.constant 3 : i32
      %dma_wait3A_430 = arith.constant 0 : i32
      %dma_wait3A_431 = arith.constant 0 : i32
      %dma_wait3A_432 = tpu.memref_slice %arg9[%dma_wait3A_428, %dma_wait3A_429, %dma_wait3A_430, %dma_wait3A_431] : memref<2x4x128x16xf32, #tpu.memory_space<vmem>> -> memref<1x1x128x16xf32, #tpu.memory_space<vmem>>
      %dma_wait3A_433 = tpu.memref_squeeze %dma_wait3A_432 : memref<1x1x128x16xf32, #tpu.memory_space<vmem>> -> memref<128x16xf32, #tpu.memory_space<vmem>>
      %dma_wait3A_434 = arith.constant 0 : i32
      %dma_wait3A_435 = tpu.memref_slice %arg7[%add3A_379, %dma_wait3A_434] : memref<128x128xi32, #tpu.memory_space<vmem>> -> memref<1x128xi32, #tpu.memory_space<vmem>>
      %dma_wait3A_436 = tpu.memref_squeeze %dma_wait3A_435 : memref<1x128xi32, #tpu.memory_space<vmem>> -> memref<128xi32, #tpu.memory_space<vmem>>
      %dma_wait3A_437 = arith.constant 0 : i32
      %dma_wait3A_438 = arith.constant 0 : i32
      %dma_wait3A_439 = tpu.memref_slice %arg2[%dma_wait3A_437, %dma_wait3A_438] : memref<10112x16xf32, #tpu.memory_space<hbm>> -> memref<10112x16xf32, #tpu.memory_space<hbm>>
      tpu.wait_indirect_dma semaphore(%arg11 : memref<!tpu.dma_semaphore, #tpu.memory_space<semaphore_mem>>) src(%dma_wait3A_439 : memref<10112x16xf32, #tpu.memory_space<hbm>>) dst(%dma_wait3A_433 : memref<128x16xf32, #tpu.memory_space<vmem>>)
      %add3A_440 = arith.constant 0 : i32
      %add3A_441 = arith.addi %add3A_335, %add3A_440 : i32
      %dma_start3A_442 = arith.constant 1 : i32
      %dma_start3A_443 = arith.constant 0 : i32
      %dma_start3A_444 = arith.constant 0 : i32
      %dma_start3A_445 = arith.constant 0 : i32
      %dma_start3A_446 = tpu.memref_slice %arg9[%dma_start3A_442, %dma_start3A_443, %dma_start3A_444, %dma_start3A_445] : memref<2x4x128x16xf32, #tpu.memory_space<vmem>> -> memref<1x1x128x16xf32, #tpu.memory_space<vmem>>
      %dma_start3A_447 = tpu.memref_squeeze %dma_start3A_446 : memref<1x1x128x16xf32, #tpu.memory_space<vmem>> -> memref<128x16xf32, #tpu.memory_space<vmem>>
      %dma_start3A_448 = arith.constant 0 : i32
      %dma_start3A_449 = tpu.memref_slice %arg8[%add3A_441, %dma_start3A_448] : memref<128x128xi32, #tpu.memory_space<vmem>> -> memref<1x128xi32, #tpu.memory_space<vmem>>
      %dma_start3A_450 = tpu.memref_squeeze %dma_start3A_449 : memref<1x128xi32, #tpu.memory_space<vmem>> -> memref<128xi32, #tpu.memory_space<vmem>>
      %dma_start3A_451 = arith.constant 0 : i32
      %dma_start3A_452 = arith.constant 0 : i32
      %dma_start3A_453 = tpu.memref_slice %arg14[%dma_start3A_451, %dma_start3A_452] : memref<10112x16xf32, #tpu.memory_space<vmem_shared>> -> memref<10112x16xf32, #tpu.memory_space<vmem_shared>>
      tpu.enqueue_indirect_dma source(%dma_start3A_447 : memref<128x16xf32, #tpu.memory_space<vmem>>) target(%dma_start3A_453 : memref<10112x16xf32, #tpu.memory_space<vmem_shared>>) offsets(%dma_start3A_450 : memref<128xi32, #tpu.memory_space<vmem>>) semaphore(%arg13 : memref<!tpu.dma_semaphore, #tpu.memory_space<semaphore_mem>>) {add = true}
      %add3A_454 = arith.constant 1 : i32
      %add3A_455 = arith.addi %add3A_335, %add3A_454 : i32
      %dma_start3A_456 = arith.constant 1 : i32
      %dma_start3A_457 = arith.constant 1 : i32
      %dma_start3A_458 = arith.constant 0 : i32
      %dma_start3A_459 = arith.constant 0 : i32
      %dma_start3A_460 = tpu.memref_slice %arg9[%dma_start3A_456, %dma_start3A_457, %dma_start3A_458, %dma_start3A_459] : memref<2x4x128x16xf32, #tpu.memory_space<vmem>> -> memref<1x1x128x16xf32, #tpu.memory_space<vmem>>
      %dma_start3A_461 = tpu.memref_squeeze %dma_start3A_460 : memref<1x1x128x16xf32, #tpu.memory_space<vmem>> -> memref<128x16xf32, #tpu.memory_space<vmem>>
      %dma_start3A_462 = arith.constant 0 : i32
      %dma_start3A_463 = tpu.memref_slice %arg8[%add3A_455, %dma_start3A_462] : memref<128x128xi32, #tpu.memory_space<vmem>> -> memref<1x128xi32, #tpu.memory_space<vmem>>
      %dma_start3A_464 = tpu.memref_squeeze %dma_start3A_463 : memref<1x128xi32, #tpu.memory_space<vmem>> -> memref<128xi32, #tpu.memory_space<vmem>>
      %dma_start3A_465 = arith.constant 0 : i32
      %dma_start3A_466 = arith.constant 0 : i32
      %dma_start3A_467 = tpu.memref_slice %arg14[%dma_start3A_465, %dma_start3A_466] : memref<10112x16xf32, #tpu.memory_space<vmem_shared>> -> memref<10112x16xf32, #tpu.memory_space<vmem_shared>>
      tpu.enqueue_indirect_dma source(%dma_start3A_461 : memref<128x16xf32, #tpu.memory_space<vmem>>) target(%dma_start3A_467 : memref<10112x16xf32, #tpu.memory_space<vmem_shared>>) offsets(%dma_start3A_464 : memref<128xi32, #tpu.memory_space<vmem>>) semaphore(%arg13 : memref<!tpu.dma_semaphore, #tpu.memory_space<semaphore_mem>>) {add = true}
      %add3A_468 = arith.constant 2 : i32
      %add3A_469 = arith.addi %add3A_335, %add3A_468 : i32
      %dma_start3A_470 = arith.constant 1 : i32
      %dma_start3A_471 = arith.constant 2 : i32
      %dma_start3A_472 = arith.constant 0 : i32
      %dma_start3A_473 = arith.constant 0 : i32
      %dma_start3A_474 = tpu.memref_slice %arg9[%dma_start3A_470, %dma_start3A_471, %dma_start3A_472, %dma_start3A_473] : memref<2x4x128x16xf32, #tpu.memory_space<vmem>> -> memref<1x1x128x16xf32, #tpu.memory_space<vmem>>
      %dma_start3A_475 = tpu.memref_squeeze %dma_start3A_474 : memref<1x1x128x16xf32, #tpu.memory_space<vmem>> -> memref<128x16xf32, #tpu.memory_space<vmem>>
      %dma_start3A_476 = arith.constant 0 : i32
      %dma_start3A_477 = tpu.memref_slice %arg8[%add3A_469, %dma_start3A_476] : memref<128x128xi32, #tpu.memory_space<vmem>> -> memref<1x128xi32, #tpu.memory_space<vmem>>
      %dma_start3A_478 = tpu.memref_squeeze %dma_start3A_477 : memref<1x128xi32, #tpu.memory_space<vmem>> -> memref<128xi32, #tpu.memory_space<vmem>>
      %dma_start3A_479 = arith.constant 0 : i32
      %dma_start3A_480 = arith.constant 0 : i32
      %dma_start3A_481 = tpu.memref_slice %arg14[%dma_start3A_479, %dma_start3A_480] : memref<10112x16xf32, #tpu.memory_space<vmem_shared>> -> memref<10112x16xf32, #tpu.memory_space<vmem_shared>>
      tpu.enqueue_indirect_dma source(%dma_start3A_475 : memref<128x16xf32, #tpu.memory_space<vmem>>) target(%dma_start3A_481 : memref<10112x16xf32, #tpu.memory_space<vmem_shared>>) offsets(%dma_start3A_478 : memref<128xi32, #tpu.memory_space<vmem>>) semaphore(%arg13 : memref<!tpu.dma_semaphore, #tpu.memory_space<semaphore_mem>>) {add = true}
      %add3A_482 = arith.constant 3 : i32
      %add3A_483 = arith.addi %add3A_335, %add3A_482 : i32
      %dma_start3A_484 = arith.constant 1 : i32
      %dma_start3A_485 = arith.constant 3 : i32
      %dma_start3A_486 = arith.constant 0 : i32
      %dma_start3A_487 = arith.constant 0 : i32
      %dma_start3A_488 = tpu.memref_slice %arg9[%dma_start3A_484, %dma_start3A_485, %dma_start3A_486, %dma_start3A_487] : memref<2x4x128x16xf32, #tpu.memory_space<vmem>> -> memref<1x1x128x16xf32, #tpu.memory_space<vmem>>
      %dma_start3A_489 = tpu.memref_squeeze %dma_start3A_488 : memref<1x1x128x16xf32, #tpu.memory_space<vmem>> -> memref<128x16xf32, #tpu.memory_space<vmem>>
      %dma_start3A_490 = arith.constant 0 : i32
      %dma_start3A_491 = tpu.memref_slice %arg8[%add3A_483, %dma_start3A_490] : memref<128x128xi32, #tpu.memory_space<vmem>> -> memref<1x128xi32, #tpu.memory_space<vmem>>
      %dma_start3A_492 = tpu.memref_squeeze %dma_start3A_491 : memref<1x128xi32, #tpu.memory_space<vmem>> -> memref<128xi32, #tpu.memory_space<vmem>>
      %dma_start3A_493 = arith.constant 0 : i32
      %dma_start3A_494 = arith.constant 0 : i32
      %dma_start3A_495 = tpu.memref_slice %arg14[%dma_start3A_493, %dma_start3A_494] : memref<10112x16xf32, #tpu.memory_space<vmem_shared>> -> memref<10112x16xf32, #tpu.memory_space<vmem_shared>>
      tpu.enqueue_indirect_dma source(%dma_start3A_489 : memref<128x16xf32, #tpu.memory_space<vmem>>) target(%dma_start3A_495 : memref<10112x16xf32, #tpu.memory_space<vmem_shared>>) offsets(%dma_start3A_492 : memref<128xi32, #tpu.memory_space<vmem>>) semaphore(%arg13 : memref<!tpu.dma_semaphore, #tpu.memory_space<semaphore_mem>>) {add = true}
    }
    %while3A_39 = arith.constant 1 : i32
    scf.for %while3A_163 = %while3A_37 to %while3A_33 step %while3A_39  : i32 {
      %mul3A_164 = arith.constant 2 : i32
      %mul3A_165 = arith.muli %while3A_163, %mul3A_164 : i32
      %mul3A_166 = arith.constant 4 : i32
      %mul3A_167 = arith.muli %mul3A_165, %mul3A_166 : i32
      %gt3A = arith.constant 0 : i32
      %gt3A_168 = arith.cmpi sgt, %while3A_163, %gt3A : i32
      %convert_element_type3A = arith.extui %gt3A_168 : i1 to i32
      %cond3A = arith.constant 0 : i32
      %cond3A_169 = arith.cmpi ne, %convert_element_type3A, %cond3A : i32
      scf.if %cond3A_169 {
        %sub3A_496 = arith.constant 8 : i32
        %sub3A_497 = arith.subi %mul3A_167, %sub3A_496 : i32
        %add3A_498 = arith.constant 0 : i32
        %add3A_499 = arith.addi %sub3A_497, %add3A_498 : i32
        %dma_wait3A_500 = arith.constant 0 : i32
        %dma_wait3A_501 = arith.constant 0 : i32
        %dma_wait3A_502 = arith.constant 0 : i32
        %dma_wait3A_503 = arith.constant 0 : i32
        %dma_wait3A_504 = tpu.memref_slice %arg9[%dma_wait3A_500, %dma_wait3A_501, %dma_wait3A_502, %dma_wait3A_503] : memref<2x4x128x16xf32, #tpu.memory_space<vmem>> -> memref<1x1x128x16xf32, #tpu.memory_space<vmem>>
        %dma_wait3A_505 = tpu.memref_squeeze %dma_wait3A_504 : memref<1x1x128x16xf32, #tpu.memory_space<vmem>> -> memref<128x16xf32, #tpu.memory_space<vmem>>
        %dma_wait3A_506 = arith.constant 0 : i32
        %dma_wait3A_507 = tpu.memref_slice %arg8[%add3A_499, %dma_wait3A_506] : memref<128x128xi32, #tpu.memory_space<vmem>> -> memref<1x128xi32, #tpu.memory_space<vmem>>
        %dma_wait3A_508 = tpu.memref_squeeze %dma_wait3A_507 : memref<1x128xi32, #tpu.memory_space<vmem>> -> memref<128xi32, #tpu.memory_space<vmem>>
        %dma_wait3A_509 = arith.constant 0 : i32
        %dma_wait3A_510 = arith.constant 0 : i32
        %dma_wait3A_511 = tpu.memref_slice %arg14[%dma_wait3A_509, %dma_wait3A_510] : memref<10112x16xf32, #tpu.memory_space<vmem_shared>> -> memref<10112x16xf32, #tpu.memory_space<vmem_shared>>
        tpu.wait_indirect_dma semaphore(%arg12 : memref<!tpu.dma_semaphore, #tpu.memory_space<semaphore_mem>>) src(%dma_wait3A_505 : memref<128x16xf32, #tpu.memory_space<vmem>>) dst(%dma_wait3A_511 : memref<10112x16xf32, #tpu.memory_space<vmem_shared>>)
        %add3A_512 = arith.constant 1 : i32
        %add3A_513 = arith.addi %sub3A_497, %add3A_512 : i32
        %dma_wait3A_514 = arith.constant 0 : i32
        %dma_wait3A_515 = arith.constant 1 : i32
        %dma_wait3A_516 = arith.constant 0 : i32
        %dma_wait3A_517 = arith.constant 0 : i32
        %dma_wait3A_518 = tpu.memref_slice %arg9[%dma_wait3A_514, %dma_wait3A_515, %dma_wait3A_516, %dma_wait3A_517] : memref<2x4x128x16xf32, #tpu.memory_space<vmem>> -> memref<1x1x128x16xf32, #tpu.memory_space<vmem>>
        %dma_wait3A_519 = tpu.memref_squeeze %dma_wait3A_518 : memref<1x1x128x16xf32, #tpu.memory_space<vmem>> -> memref<128x16xf32, #tpu.memory_space<vmem>>
        %dma_wait3A_520 = arith.constant 0 : i32
        %dma_wait3A_521 = tpu.memref_slice %arg8[%add3A_513, %dma_wait3A_520] : memref<128x128xi32, #tpu.memory_space<vmem>> -> memref<1x128xi32, #tpu.memory_space<vmem>>
        %dma_wait3A_522 = tpu.memref_squeeze %dma_wait3A_521 : memref<1x128xi32, #tpu.memory_space<vmem>> -> memref<128xi32, #tpu.memory_space<vmem>>
        %dma_wait3A_523 = arith.constant 0 : i32
        %dma_wait3A_524 = arith.constant 0 : i32
        %dma_wait3A_525 = tpu.memref_slice %arg14[%dma_wait3A_523, %dma_wait3A_524] : memref<10112x16xf32, #tpu.memory_space<vmem_shared>> -> memref<10112x16xf32, #tpu.memory_space<vmem_shared>>
        tpu.wait_indirect_dma semaphore(%arg12 : memref<!tpu.dma_semaphore, #tpu.memory_space<semaphore_mem>>) src(%dma_wait3A_519 : memref<128x16xf32, #tpu.memory_space<vmem>>) dst(%dma_wait3A_525 : memref<10112x16xf32, #tpu.memory_space<vmem_shared>>)
        %add3A_526 = arith.constant 2 : i32
        %add3A_527 = arith.addi %sub3A_497, %add3A_526 : i32
        %dma_wait3A_528 = arith.constant 0 : i32
        %dma_wait3A_529 = arith.constant 2 : i32
        %dma_wait3A_530 = arith.constant 0 : i32
        %dma_wait3A_531 = arith.constant 0 : i32
        %dma_wait3A_532 = tpu.memref_slice %arg9[%dma_wait3A_528, %dma_wait3A_529, %dma_wait3A_530, %dma_wait3A_531] : memref<2x4x128x16xf32, #tpu.memory_space<vmem>> -> memref<1x1x128x16xf32, #tpu.memory_space<vmem>>
        %dma_wait3A_533 = tpu.memref_squeeze %dma_wait3A_532 : memref<1x1x128x16xf32, #tpu.memory_space<vmem>> -> memref<128x16xf32, #tpu.memory_space<vmem>>
        %dma_wait3A_534 = arith.constant 0 : i32
        %dma_wait3A_535 = tpu.memref_slice %arg8[%add3A_527, %dma_wait3A_534] : memref<128x128xi32, #tpu.memory_space<vmem>> -> memref<1x128xi32, #tpu.memory_space<vmem>>
        %dma_wait3A_536 = tpu.memref_squeeze %dma_wait3A_535 : memref<1x128xi32, #tpu.memory_space<vmem>> -> memref<128xi32, #tpu.memory_space<vmem>>
        %dma_wait3A_537 = arith.constant 0 : i32
        %dma_wait3A_538 = arith.constant 0 : i32
        %dma_wait3A_539 = tpu.memref_slice %arg14[%dma_wait3A_537, %dma_wait3A_538] : memref<10112x16xf32, #tpu.memory_space<vmem_shared>> -> memref<10112x16xf32, #tpu.memory_space<vmem_shared>>
        tpu.wait_indirect_dma semaphore(%arg12 : memref<!tpu.dma_semaphore, #tpu.memory_space<semaphore_mem>>) src(%dma_wait3A_533 : memref<128x16xf32, #tpu.memory_space<vmem>>) dst(%dma_wait3A_539 : memref<10112x16xf32, #tpu.memory_space<vmem_shared>>)
        %add3A_540 = arith.constant 3 : i32
        %add3A_541 = arith.addi %sub3A_497, %add3A_540 : i32
        %dma_wait3A_542 = arith.constant 0 : i32
        %dma_wait3A_543 = arith.constant 3 : i32
        %dma_wait3A_544 = arith.constant 0 : i32
        %dma_wait3A_545 = arith.constant 0 : i32
        %dma_wait3A_546 = tpu.memref_slice %arg9[%dma_wait3A_542, %dma_wait3A_543, %dma_wait3A_544, %dma_wait3A_545] : memref<2x4x128x16xf32, #tpu.memory_space<vmem>> -> memref<1x1x128x16xf32, #tpu.memory_space<vmem>>
        %dma_wait3A_547 = tpu.memref_squeeze %dma_wait3A_546 : memref<1x1x128x16xf32, #tpu.memory_space<vmem>> -> memref<128x16xf32, #tpu.memory_space<vmem>>
        %dma_wait3A_548 = arith.constant 0 : i32
        %dma_wait3A_549 = tpu.memref_slice %arg8[%add3A_541, %dma_wait3A_548] : memref<128x128xi32, #tpu.memory_space<vmem>> -> memref<1x128xi32, #tpu.memory_space<vmem>>
        %dma_wait3A_550 = tpu.memref_squeeze %dma_wait3A_549 : memref<1x128xi32, #tpu.memory_space<vmem>> -> memref<128xi32, #tpu.memory_space<vmem>>
        %dma_wait3A_551 = arith.constant 0 : i32
        %dma_wait3A_552 = arith.constant 0 : i32
        %dma_wait3A_553 = tpu.memref_slice %arg14[%dma_wait3A_551, %dma_wait3A_552] : memref<10112x16xf32, #tpu.memory_space<vmem_shared>> -> memref<10112x16xf32, #tpu.memory_space<vmem_shared>>
        tpu.wait_indirect_dma semaphore(%arg12 : memref<!tpu.dma_semaphore, #tpu.memory_space<semaphore_mem>>) src(%dma_wait3A_547 : memref<128x16xf32, #tpu.memory_space<vmem>>) dst(%dma_wait3A_553 : memref<10112x16xf32, #tpu.memory_space<vmem_shared>>)
      } else {
      }
      %add3A_170 = arith.constant 0 : i32
      %add3A_171 = arith.addi %mul3A_167, %add3A_170 : i32
      %dma_start3A = arith.constant 0 : i32
      %dma_start3A_172 = arith.constant 0 : i32
      %dma_start3A_173 = arith.constant 0 : i32
      %dma_start3A_174 = arith.constant 0 : i32
      %dma_start3A_175 = tpu.memref_slice %arg9[%dma_start3A, %dma_start3A_172, %dma_start3A_173, %dma_start3A_174] : memref<2x4x128x16xf32, #tpu.memory_space<vmem>> -> memref<1x1x128x16xf32, #tpu.memory_space<vmem>>
      %dma_start3A_176 = tpu.memref_squeeze %dma_start3A_175 : memref<1x1x128x16xf32, #tpu.memory_space<vmem>> -> memref<128x16xf32, #tpu.memory_space<vmem>>
      %dma_start3A_177 = arith.constant 0 : i32
      %dma_start3A_178 = tpu.memref_slice %arg7[%add3A_171, %dma_start3A_177] : memref<128x128xi32, #tpu.memory_space<vmem>> -> memref<1x128xi32, #tpu.memory_space<vmem>>
      %dma_start3A_179 = tpu.memref_squeeze %dma_start3A_178 : memref<1x128xi32, #tpu.memory_space<vmem>> -> memref<128xi32, #tpu.memory_space<vmem>>
      %dma_start3A_180 = arith.constant 0 : i32
      %dma_start3A_181 = arith.constant 0 : i32
      %dma_start3A_182 = tpu.memref_slice %arg2[%dma_start3A_180, %dma_start3A_181] : memref<10112x16xf32, #tpu.memory_space<hbm>> -> memref<10112x16xf32, #tpu.memory_space<hbm>>
      tpu.enqueue_indirect_dma source(%dma_start3A_182 : memref<10112x16xf32, #tpu.memory_space<hbm>>) target(%dma_start3A_176 : memref<128x16xf32, #tpu.memory_space<vmem>>) offsets(%dma_start3A_179 : memref<128xi32, #tpu.memory_space<vmem>>) semaphore(%arg11 : memref<!tpu.dma_semaphore, #tpu.memory_space<semaphore_mem>>)
      %add3A_183 = arith.constant 1 : i32
      %add3A_184 = arith.addi %mul3A_167, %add3A_183 : i32
      %dma_start3A_185 = arith.constant 0 : i32
      %dma_start3A_186 = arith.constant 1 : i32
      %dma_start3A_187 = arith.constant 0 : i32
      %dma_start3A_188 = arith.constant 0 : i32
      %dma_start3A_189 = tpu.memref_slice %arg9[%dma_start3A_185, %dma_start3A_186, %dma_start3A_187, %dma_start3A_188] : memref<2x4x128x16xf32, #tpu.memory_space<vmem>> -> memref<1x1x128x16xf32, #tpu.memory_space<vmem>>
      %dma_start3A_190 = tpu.memref_squeeze %dma_start3A_189 : memref<1x1x128x16xf32, #tpu.memory_space<vmem>> -> memref<128x16xf32, #tpu.memory_space<vmem>>
      %dma_start3A_191 = arith.constant 0 : i32
      %dma_start3A_192 = tpu.memref_slice %arg7[%add3A_184, %dma_start3A_191] : memref<128x128xi32, #tpu.memory_space<vmem>> -> memref<1x128xi32, #tpu.memory_space<vmem>>
      %dma_start3A_193 = tpu.memref_squeeze %dma_start3A_192 : memref<1x128xi32, #tpu.memory_space<vmem>> -> memref<128xi32, #tpu.memory_space<vmem>>
      %dma_start3A_194 = arith.constant 0 : i32
      %dma_start3A_195 = arith.constant 0 : i32
      %dma_start3A_196 = tpu.memref_slice %arg2[%dma_start3A_194, %dma_start3A_195] : memref<10112x16xf32, #tpu.memory_space<hbm>> -> memref<10112x16xf32, #tpu.memory_space<hbm>>
      tpu.enqueue_indirect_dma source(%dma_start3A_196 : memref<10112x16xf32, #tpu.memory_space<hbm>>) target(%dma_start3A_190 : memref<128x16xf32, #tpu.memory_space<vmem>>) offsets(%dma_start3A_193 : memref<128xi32, #tpu.memory_space<vmem>>) semaphore(%arg11 : memref<!tpu.dma_semaphore, #tpu.memory_space<semaphore_mem>>)
      %add3A_197 = arith.constant 2 : i32
      %add3A_198 = arith.addi %mul3A_167, %add3A_197 : i32
      %dma_start3A_199 = arith.constant 0 : i32
      %dma_start3A_200 = arith.constant 2 : i32
      %dma_start3A_201 = arith.constant 0 : i32
      %dma_start3A_202 = arith.constant 0 : i32
      %dma_start3A_203 = tpu.memref_slice %arg9[%dma_start3A_199, %dma_start3A_200, %dma_start3A_201, %dma_start3A_202] : memref<2x4x128x16xf32, #tpu.memory_space<vmem>> -> memref<1x1x128x16xf32, #tpu.memory_space<vmem>>
      %dma_start3A_204 = tpu.memref_squeeze %dma_start3A_203 : memref<1x1x128x16xf32, #tpu.memory_space<vmem>> -> memref<128x16xf32, #tpu.memory_space<vmem>>
      %dma_start3A_205 = arith.constant 0 : i32
      %dma_start3A_206 = tpu.memref_slice %arg7[%add3A_198, %dma_start3A_205] : memref<128x128xi32, #tpu.memory_space<vmem>> -> memref<1x128xi32, #tpu.memory_space<vmem>>
      %dma_start3A_207 = tpu.memref_squeeze %dma_start3A_206 : memref<1x128xi32, #tpu.memory_space<vmem>> -> memref<128xi32, #tpu.memory_space<vmem>>
      %dma_start3A_208 = arith.constant 0 : i32
      %dma_start3A_209 = arith.constant 0 : i32
      %dma_start3A_210 = tpu.memref_slice %arg2[%dma_start3A_208, %dma_start3A_209] : memref<10112x16xf32, #tpu.memory_space<hbm>> -> memref<10112x16xf32, #tpu.memory_space<hbm>>
      tpu.enqueue_indirect_dma source(%dma_start3A_210 : memref<10112x16xf32, #tpu.memory_space<hbm>>) target(%dma_start3A_204 : memref<128x16xf32, #tpu.memory_space<vmem>>) offsets(%dma_start3A_207 : memref<128xi32, #tpu.memory_space<vmem>>) semaphore(%arg11 : memref<!tpu.dma_semaphore, #tpu.memory_space<semaphore_mem>>)
      %add3A_211 = arith.constant 3 : i32
      %add3A_212 = arith.addi %mul3A_167, %add3A_211 : i32
      %dma_start3A_213 = arith.constant 0 : i32
      %dma_start3A_214 = arith.constant 3 : i32
      %dma_start3A_215 = arith.constant 0 : i32
      %dma_start3A_216 = arith.constant 0 : i32
      %dma_start3A_217 = tpu.memref_slice %arg9[%dma_start3A_213, %dma_start3A_214, %dma_start3A_215, %dma_start3A_216] : memref<2x4x128x16xf32, #tpu.memory_space<vmem>> -> memref<1x1x128x16xf32, #tpu.memory_space<vmem>>
      %dma_start3A_218 = tpu.memref_squeeze %dma_start3A_217 : memref<1x1x128x16xf32, #tpu.memory_space<vmem>> -> memref<128x16xf32, #tpu.memory_space<vmem>>
      %dma_start3A_219 = arith.constant 0 : i32
      %dma_start3A_220 = tpu.memref_slice %arg7[%add3A_212, %dma_start3A_219] : memref<128x128xi32, #tpu.memory_space<vmem>> -> memref<1x128xi32, #tpu.memory_space<vmem>>
      %dma_start3A_221 = tpu.memref_squeeze %dma_start3A_220 : memref<1x128xi32, #tpu.memory_space<vmem>> -> memref<128xi32, #tpu.memory_space<vmem>>
      %dma_start3A_222 = arith.constant 0 : i32
      %dma_start3A_223 = arith.constant 0 : i32
      %dma_start3A_224 = tpu.memref_slice %arg2[%dma_start3A_222, %dma_start3A_223] : memref<10112x16xf32, #tpu.memory_space<hbm>> -> memref<10112x16xf32, #tpu.memory_space<hbm>>
      tpu.enqueue_indirect_dma source(%dma_start3A_224 : memref<10112x16xf32, #tpu.memory_space<hbm>>) target(%dma_start3A_218 : memref<128x16xf32, #tpu.memory_space<vmem>>) offsets(%dma_start3A_221 : memref<128xi32, #tpu.memory_space<vmem>>) semaphore(%arg11 : memref<!tpu.dma_semaphore, #tpu.memory_space<semaphore_mem>>)
      %dma_wait3A_225 = arith.constant 0 : i32
      %dma_wait3A_226 = arith.constant 0 : i32
      %dma_wait3A_227 = arith.constant 0 : i32
      %dma_wait3A_228 = arith.constant 0 : i32
      %dma_wait3A_229 = tpu.memref_slice %arg9[%dma_wait3A_225, %dma_wait3A_226, %dma_wait3A_227, %dma_wait3A_228] : memref<2x4x128x16xf32, #tpu.memory_space<vmem>> -> memref<1x1x128x16xf32, #tpu.memory_space<vmem>>
      %dma_wait3A_230 = tpu.memref_squeeze %dma_wait3A_229 : memref<1x1x128x16xf32, #tpu.memory_space<vmem>> -> memref<128x16xf32, #tpu.memory_space<vmem>>
      %dma_wait3A_231 = arith.constant 0 : i32
      %dma_wait3A_232 = tpu.memref_slice %arg7[%add3A_171, %dma_wait3A_231] : memref<128x128xi32, #tpu.memory_space<vmem>> -> memref<1x128xi32, #tpu.memory_space<vmem>>
      %dma_wait3A_233 = tpu.memref_squeeze %dma_wait3A_232 : memref<1x128xi32, #tpu.memory_space<vmem>> -> memref<128xi32, #tpu.memory_space<vmem>>
      %dma_wait3A_234 = arith.constant 0 : i32
      %dma_wait3A_235 = arith.constant 0 : i32
      %dma_wait3A_236 = tpu.memref_slice %arg2[%dma_wait3A_234, %dma_wait3A_235] : memref<10112x16xf32, #tpu.memory_space<hbm>> -> memref<10112x16xf32, #tpu.memory_space<hbm>>
      tpu.wait_indirect_dma semaphore(%arg11 : memref<!tpu.dma_semaphore, #tpu.memory_space<semaphore_mem>>) src(%dma_wait3A_236 : memref<10112x16xf32, #tpu.memory_space<hbm>>) dst(%dma_wait3A_230 : memref<128x16xf32, #tpu.memory_space<vmem>>)
      %dma_wait3A_237 = arith.constant 0 : i32
      %dma_wait3A_238 = arith.constant 1 : i32
      %dma_wait3A_239 = arith.constant 0 : i32
      %dma_wait3A_240 = arith.constant 0 : i32
      %dma_wait3A_241 = tpu.memref_slice %arg9[%dma_wait3A_237, %dma_wait3A_238, %dma_wait3A_239, %dma_wait3A_240] : memref<2x4x128x16xf32, #tpu.memory_space<vmem>> -> memref<1x1x128x16xf32, #tpu.memory_space<vmem>>
      %dma_wait3A_242 = tpu.memref_squeeze %dma_wait3A_241 : memref<1x1x128x16xf32, #tpu.memory_space<vmem>> -> memref<128x16xf32, #tpu.memory_space<vmem>>
      %dma_wait3A_243 = arith.constant 0 : i32
      %dma_wait3A_244 = tpu.memref_slice %arg7[%add3A_184, %dma_wait3A_243] : memref<128x128xi32, #tpu.memory_space<vmem>> -> memref<1x128xi32, #tpu.memory_space<vmem>>
      %dma_wait3A_245 = tpu.memref_squeeze %dma_wait3A_244 : memref<1x128xi32, #tpu.memory_space<vmem>> -> memref<128xi32, #tpu.memory_space<vmem>>
      %dma_wait3A_246 = arith.constant 0 : i32
      %dma_wait3A_247 = arith.constant 0 : i32
      %dma_wait3A_248 = tpu.memref_slice %arg2[%dma_wait3A_246, %dma_wait3A_247] : memref<10112x16xf32, #tpu.memory_space<hbm>> -> memref<10112x16xf32, #tpu.memory_space<hbm>>
      tpu.wait_indirect_dma semaphore(%arg11 : memref<!tpu.dma_semaphore, #tpu.memory_space<semaphore_mem>>) src(%dma_wait3A_248 : memref<10112x16xf32, #tpu.memory_space<hbm>>) dst(%dma_wait3A_242 : memref<128x16xf32, #tpu.memory_space<vmem>>)
      %dma_wait3A_249 = arith.constant 0 : i32
      %dma_wait3A_250 = arith.constant 2 : i32
      %dma_wait3A_251 = arith.constant 0 : i32
      %dma_wait3A_252 = arith.constant 0 : i32
      %dma_wait3A_253 = tpu.memref_slice %arg9[%dma_wait3A_249, %dma_wait3A_250, %dma_wait3A_251, %dma_wait3A_252] : memref<2x4x128x16xf32, #tpu.memory_space<vmem>> -> memref<1x1x128x16xf32, #tpu.memory_space<vmem>>
      %dma_wait3A_254 = tpu.memref_squeeze %dma_wait3A_253 : memref<1x1x128x16xf32, #tpu.memory_space<vmem>> -> memref<128x16xf32, #tpu.memory_space<vmem>>
      %dma_wait3A_255 = arith.constant 0 : i32
      %dma_wait3A_256 = tpu.memref_slice %arg7[%add3A_198, %dma_wait3A_255] : memref<128x128xi32, #tpu.memory_space<vmem>> -> memref<1x128xi32, #tpu.memory_space<vmem>>
      %dma_wait3A_257 = tpu.memref_squeeze %dma_wait3A_256 : memref<1x128xi32, #tpu.memory_space<vmem>> -> memref<128xi32, #tpu.memory_space<vmem>>
      %dma_wait3A_258 = arith.constant 0 : i32
      %dma_wait3A_259 = arith.constant 0 : i32
      %dma_wait3A_260 = tpu.memref_slice %arg2[%dma_wait3A_258, %dma_wait3A_259] : memref<10112x16xf32, #tpu.memory_space<hbm>> -> memref<10112x16xf32, #tpu.memory_space<hbm>>
      tpu.wait_indirect_dma semaphore(%arg11 : memref<!tpu.dma_semaphore, #tpu.memory_space<semaphore_mem>>) src(%dma_wait3A_260 : memref<10112x16xf32, #tpu.memory_space<hbm>>) dst(%dma_wait3A_254 : memref<128x16xf32, #tpu.memory_space<vmem>>)
      %dma_wait3A_261 = arith.constant 0 : i32
      %dma_wait3A_262 = arith.constant 3 : i32
      %dma_wait3A_263 = arith.constant 0 : i32
      %dma_wait3A_264 = arith.constant 0 : i32
      %dma_wait3A_265 = tpu.memref_slice %arg9[%dma_wait3A_261, %dma_wait3A_262, %dma_wait3A_263, %dma_wait3A_264] : memref<2x4x128x16xf32, #tpu.memory_space<vmem>> -> memref<1x1x128x16xf32, #tpu.memory_space<vmem>>
      %dma_wait3A_266 = tpu.memref_squeeze %dma_wait3A_265 : memref<1x1x128x16xf32, #tpu.memory_space<vmem>> -> memref<128x16xf32, #tpu.memory_space<vmem>>
      %dma_wait3A_267 = arith.constant 0 : i32
      %dma_wait3A_268 = tpu.memref_slice %arg7[%add3A_212, %dma_wait3A_267] : memref<128x128xi32, #tpu.memory_space<vmem>> -> memref<1x128xi32, #tpu.memory_space<vmem>>
      %dma_wait3A_269 = tpu.memref_squeeze %dma_wait3A_268 : memref<1x128xi32, #tpu.memory_space<vmem>> -> memref<128xi32, #tpu.memory_space<vmem>>
      %dma_wait3A_270 = arith.constant 0 : i32
      %dma_wait3A_271 = arith.constant 0 : i32
      %dma_wait3A_272 = tpu.memref_slice %arg2[%dma_wait3A_270, %dma_wait3A_271] : memref<10112x16xf32, #tpu.memory_space<hbm>> -> memref<10112x16xf32, #tpu.memory_space<hbm>>
      tpu.wait_indirect_dma semaphore(%arg11 : memref<!tpu.dma_semaphore, #tpu.memory_space<semaphore_mem>>) src(%dma_wait3A_272 : memref<10112x16xf32, #tpu.memory_space<hbm>>) dst(%dma_wait3A_266 : memref<128x16xf32, #tpu.memory_space<vmem>>)
      %add3A_273 = arith.constant 0 : i32
      %add3A_274 = arith.addi %mul3A_167, %add3A_273 : i32
      %dma_start3A_275 = arith.constant 0 : i32
      %dma_start3A_276 = arith.constant 0 : i32
      %dma_start3A_277 = arith.constant 0 : i32
      %dma_start3A_278 = arith.constant 0 : i32
      %dma_start3A_279 = tpu.memref_slice %arg9[%dma_start3A_275, %dma_start3A_276, %dma_start3A_277, %dma_start3A_278] : memref<2x4x128x16xf32, #tpu.memory_space<vmem>> -> memref<1x1x128x16xf32, #tpu.memory_space<vmem>>
      %dma_start3A_280 = tpu.memref_squeeze %dma_start3A_279 : memref<1x1x128x16xf32, #tpu.memory_space<vmem>> -> memref<128x16xf32, #tpu.memory_space<vmem>>
      %dma_start3A_281 = arith.constant 0 : i32
      %dma_start3A_282 = tpu.memref_slice %arg8[%add3A_274, %dma_start3A_281] : memref<128x128xi32, #tpu.memory_space<vmem>> -> memref<1x128xi32, #tpu.memory_space<vmem>>
      %dma_start3A_283 = tpu.memref_squeeze %dma_start3A_282 : memref<1x128xi32, #tpu.memory_space<vmem>> -> memref<128xi32, #tpu.memory_space<vmem>>
      %dma_start3A_284 = arith.constant 0 : i32
      %dma_start3A_285 = arith.constant 0 : i32
      %dma_start3A_286 = tpu.memref_slice %arg14[%dma_start3A_284, %dma_start3A_285] : memref<10112x16xf32, #tpu.memory_space<vmem_shared>> -> memref<10112x16xf32, #tpu.memory_space<vmem_shared>>
      tpu.enqueue_indirect_dma source(%dma_start3A_280 : memref<128x16xf32, #tpu.memory_space<vmem>>) target(%dma_start3A_286 : memref<10112x16xf32, #tpu.memory_space<vmem_shared>>) offsets(%dma_start3A_283 : memref<128xi32, #tpu.memory_space<vmem>>) semaphore(%arg12 : memref<!tpu.dma_semaphore, #tpu.memory_space<semaphore_mem>>) {add = true}
      %add3A_287 = arith.constant 1 : i32
      %add3A_288 = arith.addi %mul3A_167, %add3A_287 : i32
      %dma_start3A_289 = arith.constant 0 : i32
      %dma_start3A_290 = arith.constant 1 : i32
      %dma_start3A_291 = arith.constant 0 : i32
      %dma_start3A_292 = arith.constant 0 : i32
      %dma_start3A_293 = tpu.memref_slice %arg9[%dma_start3A_289, %dma_start3A_290, %dma_start3A_291, %dma_start3A_292] : memref<2x4x128x16xf32, #tpu.memory_space<vmem>> -> memref<1x1x128x16xf32, #tpu.memory_space<vmem>>
      %dma_start3A_294 = tpu.memref_squeeze %dma_start3A_293 : memref<1x1x128x16xf32, #tpu.memory_space<vmem>> -> memref<128x16xf32, #tpu.memory_space<vmem>>
      %dma_start3A_295 = arith.constant 0 : i32
      %dma_start3A_296 = tpu.memref_slice %arg8[%add3A_288, %dma_start3A_295] : memref<128x128xi32, #tpu.memory_space<vmem>> -> memref<1x128xi32, #tpu.memory_space<vmem>>
      %dma_start3A_297 = tpu.memref_squeeze %dma_start3A_296 : memref<1x128xi32, #tpu.memory_space<vmem>> -> memref<128xi32, #tpu.memory_space<vmem>>
      %dma_start3A_298 = arith.constant 0 : i32
      %dma_start3A_299 = arith.constant 0 : i32
      %dma_start3A_300 = tpu.memref_slice %arg14[%dma_start3A_298, %dma_start3A_299] : memref<10112x16xf32, #tpu.memory_space<vmem_shared>> -> memref<10112x16xf32, #tpu.memory_space<vmem_shared>>
      tpu.enqueue_indirect_dma source(%dma_start3A_294 : memref<128x16xf32, #tpu.memory_space<vmem>>) target(%dma_start3A_300 : memref<10112x16xf32, #tpu.memory_space<vmem_shared>>) offsets(%dma_start3A_297 : memref<128xi32, #tpu.memory_space<vmem>>) semaphore(%arg12 : memref<!tpu.dma_semaphore, #tpu.memory_space<semaphore_mem>>) {add = true}
      %add3A_301 = arith.constant 2 : i32
      %add3A_302 = arith.addi %mul3A_167, %add3A_301 : i32
      %dma_start3A_303 = arith.constant 0 : i32
      %dma_start3A_304 = arith.constant 2 : i32
      %dma_start3A_305 = arith.constant 0 : i32
      %dma_start3A_306 = arith.constant 0 : i32
      %dma_start3A_307 = tpu.memref_slice %arg9[%dma_start3A_303, %dma_start3A_304, %dma_start3A_305, %dma_start3A_306] : memref<2x4x128x16xf32, #tpu.memory_space<vmem>> -> memref<1x1x128x16xf32, #tpu.memory_space<vmem>>
      %dma_start3A_308 = tpu.memref_squeeze %dma_start3A_307 : memref<1x1x128x16xf32, #tpu.memory_space<vmem>> -> memref<128x16xf32, #tpu.memory_space<vmem>>
      %dma_start3A_309 = arith.constant 0 : i32
      %dma_start3A_310 = tpu.memref_slice %arg8[%add3A_302, %dma_start3A_309] : memref<128x128xi32, #tpu.memory_space<vmem>> -> memref<1x128xi32, #tpu.memory_space<vmem>>
      %dma_start3A_311 = tpu.memref_squeeze %dma_start3A_310 : memref<1x128xi32, #tpu.memory_space<vmem>> -> memref<128xi32, #tpu.memory_space<vmem>>
      %dma_start3A_312 = arith.constant 0 : i32
      %dma_start3A_313 = arith.constant 0 : i32
      %dma_start3A_314 = tpu.memref_slice %arg14[%dma_start3A_312, %dma_start3A_313] : memref<10112x16xf32, #tpu.memory_space<vmem_shared>> -> memref<10112x16xf32, #tpu.memory_space<vmem_shared>>
      tpu.enqueue_indirect_dma source(%dma_start3A_308 : memref<128x16xf32, #tpu.memory_space<vmem>>) target(%dma_start3A_314 : memref<10112x16xf32, #tpu.memory_space<vmem_shared>>) offsets(%dma_start3A_311 : memref<128xi32, #tpu.memory_space<vmem>>) semaphore(%arg12 : memref<!tpu.dma_semaphore, #tpu.memory_space<semaphore_mem>>) {add = true}
      %add3A_315 = arith.constant 3 : i32
      %add3A_316 = arith.addi %mul3A_167, %add3A_315 : i32
      %dma_start3A_317 = arith.constant 0 : i32
      %dma_start3A_318 = arith.constant 3 : i32
      %dma_start3A_319 = arith.constant 0 : i32
      %dma_start3A_320 = arith.constant 0 : i32
      %dma_start3A_321 = tpu.memref_slice %arg9[%dma_start3A_317, %dma_start3A_318, %dma_start3A_319, %dma_start3A_320] : memref<2x4x128x16xf32, #tpu.memory_space<vmem>> -> memref<1x1x128x16xf32, #tpu.memory_space<vmem>>
      %dma_start3A_322 = tpu.memref_squeeze %dma_start3A_321 : memref<1x1x128x16xf32, #tpu.memory_space<vmem>> -> memref<128x16xf32, #tpu.memory_space<vmem>>
      %dma_start3A_323 = arith.constant 0 : i32
      %dma_start3A_324 = tpu.memref_slice %arg8[%add3A_316, %dma_start3A_323] : memref<128x128xi32, #tpu.memory_space<vmem>> -> memref<1x128xi32, #tpu.memory_space<vmem>>
      %dma_start3A_325 = tpu.memref_squeeze %dma_start3A_324 : memref<1x128xi32, #tpu.memory_space<vmem>> -> memref<128xi32, #tpu.memory_space<vmem>>
      %dma_start3A_326 = arith.constant 0 : i32
      %dma_start3A_327 = arith.constant 0 : i32
      %dma_start3A_328 = tpu.memref_slice %arg14[%dma_start3A_326, %dma_start3A_327] : memref<10112x16xf32, #tpu.memory_space<vmem_shared>> -> memref<10112x16xf32, #tpu.memory_space<vmem_shared>>
      tpu.enqueue_indirect_dma source(%dma_start3A_322 : memref<128x16xf32, #tpu.memory_space<vmem>>) target(%dma_start3A_328 : memref<10112x16xf32, #tpu.memory_space<vmem_shared>>) offsets(%dma_start3A_325 : memref<128xi32, #tpu.memory_space<vmem>>) semaphore(%arg12 : memref<!tpu.dma_semaphore, #tpu.memory_space<semaphore_mem>>) {add = true}
      %gt3A_329 = arith.constant 0 : i32
      %gt3A_330 = arith.cmpi sgt, %while3A_163, %gt3A_329 : i32
      %convert_element_type3A_331 = arith.extui %gt3A_330 : i1 to i32
      %cond3A_332 = arith.constant 0 : i32
      %cond3A_333 = arith.cmpi ne, %convert_element_type3A_331, %cond3A_332 : i32
      scf.if %cond3A_333 {
        %sub3A_496 = arith.constant 4 : i32
        %sub3A_497 = arith.subi %mul3A_167, %sub3A_496 : i32
        %add3A_498 = arith.constant 0 : i32
        %add3A_499 = arith.addi %sub3A_497, %add3A_498 : i32
        %dma_wait3A_500 = arith.constant 1 : i32
        %dma_wait3A_501 = arith.constant 0 : i32
        %dma_wait3A_502 = arith.constant 0 : i32
        %dma_wait3A_503 = arith.constant 0 : i32
        %dma_wait3A_504 = tpu.memref_slice %arg9[%dma_wait3A_500, %dma_wait3A_501, %dma_wait3A_502, %dma_wait3A_503] : memref<2x4x128x16xf32, #tpu.memory_space<vmem>> -> memref<1x1x128x16xf32, #tpu.memory_space<vmem>>
        %dma_wait3A_505 = tpu.memref_squeeze %dma_wait3A_504 : memref<1x1x128x16xf32, #tpu.memory_space<vmem>> -> memref<128x16xf32, #tpu.memory_space<vmem>>
        %dma_wait3A_506 = arith.constant 0 : i32
        %dma_wait3A_507 = tpu.memref_slice %arg8[%add3A_499, %dma_wait3A_506] : memref<128x128xi32, #tpu.memory_space<vmem>> -> memref<1x128xi32, #tpu.memory_space<vmem>>
        %dma_wait3A_508 = tpu.memref_squeeze %dma_wait3A_507 : memref<1x128xi32, #tpu.memory_space<vmem>> -> memref<128xi32, #tpu.memory_space<vmem>>
        %dma_wait3A_509 = arith.constant 0 : i32
        %dma_wait3A_510 = arith.constant 0 : i32
        %dma_wait3A_511 = tpu.memref_slice %arg14[%dma_wait3A_509, %dma_wait3A_510] : memref<10112x16xf32, #tpu.memory_space<vmem_shared>> -> memref<10112x16xf32, #tpu.memory_space<vmem_shared>>
        tpu.wait_indirect_dma semaphore(%arg13 : memref<!tpu.dma_semaphore, #tpu.memory_space<semaphore_mem>>) src(%dma_wait3A_505 : memref<128x16xf32, #tpu.memory_space<vmem>>) dst(%dma_wait3A_511 : memref<10112x16xf32, #tpu.memory_space<vmem_shared>>)
        %add3A_512 = arith.constant 1 : i32
        %add3A_513 = arith.addi %sub3A_497, %add3A_512 : i32
        %dma_wait3A_514 = arith.constant 1 : i32
        %dma_wait3A_515 = arith.constant 1 : i32
        %dma_wait3A_516 = arith.constant 0 : i32
        %dma_wait3A_517 = arith.constant 0 : i32
        %dma_wait3A_518 = tpu.memref_slice %arg9[%dma_wait3A_514, %dma_wait3A_515, %dma_wait3A_516, %dma_wait3A_517] : memref<2x4x128x16xf32, #tpu.memory_space<vmem>> -> memref<1x1x128x16xf32, #tpu.memory_space<vmem>>
        %dma_wait3A_519 = tpu.memref_squeeze %dma_wait3A_518 : memref<1x1x128x16xf32, #tpu.memory_space<vmem>> -> memref<128x16xf32, #tpu.memory_space<vmem>>
        %dma_wait3A_520 = arith.constant 0 : i32
        %dma_wait3A_521 = tpu.memref_slice %arg8[%add3A_513, %dma_wait3A_520] : memref<128x128xi32, #tpu.memory_space<vmem>> -> memref<1x128xi32, #tpu.memory_space<vmem>>
        %dma_wait3A_522 = tpu.memref_squeeze %dma_wait3A_521 : memref<1x128xi32, #tpu.memory_space<vmem>> -> memref<128xi32, #tpu.memory_space<vmem>>
        %dma_wait3A_523 = arith.constant 0 : i32
        %dma_wait3A_524 = arith.constant 0 : i32
        %dma_wait3A_525 = tpu.memref_slice %arg14[%dma_wait3A_523, %dma_wait3A_524] : memref<10112x16xf32, #tpu.memory_space<vmem_shared>> -> memref<10112x16xf32, #tpu.memory_space<vmem_shared>>
        tpu.wait_indirect_dma semaphore(%arg13 : memref<!tpu.dma_semaphore, #tpu.memory_space<semaphore_mem>>) src(%dma_wait3A_519 : memref<128x16xf32, #tpu.memory_space<vmem>>) dst(%dma_wait3A_525 : memref<10112x16xf32, #tpu.memory_space<vmem_shared>>)
        %add3A_526 = arith.constant 2 : i32
        %add3A_527 = arith.addi %sub3A_497, %add3A_526 : i32
        %dma_wait3A_528 = arith.constant 1 : i32
        %dma_wait3A_529 = arith.constant 2 : i32
        %dma_wait3A_530 = arith.constant 0 : i32
        %dma_wait3A_531 = arith.constant 0 : i32
        %dma_wait3A_532 = tpu.memref_slice %arg9[%dma_wait3A_528, %dma_wait3A_529, %dma_wait3A_530, %dma_wait3A_531] : memref<2x4x128x16xf32, #tpu.memory_space<vmem>> -> memref<1x1x128x16xf32, #tpu.memory_space<vmem>>
        %dma_wait3A_533 = tpu.memref_squeeze %dma_wait3A_532 : memref<1x1x128x16xf32, #tpu.memory_space<vmem>> -> memref<128x16xf32, #tpu.memory_space<vmem>>
        %dma_wait3A_534 = arith.constant 0 : i32
        %dma_wait3A_535 = tpu.memref_slice %arg8[%add3A_527, %dma_wait3A_534] : memref<128x128xi32, #tpu.memory_space<vmem>> -> memref<1x128xi32, #tpu.memory_space<vmem>>
        %dma_wait3A_536 = tpu.memref_squeeze %dma_wait3A_535 : memref<1x128xi32, #tpu.memory_space<vmem>> -> memref<128xi32, #tpu.memory_space<vmem>>
        %dma_wait3A_537 = arith.constant 0 : i32
        %dma_wait3A_538 = arith.constant 0 : i32
        %dma_wait3A_539 = tpu.memref_slice %arg14[%dma_wait3A_537, %dma_wait3A_538] : memref<10112x16xf32, #tpu.memory_space<vmem_shared>> -> memref<10112x16xf32, #tpu.memory_space<vmem_shared>>
        tpu.wait_indirect_dma semaphore(%arg13 : memref<!tpu.dma_semaphore, #tpu.memory_space<semaphore_mem>>) src(%dma_wait3A_533 : memref<128x16xf32, #tpu.memory_space<vmem>>) dst(%dma_wait3A_539 : memref<10112x16xf32, #tpu.memory_space<vmem_shared>>)
        %add3A_540 = arith.constant 3 : i32
        %add3A_541 = arith.addi %sub3A_497, %add3A_540 : i32
        %dma_wait3A_542 = arith.constant 1 : i32
        %dma_wait3A_543 = arith.constant 3 : i32
        %dma_wait3A_544 = arith.constant 0 : i32
        %dma_wait3A_545 = arith.constant 0 : i32
        %dma_wait3A_546 = tpu.memref_slice %arg9[%dma_wait3A_542, %dma_wait3A_543, %dma_wait3A_544, %dma_wait3A_545] : memref<2x4x128x16xf32, #tpu.memory_space<vmem>> -> memref<1x1x128x16xf32, #tpu.memory_space<vmem>>
        %dma_wait3A_547 = tpu.memref_squeeze %dma_wait3A_546 : memref<1x1x128x16xf32, #tpu.memory_space<vmem>> -> memref<128x16xf32, #tpu.memory_space<vmem>>
        %dma_wait3A_548 = arith.constant 0 : i32
        %dma_wait3A_549 = tpu.memref_slice %arg8[%add3A_541, %dma_wait3A_548] : memref<128x128xi32, #tpu.memory_space<vmem>> -> memref<1x128xi32, #tpu.memory_space<vmem>>
        %dma_wait3A_550 = tpu.memref_squeeze %dma_wait3A_549 : memref<1x128xi32, #tpu.memory_space<vmem>> -> memref<128xi32, #tpu.memory_space<vmem>>
        %dma_wait3A_551 = arith.constant 0 : i32
        %dma_wait3A_552 = arith.constant 0 : i32
        %dma_wait3A_553 = tpu.memref_slice %arg14[%dma_wait3A_551, %dma_wait3A_552] : memref<10112x16xf32, #tpu.memory_space<vmem_shared>> -> memref<10112x16xf32, #tpu.memory_space<vmem_shared>>
        tpu.wait_indirect_dma semaphore(%arg13 : memref<!tpu.dma_semaphore, #tpu.memory_space<semaphore_mem>>) src(%dma_wait3A_547 : memref<128x16xf32, #tpu.memory_space<vmem>>) dst(%dma_wait3A_553 : memref<10112x16xf32, #tpu.memory_space<vmem_shared>>)
      } else {
      }
      %add3A_334 = arith.constant 4 : i32
      %add3A_335 = arith.addi %mul3A_167, %add3A_334 : i32
      %add3A_336 = arith.constant 0 : i32
      %add3A_337 = arith.addi %add3A_335, %add3A_336 : i32
      %dma_start3A_338 = arith.constant 1 : i32
      %dma_start3A_339 = arith.constant 0 : i32
      %dma_start3A_340 = arith.constant 0 : i32
      %dma_start3A_341 = arith.constant 0 : i32
      %dma_start3A_342 = tpu.memref_slice %arg9[%dma_start3A_338, %dma_start3A_339, %dma_start3A_340, %dma_start3A_341] : memref<2x4x128x16xf32, #tpu.memory_space<vmem>> -> memref<1x1x128x16xf32, #tpu.memory_space<vmem>>
      %dma_start3A_343 = tpu.memref_squeeze %dma_start3A_342 : memref<1x1x128x16xf32, #tpu.memory_space<vmem>> -> memref<128x16xf32, #tpu.memory_space<vmem>>
      %dma_start3A_344 = arith.constant 0 : i32
      %dma_start3A_345 = tpu.memref_slice %arg7[%add3A_337, %dma_start3A_344] : memref<128x128xi32, #tpu.memory_space<vmem>> -> memref<1x128xi32, #tpu.memory_space<vmem>>
      %dma_start3A_346 = tpu.memref_squeeze %dma_start3A_345 : memref<1x128xi32, #tpu.memory_space<vmem>> -> memref<128xi32, #tpu.memory_space<vmem>>
      %dma_start3A_347 = arith.constant 0 : i32
      %dma_start3A_348 = arith.constant 0 : i32
      %dma_start3A_349 = tpu.memref_slice %arg2[%dma_start3A_347, %dma_start3A_348] : memref<10112x16xf32, #tpu.memory_space<hbm>> -> memref<10112x16xf32, #tpu.memory_space<hbm>>
      tpu.enqueue_indirect_dma source(%dma_start3A_349 : memref<10112x16xf32, #tpu.memory_space<hbm>>) target(%dma_start3A_343 : memref<128x16xf32, #tpu.memory_space<vmem>>) offsets(%dma_start3A_346 : memref<128xi32, #tpu.memory_space<vmem>>) semaphore(%arg11 : memref<!tpu.dma_semaphore, #tpu.memory_space<semaphore_mem>>)
      %add3A_350 = arith.constant 1 : i32
      %add3A_351 = arith.addi %add3A_335, %add3A_350 : i32
      %dma_start3A_352 = arith.constant 1 : i32
      %dma_start3A_353 = arith.constant 1 : i32
      %dma_start3A_354 = arith.constant 0 : i32
      %dma_start3A_355 = arith.constant 0 : i32
      %dma_start3A_356 = tpu.memref_slice %arg9[%dma_start3A_352, %dma_start3A_353, %dma_start3A_354, %dma_start3A_355] : memref<2x4x128x16xf32, #tpu.memory_space<vmem>> -> memref<1x1x128x16xf32, #tpu.memory_space<vmem>>
      %dma_start3A_357 = tpu.memref_squeeze %dma_start3A_356 : memref<1x1x128x16xf32, #tpu.memory_space<vmem>> -> memref<128x16xf32, #tpu.memory_space<vmem>>
      %dma_start3A_358 = arith.constant 0 : i32
      %dma_start3A_359 = tpu.memref_slice %arg7[%add3A_351, %dma_start3A_358] : memref<128x128xi32, #tpu.memory_space<vmem>> -> memref<1x128xi32, #tpu.memory_space<vmem>>
      %dma_start3A_360 = tpu.memref_squeeze %dma_start3A_359 : memref<1x128xi32, #tpu.memory_space<vmem>> -> memref<128xi32, #tpu.memory_space<vmem>>
      %dma_start3A_361 = arith.constant 0 : i32
      %dma_start3A_362 = arith.constant 0 : i32
      %dma_start3A_363 = tpu.memref_slice %arg2[%dma_start3A_361, %dma_start3A_362] : memref<10112x16xf32, #tpu.memory_space<hbm>> -> memref<10112x16xf32, #tpu.memory_space<hbm>>
      tpu.enqueue_indirect_dma source(%dma_start3A_363 : memref<10112x16xf32, #tpu.memory_space<hbm>>) target(%dma_start3A_357 : memref<128x16xf32, #tpu.memory_space<vmem>>) offsets(%dma_start3A_360 : memref<128xi32, #tpu.memory_space<vmem>>) semaphore(%arg11 : memref<!tpu.dma_semaphore, #tpu.memory_space<semaphore_mem>>)
      %add3A_364 = arith.constant 2 : i32
      %add3A_365 = arith.addi %add3A_335, %add3A_364 : i32
      %dma_start3A_366 = arith.constant 1 : i32
      %dma_start3A_367 = arith.constant 2 : i32
      %dma_start3A_368 = arith.constant 0 : i32
      %dma_start3A_369 = arith.constant 0 : i32
      %dma_start3A_370 = tpu.memref_slice %arg9[%dma_start3A_366, %dma_start3A_367, %dma_start3A_368, %dma_start3A_369] : memref<2x4x128x16xf32, #tpu.memory_space<vmem>> -> memref<1x1x128x16xf32, #tpu.memory_space<vmem>>
      %dma_start3A_371 = tpu.memref_squeeze %dma_start3A_370 : memref<1x1x128x16xf32, #tpu.memory_space<vmem>> -> memref<128x16xf32, #tpu.memory_space<vmem>>
      %dma_start3A_372 = arith.constant 0 : i32
      %dma_start3A_373 = tpu.memref_slice %arg7[%add3A_365, %dma_start3A_372] : memref<128x128xi32, #tpu.memory_space<vmem>> -> memref<1x128xi32, #tpu.memory_space<vmem>>
      %dma_start3A_374 = tpu.memref_squeeze %dma_start3A_373 : memref<1x128xi32, #tpu.memory_space<vmem>> -> memref<128xi32, #tpu.memory_space<vmem>>
      %dma_start3A_375 = arith.constant 0 : i32
      %dma_start3A_376 = arith.constant 0 : i32
      %dma_start3A_377 = tpu.memref_slice %arg2[%dma_start3A_375, %dma_start3A_376] : memref<10112x16xf32, #tpu.memory_space<hbm>> -> memref<10112x16xf32, #tpu.memory_space<hbm>>
      tpu.enqueue_indirect_dma source(%dma_start3A_377 : memref<10112x16xf32, #tpu.memory_space<hbm>>) target(%dma_start3A_371 : memref<128x16xf32, #tpu.memory_space<vmem>>) offsets(%dma_start3A_374 : memref<128xi32, #tpu.memory_space<vmem>>) semaphore(%arg11 : memref<!tpu.dma_semaphore, #tpu.memory_space<semaphore_mem>>)
      %add3A_378 = arith.constant 3 : i32
      %add3A_379 = arith.addi %add3A_335, %add3A_378 : i32
      %dma_start3A_380 = arith.constant 1 : i32
      %dma_start3A_381 = arith.constant 3 : i32
      %dma_start3A_382 = arith.constant 0 : i32
      %dma_start3A_383 = arith.constant 0 : i32
      %dma_start3A_384 = tpu.memref_slice %arg9[%dma_start3A_380, %dma_start3A_381, %dma_start3A_382, %dma_start3A_383] : memref<2x4x128x16xf32, #tpu.memory_space<vmem>> -> memref<1x1x128x16xf32, #tpu.memory_space<vmem>>
      %dma_start3A_385 = tpu.memref_squeeze %dma_start3A_384 : memref<1x1x128x16xf32, #tpu.memory_space<vmem>> -> memref<128x16xf32, #tpu.memory_space<vmem>>
      %dma_start3A_386 = arith.constant 0 : i32
      %dma_start3A_387 = tpu.memref_slice %arg7[%add3A_379, %dma_start3A_386] : memref<128x128xi32, #tpu.memory_space<vmem>> -> memref<1x128xi32, #tpu.memory_space<vmem>>
      %dma_start3A_388 = tpu.memref_squeeze %dma_start3A_387 : memref<1x128xi32, #tpu.memory_space<vmem>> -> memref<128xi32, #tpu.memory_space<vmem>>
      %dma_start3A_389 = arith.constant 0 : i32
      %dma_start3A_390 = arith.constant 0 : i32
      %dma_start3A_391 = tpu.memref_slice %arg2[%dma_start3A_389, %dma_start3A_390] : memref<10112x16xf32, #tpu.memory_space<hbm>> -> memref<10112x16xf32, #tpu.memory_space<hbm>>
      tpu.enqueue_indirect_dma source(%dma_start3A_391 : memref<10112x16xf32, #tpu.memory_space<hbm>>) target(%dma_start3A_385 : memref<128x16xf32, #tpu.memory_space<vmem>>) offsets(%dma_start3A_388 : memref<128xi32, #tpu.memory_space<vmem>>) semaphore(%arg11 : memref<!tpu.dma_semaphore, #tpu.memory_space<semaphore_mem>>)
      %dma_wait3A_392 = arith.constant 1 : i32
      %dma_wait3A_393 = arith.constant 0 : i32
      %dma_wait3A_394 = arith.constant 0 : i32
      %dma_wait3A_395 = arith.constant 0 : i32
      %dma_wait3A_396 = tpu.memref_slice %arg9[%dma_wait3A_392, %dma_wait3A_393, %dma_wait3A_394, %dma_wait3A_395] : memref<2x4x128x16xf32, #tpu.memory_space<vmem>> -> memref<1x1x128x16xf32, #tpu.memory_space<vmem>>
      %dma_wait3A_397 = tpu.memref_squeeze %dma_wait3A_396 : memref<1x1x128x16xf32, #tpu.memory_space<vmem>> -> memref<128x16xf32, #tpu.memory_space<vmem>>
      %dma_wait3A_398 = arith.constant 0 : i32
      %dma_wait3A_399 = tpu.memref_slice %arg7[%add3A_337, %dma_wait3A_398] : memref<128x128xi32, #tpu.memory_space<vmem>> -> memref<1x128xi32, #tpu.memory_space<vmem>>
      %dma_wait3A_400 = tpu.memref_squeeze %dma_wait3A_399 : memref<1x128xi32, #tpu.memory_space<vmem>> -> memref<128xi32, #tpu.memory_space<vmem>>
      %dma_wait3A_401 = arith.constant 0 : i32
      %dma_wait3A_402 = arith.constant 0 : i32
      %dma_wait3A_403 = tpu.memref_slice %arg2[%dma_wait3A_401, %dma_wait3A_402] : memref<10112x16xf32, #tpu.memory_space<hbm>> -> memref<10112x16xf32, #tpu.memory_space<hbm>>
      tpu.wait_indirect_dma semaphore(%arg11 : memref<!tpu.dma_semaphore, #tpu.memory_space<semaphore_mem>>) src(%dma_wait3A_403 : memref<10112x16xf32, #tpu.memory_space<hbm>>) dst(%dma_wait3A_397 : memref<128x16xf32, #tpu.memory_space<vmem>>)
      %dma_wait3A_404 = arith.constant 1 : i32
      %dma_wait3A_405 = arith.constant 1 : i32
      %dma_wait3A_406 = arith.constant 0 : i32
      %dma_wait3A_407 = arith.constant 0 : i32
      %dma_wait3A_408 = tpu.memref_slice %arg9[%dma_wait3A_404, %dma_wait3A_405, %dma_wait3A_406, %dma_wait3A_407] : memref<2x4x128x16xf32, #tpu.memory_space<vmem>> -> memref<1x1x128x16xf32, #tpu.memory_space<vmem>>
      %dma_wait3A_409 = tpu.memref_squeeze %dma_wait3A_408 : memref<1x1x128x16xf32, #tpu.memory_space<vmem>> -> memref<128x16xf32, #tpu.memory_space<vmem>>
      %dma_wait3A_410 = arith.constant 0 : i32
      %dma_wait3A_411 = tpu.memref_slice %arg7[%add3A_351, %dma_wait3A_410] : memref<128x128xi32, #tpu.memory_space<vmem>> -> memref<1x128xi32, #tpu.memory_space<vmem>>
      %dma_wait3A_412 = tpu.memref_squeeze %dma_wait3A_411 : memref<1x128xi32, #tpu.memory_space<vmem>> -> memref<128xi32, #tpu.memory_space<vmem>>
      %dma_wait3A_413 = arith.constant 0 : i32
      %dma_wait3A_414 = arith.constant 0 : i32
      %dma_wait3A_415 = tpu.memref_slice %arg2[%dma_wait3A_413, %dma_wait3A_414] : memref<10112x16xf32, #tpu.memory_space<hbm>> -> memref<10112x16xf32, #tpu.memory_space<hbm>>
      tpu.wait_indirect_dma semaphore(%arg11 : memref<!tpu.dma_semaphore, #tpu.memory_space<semaphore_mem>>) src(%dma_wait3A_415 : memref<10112x16xf32, #tpu.memory_space<hbm>>) dst(%dma_wait3A_409 : memref<128x16xf32, #tpu.memory_space<vmem>>)
      %dma_wait3A_416 = arith.constant 1 : i32
      %dma_wait3A_417 = arith.constant 2 : i32
      %dma_wait3A_418 = arith.constant 0 : i32
      %dma_wait3A_419 = arith.constant 0 : i32
      %dma_wait3A_420 = tpu.memref_slice %arg9[%dma_wait3A_416, %dma_wait3A_417, %dma_wait3A_418, %dma_wait3A_419] : memref<2x4x128x16xf32, #tpu.memory_space<vmem>> -> memref<1x1x128x16xf32, #tpu.memory_space<vmem>>
      %dma_wait3A_421 = tpu.memref_squeeze %dma_wait3A_420 : memref<1x1x128x16xf32, #tpu.memory_space<vmem>> -> memref<128x16xf32, #tpu.memory_space<vmem>>
      %dma_wait3A_422 = arith.constant 0 : i32
      %dma_wait3A_423 = tpu.memref_slice %arg7[%add3A_365, %dma_wait3A_422] : memref<128x128xi32, #tpu.memory_space<vmem>> -> memref<1x128xi32, #tpu.memory_space<vmem>>
      %dma_wait3A_424 = tpu.memref_squeeze %dma_wait3A_423 : memref<1x128xi32, #tpu.memory_space<vmem>> -> memref<128xi32, #tpu.memory_space<vmem>>
      %dma_wait3A_425 = arith.constant 0 : i32
      %dma_wait3A_426 = arith.constant 0 : i32
      %dma_wait3A_427 = tpu.memref_slice %arg2[%dma_wait3A_425, %dma_wait3A_426] : memref<10112x16xf32, #tpu.memory_space<hbm>> -> memref<10112x16xf32, #tpu.memory_space<hbm>>
      tpu.wait_indirect_dma semaphore(%arg11 : memref<!tpu.dma_semaphore, #tpu.memory_space<semaphore_mem>>) src(%dma_wait3A_427 : memref<10112x16xf32, #tpu.memory_space<hbm>>) dst(%dma_wait3A_421 : memref<128x16xf32, #tpu.memory_space<vmem>>)
      %dma_wait3A_428 = arith.constant 1 : i32
      %dma_wait3A_429 = arith.constant 3 : i32
      %dma_wait3A_430 = arith.constant 0 : i32
      %dma_wait3A_431 = arith.constant 0 : i32
      %dma_wait3A_432 = tpu.memref_slice %arg9[%dma_wait3A_428, %dma_wait3A_429, %dma_wait3A_430, %dma_wait3A_431] : memref<2x4x128x16xf32, #tpu.memory_space<vmem>> -> memref<1x1x128x16xf32, #tpu.memory_space<vmem>>
      %dma_wait3A_433 = tpu.memref_squeeze %dma_wait3A_432 : memref<1x1x128x16xf32, #tpu.memory_space<vmem>> -> memref<128x16xf32, #tpu.memory_space<vmem>>
      %dma_wait3A_434 = arith.constant 0 : i32
      %dma_wait3A_435 = tpu.memref_slice %arg7[%add3A_379, %dma_wait3A_434] : memref<128x128xi32, #tpu.memory_space<vmem>> -> memref<1x128xi32, #tpu.memory_space<vmem>>
      %dma_wait3A_436 = tpu.memref_squeeze %dma_wait3A_435 : memref<1x128xi32, #tpu.memory_space<vmem>> -> memref<128xi32, #tpu.memory_space<vmem>>
      %dma_wait3A_437 = arith.constant 0 : i32
      %dma_wait3A_438 = arith.constant 0 : i32
      %dma_wait3A_439 = tpu.memref_slice %arg2[%dma_wait3A_437, %dma_wait3A_438] : memref<10112x16xf32, #tpu.memory_space<hbm>> -> memref<10112x16xf32, #tpu.memory_space<hbm>>
      tpu.wait_indirect_dma semaphore(%arg11 : memref<!tpu.dma_semaphore, #tpu.memory_space<semaphore_mem>>) src(%dma_wait3A_439 : memref<10112x16xf32, #tpu.memory_space<hbm>>) dst(%dma_wait3A_433 : memref<128x16xf32, #tpu.memory_space<vmem>>)
      %add3A_440 = arith.constant 0 : i32
      %add3A_441 = arith.addi %add3A_335, %add3A_440 : i32
      %dma_start3A_442 = arith.constant 1 : i32
      %dma_start3A_443 = arith.constant 0 : i32
      %dma_start3A_444 = arith.constant 0 : i32
      %dma_start3A_445 = arith.constant 0 : i32
      %dma_start3A_446 = tpu.memref_slice %arg9[%dma_start3A_442, %dma_start3A_443, %dma_start3A_444, %dma_start3A_445] : memref<2x4x128x16xf32, #tpu.memory_space<vmem>> -> memref<1x1x128x16xf32, #tpu.memory_space<vmem>>
      %dma_start3A_447 = tpu.memref_squeeze %dma_start3A_446 : memref<1x1x128x16xf32, #tpu.memory_space<vmem>> -> memref<128x16xf32, #tpu.memory_space<vmem>>
      %dma_start3A_448 = arith.constant 0 : i32
      %dma_start3A_449 = tpu.memref_slice %arg8[%add3A_441, %dma_start3A_448] : memref<128x128xi32, #tpu.memory_space<vmem>> -> memref<1x128xi32, #tpu.memory_space<vmem>>
      %dma_start3A_450 = tpu.memref_squeeze %dma_start3A_449 : memref<1x128xi32, #tpu.memory_space<vmem>> -> memref<128xi32, #tpu.memory_space<vmem>>
      %dma_start3A_451 = arith.constant 0 : i32
      %dma_start3A_452 = arith.constant 0 : i32
      %dma_start3A_453 = tpu.memref_slice %arg14[%dma_start3A_451, %dma_start3A_452] : memref<10112x16xf32, #tpu.memory_space<vmem_shared>> -> memref<10112x16xf32, #tpu.memory_space<vmem_shared>>
      tpu.enqueue_indirect_dma source(%dma_start3A_447 : memref<128x16xf32, #tpu.memory_space<vmem>>) target(%dma_start3A_453 : memref<10112x16xf32, #tpu.memory_space<vmem_shared>>) offsets(%dma_start3A_450 : memref<128xi32, #tpu.memory_space<vmem>>) semaphore(%arg13 : memref<!tpu.dma_semaphore, #tpu.memory_space<semaphore_mem>>) {add = true}
      %add3A_454 = arith.constant 1 : i32
      %add3A_455 = arith.addi %add3A_335, %add3A_454 : i32
      %dma_start3A_456 = arith.constant 1 : i32
      %dma_start3A_457 = arith.constant 1 : i32
      %dma_start3A_458 = arith.constant 0 : i32
      %dma_start3A_459 = arith.constant 0 : i32
      %dma_start3A_460 = tpu.memref_slice %arg9[%dma_start3A_456, %dma_start3A_457, %dma_start3A_458, %dma_start3A_459] : memref<2x4x128x16xf32, #tpu.memory_space<vmem>> -> memref<1x1x128x16xf32, #tpu.memory_space<vmem>>
      %dma_start3A_461 = tpu.memref_squeeze %dma_start3A_460 : memref<1x1x128x16xf32, #tpu.memory_space<vmem>> -> memref<128x16xf32, #tpu.memory_space<vmem>>
      %dma_start3A_462 = arith.constant 0 : i32
      %dma_start3A_463 = tpu.memref_slice %arg8[%add3A_455, %dma_start3A_462] : memref<128x128xi32, #tpu.memory_space<vmem>> -> memref<1x128xi32, #tpu.memory_space<vmem>>
      %dma_start3A_464 = tpu.memref_squeeze %dma_start3A_463 : memref<1x128xi32, #tpu.memory_space<vmem>> -> memref<128xi32, #tpu.memory_space<vmem>>
      %dma_start3A_465 = arith.constant 0 : i32
      %dma_start3A_466 = arith.constant 0 : i32
      %dma_start3A_467 = tpu.memref_slice %arg14[%dma_start3A_465, %dma_start3A_466] : memref<10112x16xf32, #tpu.memory_space<vmem_shared>> -> memref<10112x16xf32, #tpu.memory_space<vmem_shared>>
      tpu.enqueue_indirect_dma source(%dma_start3A_461 : memref<128x16xf32, #tpu.memory_space<vmem>>) target(%dma_start3A_467 : memref<10112x16xf32, #tpu.memory_space<vmem_shared>>) offsets(%dma_start3A_464 : memref<128xi32, #tpu.memory_space<vmem>>) semaphore(%arg13 : memref<!tpu.dma_semaphore, #tpu.memory_space<semaphore_mem>>) {add = true}
      %add3A_468 = arith.constant 2 : i32
      %add3A_469 = arith.addi %add3A_335, %add3A_468 : i32
      %dma_start3A_470 = arith.constant 1 : i32
      %dma_start3A_471 = arith.constant 2 : i32
      %dma_start3A_472 = arith.constant 0 : i32
      %dma_start3A_473 = arith.constant 0 : i32
      %dma_start3A_474 = tpu.memref_slice %arg9[%dma_start3A_470, %dma_start3A_471, %dma_start3A_472, %dma_start3A_473] : memref<2x4x128x16xf32, #tpu.memory_space<vmem>> -> memref<1x1x128x16xf32, #tpu.memory_space<vmem>>
      %dma_start3A_475 = tpu.memref_squeeze %dma_start3A_474 : memref<1x1x128x16xf32, #tpu.memory_space<vmem>> -> memref<128x16xf32, #tpu.memory_space<vmem>>
      %dma_start3A_476 = arith.constant 0 : i32
      %dma_start3A_477 = tpu.memref_slice %arg8[%add3A_469, %dma_start3A_476] : memref<128x128xi32, #tpu.memory_space<vmem>> -> memref<1x128xi32, #tpu.memory_space<vmem>>
      %dma_start3A_478 = tpu.memref_squeeze %dma_start3A_477 : memref<1x128xi32, #tpu.memory_space<vmem>> -> memref<128xi32, #tpu.memory_space<vmem>>
      %dma_start3A_479 = arith.constant 0 : i32
      %dma_start3A_480 = arith.constant 0 : i32
      %dma_start3A_481 = tpu.memref_slice %arg14[%dma_start3A_479, %dma_start3A_480] : memref<10112x16xf32, #tpu.memory_space<vmem_shared>> -> memref<10112x16xf32, #tpu.memory_space<vmem_shared>>
      tpu.enqueue_indirect_dma source(%dma_start3A_475 : memref<128x16xf32, #tpu.memory_space<vmem>>) target(%dma_start3A_481 : memref<10112x16xf32, #tpu.memory_space<vmem_shared>>) offsets(%dma_start3A_478 : memref<128xi32, #tpu.memory_space<vmem>>) semaphore(%arg13 : memref<!tpu.dma_semaphore, #tpu.memory_space<semaphore_mem>>) {add = true}
      %add3A_482 = arith.constant 3 : i32
      %add3A_483 = arith.addi %add3A_335, %add3A_482 : i32
      %dma_start3A_484 = arith.constant 1 : i32
      %dma_start3A_485 = arith.constant 3 : i32
      %dma_start3A_486 = arith.constant 0 : i32
      %dma_start3A_487 = arith.constant 0 : i32
      %dma_start3A_488 = tpu.memref_slice %arg9[%dma_start3A_484, %dma_start3A_485, %dma_start3A_486, %dma_start3A_487] : memref<2x4x128x16xf32, #tpu.memory_space<vmem>> -> memref<1x1x128x16xf32, #tpu.memory_space<vmem>>
      %dma_start3A_489 = tpu.memref_squeeze %dma_start3A_488 : memref<1x1x128x16xf32, #tpu.memory_space<vmem>> -> memref<128x16xf32, #tpu.memory_space<vmem>>
      %dma_start3A_490 = arith.constant 0 : i32
      %dma_start3A_491 = tpu.memref_slice %arg8[%add3A_483, %dma_start3A_490] : memref<128x128xi32, #tpu.memory_space<vmem>> -> memref<1x128xi32, #tpu.memory_space<vmem>>
      %dma_start3A_492 = tpu.memref_squeeze %dma_start3A_491 : memref<1x128xi32, #tpu.memory_space<vmem>> -> memref<128xi32, #tpu.memory_space<vmem>>
      %dma_start3A_493 = arith.constant 0 : i32
      %dma_start3A_494 = arith.constant 0 : i32
      %dma_start3A_495 = tpu.memref_slice %arg14[%dma_start3A_493, %dma_start3A_494] : memref<10112x16xf32, #tpu.memory_space<vmem_shared>> -> memref<10112x16xf32, #tpu.memory_space<vmem_shared>>
      tpu.enqueue_indirect_dma source(%dma_start3A_489 : memref<128x16xf32, #tpu.memory_space<vmem>>) target(%dma_start3A_495 : memref<10112x16xf32, #tpu.memory_space<vmem_shared>>) offsets(%dma_start3A_492 : memref<128xi32, #tpu.memory_space<vmem>>) semaphore(%arg13 : memref<!tpu.dma_semaphore, #tpu.memory_space<semaphore_mem>>) {add = true}
    }
    %sub3A_40 = arith.constant 8 : i32
    %sub3A_41 = arith.subi %select_n3A_11, %sub3A_40 : i32
    %add3A_42 = arith.constant 0 : i32
    %add3A_43 = arith.addi %sub3A_41, %add3A_42 : i32
    %dma_wait3A = arith.constant 0 : i32
    %dma_wait3A_44 = arith.constant 0 : i32
    %dma_wait3A_45 = arith.constant 0 : i32
    %dma_wait3A_46 = arith.constant 0 : i32
    %dma_wait3A_47 = tpu.memref_slice %arg9[%dma_wait3A, %dma_wait3A_44, %dma_wait3A_45, %dma_wait3A_46] : memref<2x4x128x16xf32, #tpu.memory_space<vmem>> -> memref<1x1x128x16xf32, #tpu.memory_space<vmem>>
    %dma_wait3A_48 = tpu.memref_squeeze %dma_wait3A_47 : memref<1x1x128x16xf32, #tpu.memory_space<vmem>> -> memref<128x16xf32, #tpu.memory_space<vmem>>
    %dma_wait3A_49 = arith.constant 0 : i32
    %dma_wait3A_50 = tpu.memref_slice %arg8[%add3A_43, %dma_wait3A_49] : memref<128x128xi32, #tpu.memory_space<vmem>> -> memref<1x128xi32, #tpu.memory_space<vmem>>
    %dma_wait3A_51 = tpu.memref_squeeze %dma_wait3A_50 : memref<1x128xi32, #tpu.memory_space<vmem>> -> memref<128xi32, #tpu.memory_space<vmem>>
    %dma_wait3A_52 = arith.constant 0 : i32
    %dma_wait3A_53 = arith.constant 0 : i32
    %dma_wait3A_54 = tpu.memref_slice %arg14[%dma_wait3A_52, %dma_wait3A_53] : memref<10112x16xf32, #tpu.memory_space<vmem_shared>> -> memref<10112x16xf32, #tpu.memory_space<vmem_shared>>
    tpu.wait_indirect_dma semaphore(%arg12 : memref<!tpu.dma_semaphore, #tpu.memory_space<semaphore_mem>>) src(%dma_wait3A_48 : memref<128x16xf32, #tpu.memory_space<vmem>>) dst(%dma_wait3A_54 : memref<10112x16xf32, #tpu.memory_space<vmem_shared>>)
    %add3A_55 = arith.constant 1 : i32
    %add3A_56 = arith.addi %sub3A_41, %add3A_55 : i32
    %dma_wait3A_57 = arith.constant 0 : i32
    %dma_wait3A_58 = arith.constant 1 : i32
    %dma_wait3A_59 = arith.constant 0 : i32
    %dma_wait3A_60 = arith.constant 0 : i32
    %dma_wait3A_61 = tpu.memref_slice %arg9[%dma_wait3A_57, %dma_wait3A_58, %dma_wait3A_59, %dma_wait3A_60] : memref<2x4x128x16xf32, #tpu.memory_space<vmem>> -> memref<1x1x128x16xf32, #tpu.memory_space<vmem>>
    %dma_wait3A_62 = tpu.memref_squeeze %dma_wait3A_61 : memref<1x1x128x16xf32, #tpu.memory_space<vmem>> -> memref<128x16xf32, #tpu.memory_space<vmem>>
    %dma_wait3A_63 = arith.constant 0 : i32
    %dma_wait3A_64 = tpu.memref_slice %arg8[%add3A_56, %dma_wait3A_63] : memref<128x128xi32, #tpu.memory_space<vmem>> -> memref<1x128xi32, #tpu.memory_space<vmem>>
    %dma_wait3A_65 = tpu.memref_squeeze %dma_wait3A_64 : memref<1x128xi32, #tpu.memory_space<vmem>> -> memref<128xi32, #tpu.memory_space<vmem>>
    %dma_wait3A_66 = arith.constant 0 : i32
    %dma_wait3A_67 = arith.constant 0 : i32
    %dma_wait3A_68 = tpu.memref_slice %arg14[%dma_wait3A_66, %dma_wait3A_67] : memref<10112x16xf32, #tpu.memory_space<vmem_shared>> -> memref<10112x16xf32, #tpu.memory_space<vmem_shared>>
    tpu.wait_indirect_dma semaphore(%arg12 : memref<!tpu.dma_semaphore, #tpu.memory_space<semaphore_mem>>) src(%dma_wait3A_62 : memref<128x16xf32, #tpu.memory_space<vmem>>) dst(%dma_wait3A_68 : memref<10112x16xf32, #tpu.memory_space<vmem_shared>>)
    %add3A_69 = arith.constant 2 : i32
    %add3A_70 = arith.addi %sub3A_41, %add3A_69 : i32
    %dma_wait3A_71 = arith.constant 0 : i32
    %dma_wait3A_72 = arith.constant 2 : i32
    %dma_wait3A_73 = arith.constant 0 : i32
    %dma_wait3A_74 = arith.constant 0 : i32
    %dma_wait3A_75 = tpu.memref_slice %arg9[%dma_wait3A_71, %dma_wait3A_72, %dma_wait3A_73, %dma_wait3A_74] : memref<2x4x128x16xf32, #tpu.memory_space<vmem>> -> memref<1x1x128x16xf32, #tpu.memory_space<vmem>>
    %dma_wait3A_76 = tpu.memref_squeeze %dma_wait3A_75 : memref<1x1x128x16xf32, #tpu.memory_space<vmem>> -> memref<128x16xf32, #tpu.memory_space<vmem>>
    %dma_wait3A_77 = arith.constant 0 : i32
    %dma_wait3A_78 = tpu.memref_slice %arg8[%add3A_70, %dma_wait3A_77] : memref<128x128xi32, #tpu.memory_space<vmem>> -> memref<1x128xi32, #tpu.memory_space<vmem>>
    %dma_wait3A_79 = tpu.memref_squeeze %dma_wait3A_78 : memref<1x128xi32, #tpu.memory_space<vmem>> -> memref<128xi32, #tpu.memory_space<vmem>>
    %dma_wait3A_80 = arith.constant 0 : i32
    %dma_wait3A_81 = arith.constant 0 : i32
    %dma_wait3A_82 = tpu.memref_slice %arg14[%dma_wait3A_80, %dma_wait3A_81] : memref<10112x16xf32, #tpu.memory_space<vmem_shared>> -> memref<10112x16xf32, #tpu.memory_space<vmem_shared>>
    tpu.wait_indirect_dma semaphore(%arg12 : memref<!tpu.dma_semaphore, #tpu.memory_space<semaphore_mem>>) src(%dma_wait3A_76 : memref<128x16xf32, #tpu.memory_space<vmem>>) dst(%dma_wait3A_82 : memref<10112x16xf32, #tpu.memory_space<vmem_shared>>)
    %add3A_83 = arith.constant 3 : i32
    %add3A_84 = arith.addi %sub3A_41, %add3A_83 : i32
    %dma_wait3A_85 = arith.constant 0 : i32
    %dma_wait3A_86 = arith.constant 3 : i32
    %dma_wait3A_87 = arith.constant 0 : i32
    %dma_wait3A_88 = arith.constant 0 : i32
    %dma_wait3A_89 = tpu.memref_slice %arg9[%dma_wait3A_85, %dma_wait3A_86, %dma_wait3A_87, %dma_wait3A_88] : memref<2x4x128x16xf32, #tpu.memory_space<vmem>> -> memref<1x1x128x16xf32, #tpu.memory_space<vmem>>
    %dma_wait3A_90 = tpu.memref_squeeze %dma_wait3A_89 : memref<1x1x128x16xf32, #tpu.memory_space<vmem>> -> memref<128x16xf32, #tpu.memory_space<vmem>>
    %dma_wait3A_91 = arith.constant 0 : i32
    %dma_wait3A_92 = tpu.memref_slice %arg8[%add3A_84, %dma_wait3A_91] : memref<128x128xi32, #tpu.memory_space<vmem>> -> memref<1x128xi32, #tpu.memory_space<vmem>>
    %dma_wait3A_93 = tpu.memref_squeeze %dma_wait3A_92 : memref<1x128xi32, #tpu.memory_space<vmem>> -> memref<128xi32, #tpu.memory_space<vmem>>
    %dma_wait3A_94 = arith.constant 0 : i32
    %dma_wait3A_95 = arith.constant 0 : i32
    %dma_wait3A_96 = tpu.memref_slice %arg14[%dma_wait3A_94, %dma_wait3A_95] : memref<10112x16xf32, #tpu.memory_space<vmem_shared>> -> memref<10112x16xf32, #tpu.memory_space<vmem_shared>>
    tpu.wait_indirect_dma semaphore(%arg12 : memref<!tpu.dma_semaphore, #tpu.memory_space<semaphore_mem>>) src(%dma_wait3A_90 : memref<128x16xf32, #tpu.memory_space<vmem>>) dst(%dma_wait3A_96 : memref<10112x16xf32, #tpu.memory_space<vmem_shared>>)
    %sub3A_97 = arith.constant 4 : i32
    %sub3A_98 = arith.subi %select_n3A_11, %sub3A_97 : i32
    %add3A_99 = arith.constant 0 : i32
    %add3A_100 = arith.addi %sub3A_98, %add3A_99 : i32
    %dma_wait3A_101 = arith.constant 1 : i32
    %dma_wait3A_102 = arith.constant 0 : i32
    %dma_wait3A_103 = arith.constant 0 : i32
    %dma_wait3A_104 = arith.constant 0 : i32
    %dma_wait3A_105 = tpu.memref_slice %arg9[%dma_wait3A_101, %dma_wait3A_102, %dma_wait3A_103, %dma_wait3A_104] : memref<2x4x128x16xf32, #tpu.memory_space<vmem>> -> memref<1x1x128x16xf32, #tpu.memory_space<vmem>>
    %dma_wait3A_106 = tpu.memref_squeeze %dma_wait3A_105 : memref<1x1x128x16xf32, #tpu.memory_space<vmem>> -> memref<128x16xf32, #tpu.memory_space<vmem>>
    %dma_wait3A_107 = arith.constant 0 : i32
    %dma_wait3A_108 = tpu.memref_slice %arg8[%add3A_100, %dma_wait3A_107] : memref<128x128xi32, #tpu.memory_space<vmem>> -> memref<1x128xi32, #tpu.memory_space<vmem>>
    %dma_wait3A_109 = tpu.memref_squeeze %dma_wait3A_108 : memref<1x128xi32, #tpu.memory_space<vmem>> -> memref<128xi32, #tpu.memory_space<vmem>>
    %dma_wait3A_110 = arith.constant 0 : i32
    %dma_wait3A_111 = arith.constant 0 : i32
    %dma_wait3A_112 = tpu.memref_slice %arg14[%dma_wait3A_110, %dma_wait3A_111] : memref<10112x16xf32, #tpu.memory_space<vmem_shared>> -> memref<10112x16xf32, #tpu.memory_space<vmem_shared>>
    tpu.wait_indirect_dma semaphore(%arg13 : memref<!tpu.dma_semaphore, #tpu.memory_space<semaphore_mem>>) src(%dma_wait3A_106 : memref<128x16xf32, #tpu.memory_space<vmem>>) dst(%dma_wait3A_112 : memref<10112x16xf32, #tpu.memory_space<vmem_shared>>)
    %add3A_113 = arith.constant 1 : i32
    %add3A_114 = arith.addi %sub3A_98, %add3A_113 : i32
    %dma_wait3A_115 = arith.constant 1 : i32
    %dma_wait3A_116 = arith.constant 1 : i32
    %dma_wait3A_117 = arith.constant 0 : i32
    %dma_wait3A_118 = arith.constant 0 : i32
    %dma_wait3A_119 = tpu.memref_slice %arg9[%dma_wait3A_115, %dma_wait3A_116, %dma_wait3A_117, %dma_wait3A_118] : memref<2x4x128x16xf32, #tpu.memory_space<vmem>> -> memref<1x1x128x16xf32, #tpu.memory_space<vmem>>
    %dma_wait3A_120 = tpu.memref_squeeze %dma_wait3A_119 : memref<1x1x128x16xf32, #tpu.memory_space<vmem>> -> memref<128x16xf32, #tpu.memory_space<vmem>>
    %dma_wait3A_121 = arith.constant 0 : i32
    %dma_wait3A_122 = tpu.memref_slice %arg8[%add3A_114, %dma_wait3A_121] : memref<128x128xi32, #tpu.memory_space<vmem>> -> memref<1x128xi32, #tpu.memory_space<vmem>>
    %dma_wait3A_123 = tpu.memref_squeeze %dma_wait3A_122 : memref<1x128xi32, #tpu.memory_space<vmem>> -> memref<128xi32, #tpu.memory_space<vmem>>
    %dma_wait3A_124 = arith.constant 0 : i32
    %dma_wait3A_125 = arith.constant 0 : i32
    %dma_wait3A_126 = tpu.memref_slice %arg14[%dma_wait3A_124, %dma_wait3A_125] : memref<10112x16xf32, #tpu.memory_space<vmem_shared>> -> memref<10112x16xf32, #tpu.memory_space<vmem_shared>>
    tpu.wait_indirect_dma semaphore(%arg13 : memref<!tpu.dma_semaphore, #tpu.memory_space<semaphore_mem>>) src(%dma_wait3A_120 : memref<128x16xf32, #tpu.memory_space<vmem>>) dst(%dma_wait3A_126 : memref<10112x16xf32, #tpu.memory_space<vmem_shared>>)
    %add3A_127 = arith.constant 2 : i32
    %add3A_128 = arith.addi %sub3A_98, %add3A_127 : i32
    %dma_wait3A_129 = arith.constant 1 : i32
    %dma_wait3A_130 = arith.constant 2 : i32
    %dma_wait3A_131 = arith.constant 0 : i32
    %dma_wait3A_132 = arith.constant 0 : i32
    %dma_wait3A_133 = tpu.memref_slice %arg9[%dma_wait3A_129, %dma_wait3A_130, %dma_wait3A_131, %dma_wait3A_132] : memref<2x4x128x16xf32, #tpu.memory_space<vmem>> -> memref<1x1x128x16xf32, #tpu.memory_space<vmem>>
    %dma_wait3A_134 = tpu.memref_squeeze %dma_wait3A_133 : memref<1x1x128x16xf32, #tpu.memory_space<vmem>> -> memref<128x16xf32, #tpu.memory_space<vmem>>
    %dma_wait3A_135 = arith.constant 0 : i32
    %dma_wait3A_136 = tpu.memref_slice %arg8[%add3A_128, %dma_wait3A_135] : memref<128x128xi32, #tpu.memory_space<vmem>> -> memref<1x128xi32, #tpu.memory_space<vmem>>
    %dma_wait3A_137 = tpu.memref_squeeze %dma_wait3A_136 : memref<1x128xi32, #tpu.memory_space<vmem>> -> memref<128xi32, #tpu.memory_space<vmem>>
    %dma_wait3A_138 = arith.constant 0 : i32
    %dma_wait3A_139 = arith.constant 0 : i32
    %dma_wait3A_140 = tpu.memref_slice %arg14[%dma_wait3A_138, %dma_wait3A_139] : memref<10112x16xf32, #tpu.memory_space<vmem_shared>> -> memref<10112x16xf32, #tpu.memory_space<vmem_shared>>
    tpu.wait_indirect_dma semaphore(%arg13 : memref<!tpu.dma_semaphore, #tpu.memory_space<semaphore_mem>>) src(%dma_wait3A_134 : memref<128x16xf32, #tpu.memory_space<vmem>>) dst(%dma_wait3A_140 : memref<10112x16xf32, #tpu.memory_space<vmem_shared>>)
    %add3A_141 = arith.constant 3 : i32
    %add3A_142 = arith.addi %sub3A_98, %add3A_141 : i32
    %dma_wait3A_143 = arith.constant 1 : i32
    %dma_wait3A_144 = arith.constant 3 : i32
    %dma_wait3A_145 = arith.constant 0 : i32
    %dma_wait3A_146 = arith.constant 0 : i32
    %dma_wait3A_147 = tpu.memref_slice %arg9[%dma_wait3A_143, %dma_wait3A_144, %dma_wait3A_145, %dma_wait3A_146] : memref<2x4x128x16xf32, #tpu.memory_space<vmem>> -> memref<1x1x128x16xf32, #tpu.memory_space<vmem>>
    %dma_wait3A_148 = tpu.memref_squeeze %dma_wait3A_147 : memref<1x1x128x16xf32, #tpu.memory_space<vmem>> -> memref<128x16xf32, #tpu.memory_space<vmem>>
    %dma_wait3A_149 = arith.constant 0 : i32
    %dma_wait3A_150 = tpu.memref_slice %arg8[%add3A_142, %dma_wait3A_149] : memref<128x128xi32, #tpu.memory_space<vmem>> -> memref<1x128xi32, #tpu.memory_space<vmem>>
    %dma_wait3A_151 = tpu.memref_squeeze %dma_wait3A_150 : memref<1x128xi32, #tpu.memory_space<vmem>> -> memref<128xi32, #tpu.memory_space<vmem>>
    %dma_wait3A_152 = arith.constant 0 : i32
    %dma_wait3A_153 = arith.constant 0 : i32
    %dma_wait3A_154 = tpu.memref_slice %arg14[%dma_wait3A_152, %dma_wait3A_153] : memref<10112x16xf32, #tpu.memory_space<vmem_shared>> -> memref<10112x16xf32, #tpu.memory_space<vmem_shared>>
    tpu.wait_indirect_dma semaphore(%arg13 : memref<!tpu.dma_semaphore, #tpu.memory_space<semaphore_mem>>) src(%dma_wait3A_148 : memref<128x16xf32, #tpu.memory_space<vmem>>) dst(%dma_wait3A_154 : memref<10112x16xf32, #tpu.memory_space<vmem_shared>>)
    %barrier3A_155 = arith.constant 0 : index
    tpu.barrier barrier_id(%barrier3A_155)
    %mul3A_156 = arith.constant 632 : i32
    %mul3A_157 = arith.muli %arg1, %mul3A_156 : i32
    "tpu.region"() ({
      %run_scoped3A = tpu.sem_alloc : memref<!tpu.dma_semaphore, #tpu.memory_space<semaphore_mem>>
      %dma_start3A = arith.constant 0 : i32
      %dma_start3A_163 = tpu.memref_slice %arg14[%mul3A_157, %dma_start3A] : memref<10112x16xf32, #tpu.memory_space<vmem_shared>> -> memref<632x16xf32, #tpu.memory_space<vmem_shared>>
      %dma_start3A_164 = arith.constant 0 : i32
      %dma_start3A_165 = tpu.memref_slice %arg14[%mul3A_157, %dma_start3A_164] : memref<10112x16xf32, #tpu.memory_space<vmem_shared>> -> memref<632x16xf32, #tpu.memory_space<vmem_shared>>
      tpu.enqueue_dma source(%dma_start3A_165 : memref<632x16xf32, #tpu.memory_space<vmem_shared>>) target(%arg10 : memref<632x16xf32, #tpu.memory_space<vmem>>) target_semaphore(%run_scoped3A : memref<!tpu.dma_semaphore, #tpu.memory_space<semaphore_mem>>)
      %dma_wait3A_166 = arith.constant 0 : i32
      %dma_wait3A_167 = tpu.memref_slice %arg14[%mul3A_157, %dma_wait3A_166] : memref<10112x16xf32, #tpu.memory_space<vmem_shared>> -> memref<632x16xf32, #tpu.memory_space<vmem_shared>>
      %dma_wait3A_168 = arith.constant 0 : i32
      %dma_wait3A_169 = tpu.memref_slice %arg14[%mul3A_157, %dma_wait3A_168] : memref<10112x16xf32, #tpu.memory_space<vmem_shared>> -> memref<632x16xf32, #tpu.memory_space<vmem_shared>>
      tpu.wait_dma2 semaphore(%run_scoped3A : memref<!tpu.dma_semaphore, #tpu.memory_space<semaphore_mem>>) src(%dma_wait3A_169 : memref<632x16xf32, #tpu.memory_space<vmem_shared>>) dst(%arg10 : memref<632x16xf32, #tpu.memory_space<vmem>>)
      tpu.yield
    }) : () -> ()
    %mul3A_158 = arith.constant 10112 : i32
    %mul3A_159 = arith.muli %arg0, %mul3A_158 : i32
    %mul3A_160 = arith.constant 632 : i32
    %mul3A_161 = arith.muli %arg1, %mul3A_160 : i32
    %add3A_162 = arith.addi %mul3A_159, %mul3A_161 : i32
    "tpu.region"() ({
      %run_scoped3A = tpu.sem_alloc : memref<!tpu.dma_semaphore, #tpu.memory_space<semaphore_mem>>
      %dma_start3A = arith.constant 0 : i32
      %dma_start3A_163 = tpu.memref_slice %arg6[%add3A_162, %dma_start3A] : memref<20224x16xf32, #tpu.memory_space<hbm>> -> memref<632x16xf32, #tpu.memory_space<hbm>>
      %dma_start3A_164 = arith.constant 0 : i32
      %dma_start3A_165 = tpu.memref_slice %arg6[%add3A_162, %dma_start3A_164] : memref<20224x16xf32, #tpu.memory_space<hbm>> -> memref<632x16xf32, #tpu.memory_space<hbm>>
      tpu.enqueue_dma source(%arg10 : memref<632x16xf32, #tpu.memory_space<vmem>>) target(%dma_start3A_165 : memref<632x16xf32, #tpu.memory_space<hbm>>) target_semaphore(%run_scoped3A : memref<!tpu.dma_semaphore, #tpu.memory_space<semaphore_mem>>)
      %dma_wait3A_166 = arith.constant 0 : i32
      %dma_wait3A_167 = tpu.memref_slice %arg6[%add3A_162, %dma_wait3A_166] : memref<20224x16xf32, #tpu.memory_space<hbm>> -> memref<632x16xf32, #tpu.memory_space<hbm>>
      %dma_wait3A_168 = arith.constant 0 : i32
      %dma_wait3A_169 = tpu.memref_slice %arg6[%add3A_162, %dma_wait3A_168] : memref<20224x16xf32, #tpu.memory_space<hbm>> -> memref<632x16xf32, #tpu.memory_space<hbm>>
      tpu.wait_dma2 semaphore(%run_scoped3A : memref<!tpu.dma_semaphore, #tpu.memory_space<semaphore_mem>>) src(%arg10 : memref<632x16xf32, #tpu.memory_space<vmem>>) dst(%dma_wait3A_169 : memref<632x16xf32, #tpu.memory_space<hbm>>)
      tpu.yield
    }) : () -> ()
    return
  }
}

#map = affine_map<(d0, d1) -> (0, 0)>
#map1 = affine_map<(d0, d1) -> (0)>
module attributes {stable_mosaic.version = 14 : i64} {
  func.func @_deg_body(%arg0: i32, %arg1: i32, %arg2: memref<2560x128xi32, #tpu.memory_space<hbm>>, %arg3: memref<128xf32, #tpu.memory_space<hbm>>, %arg4: memref<632xf32, #tpu.memory_space<hbm>>, %arg5: memref<20224xf32, #tpu.memory_space<hbm>>, %arg6: memref<80x128xi32, #tpu.memory_space<vmem>>, %arg7: memref<128xf32, #tpu.memory_space<vmem>>, %arg8: memref<632xf32, #tpu.memory_space<vmem>>, %arg9: memref<10112xf32, #tpu.memory_space<vmem_shared>>) attributes {dimension_semantics = [#tpu.dimension_semantics<core_parallel>, #tpu.dimension_semantics<subcore_parallel>], iteration_bounds = array<i64: 2, 16>, scalar_prefetch = 0 : i64, scratch_operands = 4 : i64, tpu.core_type = #tpu.core_type<sc_vector_subcore>, window_params = [{transform_indices = #map}, {transform_indices = #map1}, {transform_indices = #map1}, {transform_indices = #map1}]} {
    %mul3A = arith.constant 2 : i32
    %mul3A_0 = arith.muli %arg1, %mul3A : i32
    %add3A = arith.addi %mul3A_0, %arg0 : i32
    "tpu.region"() ({
      %run_scoped3A = tpu.sem_alloc : memref<!tpu.dma_semaphore, #tpu.memory_space<semaphore_mem>>
      tpu.enqueue_dma source(%arg4 : memref<632xf32, #tpu.memory_space<hbm>>) target(%arg8 : memref<632xf32, #tpu.memory_space<vmem>>) target_semaphore(%run_scoped3A : memref<!tpu.dma_semaphore, #tpu.memory_space<semaphore_mem>>)
      tpu.wait_dma2 semaphore(%run_scoped3A : memref<!tpu.dma_semaphore, #tpu.memory_space<semaphore_mem>>) src(%arg4 : memref<632xf32, #tpu.memory_space<hbm>>) dst(%arg8 : memref<632xf32, #tpu.memory_space<vmem>>)
      tpu.yield
    }) : () -> ()
    %mul3A_1 = arith.constant 632 : i32
    %mul3A_2 = arith.muli %arg1, %mul3A_1 : i32
    "tpu.region"() ({
      %run_scoped3A = tpu.sem_alloc : memref<!tpu.dma_semaphore, #tpu.memory_space<semaphore_mem>>
      %dma_start3A = tpu.memref_slice %arg9[%mul3A_2] : memref<10112xf32, #tpu.memory_space<vmem_shared>> -> memref<632xf32, #tpu.memory_space<vmem_shared>>
      %dma_start3A_17 = tpu.memref_slice %arg9[%mul3A_2] : memref<10112xf32, #tpu.memory_space<vmem_shared>> -> memref<632xf32, #tpu.memory_space<vmem_shared>>
      tpu.enqueue_dma source(%arg8 : memref<632xf32, #tpu.memory_space<vmem>>) target(%dma_start3A_17 : memref<632xf32, #tpu.memory_space<vmem_shared>>) target_semaphore(%run_scoped3A : memref<!tpu.dma_semaphore, #tpu.memory_space<semaphore_mem>>)
      %dma_wait3A = tpu.memref_slice %arg9[%mul3A_2] : memref<10112xf32, #tpu.memory_space<vmem_shared>> -> memref<632xf32, #tpu.memory_space<vmem_shared>>
      %dma_wait3A_18 = tpu.memref_slice %arg9[%mul3A_2] : memref<10112xf32, #tpu.memory_space<vmem_shared>> -> memref<632xf32, #tpu.memory_space<vmem_shared>>
      tpu.wait_dma2 semaphore(%run_scoped3A : memref<!tpu.dma_semaphore, #tpu.memory_space<semaphore_mem>>) src(%arg8 : memref<632xf32, #tpu.memory_space<vmem>>) dst(%dma_wait3A_18 : memref<632xf32, #tpu.memory_space<vmem_shared>>)
      tpu.yield
    }) : () -> ()
    "tpu.region"() ({
      %run_scoped3A = tpu.sem_alloc : memref<!tpu.dma_semaphore, #tpu.memory_space<semaphore_mem>>
      tpu.enqueue_dma source(%arg3 : memref<128xf32, #tpu.memory_space<hbm>>) target(%arg7 : memref<128xf32, #tpu.memory_space<vmem>>) target_semaphore(%run_scoped3A : memref<!tpu.dma_semaphore, #tpu.memory_space<semaphore_mem>>)
      tpu.wait_dma2 semaphore(%run_scoped3A : memref<!tpu.dma_semaphore, #tpu.memory_space<semaphore_mem>>) src(%arg3 : memref<128xf32, #tpu.memory_space<hbm>>) dst(%arg7 : memref<128xf32, #tpu.memory_space<vmem>>)
      tpu.yield
    }) : () -> ()
    %mul3A_3 = arith.constant 80 : i32
    %mul3A_4 = arith.muli %add3A, %mul3A_3 : i32
    "tpu.region"() ({
      %run_scoped3A = tpu.sem_alloc : memref<!tpu.dma_semaphore, #tpu.memory_space<semaphore_mem>>
      %dma_start3A = arith.constant 0 : i32
      %dma_start3A_17 = tpu.memref_slice %arg2[%mul3A_4, %dma_start3A] : memref<2560x128xi32, #tpu.memory_space<hbm>> -> memref<80x128xi32, #tpu.memory_space<hbm>>
      %dma_start3A_18 = arith.constant 0 : i32
      %dma_start3A_19 = tpu.memref_slice %arg2[%mul3A_4, %dma_start3A_18] : memref<2560x128xi32, #tpu.memory_space<hbm>> -> memref<80x128xi32, #tpu.memory_space<hbm>>
      tpu.enqueue_dma source(%dma_start3A_19 : memref<80x128xi32, #tpu.memory_space<hbm>>) target(%arg6 : memref<80x128xi32, #tpu.memory_space<vmem>>) target_semaphore(%run_scoped3A : memref<!tpu.dma_semaphore, #tpu.memory_space<semaphore_mem>>)
      %dma_wait3A = arith.constant 0 : i32
      %dma_wait3A_20 = tpu.memref_slice %arg2[%mul3A_4, %dma_wait3A] : memref<2560x128xi32, #tpu.memory_space<hbm>> -> memref<80x128xi32, #tpu.memory_space<hbm>>
      %dma_wait3A_21 = arith.constant 0 : i32
      %dma_wait3A_22 = tpu.memref_slice %arg2[%mul3A_4, %dma_wait3A_21] : memref<2560x128xi32, #tpu.memory_space<hbm>> -> memref<80x128xi32, #tpu.memory_space<hbm>>
      tpu.wait_dma2 semaphore(%run_scoped3A : memref<!tpu.dma_semaphore, #tpu.memory_space<semaphore_mem>>) src(%dma_wait3A_22 : memref<80x128xi32, #tpu.memory_space<hbm>>) dst(%arg6 : memref<80x128xi32, #tpu.memory_space<vmem>>)
      tpu.yield
    }) : () -> ()
    %barrier3A = arith.constant 0 : index
    tpu.barrier barrier_id(%barrier3A)
    %scan3A = arith.constant 0 : i32
    %scan3A_5 = arith.constant 80 : i32
    %scan3A_6 = arith.addi %scan3A, %scan3A_5 : i32
    %scan3A_7 = arith.constant 1 : i32
    scf.for %scan3A_17 = %scan3A to %scan3A_6 step %scan3A_7  : i32 {
      "tpu.region"() ({
        %run_scoped3A = tpu.sem_alloc : memref<!tpu.dma_semaphore, #tpu.memory_space<semaphore_mem>>
        %dma_start3A = arith.constant 0 : i32
        %dma_start3A_18 = tpu.memref_slice %arg6[%scan3A_17, %dma_start3A] : memref<80x128xi32, #tpu.memory_space<vmem>> -> memref<1x128xi32, #tpu.memory_space<vmem>>
        %dma_start3A_19 = tpu.memref_squeeze %dma_start3A_18 : memref<1x128xi32, #tpu.memory_space<vmem>> -> memref<128xi32, #tpu.memory_space<vmem>>
        %dma_start3A_20 = arith.constant 0 : i32
        %dma_start3A_21 = tpu.memref_slice %arg9[%dma_start3A_20] : memref<10112xf32, #tpu.memory_space<vmem_shared>> -> memref<10112xf32, #tpu.memory_space<vmem_shared>>
        tpu.enqueue_indirect_dma source(%arg7 : memref<128xf32, #tpu.memory_space<vmem>>) target(%dma_start3A_21 : memref<10112xf32, #tpu.memory_space<vmem_shared>>) offsets(%dma_start3A_19 : memref<128xi32, #tpu.memory_space<vmem>>) semaphore(%run_scoped3A : memref<!tpu.dma_semaphore, #tpu.memory_space<semaphore_mem>>) {add = true}
        %dma_wait3A = arith.constant 0 : i32
        %dma_wait3A_22 = tpu.memref_slice %arg6[%scan3A_17, %dma_wait3A] : memref<80x128xi32, #tpu.memory_space<vmem>> -> memref<1x128xi32, #tpu.memory_space<vmem>>
        %dma_wait3A_23 = tpu.memref_squeeze %dma_wait3A_22 : memref<1x128xi32, #tpu.memory_space<vmem>> -> memref<128xi32, #tpu.memory_space<vmem>>
        %dma_wait3A_24 = arith.constant 0 : i32
        %dma_wait3A_25 = tpu.memref_slice %arg9[%dma_wait3A_24] : memref<10112xf32, #tpu.memory_space<vmem_shared>> -> memref<10112xf32, #tpu.memory_space<vmem_shared>>
        tpu.wait_indirect_dma semaphore(%run_scoped3A : memref<!tpu.dma_semaphore, #tpu.memory_space<semaphore_mem>>) src(%arg7 : memref<128xf32, #tpu.memory_space<vmem>>) dst(%dma_wait3A_25 : memref<10112xf32, #tpu.memory_space<vmem_shared>>)
        tpu.yield
      }) : () -> ()
    }
    %scan3A_8 = arith.constant 80 : i32
    %barrier3A_9 = arith.constant 0 : index
    tpu.barrier barrier_id(%barrier3A_9)
    %mul3A_10 = arith.constant 632 : i32
    %mul3A_11 = arith.muli %arg1, %mul3A_10 : i32
    "tpu.region"() ({
      %run_scoped3A = tpu.sem_alloc : memref<!tpu.dma_semaphore, #tpu.memory_space<semaphore_mem>>
      %dma_start3A = tpu.memref_slice %arg9[%mul3A_11] : memref<10112xf32, #tpu.memory_space<vmem_shared>> -> memref<632xf32, #tpu.memory_space<vmem_shared>>
      %dma_start3A_17 = tpu.memref_slice %arg9[%mul3A_11] : memref<10112xf32, #tpu.memory_space<vmem_shared>> -> memref<632xf32, #tpu.memory_space<vmem_shared>>
      tpu.enqueue_dma source(%dma_start3A_17 : memref<632xf32, #tpu.memory_space<vmem_shared>>) target(%arg8 : memref<632xf32, #tpu.memory_space<vmem>>) target_semaphore(%run_scoped3A : memref<!tpu.dma_semaphore, #tpu.memory_space<semaphore_mem>>)
      %dma_wait3A = tpu.memref_slice %arg9[%mul3A_11] : memref<10112xf32, #tpu.memory_space<vmem_shared>> -> memref<632xf32, #tpu.memory_space<vmem_shared>>
      %dma_wait3A_18 = tpu.memref_slice %arg9[%mul3A_11] : memref<10112xf32, #tpu.memory_space<vmem_shared>> -> memref<632xf32, #tpu.memory_space<vmem_shared>>
      tpu.wait_dma2 semaphore(%run_scoped3A : memref<!tpu.dma_semaphore, #tpu.memory_space<semaphore_mem>>) src(%dma_wait3A_18 : memref<632xf32, #tpu.memory_space<vmem_shared>>) dst(%arg8 : memref<632xf32, #tpu.memory_space<vmem>>)
      tpu.yield
    }) : () -> ()
    %mul3A_12 = arith.constant 10112 : i32
    %mul3A_13 = arith.muli %arg0, %mul3A_12 : i32
    %mul3A_14 = arith.constant 632 : i32
    %mul3A_15 = arith.muli %arg1, %mul3A_14 : i32
    %add3A_16 = arith.addi %mul3A_13, %mul3A_15 : i32
    "tpu.region"() ({
      %run_scoped3A = tpu.sem_alloc : memref<!tpu.dma_semaphore, #tpu.memory_space<semaphore_mem>>
      %dma_start3A = tpu.memref_slice %arg5[%add3A_16] : memref<20224xf32, #tpu.memory_space<hbm>> -> memref<632xf32, #tpu.memory_space<hbm>>
      %dma_start3A_17 = tpu.memref_slice %arg5[%add3A_16] : memref<20224xf32, #tpu.memory_space<hbm>> -> memref<632xf32, #tpu.memory_space<hbm>>
      tpu.enqueue_dma source(%arg8 : memref<632xf32, #tpu.memory_space<vmem>>) target(%dma_start3A_17 : memref<632xf32, #tpu.memory_space<hbm>>) target_semaphore(%run_scoped3A : memref<!tpu.dma_semaphore, #tpu.memory_space<semaphore_mem>>)
      %dma_wait3A = tpu.memref_slice %arg5[%add3A_16] : memref<20224xf32, #tpu.memory_space<hbm>> -> memref<632xf32, #tpu.memory_space<hbm>>
      %dma_wait3A_18 = tpu.memref_slice %arg5[%add3A_16] : memref<20224xf32, #tpu.memory_space<hbm>> -> memref<632xf32, #tpu.memory_space<hbm>>
      tpu.wait_dma2 semaphore(%run_scoped3A : memref<!tpu.dma_semaphore, #tpu.memory_space<semaphore_mem>>) src(%arg8 : memref<632xf32, #tpu.memory_space<vmem>>) dst(%dma_wait3A_18 : memref<632xf32, #tpu.memory_space<hbm>>)
      tpu.yield
    }) : () -> ()
    return
  }
}

#map = affine_map<(d0, d1) -> (0, 0)>
module attributes {stable_mosaic.version = 14 : i64} {
  func.func @_agg_body(%arg0: i32, %arg1: i32, %arg2: memref<10112x16xf32, #tpu.memory_space<hbm>>, %arg3: memref<2560x128xi32, #tpu.memory_space<hbm>>, %arg4: memref<2560x128xi32, #tpu.memory_space<hbm>>, %arg5: memref<632x16xf32, #tpu.memory_space<hbm>>, %arg6: memref<20224x16xf32, #tpu.memory_space<hbm>>, %arg7: memref<128x128xi32, #tpu.memory_space<vmem>>, %arg8: memref<128x128xi32, #tpu.memory_space<vmem>>, %arg9: memref<2x4x128x16xf32, #tpu.memory_space<vmem>>, %arg10: memref<632x16xf32, #tpu.memory_space<vmem>>, %arg11: memref<!tpu.dma_semaphore, #tpu.memory_space<semaphore_mem>>, %arg12: memref<!tpu.dma_semaphore, #tpu.memory_space<semaphore_mem>>, %arg13: memref<!tpu.dma_semaphore, #tpu.memory_space<semaphore_mem>>, %arg14: memref<10112x16xf32, #tpu.memory_space<vmem_shared>>) attributes {dimension_semantics = [#tpu.dimension_semantics<core_parallel>, #tpu.dimension_semantics<subcore_parallel>], iteration_bounds = array<i64: 2, 16>, scalar_prefetch = 0 : i64, scratch_operands = 8 : i64, tpu.core_type = #tpu.core_type<sc_vector_subcore>, window_params = [{transform_indices = #map}, {transform_indices = #map}, {transform_indices = #map}, {transform_indices = #map}, {transform_indices = #map}]} {
    %mul3A = arith.constant 2 : i32
    %mul3A_0 = arith.muli %arg1, %mul3A : i32
    %add3A = arith.addi %mul3A_0, %arg0 : i32
    %eq3A = arith.constant 0 : i32
    %eq3A_1 = arith.cmpi eq, %arg0, %eq3A : i32
    %mul3A_2 = arith.constant 128 : i32
    %mul3A_3 = arith.muli %arg1, %mul3A_2 : i32
    %mul3A_4 = arith.constant 32 : i32
    %mul3A_5 = arith.muli %arg1, %mul3A_4 : i32
    %add3A_6 = arith.constant 2048 : i32
    %add3A_7 = arith.addi %add3A_6, %mul3A_5 : i32
    %select_n3A = arith.select %eq3A_1, %mul3A_3, %add3A_7 : i32
    %eq3A_8 = arith.constant 0 : i32
    %eq3A_9 = arith.cmpi eq, %arg0, %eq3A_8 : i32
    %jit3A = arith.constant 128 : i32
    %jit3A_10 = arith.constant 32 : i32
    %select_n3A_11 = arith.select %eq3A_9, %jit3A, %jit3A_10 : i32
    "tpu.region"() ({
      %run_scoped3A = tpu.sem_alloc : memref<!tpu.dma_semaphore, #tpu.memory_space<semaphore_mem>>
      tpu.enqueue_dma source(%arg5 : memref<632x16xf32, #tpu.memory_space<hbm>>) target(%arg10 : memref<632x16xf32, #tpu.memory_space<vmem>>) target_semaphore(%run_scoped3A : memref<!tpu.dma_semaphore, #tpu.memory_space<semaphore_mem>>)
      tpu.wait_dma2 semaphore(%run_scoped3A : memref<!tpu.dma_semaphore, #tpu.memory_space<semaphore_mem>>) src(%arg5 : memref<632x16xf32, #tpu.memory_space<hbm>>) dst(%arg10 : memref<632x16xf32, #tpu.memory_space<vmem>>)
      tpu.yield
    }) : () -> ()
    %mul3A_12 = arith.constant 632 : i32
    %mul3A_13 = arith.muli %arg1, %mul3A_12 : i32
    "tpu.region"() ({
      %run_scoped3A = tpu.sem_alloc : memref<!tpu.dma_semaphore, #tpu.memory_space<semaphore_mem>>
      %dma_start3A = arith.constant 0 : i32
      %dma_start3A_163 = tpu.memref_slice %arg14[%mul3A_13, %dma_start3A] : memref<10112x16xf32, #tpu.memory_space<vmem_shared>> -> memref<632x16xf32, #tpu.memory_space<vmem_shared>>
      %dma_start3A_164 = arith.constant 0 : i32
      %dma_start3A_165 = tpu.memref_slice %arg14[%mul3A_13, %dma_start3A_164] : memref<10112x16xf32, #tpu.memory_space<vmem_shared>> -> memref<632x16xf32, #tpu.memory_space<vmem_shared>>
      tpu.enqueue_dma source(%arg10 : memref<632x16xf32, #tpu.memory_space<vmem>>) target(%dma_start3A_165 : memref<632x16xf32, #tpu.memory_space<vmem_shared>>) target_semaphore(%run_scoped3A : memref<!tpu.dma_semaphore, #tpu.memory_space<semaphore_mem>>)
      %dma_wait3A_166 = arith.constant 0 : i32
      %dma_wait3A_167 = tpu.memref_slice %arg14[%mul3A_13, %dma_wait3A_166] : memref<10112x16xf32, #tpu.memory_space<vmem_shared>> -> memref<632x16xf32, #tpu.memory_space<vmem_shared>>
      %dma_wait3A_168 = arith.constant 0 : i32
      %dma_wait3A_169 = tpu.memref_slice %arg14[%mul3A_13, %dma_wait3A_168] : memref<10112x16xf32, #tpu.memory_space<vmem_shared>> -> memref<632x16xf32, #tpu.memory_space<vmem_shared>>
      tpu.wait_dma2 semaphore(%run_scoped3A : memref<!tpu.dma_semaphore, #tpu.memory_space<semaphore_mem>>) src(%arg10 : memref<632x16xf32, #tpu.memory_space<vmem>>) dst(%dma_wait3A_169 : memref<632x16xf32, #tpu.memory_space<vmem_shared>>)
      tpu.yield
    }) : () -> ()
    "tpu.region"() ({
      %run_scoped3A = tpu.sem_alloc : memref<!tpu.dma_semaphore, #tpu.memory_space<semaphore_mem>>
      %dma_start3A = arith.constant 0 : i32
      %dma_start3A_163 = tpu.memref_slice %arg3[%select_n3A, %dma_start3A] : memref<2560x128xi32, #tpu.memory_space<hbm>> -> memref<128x128xi32, #tpu.memory_space<hbm>>
      %dma_start3A_164 = arith.constant 0 : i32
      %dma_start3A_165 = tpu.memref_slice %arg3[%select_n3A, %dma_start3A_164] : memref<2560x128xi32, #tpu.memory_space<hbm>> -> memref<128x128xi32, #tpu.memory_space<hbm>>
      tpu.enqueue_dma source(%dma_start3A_165 : memref<128x128xi32, #tpu.memory_space<hbm>>) target(%arg7 : memref<128x128xi32, #tpu.memory_space<vmem>>) target_semaphore(%run_scoped3A : memref<!tpu.dma_semaphore, #tpu.memory_space<semaphore_mem>>)
      %dma_wait3A_166 = arith.constant 0 : i32
      %dma_wait3A_167 = tpu.memref_slice %arg3[%select_n3A, %dma_wait3A_166] : memref<2560x128xi32, #tpu.memory_space<hbm>> -> memref<128x128xi32, #tpu.memory_space<hbm>>
      %dma_wait3A_168 = arith.constant 0 : i32
      %dma_wait3A_169 = tpu.memref_slice %arg3[%select_n3A, %dma_wait3A_168] : memref<2560x128xi32, #tpu.memory_space<hbm>> -> memref<128x128xi32, #tpu.memory_space<hbm>>
      tpu.wait_dma2 semaphore(%run_scoped3A : memref<!tpu.dma_semaphore, #tpu.memory_space<semaphore_mem>>) src(%dma_wait3A_169 : memref<128x128xi32, #tpu.memory_space<hbm>>) dst(%arg7 : memref<128x128xi32, #tpu.memory_space<vmem>>)
      tpu.yield
    }) : () -> ()
    "tpu.region"() ({
      %run_scoped3A = tpu.sem_alloc : memref<!tpu.dma_semaphore, #tpu.memory_space<semaphore_mem>>
      %dma_start3A = arith.constant 0 : i32
      %dma_start3A_163 = tpu.memref_slice %arg4[%select_n3A, %dma_start3A] : memref<2560x128xi32, #tpu.memory_space<hbm>> -> memref<128x128xi32, #tpu.memory_space<hbm>>
      %dma_start3A_164 = arith.constant 0 : i32
      %dma_start3A_165 = tpu.memref_slice %arg4[%select_n3A, %dma_start3A_164] : memref<2560x128xi32, #tpu.memory_space<hbm>> -> memref<128x128xi32, #tpu.memory_space<hbm>>
      tpu.enqueue_dma source(%dma_start3A_165 : memref<128x128xi32, #tpu.memory_space<hbm>>) target(%arg8 : memref<128x128xi32, #tpu.memory_space<vmem>>) target_semaphore(%run_scoped3A : memref<!tpu.dma_semaphore, #tpu.memory_space<semaphore_mem>>)
      %dma_wait3A_166 = arith.constant 0 : i32
      %dma_wait3A_167 = tpu.memref_slice %arg4[%select_n3A, %dma_wait3A_166] : memref<2560x128xi32, #tpu.memory_space<hbm>> -> memref<128x128xi32, #tpu.memory_space<hbm>>
      %dma_wait3A_168 = arith.constant 0 : i32
      %dma_wait3A_169 = tpu.memref_slice %arg4[%select_n3A, %dma_wait3A_168] : memref<2560x128xi32, #tpu.memory_space<hbm>> -> memref<128x128xi32, #tpu.memory_space<hbm>>
      tpu.wait_dma2 semaphore(%run_scoped3A : memref<!tpu.dma_semaphore, #tpu.memory_space<semaphore_mem>>) src(%dma_wait3A_169 : memref<128x128xi32, #tpu.memory_space<hbm>>) dst(%arg8 : memref<128x128xi32, #tpu.memory_space<vmem>>)
      tpu.yield
    }) : () -> ()
    %barrier3A = arith.constant 0 : index
    tpu.barrier barrier_id(%barrier3A)
    %jit3A_14 = arith.constant 8 : i32
    %div3A = arith.divsi %select_n3A_11, %jit3A_14 : i32
    %sign3A = arith.constant 0 : i32
    %sign3A_15 = arith.cmpi sgt, %select_n3A_11, %sign3A : i32
    %sign3A_16 = arith.extui %sign3A_15 : i1 to i32
    %sign3A_17 = arith.constant 0 : i32
    %sign3A_18 = arith.cmpi slt, %select_n3A_11, %sign3A_17 : i32
    %sign3A_19 = arith.extui %sign3A_18 : i1 to i32
    %sign3A_20 = arith.subi %sign3A_16, %sign3A_19 : i32
    %sign3A_21 = arith.constant 0 : i32
    %sign3A_22 = arith.cmpi sgt, %jit3A_14, %sign3A_21 : i32
    %sign3A_23 = arith.extui %sign3A_22 : i1 to i32
    %sign3A_24 = arith.constant 0 : i32
    %sign3A_25 = arith.cmpi slt, %jit3A_14, %sign3A_24 : i32
    %sign3A_26 = arith.extui %sign3A_25 : i1 to i32
    %sign3A_27 = arith.subi %sign3A_23, %sign3A_26 : i32
    %ne3A = arith.cmpi ne, %sign3A_20, %sign3A_27 : i32
    %rem3A = arith.remsi %select_n3A_11, %jit3A_14 : i32
    %ne3A_28 = arith.constant 0 : i32
    %ne3A_29 = arith.cmpi ne, %rem3A, %ne3A_28 : i32
    %and3A = arith.andi %ne3A, %ne3A_29 : i1
    %sub3A = arith.constant 1 : i32
    %sub3A_30 = arith.subi %div3A, %sub3A : i32
    %select_n3A_31 = arith.select %and3A, %sub3A_30, %div3A : i32
    %while3A = arith.constant 0 : i32
    %while3A_32 = arith.subi %select_n3A_31, %while3A : i32
    %while3A_33 = arith.addi %while3A, %while3A_32 : i32
    %while3A_34 = arith.constant 1 : i32
    %while3A_35 = arith.divsi %while3A_32, %while3A_34 : i32
    %while3A_36 = arith.muli %while3A_35, %while3A_34 : i32
    %while3A_37 = arith.addi %while3A, %while3A_36 : i32
    %while3A_38 = arith.constant 1 : i32
    scf.for %while3A_163 = %while3A to %while3A_37 step %while3A_38  : i32 {
      %mul3A_164 = arith.constant 2 : i32
      %mul3A_165 = arith.muli %while3A_163, %mul3A_164 : i32
      %mul3A_166 = arith.constant 4 : i32
      %mul3A_167 = arith.muli %mul3A_165, %mul3A_166 : i32
      %gt3A = arith.constant 0 : i32
      %gt3A_168 = arith.cmpi sgt, %while3A_163, %gt3A : i32
      %convert_element_type3A = arith.extui %gt3A_168 : i1 to i32
      %cond3A = arith.constant 0 : i32
      %cond3A_169 = arith.cmpi ne, %convert_element_type3A, %cond3A : i32
      scf.if %cond3A_169 {
        %sub3A_496 = arith.constant 8 : i32
        %sub3A_497 = arith.subi %mul3A_167, %sub3A_496 : i32
        %add3A_498 = arith.constant 0 : i32
        %add3A_499 = arith.addi %sub3A_497, %add3A_498 : i32
        %dma_wait3A_500 = arith.constant 0 : i32
        %dma_wait3A_501 = arith.constant 0 : i32
        %dma_wait3A_502 = arith.constant 0 : i32
        %dma_wait3A_503 = arith.constant 0 : i32
        %dma_wait3A_504 = tpu.memref_slice %arg9[%dma_wait3A_500, %dma_wait3A_501, %dma_wait3A_502, %dma_wait3A_503] : memref<2x4x128x16xf32, #tpu.memory_space<vmem>> -> memref<1x1x128x16xf32, #tpu.memory_space<vmem>>
        %dma_wait3A_505 = tpu.memref_squeeze %dma_wait3A_504 : memref<1x1x128x16xf32, #tpu.memory_space<vmem>> -> memref<128x16xf32, #tpu.memory_space<vmem>>
        %dma_wait3A_506 = arith.constant 0 : i32
        %dma_wait3A_507 = tpu.memref_slice %arg8[%add3A_499, %dma_wait3A_506] : memref<128x128xi32, #tpu.memory_space<vmem>> -> memref<1x128xi32, #tpu.memory_space<vmem>>
        %dma_wait3A_508 = tpu.memref_squeeze %dma_wait3A_507 : memref<1x128xi32, #tpu.memory_space<vmem>> -> memref<128xi32, #tpu.memory_space<vmem>>
        %dma_wait3A_509 = arith.constant 0 : i32
        %dma_wait3A_510 = arith.constant 0 : i32
        %dma_wait3A_511 = tpu.memref_slice %arg14[%dma_wait3A_509, %dma_wait3A_510] : memref<10112x16xf32, #tpu.memory_space<vmem_shared>> -> memref<10112x16xf32, #tpu.memory_space<vmem_shared>>
        tpu.wait_indirect_dma semaphore(%arg12 : memref<!tpu.dma_semaphore, #tpu.memory_space<semaphore_mem>>) src(%dma_wait3A_505 : memref<128x16xf32, #tpu.memory_space<vmem>>) dst(%dma_wait3A_511 : memref<10112x16xf32, #tpu.memory_space<vmem_shared>>)
        %add3A_512 = arith.constant 1 : i32
        %add3A_513 = arith.addi %sub3A_497, %add3A_512 : i32
        %dma_wait3A_514 = arith.constant 0 : i32
        %dma_wait3A_515 = arith.constant 1 : i32
        %dma_wait3A_516 = arith.constant 0 : i32
        %dma_wait3A_517 = arith.constant 0 : i32
        %dma_wait3A_518 = tpu.memref_slice %arg9[%dma_wait3A_514, %dma_wait3A_515, %dma_wait3A_516, %dma_wait3A_517] : memref<2x4x128x16xf32, #tpu.memory_space<vmem>> -> memref<1x1x128x16xf32, #tpu.memory_space<vmem>>
        %dma_wait3A_519 = tpu.memref_squeeze %dma_wait3A_518 : memref<1x1x128x16xf32, #tpu.memory_space<vmem>> -> memref<128x16xf32, #tpu.memory_space<vmem>>
        %dma_wait3A_520 = arith.constant 0 : i32
        %dma_wait3A_521 = tpu.memref_slice %arg8[%add3A_513, %dma_wait3A_520] : memref<128x128xi32, #tpu.memory_space<vmem>> -> memref<1x128xi32, #tpu.memory_space<vmem>>
        %dma_wait3A_522 = tpu.memref_squeeze %dma_wait3A_521 : memref<1x128xi32, #tpu.memory_space<vmem>> -> memref<128xi32, #tpu.memory_space<vmem>>
        %dma_wait3A_523 = arith.constant 0 : i32
        %dma_wait3A_524 = arith.constant 0 : i32
        %dma_wait3A_525 = tpu.memref_slice %arg14[%dma_wait3A_523, %dma_wait3A_524] : memref<10112x16xf32, #tpu.memory_space<vmem_shared>> -> memref<10112x16xf32, #tpu.memory_space<vmem_shared>>
        tpu.wait_indirect_dma semaphore(%arg12 : memref<!tpu.dma_semaphore, #tpu.memory_space<semaphore_mem>>) src(%dma_wait3A_519 : memref<128x16xf32, #tpu.memory_space<vmem>>) dst(%dma_wait3A_525 : memref<10112x16xf32, #tpu.memory_space<vmem_shared>>)
        %add3A_526 = arith.constant 2 : i32
        %add3A_527 = arith.addi %sub3A_497, %add3A_526 : i32
        %dma_wait3A_528 = arith.constant 0 : i32
        %dma_wait3A_529 = arith.constant 2 : i32
        %dma_wait3A_530 = arith.constant 0 : i32
        %dma_wait3A_531 = arith.constant 0 : i32
        %dma_wait3A_532 = tpu.memref_slice %arg9[%dma_wait3A_528, %dma_wait3A_529, %dma_wait3A_530, %dma_wait3A_531] : memref<2x4x128x16xf32, #tpu.memory_space<vmem>> -> memref<1x1x128x16xf32, #tpu.memory_space<vmem>>
        %dma_wait3A_533 = tpu.memref_squeeze %dma_wait3A_532 : memref<1x1x128x16xf32, #tpu.memory_space<vmem>> -> memref<128x16xf32, #tpu.memory_space<vmem>>
        %dma_wait3A_534 = arith.constant 0 : i32
        %dma_wait3A_535 = tpu.memref_slice %arg8[%add3A_527, %dma_wait3A_534] : memref<128x128xi32, #tpu.memory_space<vmem>> -> memref<1x128xi32, #tpu.memory_space<vmem>>
        %dma_wait3A_536 = tpu.memref_squeeze %dma_wait3A_535 : memref<1x128xi32, #tpu.memory_space<vmem>> -> memref<128xi32, #tpu.memory_space<vmem>>
        %dma_wait3A_537 = arith.constant 0 : i32
        %dma_wait3A_538 = arith.constant 0 : i32
        %dma_wait3A_539 = tpu.memref_slice %arg14[%dma_wait3A_537, %dma_wait3A_538] : memref<10112x16xf32, #tpu.memory_space<vmem_shared>> -> memref<10112x16xf32, #tpu.memory_space<vmem_shared>>
        tpu.wait_indirect_dma semaphore(%arg12 : memref<!tpu.dma_semaphore, #tpu.memory_space<semaphore_mem>>) src(%dma_wait3A_533 : memref<128x16xf32, #tpu.memory_space<vmem>>) dst(%dma_wait3A_539 : memref<10112x16xf32, #tpu.memory_space<vmem_shared>>)
        %add3A_540 = arith.constant 3 : i32
        %add3A_541 = arith.addi %sub3A_497, %add3A_540 : i32
        %dma_wait3A_542 = arith.constant 0 : i32
        %dma_wait3A_543 = arith.constant 3 : i32
        %dma_wait3A_544 = arith.constant 0 : i32
        %dma_wait3A_545 = arith.constant 0 : i32
        %dma_wait3A_546 = tpu.memref_slice %arg9[%dma_wait3A_542, %dma_wait3A_543, %dma_wait3A_544, %dma_wait3A_545] : memref<2x4x128x16xf32, #tpu.memory_space<vmem>> -> memref<1x1x128x16xf32, #tpu.memory_space<vmem>>
        %dma_wait3A_547 = tpu.memref_squeeze %dma_wait3A_546 : memref<1x1x128x16xf32, #tpu.memory_space<vmem>> -> memref<128x16xf32, #tpu.memory_space<vmem>>
        %dma_wait3A_548 = arith.constant 0 : i32
        %dma_wait3A_549 = tpu.memref_slice %arg8[%add3A_541, %dma_wait3A_548] : memref<128x128xi32, #tpu.memory_space<vmem>> -> memref<1x128xi32, #tpu.memory_space<vmem>>
        %dma_wait3A_550 = tpu.memref_squeeze %dma_wait3A_549 : memref<1x128xi32, #tpu.memory_space<vmem>> -> memref<128xi32, #tpu.memory_space<vmem>>
        %dma_wait3A_551 = arith.constant 0 : i32
        %dma_wait3A_552 = arith.constant 0 : i32
        %dma_wait3A_553 = tpu.memref_slice %arg14[%dma_wait3A_551, %dma_wait3A_552] : memref<10112x16xf32, #tpu.memory_space<vmem_shared>> -> memref<10112x16xf32, #tpu.memory_space<vmem_shared>>
        tpu.wait_indirect_dma semaphore(%arg12 : memref<!tpu.dma_semaphore, #tpu.memory_space<semaphore_mem>>) src(%dma_wait3A_547 : memref<128x16xf32, #tpu.memory_space<vmem>>) dst(%dma_wait3A_553 : memref<10112x16xf32, #tpu.memory_space<vmem_shared>>)
      } else {
      }
      %add3A_170 = arith.constant 0 : i32
      %add3A_171 = arith.addi %mul3A_167, %add3A_170 : i32
      %dma_start3A = arith.constant 0 : i32
      %dma_start3A_172 = arith.constant 0 : i32
      %dma_start3A_173 = arith.constant 0 : i32
      %dma_start3A_174 = arith.constant 0 : i32
      %dma_start3A_175 = tpu.memref_slice %arg9[%dma_start3A, %dma_start3A_172, %dma_start3A_173, %dma_start3A_174] : memref<2x4x128x16xf32, #tpu.memory_space<vmem>> -> memref<1x1x128x16xf32, #tpu.memory_space<vmem>>
      %dma_start3A_176 = tpu.memref_squeeze %dma_start3A_175 : memref<1x1x128x16xf32, #tpu.memory_space<vmem>> -> memref<128x16xf32, #tpu.memory_space<vmem>>
      %dma_start3A_177 = arith.constant 0 : i32
      %dma_start3A_178 = tpu.memref_slice %arg7[%add3A_171, %dma_start3A_177] : memref<128x128xi32, #tpu.memory_space<vmem>> -> memref<1x128xi32, #tpu.memory_space<vmem>>
      %dma_start3A_179 = tpu.memref_squeeze %dma_start3A_178 : memref<1x128xi32, #tpu.memory_space<vmem>> -> memref<128xi32, #tpu.memory_space<vmem>>
      %dma_start3A_180 = arith.constant 0 : i32
      %dma_start3A_181 = arith.constant 0 : i32
      %dma_start3A_182 = tpu.memref_slice %arg2[%dma_start3A_180, %dma_start3A_181] : memref<10112x16xf32, #tpu.memory_space<hbm>> -> memref<10112x16xf32, #tpu.memory_space<hbm>>
      tpu.enqueue_indirect_dma source(%dma_start3A_182 : memref<10112x16xf32, #tpu.memory_space<hbm>>) target(%dma_start3A_176 : memref<128x16xf32, #tpu.memory_space<vmem>>) offsets(%dma_start3A_179 : memref<128xi32, #tpu.memory_space<vmem>>) semaphore(%arg11 : memref<!tpu.dma_semaphore, #tpu.memory_space<semaphore_mem>>)
      %add3A_183 = arith.constant 1 : i32
      %add3A_184 = arith.addi %mul3A_167, %add3A_183 : i32
      %dma_start3A_185 = arith.constant 0 : i32
      %dma_start3A_186 = arith.constant 1 : i32
      %dma_start3A_187 = arith.constant 0 : i32
      %dma_start3A_188 = arith.constant 0 : i32
      %dma_start3A_189 = tpu.memref_slice %arg9[%dma_start3A_185, %dma_start3A_186, %dma_start3A_187, %dma_start3A_188] : memref<2x4x128x16xf32, #tpu.memory_space<vmem>> -> memref<1x1x128x16xf32, #tpu.memory_space<vmem>>
      %dma_start3A_190 = tpu.memref_squeeze %dma_start3A_189 : memref<1x1x128x16xf32, #tpu.memory_space<vmem>> -> memref<128x16xf32, #tpu.memory_space<vmem>>
      %dma_start3A_191 = arith.constant 0 : i32
      %dma_start3A_192 = tpu.memref_slice %arg7[%add3A_184, %dma_start3A_191] : memref<128x128xi32, #tpu.memory_space<vmem>> -> memref<1x128xi32, #tpu.memory_space<vmem>>
      %dma_start3A_193 = tpu.memref_squeeze %dma_start3A_192 : memref<1x128xi32, #tpu.memory_space<vmem>> -> memref<128xi32, #tpu.memory_space<vmem>>
      %dma_start3A_194 = arith.constant 0 : i32
      %dma_start3A_195 = arith.constant 0 : i32
      %dma_start3A_196 = tpu.memref_slice %arg2[%dma_start3A_194, %dma_start3A_195] : memref<10112x16xf32, #tpu.memory_space<hbm>> -> memref<10112x16xf32, #tpu.memory_space<hbm>>
      tpu.enqueue_indirect_dma source(%dma_start3A_196 : memref<10112x16xf32, #tpu.memory_space<hbm>>) target(%dma_start3A_190 : memref<128x16xf32, #tpu.memory_space<vmem>>) offsets(%dma_start3A_193 : memref<128xi32, #tpu.memory_space<vmem>>) semaphore(%arg11 : memref<!tpu.dma_semaphore, #tpu.memory_space<semaphore_mem>>)
      %add3A_197 = arith.constant 2 : i32
      %add3A_198 = arith.addi %mul3A_167, %add3A_197 : i32
      %dma_start3A_199 = arith.constant 0 : i32
      %dma_start3A_200 = arith.constant 2 : i32
      %dma_start3A_201 = arith.constant 0 : i32
      %dma_start3A_202 = arith.constant 0 : i32
      %dma_start3A_203 = tpu.memref_slice %arg9[%dma_start3A_199, %dma_start3A_200, %dma_start3A_201, %dma_start3A_202] : memref<2x4x128x16xf32, #tpu.memory_space<vmem>> -> memref<1x1x128x16xf32, #tpu.memory_space<vmem>>
      %dma_start3A_204 = tpu.memref_squeeze %dma_start3A_203 : memref<1x1x128x16xf32, #tpu.memory_space<vmem>> -> memref<128x16xf32, #tpu.memory_space<vmem>>
      %dma_start3A_205 = arith.constant 0 : i32
      %dma_start3A_206 = tpu.memref_slice %arg7[%add3A_198, %dma_start3A_205] : memref<128x128xi32, #tpu.memory_space<vmem>> -> memref<1x128xi32, #tpu.memory_space<vmem>>
      %dma_start3A_207 = tpu.memref_squeeze %dma_start3A_206 : memref<1x128xi32, #tpu.memory_space<vmem>> -> memref<128xi32, #tpu.memory_space<vmem>>
      %dma_start3A_208 = arith.constant 0 : i32
      %dma_start3A_209 = arith.constant 0 : i32
      %dma_start3A_210 = tpu.memref_slice %arg2[%dma_start3A_208, %dma_start3A_209] : memref<10112x16xf32, #tpu.memory_space<hbm>> -> memref<10112x16xf32, #tpu.memory_space<hbm>>
      tpu.enqueue_indirect_dma source(%dma_start3A_210 : memref<10112x16xf32, #tpu.memory_space<hbm>>) target(%dma_start3A_204 : memref<128x16xf32, #tpu.memory_space<vmem>>) offsets(%dma_start3A_207 : memref<128xi32, #tpu.memory_space<vmem>>) semaphore(%arg11 : memref<!tpu.dma_semaphore, #tpu.memory_space<semaphore_mem>>)
      %add3A_211 = arith.constant 3 : i32
      %add3A_212 = arith.addi %mul3A_167, %add3A_211 : i32
      %dma_start3A_213 = arith.constant 0 : i32
      %dma_start3A_214 = arith.constant 3 : i32
      %dma_start3A_215 = arith.constant 0 : i32
      %dma_start3A_216 = arith.constant 0 : i32
      %dma_start3A_217 = tpu.memref_slice %arg9[%dma_start3A_213, %dma_start3A_214, %dma_start3A_215, %dma_start3A_216] : memref<2x4x128x16xf32, #tpu.memory_space<vmem>> -> memref<1x1x128x16xf32, #tpu.memory_space<vmem>>
      %dma_start3A_218 = tpu.memref_squeeze %dma_start3A_217 : memref<1x1x128x16xf32, #tpu.memory_space<vmem>> -> memref<128x16xf32, #tpu.memory_space<vmem>>
      %dma_start3A_219 = arith.constant 0 : i32
      %dma_start3A_220 = tpu.memref_slice %arg7[%add3A_212, %dma_start3A_219] : memref<128x128xi32, #tpu.memory_space<vmem>> -> memref<1x128xi32, #tpu.memory_space<vmem>>
      %dma_start3A_221 = tpu.memref_squeeze %dma_start3A_220 : memref<1x128xi32, #tpu.memory_space<vmem>> -> memref<128xi32, #tpu.memory_space<vmem>>
      %dma_start3A_222 = arith.constant 0 : i32
      %dma_start3A_223 = arith.constant 0 : i32
      %dma_start3A_224 = tpu.memref_slice %arg2[%dma_start3A_222, %dma_start3A_223] : memref<10112x16xf32, #tpu.memory_space<hbm>> -> memref<10112x16xf32, #tpu.memory_space<hbm>>
      tpu.enqueue_indirect_dma source(%dma_start3A_224 : memref<10112x16xf32, #tpu.memory_space<hbm>>) target(%dma_start3A_218 : memref<128x16xf32, #tpu.memory_space<vmem>>) offsets(%dma_start3A_221 : memref<128xi32, #tpu.memory_space<vmem>>) semaphore(%arg11 : memref<!tpu.dma_semaphore, #tpu.memory_space<semaphore_mem>>)
      %dma_wait3A_225 = arith.constant 0 : i32
      %dma_wait3A_226 = arith.constant 0 : i32
      %dma_wait3A_227 = arith.constant 0 : i32
      %dma_wait3A_228 = arith.constant 0 : i32
      %dma_wait3A_229 = tpu.memref_slice %arg9[%dma_wait3A_225, %dma_wait3A_226, %dma_wait3A_227, %dma_wait3A_228] : memref<2x4x128x16xf32, #tpu.memory_space<vmem>> -> memref<1x1x128x16xf32, #tpu.memory_space<vmem>>
      %dma_wait3A_230 = tpu.memref_squeeze %dma_wait3A_229 : memref<1x1x128x16xf32, #tpu.memory_space<vmem>> -> memref<128x16xf32, #tpu.memory_space<vmem>>
      %dma_wait3A_231 = arith.constant 0 : i32
      %dma_wait3A_232 = tpu.memref_slice %arg7[%add3A_171, %dma_wait3A_231] : memref<128x128xi32, #tpu.memory_space<vmem>> -> memref<1x128xi32, #tpu.memory_space<vmem>>
      %dma_wait3A_233 = tpu.memref_squeeze %dma_wait3A_232 : memref<1x128xi32, #tpu.memory_space<vmem>> -> memref<128xi32, #tpu.memory_space<vmem>>
      %dma_wait3A_234 = arith.constant 0 : i32
      %dma_wait3A_235 = arith.constant 0 : i32
      %dma_wait3A_236 = tpu.memref_slice %arg2[%dma_wait3A_234, %dma_wait3A_235] : memref<10112x16xf32, #tpu.memory_space<hbm>> -> memref<10112x16xf32, #tpu.memory_space<hbm>>
      tpu.wait_indirect_dma semaphore(%arg11 : memref<!tpu.dma_semaphore, #tpu.memory_space<semaphore_mem>>) src(%dma_wait3A_236 : memref<10112x16xf32, #tpu.memory_space<hbm>>) dst(%dma_wait3A_230 : memref<128x16xf32, #tpu.memory_space<vmem>>)
      %dma_wait3A_237 = arith.constant 0 : i32
      %dma_wait3A_238 = arith.constant 1 : i32
      %dma_wait3A_239 = arith.constant 0 : i32
      %dma_wait3A_240 = arith.constant 0 : i32
      %dma_wait3A_241 = tpu.memref_slice %arg9[%dma_wait3A_237, %dma_wait3A_238, %dma_wait3A_239, %dma_wait3A_240] : memref<2x4x128x16xf32, #tpu.memory_space<vmem>> -> memref<1x1x128x16xf32, #tpu.memory_space<vmem>>
      %dma_wait3A_242 = tpu.memref_squeeze %dma_wait3A_241 : memref<1x1x128x16xf32, #tpu.memory_space<vmem>> -> memref<128x16xf32, #tpu.memory_space<vmem>>
      %dma_wait3A_243 = arith.constant 0 : i32
      %dma_wait3A_244 = tpu.memref_slice %arg7[%add3A_184, %dma_wait3A_243] : memref<128x128xi32, #tpu.memory_space<vmem>> -> memref<1x128xi32, #tpu.memory_space<vmem>>
      %dma_wait3A_245 = tpu.memref_squeeze %dma_wait3A_244 : memref<1x128xi32, #tpu.memory_space<vmem>> -> memref<128xi32, #tpu.memory_space<vmem>>
      %dma_wait3A_246 = arith.constant 0 : i32
      %dma_wait3A_247 = arith.constant 0 : i32
      %dma_wait3A_248 = tpu.memref_slice %arg2[%dma_wait3A_246, %dma_wait3A_247] : memref<10112x16xf32, #tpu.memory_space<hbm>> -> memref<10112x16xf32, #tpu.memory_space<hbm>>
      tpu.wait_indirect_dma semaphore(%arg11 : memref<!tpu.dma_semaphore, #tpu.memory_space<semaphore_mem>>) src(%dma_wait3A_248 : memref<10112x16xf32, #tpu.memory_space<hbm>>) dst(%dma_wait3A_242 : memref<128x16xf32, #tpu.memory_space<vmem>>)
      %dma_wait3A_249 = arith.constant 0 : i32
      %dma_wait3A_250 = arith.constant 2 : i32
      %dma_wait3A_251 = arith.constant 0 : i32
      %dma_wait3A_252 = arith.constant 0 : i32
      %dma_wait3A_253 = tpu.memref_slice %arg9[%dma_wait3A_249, %dma_wait3A_250, %dma_wait3A_251, %dma_wait3A_252] : memref<2x4x128x16xf32, #tpu.memory_space<vmem>> -> memref<1x1x128x16xf32, #tpu.memory_space<vmem>>
      %dma_wait3A_254 = tpu.memref_squeeze %dma_wait3A_253 : memref<1x1x128x16xf32, #tpu.memory_space<vmem>> -> memref<128x16xf32, #tpu.memory_space<vmem>>
      %dma_wait3A_255 = arith.constant 0 : i32
      %dma_wait3A_256 = tpu.memref_slice %arg7[%add3A_198, %dma_wait3A_255] : memref<128x128xi32, #tpu.memory_space<vmem>> -> memref<1x128xi32, #tpu.memory_space<vmem>>
      %dma_wait3A_257 = tpu.memref_squeeze %dma_wait3A_256 : memref<1x128xi32, #tpu.memory_space<vmem>> -> memref<128xi32, #tpu.memory_space<vmem>>
      %dma_wait3A_258 = arith.constant 0 : i32
      %dma_wait3A_259 = arith.constant 0 : i32
      %dma_wait3A_260 = tpu.memref_slice %arg2[%dma_wait3A_258, %dma_wait3A_259] : memref<10112x16xf32, #tpu.memory_space<hbm>> -> memref<10112x16xf32, #tpu.memory_space<hbm>>
      tpu.wait_indirect_dma semaphore(%arg11 : memref<!tpu.dma_semaphore, #tpu.memory_space<semaphore_mem>>) src(%dma_wait3A_260 : memref<10112x16xf32, #tpu.memory_space<hbm>>) dst(%dma_wait3A_254 : memref<128x16xf32, #tpu.memory_space<vmem>>)
      %dma_wait3A_261 = arith.constant 0 : i32
      %dma_wait3A_262 = arith.constant 3 : i32
      %dma_wait3A_263 = arith.constant 0 : i32
      %dma_wait3A_264 = arith.constant 0 : i32
      %dma_wait3A_265 = tpu.memref_slice %arg9[%dma_wait3A_261, %dma_wait3A_262, %dma_wait3A_263, %dma_wait3A_264] : memref<2x4x128x16xf32, #tpu.memory_space<vmem>> -> memref<1x1x128x16xf32, #tpu.memory_space<vmem>>
      %dma_wait3A_266 = tpu.memref_squeeze %dma_wait3A_265 : memref<1x1x128x16xf32, #tpu.memory_space<vmem>> -> memref<128x16xf32, #tpu.memory_space<vmem>>
      %dma_wait3A_267 = arith.constant 0 : i32
      %dma_wait3A_268 = tpu.memref_slice %arg7[%add3A_212, %dma_wait3A_267] : memref<128x128xi32, #tpu.memory_space<vmem>> -> memref<1x128xi32, #tpu.memory_space<vmem>>
      %dma_wait3A_269 = tpu.memref_squeeze %dma_wait3A_268 : memref<1x128xi32, #tpu.memory_space<vmem>> -> memref<128xi32, #tpu.memory_space<vmem>>
      %dma_wait3A_270 = arith.constant 0 : i32
      %dma_wait3A_271 = arith.constant 0 : i32
      %dma_wait3A_272 = tpu.memref_slice %arg2[%dma_wait3A_270, %dma_wait3A_271] : memref<10112x16xf32, #tpu.memory_space<hbm>> -> memref<10112x16xf32, #tpu.memory_space<hbm>>
      tpu.wait_indirect_dma semaphore(%arg11 : memref<!tpu.dma_semaphore, #tpu.memory_space<semaphore_mem>>) src(%dma_wait3A_272 : memref<10112x16xf32, #tpu.memory_space<hbm>>) dst(%dma_wait3A_266 : memref<128x16xf32, #tpu.memory_space<vmem>>)
      %add3A_273 = arith.constant 0 : i32
      %add3A_274 = arith.addi %mul3A_167, %add3A_273 : i32
      %dma_start3A_275 = arith.constant 0 : i32
      %dma_start3A_276 = arith.constant 0 : i32
      %dma_start3A_277 = arith.constant 0 : i32
      %dma_start3A_278 = arith.constant 0 : i32
      %dma_start3A_279 = tpu.memref_slice %arg9[%dma_start3A_275, %dma_start3A_276, %dma_start3A_277, %dma_start3A_278] : memref<2x4x128x16xf32, #tpu.memory_space<vmem>> -> memref<1x1x128x16xf32, #tpu.memory_space<vmem>>
      %dma_start3A_280 = tpu.memref_squeeze %dma_start3A_279 : memref<1x1x128x16xf32, #tpu.memory_space<vmem>> -> memref<128x16xf32, #tpu.memory_space<vmem>>
      %dma_start3A_281 = arith.constant 0 : i32
      %dma_start3A_282 = tpu.memref_slice %arg8[%add3A_274, %dma_start3A_281] : memref<128x128xi32, #tpu.memory_space<vmem>> -> memref<1x128xi32, #tpu.memory_space<vmem>>
      %dma_start3A_283 = tpu.memref_squeeze %dma_start3A_282 : memref<1x128xi32, #tpu.memory_space<vmem>> -> memref<128xi32, #tpu.memory_space<vmem>>
      %dma_start3A_284 = arith.constant 0 : i32
      %dma_start3A_285 = arith.constant 0 : i32
      %dma_start3A_286 = tpu.memref_slice %arg14[%dma_start3A_284, %dma_start3A_285] : memref<10112x16xf32, #tpu.memory_space<vmem_shared>> -> memref<10112x16xf32, #tpu.memory_space<vmem_shared>>
      tpu.enqueue_indirect_dma source(%dma_start3A_280 : memref<128x16xf32, #tpu.memory_space<vmem>>) target(%dma_start3A_286 : memref<10112x16xf32, #tpu.memory_space<vmem_shared>>) offsets(%dma_start3A_283 : memref<128xi32, #tpu.memory_space<vmem>>) semaphore(%arg12 : memref<!tpu.dma_semaphore, #tpu.memory_space<semaphore_mem>>) {add = true}
      %add3A_287 = arith.constant 1 : i32
      %add3A_288 = arith.addi %mul3A_167, %add3A_287 : i32
      %dma_start3A_289 = arith.constant 0 : i32
      %dma_start3A_290 = arith.constant 1 : i32
      %dma_start3A_291 = arith.constant 0 : i32
      %dma_start3A_292 = arith.constant 0 : i32
      %dma_start3A_293 = tpu.memref_slice %arg9[%dma_start3A_289, %dma_start3A_290, %dma_start3A_291, %dma_start3A_292] : memref<2x4x128x16xf32, #tpu.memory_space<vmem>> -> memref<1x1x128x16xf32, #tpu.memory_space<vmem>>
      %dma_start3A_294 = tpu.memref_squeeze %dma_start3A_293 : memref<1x1x128x16xf32, #tpu.memory_space<vmem>> -> memref<128x16xf32, #tpu.memory_space<vmem>>
      %dma_start3A_295 = arith.constant 0 : i32
      %dma_start3A_296 = tpu.memref_slice %arg8[%add3A_288, %dma_start3A_295] : memref<128x128xi32, #tpu.memory_space<vmem>> -> memref<1x128xi32, #tpu.memory_space<vmem>>
      %dma_start3A_297 = tpu.memref_squeeze %dma_start3A_296 : memref<1x128xi32, #tpu.memory_space<vmem>> -> memref<128xi32, #tpu.memory_space<vmem>>
      %dma_start3A_298 = arith.constant 0 : i32
      %dma_start3A_299 = arith.constant 0 : i32
      %dma_start3A_300 = tpu.memref_slice %arg14[%dma_start3A_298, %dma_start3A_299] : memref<10112x16xf32, #tpu.memory_space<vmem_shared>> -> memref<10112x16xf32, #tpu.memory_space<vmem_shared>>
      tpu.enqueue_indirect_dma source(%dma_start3A_294 : memref<128x16xf32, #tpu.memory_space<vmem>>) target(%dma_start3A_300 : memref<10112x16xf32, #tpu.memory_space<vmem_shared>>) offsets(%dma_start3A_297 : memref<128xi32, #tpu.memory_space<vmem>>) semaphore(%arg12 : memref<!tpu.dma_semaphore, #tpu.memory_space<semaphore_mem>>) {add = true}
      %add3A_301 = arith.constant 2 : i32
      %add3A_302 = arith.addi %mul3A_167, %add3A_301 : i32
      %dma_start3A_303 = arith.constant 0 : i32
      %dma_start3A_304 = arith.constant 2 : i32
      %dma_start3A_305 = arith.constant 0 : i32
      %dma_start3A_306 = arith.constant 0 : i32
      %dma_start3A_307 = tpu.memref_slice %arg9[%dma_start3A_303, %dma_start3A_304, %dma_start3A_305, %dma_start3A_306] : memref<2x4x128x16xf32, #tpu.memory_space<vmem>> -> memref<1x1x128x16xf32, #tpu.memory_space<vmem>>
      %dma_start3A_308 = tpu.memref_squeeze %dma_start3A_307 : memref<1x1x128x16xf32, #tpu.memory_space<vmem>> -> memref<128x16xf32, #tpu.memory_space<vmem>>
      %dma_start3A_309 = arith.constant 0 : i32
      %dma_start3A_310 = tpu.memref_slice %arg8[%add3A_302, %dma_start3A_309] : memref<128x128xi32, #tpu.memory_space<vmem>> -> memref<1x128xi32, #tpu.memory_space<vmem>>
      %dma_start3A_311 = tpu.memref_squeeze %dma_start3A_310 : memref<1x128xi32, #tpu.memory_space<vmem>> -> memref<128xi32, #tpu.memory_space<vmem>>
      %dma_start3A_312 = arith.constant 0 : i32
      %dma_start3A_313 = arith.constant 0 : i32
      %dma_start3A_314 = tpu.memref_slice %arg14[%dma_start3A_312, %dma_start3A_313] : memref<10112x16xf32, #tpu.memory_space<vmem_shared>> -> memref<10112x16xf32, #tpu.memory_space<vmem_shared>>
      tpu.enqueue_indirect_dma source(%dma_start3A_308 : memref<128x16xf32, #tpu.memory_space<vmem>>) target(%dma_start3A_314 : memref<10112x16xf32, #tpu.memory_space<vmem_shared>>) offsets(%dma_start3A_311 : memref<128xi32, #tpu.memory_space<vmem>>) semaphore(%arg12 : memref<!tpu.dma_semaphore, #tpu.memory_space<semaphore_mem>>) {add = true}
      %add3A_315 = arith.constant 3 : i32
      %add3A_316 = arith.addi %mul3A_167, %add3A_315 : i32
      %dma_start3A_317 = arith.constant 0 : i32
      %dma_start3A_318 = arith.constant 3 : i32
      %dma_start3A_319 = arith.constant 0 : i32
      %dma_start3A_320 = arith.constant 0 : i32
      %dma_start3A_321 = tpu.memref_slice %arg9[%dma_start3A_317, %dma_start3A_318, %dma_start3A_319, %dma_start3A_320] : memref<2x4x128x16xf32, #tpu.memory_space<vmem>> -> memref<1x1x128x16xf32, #tpu.memory_space<vmem>>
      %dma_start3A_322 = tpu.memref_squeeze %dma_start3A_321 : memref<1x1x128x16xf32, #tpu.memory_space<vmem>> -> memref<128x16xf32, #tpu.memory_space<vmem>>
      %dma_start3A_323 = arith.constant 0 : i32
      %dma_start3A_324 = tpu.memref_slice %arg8[%add3A_316, %dma_start3A_323] : memref<128x128xi32, #tpu.memory_space<vmem>> -> memref<1x128xi32, #tpu.memory_space<vmem>>
      %dma_start3A_325 = tpu.memref_squeeze %dma_start3A_324 : memref<1x128xi32, #tpu.memory_space<vmem>> -> memref<128xi32, #tpu.memory_space<vmem>>
      %dma_start3A_326 = arith.constant 0 : i32
      %dma_start3A_327 = arith.constant 0 : i32
      %dma_start3A_328 = tpu.memref_slice %arg14[%dma_start3A_326, %dma_start3A_327] : memref<10112x16xf32, #tpu.memory_space<vmem_shared>> -> memref<10112x16xf32, #tpu.memory_space<vmem_shared>>
      tpu.enqueue_indirect_dma source(%dma_start3A_322 : memref<128x16xf32, #tpu.memory_space<vmem>>) target(%dma_start3A_328 : memref<10112x16xf32, #tpu.memory_space<vmem_shared>>) offsets(%dma_start3A_325 : memref<128xi32, #tpu.memory_space<vmem>>) semaphore(%arg12 : memref<!tpu.dma_semaphore, #tpu.memory_space<semaphore_mem>>) {add = true}
      %gt3A_329 = arith.constant 0 : i32
      %gt3A_330 = arith.cmpi sgt, %while3A_163, %gt3A_329 : i32
      %convert_element_type3A_331 = arith.extui %gt3A_330 : i1 to i32
      %cond3A_332 = arith.constant 0 : i32
      %cond3A_333 = arith.cmpi ne, %convert_element_type3A_331, %cond3A_332 : i32
      scf.if %cond3A_333 {
        %sub3A_496 = arith.constant 4 : i32
        %sub3A_497 = arith.subi %mul3A_167, %sub3A_496 : i32
        %add3A_498 = arith.constant 0 : i32
        %add3A_499 = arith.addi %sub3A_497, %add3A_498 : i32
        %dma_wait3A_500 = arith.constant 1 : i32
        %dma_wait3A_501 = arith.constant 0 : i32
        %dma_wait3A_502 = arith.constant 0 : i32
        %dma_wait3A_503 = arith.constant 0 : i32
        %dma_wait3A_504 = tpu.memref_slice %arg9[%dma_wait3A_500, %dma_wait3A_501, %dma_wait3A_502, %dma_wait3A_503] : memref<2x4x128x16xf32, #tpu.memory_space<vmem>> -> memref<1x1x128x16xf32, #tpu.memory_space<vmem>>
        %dma_wait3A_505 = tpu.memref_squeeze %dma_wait3A_504 : memref<1x1x128x16xf32, #tpu.memory_space<vmem>> -> memref<128x16xf32, #tpu.memory_space<vmem>>
        %dma_wait3A_506 = arith.constant 0 : i32
        %dma_wait3A_507 = tpu.memref_slice %arg8[%add3A_499, %dma_wait3A_506] : memref<128x128xi32, #tpu.memory_space<vmem>> -> memref<1x128xi32, #tpu.memory_space<vmem>>
        %dma_wait3A_508 = tpu.memref_squeeze %dma_wait3A_507 : memref<1x128xi32, #tpu.memory_space<vmem>> -> memref<128xi32, #tpu.memory_space<vmem>>
        %dma_wait3A_509 = arith.constant 0 : i32
        %dma_wait3A_510 = arith.constant 0 : i32
        %dma_wait3A_511 = tpu.memref_slice %arg14[%dma_wait3A_509, %dma_wait3A_510] : memref<10112x16xf32, #tpu.memory_space<vmem_shared>> -> memref<10112x16xf32, #tpu.memory_space<vmem_shared>>
        tpu.wait_indirect_dma semaphore(%arg13 : memref<!tpu.dma_semaphore, #tpu.memory_space<semaphore_mem>>) src(%dma_wait3A_505 : memref<128x16xf32, #tpu.memory_space<vmem>>) dst(%dma_wait3A_511 : memref<10112x16xf32, #tpu.memory_space<vmem_shared>>)
        %add3A_512 = arith.constant 1 : i32
        %add3A_513 = arith.addi %sub3A_497, %add3A_512 : i32
        %dma_wait3A_514 = arith.constant 1 : i32
        %dma_wait3A_515 = arith.constant 1 : i32
        %dma_wait3A_516 = arith.constant 0 : i32
        %dma_wait3A_517 = arith.constant 0 : i32
        %dma_wait3A_518 = tpu.memref_slice %arg9[%dma_wait3A_514, %dma_wait3A_515, %dma_wait3A_516, %dma_wait3A_517] : memref<2x4x128x16xf32, #tpu.memory_space<vmem>> -> memref<1x1x128x16xf32, #tpu.memory_space<vmem>>
        %dma_wait3A_519 = tpu.memref_squeeze %dma_wait3A_518 : memref<1x1x128x16xf32, #tpu.memory_space<vmem>> -> memref<128x16xf32, #tpu.memory_space<vmem>>
        %dma_wait3A_520 = arith.constant 0 : i32
        %dma_wait3A_521 = tpu.memref_slice %arg8[%add3A_513, %dma_wait3A_520] : memref<128x128xi32, #tpu.memory_space<vmem>> -> memref<1x128xi32, #tpu.memory_space<vmem>>
        %dma_wait3A_522 = tpu.memref_squeeze %dma_wait3A_521 : memref<1x128xi32, #tpu.memory_space<vmem>> -> memref<128xi32, #tpu.memory_space<vmem>>
        %dma_wait3A_523 = arith.constant 0 : i32
        %dma_wait3A_524 = arith.constant 0 : i32
        %dma_wait3A_525 = tpu.memref_slice %arg14[%dma_wait3A_523, %dma_wait3A_524] : memref<10112x16xf32, #tpu.memory_space<vmem_shared>> -> memref<10112x16xf32, #tpu.memory_space<vmem_shared>>
        tpu.wait_indirect_dma semaphore(%arg13 : memref<!tpu.dma_semaphore, #tpu.memory_space<semaphore_mem>>) src(%dma_wait3A_519 : memref<128x16xf32, #tpu.memory_space<vmem>>) dst(%dma_wait3A_525 : memref<10112x16xf32, #tpu.memory_space<vmem_shared>>)
        %add3A_526 = arith.constant 2 : i32
        %add3A_527 = arith.addi %sub3A_497, %add3A_526 : i32
        %dma_wait3A_528 = arith.constant 1 : i32
        %dma_wait3A_529 = arith.constant 2 : i32
        %dma_wait3A_530 = arith.constant 0 : i32
        %dma_wait3A_531 = arith.constant 0 : i32
        %dma_wait3A_532 = tpu.memref_slice %arg9[%dma_wait3A_528, %dma_wait3A_529, %dma_wait3A_530, %dma_wait3A_531] : memref<2x4x128x16xf32, #tpu.memory_space<vmem>> -> memref<1x1x128x16xf32, #tpu.memory_space<vmem>>
        %dma_wait3A_533 = tpu.memref_squeeze %dma_wait3A_532 : memref<1x1x128x16xf32, #tpu.memory_space<vmem>> -> memref<128x16xf32, #tpu.memory_space<vmem>>
        %dma_wait3A_534 = arith.constant 0 : i32
        %dma_wait3A_535 = tpu.memref_slice %arg8[%add3A_527, %dma_wait3A_534] : memref<128x128xi32, #tpu.memory_space<vmem>> -> memref<1x128xi32, #tpu.memory_space<vmem>>
        %dma_wait3A_536 = tpu.memref_squeeze %dma_wait3A_535 : memref<1x128xi32, #tpu.memory_space<vmem>> -> memref<128xi32, #tpu.memory_space<vmem>>
        %dma_wait3A_537 = arith.constant 0 : i32
        %dma_wait3A_538 = arith.constant 0 : i32
        %dma_wait3A_539 = tpu.memref_slice %arg14[%dma_wait3A_537, %dma_wait3A_538] : memref<10112x16xf32, #tpu.memory_space<vmem_shared>> -> memref<10112x16xf32, #tpu.memory_space<vmem_shared>>
        tpu.wait_indirect_dma semaphore(%arg13 : memref<!tpu.dma_semaphore, #tpu.memory_space<semaphore_mem>>) src(%dma_wait3A_533 : memref<128x16xf32, #tpu.memory_space<vmem>>) dst(%dma_wait3A_539 : memref<10112x16xf32, #tpu.memory_space<vmem_shared>>)
        %add3A_540 = arith.constant 3 : i32
        %add3A_541 = arith.addi %sub3A_497, %add3A_540 : i32
        %dma_wait3A_542 = arith.constant 1 : i32
        %dma_wait3A_543 = arith.constant 3 : i32
        %dma_wait3A_544 = arith.constant 0 : i32
        %dma_wait3A_545 = arith.constant 0 : i32
        %dma_wait3A_546 = tpu.memref_slice %arg9[%dma_wait3A_542, %dma_wait3A_543, %dma_wait3A_544, %dma_wait3A_545] : memref<2x4x128x16xf32, #tpu.memory_space<vmem>> -> memref<1x1x128x16xf32, #tpu.memory_space<vmem>>
        %dma_wait3A_547 = tpu.memref_squeeze %dma_wait3A_546 : memref<1x1x128x16xf32, #tpu.memory_space<vmem>> -> memref<128x16xf32, #tpu.memory_space<vmem>>
        %dma_wait3A_548 = arith.constant 0 : i32
        %dma_wait3A_549 = tpu.memref_slice %arg8[%add3A_541, %dma_wait3A_548] : memref<128x128xi32, #tpu.memory_space<vmem>> -> memref<1x128xi32, #tpu.memory_space<vmem>>
        %dma_wait3A_550 = tpu.memref_squeeze %dma_wait3A_549 : memref<1x128xi32, #tpu.memory_space<vmem>> -> memref<128xi32, #tpu.memory_space<vmem>>
        %dma_wait3A_551 = arith.constant 0 : i32
        %dma_wait3A_552 = arith.constant 0 : i32
        %dma_wait3A_553 = tpu.memref_slice %arg14[%dma_wait3A_551, %dma_wait3A_552] : memref<10112x16xf32, #tpu.memory_space<vmem_shared>> -> memref<10112x16xf32, #tpu.memory_space<vmem_shared>>
        tpu.wait_indirect_dma semaphore(%arg13 : memref<!tpu.dma_semaphore, #tpu.memory_space<semaphore_mem>>) src(%dma_wait3A_547 : memref<128x16xf32, #tpu.memory_space<vmem>>) dst(%dma_wait3A_553 : memref<10112x16xf32, #tpu.memory_space<vmem_shared>>)
      } else {
      }
      %add3A_334 = arith.constant 4 : i32
      %add3A_335 = arith.addi %mul3A_167, %add3A_334 : i32
      %add3A_336 = arith.constant 0 : i32
      %add3A_337 = arith.addi %add3A_335, %add3A_336 : i32
      %dma_start3A_338 = arith.constant 1 : i32
      %dma_start3A_339 = arith.constant 0 : i32
      %dma_start3A_340 = arith.constant 0 : i32
      %dma_start3A_341 = arith.constant 0 : i32
      %dma_start3A_342 = tpu.memref_slice %arg9[%dma_start3A_338, %dma_start3A_339, %dma_start3A_340, %dma_start3A_341] : memref<2x4x128x16xf32, #tpu.memory_space<vmem>> -> memref<1x1x128x16xf32, #tpu.memory_space<vmem>>
      %dma_start3A_343 = tpu.memref_squeeze %dma_start3A_342 : memref<1x1x128x16xf32, #tpu.memory_space<vmem>> -> memref<128x16xf32, #tpu.memory_space<vmem>>
      %dma_start3A_344 = arith.constant 0 : i32
      %dma_start3A_345 = tpu.memref_slice %arg7[%add3A_337, %dma_start3A_344] : memref<128x128xi32, #tpu.memory_space<vmem>> -> memref<1x128xi32, #tpu.memory_space<vmem>>
      %dma_start3A_346 = tpu.memref_squeeze %dma_start3A_345 : memref<1x128xi32, #tpu.memory_space<vmem>> -> memref<128xi32, #tpu.memory_space<vmem>>
      %dma_start3A_347 = arith.constant 0 : i32
      %dma_start3A_348 = arith.constant 0 : i32
      %dma_start3A_349 = tpu.memref_slice %arg2[%dma_start3A_347, %dma_start3A_348] : memref<10112x16xf32, #tpu.memory_space<hbm>> -> memref<10112x16xf32, #tpu.memory_space<hbm>>
      tpu.enqueue_indirect_dma source(%dma_start3A_349 : memref<10112x16xf32, #tpu.memory_space<hbm>>) target(%dma_start3A_343 : memref<128x16xf32, #tpu.memory_space<vmem>>) offsets(%dma_start3A_346 : memref<128xi32, #tpu.memory_space<vmem>>) semaphore(%arg11 : memref<!tpu.dma_semaphore, #tpu.memory_space<semaphore_mem>>)
      %add3A_350 = arith.constant 1 : i32
      %add3A_351 = arith.addi %add3A_335, %add3A_350 : i32
      %dma_start3A_352 = arith.constant 1 : i32
      %dma_start3A_353 = arith.constant 1 : i32
      %dma_start3A_354 = arith.constant 0 : i32
      %dma_start3A_355 = arith.constant 0 : i32
      %dma_start3A_356 = tpu.memref_slice %arg9[%dma_start3A_352, %dma_start3A_353, %dma_start3A_354, %dma_start3A_355] : memref<2x4x128x16xf32, #tpu.memory_space<vmem>> -> memref<1x1x128x16xf32, #tpu.memory_space<vmem>>
      %dma_start3A_357 = tpu.memref_squeeze %dma_start3A_356 : memref<1x1x128x16xf32, #tpu.memory_space<vmem>> -> memref<128x16xf32, #tpu.memory_space<vmem>>
      %dma_start3A_358 = arith.constant 0 : i32
      %dma_start3A_359 = tpu.memref_slice %arg7[%add3A_351, %dma_start3A_358] : memref<128x128xi32, #tpu.memory_space<vmem>> -> memref<1x128xi32, #tpu.memory_space<vmem>>
      %dma_start3A_360 = tpu.memref_squeeze %dma_start3A_359 : memref<1x128xi32, #tpu.memory_space<vmem>> -> memref<128xi32, #tpu.memory_space<vmem>>
      %dma_start3A_361 = arith.constant 0 : i32
      %dma_start3A_362 = arith.constant 0 : i32
      %dma_start3A_363 = tpu.memref_slice %arg2[%dma_start3A_361, %dma_start3A_362] : memref<10112x16xf32, #tpu.memory_space<hbm>> -> memref<10112x16xf32, #tpu.memory_space<hbm>>
      tpu.enqueue_indirect_dma source(%dma_start3A_363 : memref<10112x16xf32, #tpu.memory_space<hbm>>) target(%dma_start3A_357 : memref<128x16xf32, #tpu.memory_space<vmem>>) offsets(%dma_start3A_360 : memref<128xi32, #tpu.memory_space<vmem>>) semaphore(%arg11 : memref<!tpu.dma_semaphore, #tpu.memory_space<semaphore_mem>>)
      %add3A_364 = arith.constant 2 : i32
      %add3A_365 = arith.addi %add3A_335, %add3A_364 : i32
      %dma_start3A_366 = arith.constant 1 : i32
      %dma_start3A_367 = arith.constant 2 : i32
      %dma_start3A_368 = arith.constant 0 : i32
      %dma_start3A_369 = arith.constant 0 : i32
      %dma_start3A_370 = tpu.memref_slice %arg9[%dma_start3A_366, %dma_start3A_367, %dma_start3A_368, %dma_start3A_369] : memref<2x4x128x16xf32, #tpu.memory_space<vmem>> -> memref<1x1x128x16xf32, #tpu.memory_space<vmem>>
      %dma_start3A_371 = tpu.memref_squeeze %dma_start3A_370 : memref<1x1x128x16xf32, #tpu.memory_space<vmem>> -> memref<128x16xf32, #tpu.memory_space<vmem>>
      %dma_start3A_372 = arith.constant 0 : i32
      %dma_start3A_373 = tpu.memref_slice %arg7[%add3A_365, %dma_start3A_372] : memref<128x128xi32, #tpu.memory_space<vmem>> -> memref<1x128xi32, #tpu.memory_space<vmem>>
      %dma_start3A_374 = tpu.memref_squeeze %dma_start3A_373 : memref<1x128xi32, #tpu.memory_space<vmem>> -> memref<128xi32, #tpu.memory_space<vmem>>
      %dma_start3A_375 = arith.constant 0 : i32
      %dma_start3A_376 = arith.constant 0 : i32
      %dma_start3A_377 = tpu.memref_slice %arg2[%dma_start3A_375, %dma_start3A_376] : memref<10112x16xf32, #tpu.memory_space<hbm>> -> memref<10112x16xf32, #tpu.memory_space<hbm>>
      tpu.enqueue_indirect_dma source(%dma_start3A_377 : memref<10112x16xf32, #tpu.memory_space<hbm>>) target(%dma_start3A_371 : memref<128x16xf32, #tpu.memory_space<vmem>>) offsets(%dma_start3A_374 : memref<128xi32, #tpu.memory_space<vmem>>) semaphore(%arg11 : memref<!tpu.dma_semaphore, #tpu.memory_space<semaphore_mem>>)
      %add3A_378 = arith.constant 3 : i32
      %add3A_379 = arith.addi %add3A_335, %add3A_378 : i32
      %dma_start3A_380 = arith.constant 1 : i32
      %dma_start3A_381 = arith.constant 3 : i32
      %dma_start3A_382 = arith.constant 0 : i32
      %dma_start3A_383 = arith.constant 0 : i32
      %dma_start3A_384 = tpu.memref_slice %arg9[%dma_start3A_380, %dma_start3A_381, %dma_start3A_382, %dma_start3A_383] : memref<2x4x128x16xf32, #tpu.memory_space<vmem>> -> memref<1x1x128x16xf32, #tpu.memory_space<vmem>>
      %dma_start3A_385 = tpu.memref_squeeze %dma_start3A_384 : memref<1x1x128x16xf32, #tpu.memory_space<vmem>> -> memref<128x16xf32, #tpu.memory_space<vmem>>
      %dma_start3A_386 = arith.constant 0 : i32
      %dma_start3A_387 = tpu.memref_slice %arg7[%add3A_379, %dma_start3A_386] : memref<128x128xi32, #tpu.memory_space<vmem>> -> memref<1x128xi32, #tpu.memory_space<vmem>>
      %dma_start3A_388 = tpu.memref_squeeze %dma_start3A_387 : memref<1x128xi32, #tpu.memory_space<vmem>> -> memref<128xi32, #tpu.memory_space<vmem>>
      %dma_start3A_389 = arith.constant 0 : i32
      %dma_start3A_390 = arith.constant 0 : i32
      %dma_start3A_391 = tpu.memref_slice %arg2[%dma_start3A_389, %dma_start3A_390] : memref<10112x16xf32, #tpu.memory_space<hbm>> -> memref<10112x16xf32, #tpu.memory_space<hbm>>
      tpu.enqueue_indirect_dma source(%dma_start3A_391 : memref<10112x16xf32, #tpu.memory_space<hbm>>) target(%dma_start3A_385 : memref<128x16xf32, #tpu.memory_space<vmem>>) offsets(%dma_start3A_388 : memref<128xi32, #tpu.memory_space<vmem>>) semaphore(%arg11 : memref<!tpu.dma_semaphore, #tpu.memory_space<semaphore_mem>>)
      %dma_wait3A_392 = arith.constant 1 : i32
      %dma_wait3A_393 = arith.constant 0 : i32
      %dma_wait3A_394 = arith.constant 0 : i32
      %dma_wait3A_395 = arith.constant 0 : i32
      %dma_wait3A_396 = tpu.memref_slice %arg9[%dma_wait3A_392, %dma_wait3A_393, %dma_wait3A_394, %dma_wait3A_395] : memref<2x4x128x16xf32, #tpu.memory_space<vmem>> -> memref<1x1x128x16xf32, #tpu.memory_space<vmem>>
      %dma_wait3A_397 = tpu.memref_squeeze %dma_wait3A_396 : memref<1x1x128x16xf32, #tpu.memory_space<vmem>> -> memref<128x16xf32, #tpu.memory_space<vmem>>
      %dma_wait3A_398 = arith.constant 0 : i32
      %dma_wait3A_399 = tpu.memref_slice %arg7[%add3A_337, %dma_wait3A_398] : memref<128x128xi32, #tpu.memory_space<vmem>> -> memref<1x128xi32, #tpu.memory_space<vmem>>
      %dma_wait3A_400 = tpu.memref_squeeze %dma_wait3A_399 : memref<1x128xi32, #tpu.memory_space<vmem>> -> memref<128xi32, #tpu.memory_space<vmem>>
      %dma_wait3A_401 = arith.constant 0 : i32
      %dma_wait3A_402 = arith.constant 0 : i32
      %dma_wait3A_403 = tpu.memref_slice %arg2[%dma_wait3A_401, %dma_wait3A_402] : memref<10112x16xf32, #tpu.memory_space<hbm>> -> memref<10112x16xf32, #tpu.memory_space<hbm>>
      tpu.wait_indirect_dma semaphore(%arg11 : memref<!tpu.dma_semaphore, #tpu.memory_space<semaphore_mem>>) src(%dma_wait3A_403 : memref<10112x16xf32, #tpu.memory_space<hbm>>) dst(%dma_wait3A_397 : memref<128x16xf32, #tpu.memory_space<vmem>>)
      %dma_wait3A_404 = arith.constant 1 : i32
      %dma_wait3A_405 = arith.constant 1 : i32
      %dma_wait3A_406 = arith.constant 0 : i32
      %dma_wait3A_407 = arith.constant 0 : i32
      %dma_wait3A_408 = tpu.memref_slice %arg9[%dma_wait3A_404, %dma_wait3A_405, %dma_wait3A_406, %dma_wait3A_407] : memref<2x4x128x16xf32, #tpu.memory_space<vmem>> -> memref<1x1x128x16xf32, #tpu.memory_space<vmem>>
      %dma_wait3A_409 = tpu.memref_squeeze %dma_wait3A_408 : memref<1x1x128x16xf32, #tpu.memory_space<vmem>> -> memref<128x16xf32, #tpu.memory_space<vmem>>
      %dma_wait3A_410 = arith.constant 0 : i32
      %dma_wait3A_411 = tpu.memref_slice %arg7[%add3A_351, %dma_wait3A_410] : memref<128x128xi32, #tpu.memory_space<vmem>> -> memref<1x128xi32, #tpu.memory_space<vmem>>
      %dma_wait3A_412 = tpu.memref_squeeze %dma_wait3A_411 : memref<1x128xi32, #tpu.memory_space<vmem>> -> memref<128xi32, #tpu.memory_space<vmem>>
      %dma_wait3A_413 = arith.constant 0 : i32
      %dma_wait3A_414 = arith.constant 0 : i32
      %dma_wait3A_415 = tpu.memref_slice %arg2[%dma_wait3A_413, %dma_wait3A_414] : memref<10112x16xf32, #tpu.memory_space<hbm>> -> memref<10112x16xf32, #tpu.memory_space<hbm>>
      tpu.wait_indirect_dma semaphore(%arg11 : memref<!tpu.dma_semaphore, #tpu.memory_space<semaphore_mem>>) src(%dma_wait3A_415 : memref<10112x16xf32, #tpu.memory_space<hbm>>) dst(%dma_wait3A_409 : memref<128x16xf32, #tpu.memory_space<vmem>>)
      %dma_wait3A_416 = arith.constant 1 : i32
      %dma_wait3A_417 = arith.constant 2 : i32
      %dma_wait3A_418 = arith.constant 0 : i32
      %dma_wait3A_419 = arith.constant 0 : i32
      %dma_wait3A_420 = tpu.memref_slice %arg9[%dma_wait3A_416, %dma_wait3A_417, %dma_wait3A_418, %dma_wait3A_419] : memref<2x4x128x16xf32, #tpu.memory_space<vmem>> -> memref<1x1x128x16xf32, #tpu.memory_space<vmem>>
      %dma_wait3A_421 = tpu.memref_squeeze %dma_wait3A_420 : memref<1x1x128x16xf32, #tpu.memory_space<vmem>> -> memref<128x16xf32, #tpu.memory_space<vmem>>
      %dma_wait3A_422 = arith.constant 0 : i32
      %dma_wait3A_423 = tpu.memref_slice %arg7[%add3A_365, %dma_wait3A_422] : memref<128x128xi32, #tpu.memory_space<vmem>> -> memref<1x128xi32, #tpu.memory_space<vmem>>
      %dma_wait3A_424 = tpu.memref_squeeze %dma_wait3A_423 : memref<1x128xi32, #tpu.memory_space<vmem>> -> memref<128xi32, #tpu.memory_space<vmem>>
      %dma_wait3A_425 = arith.constant 0 : i32
      %dma_wait3A_426 = arith.constant 0 : i32
      %dma_wait3A_427 = tpu.memref_slice %arg2[%dma_wait3A_425, %dma_wait3A_426] : memref<10112x16xf32, #tpu.memory_space<hbm>> -> memref<10112x16xf32, #tpu.memory_space<hbm>>
      tpu.wait_indirect_dma semaphore(%arg11 : memref<!tpu.dma_semaphore, #tpu.memory_space<semaphore_mem>>) src(%dma_wait3A_427 : memref<10112x16xf32, #tpu.memory_space<hbm>>) dst(%dma_wait3A_421 : memref<128x16xf32, #tpu.memory_space<vmem>>)
      %dma_wait3A_428 = arith.constant 1 : i32
      %dma_wait3A_429 = arith.constant 3 : i32
      %dma_wait3A_430 = arith.constant 0 : i32
      %dma_wait3A_431 = arith.constant 0 : i32
      %dma_wait3A_432 = tpu.memref_slice %arg9[%dma_wait3A_428, %dma_wait3A_429, %dma_wait3A_430, %dma_wait3A_431] : memref<2x4x128x16xf32, #tpu.memory_space<vmem>> -> memref<1x1x128x16xf32, #tpu.memory_space<vmem>>
      %dma_wait3A_433 = tpu.memref_squeeze %dma_wait3A_432 : memref<1x1x128x16xf32, #tpu.memory_space<vmem>> -> memref<128x16xf32, #tpu.memory_space<vmem>>
      %dma_wait3A_434 = arith.constant 0 : i32
      %dma_wait3A_435 = tpu.memref_slice %arg7[%add3A_379, %dma_wait3A_434] : memref<128x128xi32, #tpu.memory_space<vmem>> -> memref<1x128xi32, #tpu.memory_space<vmem>>
      %dma_wait3A_436 = tpu.memref_squeeze %dma_wait3A_435 : memref<1x128xi32, #tpu.memory_space<vmem>> -> memref<128xi32, #tpu.memory_space<vmem>>
      %dma_wait3A_437 = arith.constant 0 : i32
      %dma_wait3A_438 = arith.constant 0 : i32
      %dma_wait3A_439 = tpu.memref_slice %arg2[%dma_wait3A_437, %dma_wait3A_438] : memref<10112x16xf32, #tpu.memory_space<hbm>> -> memref<10112x16xf32, #tpu.memory_space<hbm>>
      tpu.wait_indirect_dma semaphore(%arg11 : memref<!tpu.dma_semaphore, #tpu.memory_space<semaphore_mem>>) src(%dma_wait3A_439 : memref<10112x16xf32, #tpu.memory_space<hbm>>) dst(%dma_wait3A_433 : memref<128x16xf32, #tpu.memory_space<vmem>>)
      %add3A_440 = arith.constant 0 : i32
      %add3A_441 = arith.addi %add3A_335, %add3A_440 : i32
      %dma_start3A_442 = arith.constant 1 : i32
      %dma_start3A_443 = arith.constant 0 : i32
      %dma_start3A_444 = arith.constant 0 : i32
      %dma_start3A_445 = arith.constant 0 : i32
      %dma_start3A_446 = tpu.memref_slice %arg9[%dma_start3A_442, %dma_start3A_443, %dma_start3A_444, %dma_start3A_445] : memref<2x4x128x16xf32, #tpu.memory_space<vmem>> -> memref<1x1x128x16xf32, #tpu.memory_space<vmem>>
      %dma_start3A_447 = tpu.memref_squeeze %dma_start3A_446 : memref<1x1x128x16xf32, #tpu.memory_space<vmem>> -> memref<128x16xf32, #tpu.memory_space<vmem>>
      %dma_start3A_448 = arith.constant 0 : i32
      %dma_start3A_449 = tpu.memref_slice %arg8[%add3A_441, %dma_start3A_448] : memref<128x128xi32, #tpu.memory_space<vmem>> -> memref<1x128xi32, #tpu.memory_space<vmem>>
      %dma_start3A_450 = tpu.memref_squeeze %dma_start3A_449 : memref<1x128xi32, #tpu.memory_space<vmem>> -> memref<128xi32, #tpu.memory_space<vmem>>
      %dma_start3A_451 = arith.constant 0 : i32
      %dma_start3A_452 = arith.constant 0 : i32
      %dma_start3A_453 = tpu.memref_slice %arg14[%dma_start3A_451, %dma_start3A_452] : memref<10112x16xf32, #tpu.memory_space<vmem_shared>> -> memref<10112x16xf32, #tpu.memory_space<vmem_shared>>
      tpu.enqueue_indirect_dma source(%dma_start3A_447 : memref<128x16xf32, #tpu.memory_space<vmem>>) target(%dma_start3A_453 : memref<10112x16xf32, #tpu.memory_space<vmem_shared>>) offsets(%dma_start3A_450 : memref<128xi32, #tpu.memory_space<vmem>>) semaphore(%arg13 : memref<!tpu.dma_semaphore, #tpu.memory_space<semaphore_mem>>) {add = true}
      %add3A_454 = arith.constant 1 : i32
      %add3A_455 = arith.addi %add3A_335, %add3A_454 : i32
      %dma_start3A_456 = arith.constant 1 : i32
      %dma_start3A_457 = arith.constant 1 : i32
      %dma_start3A_458 = arith.constant 0 : i32
      %dma_start3A_459 = arith.constant 0 : i32
      %dma_start3A_460 = tpu.memref_slice %arg9[%dma_start3A_456, %dma_start3A_457, %dma_start3A_458, %dma_start3A_459] : memref<2x4x128x16xf32, #tpu.memory_space<vmem>> -> memref<1x1x128x16xf32, #tpu.memory_space<vmem>>
      %dma_start3A_461 = tpu.memref_squeeze %dma_start3A_460 : memref<1x1x128x16xf32, #tpu.memory_space<vmem>> -> memref<128x16xf32, #tpu.memory_space<vmem>>
      %dma_start3A_462 = arith.constant 0 : i32
      %dma_start3A_463 = tpu.memref_slice %arg8[%add3A_455, %dma_start3A_462] : memref<128x128xi32, #tpu.memory_space<vmem>> -> memref<1x128xi32, #tpu.memory_space<vmem>>
      %dma_start3A_464 = tpu.memref_squeeze %dma_start3A_463 : memref<1x128xi32, #tpu.memory_space<vmem>> -> memref<128xi32, #tpu.memory_space<vmem>>
      %dma_start3A_465 = arith.constant 0 : i32
      %dma_start3A_466 = arith.constant 0 : i32
      %dma_start3A_467 = tpu.memref_slice %arg14[%dma_start3A_465, %dma_start3A_466] : memref<10112x16xf32, #tpu.memory_space<vmem_shared>> -> memref<10112x16xf32, #tpu.memory_space<vmem_shared>>
      tpu.enqueue_indirect_dma source(%dma_start3A_461 : memref<128x16xf32, #tpu.memory_space<vmem>>) target(%dma_start3A_467 : memref<10112x16xf32, #tpu.memory_space<vmem_shared>>) offsets(%dma_start3A_464 : memref<128xi32, #tpu.memory_space<vmem>>) semaphore(%arg13 : memref<!tpu.dma_semaphore, #tpu.memory_space<semaphore_mem>>) {add = true}
      %add3A_468 = arith.constant 2 : i32
      %add3A_469 = arith.addi %add3A_335, %add3A_468 : i32
      %dma_start3A_470 = arith.constant 1 : i32
      %dma_start3A_471 = arith.constant 2 : i32
      %dma_start3A_472 = arith.constant 0 : i32
      %dma_start3A_473 = arith.constant 0 : i32
      %dma_start3A_474 = tpu.memref_slice %arg9[%dma_start3A_470, %dma_start3A_471, %dma_start3A_472, %dma_start3A_473] : memref<2x4x128x16xf32, #tpu.memory_space<vmem>> -> memref<1x1x128x16xf32, #tpu.memory_space<vmem>>
      %dma_start3A_475 = tpu.memref_squeeze %dma_start3A_474 : memref<1x1x128x16xf32, #tpu.memory_space<vmem>> -> memref<128x16xf32, #tpu.memory_space<vmem>>
      %dma_start3A_476 = arith.constant 0 : i32
      %dma_start3A_477 = tpu.memref_slice %arg8[%add3A_469, %dma_start3A_476] : memref<128x128xi32, #tpu.memory_space<vmem>> -> memref<1x128xi32, #tpu.memory_space<vmem>>
      %dma_start3A_478 = tpu.memref_squeeze %dma_start3A_477 : memref<1x128xi32, #tpu.memory_space<vmem>> -> memref<128xi32, #tpu.memory_space<vmem>>
      %dma_start3A_479 = arith.constant 0 : i32
      %dma_start3A_480 = arith.constant 0 : i32
      %dma_start3A_481 = tpu.memref_slice %arg14[%dma_start3A_479, %dma_start3A_480] : memref<10112x16xf32, #tpu.memory_space<vmem_shared>> -> memref<10112x16xf32, #tpu.memory_space<vmem_shared>>
      tpu.enqueue_indirect_dma source(%dma_start3A_475 : memref<128x16xf32, #tpu.memory_space<vmem>>) target(%dma_start3A_481 : memref<10112x16xf32, #tpu.memory_space<vmem_shared>>) offsets(%dma_start3A_478 : memref<128xi32, #tpu.memory_space<vmem>>) semaphore(%arg13 : memref<!tpu.dma_semaphore, #tpu.memory_space<semaphore_mem>>) {add = true}
      %add3A_482 = arith.constant 3 : i32
      %add3A_483 = arith.addi %add3A_335, %add3A_482 : i32
      %dma_start3A_484 = arith.constant 1 : i32
      %dma_start3A_485 = arith.constant 3 : i32
      %dma_start3A_486 = arith.constant 0 : i32
      %dma_start3A_487 = arith.constant 0 : i32
      %dma_start3A_488 = tpu.memref_slice %arg9[%dma_start3A_484, %dma_start3A_485, %dma_start3A_486, %dma_start3A_487] : memref<2x4x128x16xf32, #tpu.memory_space<vmem>> -> memref<1x1x128x16xf32, #tpu.memory_space<vmem>>
      %dma_start3A_489 = tpu.memref_squeeze %dma_start3A_488 : memref<1x1x128x16xf32, #tpu.memory_space<vmem>> -> memref<128x16xf32, #tpu.memory_space<vmem>>
      %dma_start3A_490 = arith.constant 0 : i32
      %dma_start3A_491 = tpu.memref_slice %arg8[%add3A_483, %dma_start3A_490] : memref<128x128xi32, #tpu.memory_space<vmem>> -> memref<1x128xi32, #tpu.memory_space<vmem>>
      %dma_start3A_492 = tpu.memref_squeeze %dma_start3A_491 : memref<1x128xi32, #tpu.memory_space<vmem>> -> memref<128xi32, #tpu.memory_space<vmem>>
      %dma_start3A_493 = arith.constant 0 : i32
      %dma_start3A_494 = arith.constant 0 : i32
      %dma_start3A_495 = tpu.memref_slice %arg14[%dma_start3A_493, %dma_start3A_494] : memref<10112x16xf32, #tpu.memory_space<vmem_shared>> -> memref<10112x16xf32, #tpu.memory_space<vmem_shared>>
      tpu.enqueue_indirect_dma source(%dma_start3A_489 : memref<128x16xf32, #tpu.memory_space<vmem>>) target(%dma_start3A_495 : memref<10112x16xf32, #tpu.memory_space<vmem_shared>>) offsets(%dma_start3A_492 : memref<128xi32, #tpu.memory_space<vmem>>) semaphore(%arg13 : memref<!tpu.dma_semaphore, #tpu.memory_space<semaphore_mem>>) {add = true}
    }
    %while3A_39 = arith.constant 1 : i32
    scf.for %while3A_163 = %while3A_37 to %while3A_33 step %while3A_39  : i32 {
      %mul3A_164 = arith.constant 2 : i32
      %mul3A_165 = arith.muli %while3A_163, %mul3A_164 : i32
      %mul3A_166 = arith.constant 4 : i32
      %mul3A_167 = arith.muli %mul3A_165, %mul3A_166 : i32
      %gt3A = arith.constant 0 : i32
      %gt3A_168 = arith.cmpi sgt, %while3A_163, %gt3A : i32
      %convert_element_type3A = arith.extui %gt3A_168 : i1 to i32
      %cond3A = arith.constant 0 : i32
      %cond3A_169 = arith.cmpi ne, %convert_element_type3A, %cond3A : i32
      scf.if %cond3A_169 {
        %sub3A_496 = arith.constant 8 : i32
        %sub3A_497 = arith.subi %mul3A_167, %sub3A_496 : i32
        %add3A_498 = arith.constant 0 : i32
        %add3A_499 = arith.addi %sub3A_497, %add3A_498 : i32
        %dma_wait3A_500 = arith.constant 0 : i32
        %dma_wait3A_501 = arith.constant 0 : i32
        %dma_wait3A_502 = arith.constant 0 : i32
        %dma_wait3A_503 = arith.constant 0 : i32
        %dma_wait3A_504 = tpu.memref_slice %arg9[%dma_wait3A_500, %dma_wait3A_501, %dma_wait3A_502, %dma_wait3A_503] : memref<2x4x128x16xf32, #tpu.memory_space<vmem>> -> memref<1x1x128x16xf32, #tpu.memory_space<vmem>>
        %dma_wait3A_505 = tpu.memref_squeeze %dma_wait3A_504 : memref<1x1x128x16xf32, #tpu.memory_space<vmem>> -> memref<128x16xf32, #tpu.memory_space<vmem>>
        %dma_wait3A_506 = arith.constant 0 : i32
        %dma_wait3A_507 = tpu.memref_slice %arg8[%add3A_499, %dma_wait3A_506] : memref<128x128xi32, #tpu.memory_space<vmem>> -> memref<1x128xi32, #tpu.memory_space<vmem>>
        %dma_wait3A_508 = tpu.memref_squeeze %dma_wait3A_507 : memref<1x128xi32, #tpu.memory_space<vmem>> -> memref<128xi32, #tpu.memory_space<vmem>>
        %dma_wait3A_509 = arith.constant 0 : i32
        %dma_wait3A_510 = arith.constant 0 : i32
        %dma_wait3A_511 = tpu.memref_slice %arg14[%dma_wait3A_509, %dma_wait3A_510] : memref<10112x16xf32, #tpu.memory_space<vmem_shared>> -> memref<10112x16xf32, #tpu.memory_space<vmem_shared>>
        tpu.wait_indirect_dma semaphore(%arg12 : memref<!tpu.dma_semaphore, #tpu.memory_space<semaphore_mem>>) src(%dma_wait3A_505 : memref<128x16xf32, #tpu.memory_space<vmem>>) dst(%dma_wait3A_511 : memref<10112x16xf32, #tpu.memory_space<vmem_shared>>)
        %add3A_512 = arith.constant 1 : i32
        %add3A_513 = arith.addi %sub3A_497, %add3A_512 : i32
        %dma_wait3A_514 = arith.constant 0 : i32
        %dma_wait3A_515 = arith.constant 1 : i32
        %dma_wait3A_516 = arith.constant 0 : i32
        %dma_wait3A_517 = arith.constant 0 : i32
        %dma_wait3A_518 = tpu.memref_slice %arg9[%dma_wait3A_514, %dma_wait3A_515, %dma_wait3A_516, %dma_wait3A_517] : memref<2x4x128x16xf32, #tpu.memory_space<vmem>> -> memref<1x1x128x16xf32, #tpu.memory_space<vmem>>
        %dma_wait3A_519 = tpu.memref_squeeze %dma_wait3A_518 : memref<1x1x128x16xf32, #tpu.memory_space<vmem>> -> memref<128x16xf32, #tpu.memory_space<vmem>>
        %dma_wait3A_520 = arith.constant 0 : i32
        %dma_wait3A_521 = tpu.memref_slice %arg8[%add3A_513, %dma_wait3A_520] : memref<128x128xi32, #tpu.memory_space<vmem>> -> memref<1x128xi32, #tpu.memory_space<vmem>>
        %dma_wait3A_522 = tpu.memref_squeeze %dma_wait3A_521 : memref<1x128xi32, #tpu.memory_space<vmem>> -> memref<128xi32, #tpu.memory_space<vmem>>
        %dma_wait3A_523 = arith.constant 0 : i32
        %dma_wait3A_524 = arith.constant 0 : i32
        %dma_wait3A_525 = tpu.memref_slice %arg14[%dma_wait3A_523, %dma_wait3A_524] : memref<10112x16xf32, #tpu.memory_space<vmem_shared>> -> memref<10112x16xf32, #tpu.memory_space<vmem_shared>>
        tpu.wait_indirect_dma semaphore(%arg12 : memref<!tpu.dma_semaphore, #tpu.memory_space<semaphore_mem>>) src(%dma_wait3A_519 : memref<128x16xf32, #tpu.memory_space<vmem>>) dst(%dma_wait3A_525 : memref<10112x16xf32, #tpu.memory_space<vmem_shared>>)
        %add3A_526 = arith.constant 2 : i32
        %add3A_527 = arith.addi %sub3A_497, %add3A_526 : i32
        %dma_wait3A_528 = arith.constant 0 : i32
        %dma_wait3A_529 = arith.constant 2 : i32
        %dma_wait3A_530 = arith.constant 0 : i32
        %dma_wait3A_531 = arith.constant 0 : i32
        %dma_wait3A_532 = tpu.memref_slice %arg9[%dma_wait3A_528, %dma_wait3A_529, %dma_wait3A_530, %dma_wait3A_531] : memref<2x4x128x16xf32, #tpu.memory_space<vmem>> -> memref<1x1x128x16xf32, #tpu.memory_space<vmem>>
        %dma_wait3A_533 = tpu.memref_squeeze %dma_wait3A_532 : memref<1x1x128x16xf32, #tpu.memory_space<vmem>> -> memref<128x16xf32, #tpu.memory_space<vmem>>
        %dma_wait3A_534 = arith.constant 0 : i32
        %dma_wait3A_535 = tpu.memref_slice %arg8[%add3A_527, %dma_wait3A_534] : memref<128x128xi32, #tpu.memory_space<vmem>> -> memref<1x128xi32, #tpu.memory_space<vmem>>
        %dma_wait3A_536 = tpu.memref_squeeze %dma_wait3A_535 : memref<1x128xi32, #tpu.memory_space<vmem>> -> memref<128xi32, #tpu.memory_space<vmem>>
        %dma_wait3A_537 = arith.constant 0 : i32
        %dma_wait3A_538 = arith.constant 0 : i32
        %dma_wait3A_539 = tpu.memref_slice %arg14[%dma_wait3A_537, %dma_wait3A_538] : memref<10112x16xf32, #tpu.memory_space<vmem_shared>> -> memref<10112x16xf32, #tpu.memory_space<vmem_shared>>
        tpu.wait_indirect_dma semaphore(%arg12 : memref<!tpu.dma_semaphore, #tpu.memory_space<semaphore_mem>>) src(%dma_wait3A_533 : memref<128x16xf32, #tpu.memory_space<vmem>>) dst(%dma_wait3A_539 : memref<10112x16xf32, #tpu.memory_space<vmem_shared>>)
        %add3A_540 = arith.constant 3 : i32
        %add3A_541 = arith.addi %sub3A_497, %add3A_540 : i32
        %dma_wait3A_542 = arith.constant 0 : i32
        %dma_wait3A_543 = arith.constant 3 : i32
        %dma_wait3A_544 = arith.constant 0 : i32
        %dma_wait3A_545 = arith.constant 0 : i32
        %dma_wait3A_546 = tpu.memref_slice %arg9[%dma_wait3A_542, %dma_wait3A_543, %dma_wait3A_544, %dma_wait3A_545] : memref<2x4x128x16xf32, #tpu.memory_space<vmem>> -> memref<1x1x128x16xf32, #tpu.memory_space<vmem>>
        %dma_wait3A_547 = tpu.memref_squeeze %dma_wait3A_546 : memref<1x1x128x16xf32, #tpu.memory_space<vmem>> -> memref<128x16xf32, #tpu.memory_space<vmem>>
        %dma_wait3A_548 = arith.constant 0 : i32
        %dma_wait3A_549 = tpu.memref_slice %arg8[%add3A_541, %dma_wait3A_548] : memref<128x128xi32, #tpu.memory_space<vmem>> -> memref<1x128xi32, #tpu.memory_space<vmem>>
        %dma_wait3A_550 = tpu.memref_squeeze %dma_wait3A_549 : memref<1x128xi32, #tpu.memory_space<vmem>> -> memref<128xi32, #tpu.memory_space<vmem>>
        %dma_wait3A_551 = arith.constant 0 : i32
        %dma_wait3A_552 = arith.constant 0 : i32
        %dma_wait3A_553 = tpu.memref_slice %arg14[%dma_wait3A_551, %dma_wait3A_552] : memref<10112x16xf32, #tpu.memory_space<vmem_shared>> -> memref<10112x16xf32, #tpu.memory_space<vmem_shared>>
        tpu.wait_indirect_dma semaphore(%arg12 : memref<!tpu.dma_semaphore, #tpu.memory_space<semaphore_mem>>) src(%dma_wait3A_547 : memref<128x16xf32, #tpu.memory_space<vmem>>) dst(%dma_wait3A_553 : memref<10112x16xf32, #tpu.memory_space<vmem_shared>>)
      } else {
      }
      %add3A_170 = arith.constant 0 : i32
      %add3A_171 = arith.addi %mul3A_167, %add3A_170 : i32
      %dma_start3A = arith.constant 0 : i32
      %dma_start3A_172 = arith.constant 0 : i32
      %dma_start3A_173 = arith.constant 0 : i32
      %dma_start3A_174 = arith.constant 0 : i32
      %dma_start3A_175 = tpu.memref_slice %arg9[%dma_start3A, %dma_start3A_172, %dma_start3A_173, %dma_start3A_174] : memref<2x4x128x16xf32, #tpu.memory_space<vmem>> -> memref<1x1x128x16xf32, #tpu.memory_space<vmem>>
      %dma_start3A_176 = tpu.memref_squeeze %dma_start3A_175 : memref<1x1x128x16xf32, #tpu.memory_space<vmem>> -> memref<128x16xf32, #tpu.memory_space<vmem>>
      %dma_start3A_177 = arith.constant 0 : i32
      %dma_start3A_178 = tpu.memref_slice %arg7[%add3A_171, %dma_start3A_177] : memref<128x128xi32, #tpu.memory_space<vmem>> -> memref<1x128xi32, #tpu.memory_space<vmem>>
      %dma_start3A_179 = tpu.memref_squeeze %dma_start3A_178 : memref<1x128xi32, #tpu.memory_space<vmem>> -> memref<128xi32, #tpu.memory_space<vmem>>
      %dma_start3A_180 = arith.constant 0 : i32
      %dma_start3A_181 = arith.constant 0 : i32
      %dma_start3A_182 = tpu.memref_slice %arg2[%dma_start3A_180, %dma_start3A_181] : memref<10112x16xf32, #tpu.memory_space<hbm>> -> memref<10112x16xf32, #tpu.memory_space<hbm>>
      tpu.enqueue_indirect_dma source(%dma_start3A_182 : memref<10112x16xf32, #tpu.memory_space<hbm>>) target(%dma_start3A_176 : memref<128x16xf32, #tpu.memory_space<vmem>>) offsets(%dma_start3A_179 : memref<128xi32, #tpu.memory_space<vmem>>) semaphore(%arg11 : memref<!tpu.dma_semaphore, #tpu.memory_space<semaphore_mem>>)
      %add3A_183 = arith.constant 1 : i32
      %add3A_184 = arith.addi %mul3A_167, %add3A_183 : i32
      %dma_start3A_185 = arith.constant 0 : i32
      %dma_start3A_186 = arith.constant 1 : i32
      %dma_start3A_187 = arith.constant 0 : i32
      %dma_start3A_188 = arith.constant 0 : i32
      %dma_start3A_189 = tpu.memref_slice %arg9[%dma_start3A_185, %dma_start3A_186, %dma_start3A_187, %dma_start3A_188] : memref<2x4x128x16xf32, #tpu.memory_space<vmem>> -> memref<1x1x128x16xf32, #tpu.memory_space<vmem>>
      %dma_start3A_190 = tpu.memref_squeeze %dma_start3A_189 : memref<1x1x128x16xf32, #tpu.memory_space<vmem>> -> memref<128x16xf32, #tpu.memory_space<vmem>>
      %dma_start3A_191 = arith.constant 0 : i32
      %dma_start3A_192 = tpu.memref_slice %arg7[%add3A_184, %dma_start3A_191] : memref<128x128xi32, #tpu.memory_space<vmem>> -> memref<1x128xi32, #tpu.memory_space<vmem>>
      %dma_start3A_193 = tpu.memref_squeeze %dma_start3A_192 : memref<1x128xi32, #tpu.memory_space<vmem>> -> memref<128xi32, #tpu.memory_space<vmem>>
      %dma_start3A_194 = arith.constant 0 : i32
      %dma_start3A_195 = arith.constant 0 : i32
      %dma_start3A_196 = tpu.memref_slice %arg2[%dma_start3A_194, %dma_start3A_195] : memref<10112x16xf32, #tpu.memory_space<hbm>> -> memref<10112x16xf32, #tpu.memory_space<hbm>>
      tpu.enqueue_indirect_dma source(%dma_start3A_196 : memref<10112x16xf32, #tpu.memory_space<hbm>>) target(%dma_start3A_190 : memref<128x16xf32, #tpu.memory_space<vmem>>) offsets(%dma_start3A_193 : memref<128xi32, #tpu.memory_space<vmem>>) semaphore(%arg11 : memref<!tpu.dma_semaphore, #tpu.memory_space<semaphore_mem>>)
      %add3A_197 = arith.constant 2 : i32
      %add3A_198 = arith.addi %mul3A_167, %add3A_197 : i32
      %dma_start3A_199 = arith.constant 0 : i32
      %dma_start3A_200 = arith.constant 2 : i32
      %dma_start3A_201 = arith.constant 0 : i32
      %dma_start3A_202 = arith.constant 0 : i32
      %dma_start3A_203 = tpu.memref_slice %arg9[%dma_start3A_199, %dma_start3A_200, %dma_start3A_201, %dma_start3A_202] : memref<2x4x128x16xf32, #tpu.memory_space<vmem>> -> memref<1x1x128x16xf32, #tpu.memory_space<vmem>>
      %dma_start3A_204 = tpu.memref_squeeze %dma_start3A_203 : memref<1x1x128x16xf32, #tpu.memory_space<vmem>> -> memref<128x16xf32, #tpu.memory_space<vmem>>
      %dma_start3A_205 = arith.constant 0 : i32
      %dma_start3A_206 = tpu.memref_slice %arg7[%add3A_198, %dma_start3A_205] : memref<128x128xi32, #tpu.memory_space<vmem>> -> memref<1x128xi32, #tpu.memory_space<vmem>>
      %dma_start3A_207 = tpu.memref_squeeze %dma_start3A_206 : memref<1x128xi32, #tpu.memory_space<vmem>> -> memref<128xi32, #tpu.memory_space<vmem>>
      %dma_start3A_208 = arith.constant 0 : i32
      %dma_start3A_209 = arith.constant 0 : i32
      %dma_start3A_210 = tpu.memref_slice %arg2[%dma_start3A_208, %dma_start3A_209] : memref<10112x16xf32, #tpu.memory_space<hbm>> -> memref<10112x16xf32, #tpu.memory_space<hbm>>
      tpu.enqueue_indirect_dma source(%dma_start3A_210 : memref<10112x16xf32, #tpu.memory_space<hbm>>) target(%dma_start3A_204 : memref<128x16xf32, #tpu.memory_space<vmem>>) offsets(%dma_start3A_207 : memref<128xi32, #tpu.memory_space<vmem>>) semaphore(%arg11 : memref<!tpu.dma_semaphore, #tpu.memory_space<semaphore_mem>>)
      %add3A_211 = arith.constant 3 : i32
      %add3A_212 = arith.addi %mul3A_167, %add3A_211 : i32
      %dma_start3A_213 = arith.constant 0 : i32
      %dma_start3A_214 = arith.constant 3 : i32
      %dma_start3A_215 = arith.constant 0 : i32
      %dma_start3A_216 = arith.constant 0 : i32
      %dma_start3A_217 = tpu.memref_slice %arg9[%dma_start3A_213, %dma_start3A_214, %dma_start3A_215, %dma_start3A_216] : memref<2x4x128x16xf32, #tpu.memory_space<vmem>> -> memref<1x1x128x16xf32, #tpu.memory_space<vmem>>
      %dma_start3A_218 = tpu.memref_squeeze %dma_start3A_217 : memref<1x1x128x16xf32, #tpu.memory_space<vmem>> -> memref<128x16xf32, #tpu.memory_space<vmem>>
      %dma_start3A_219 = arith.constant 0 : i32
      %dma_start3A_220 = tpu.memref_slice %arg7[%add3A_212, %dma_start3A_219] : memref<128x128xi32, #tpu.memory_space<vmem>> -> memref<1x128xi32, #tpu.memory_space<vmem>>
      %dma_start3A_221 = tpu.memref_squeeze %dma_start3A_220 : memref<1x128xi32, #tpu.memory_space<vmem>> -> memref<128xi32, #tpu.memory_space<vmem>>
      %dma_start3A_222 = arith.constant 0 : i32
      %dma_start3A_223 = arith.constant 0 : i32
      %dma_start3A_224 = tpu.memref_slice %arg2[%dma_start3A_222, %dma_start3A_223] : memref<10112x16xf32, #tpu.memory_space<hbm>> -> memref<10112x16xf32, #tpu.memory_space<hbm>>
      tpu.enqueue_indirect_dma source(%dma_start3A_224 : memref<10112x16xf32, #tpu.memory_space<hbm>>) target(%dma_start3A_218 : memref<128x16xf32, #tpu.memory_space<vmem>>) offsets(%dma_start3A_221 : memref<128xi32, #tpu.memory_space<vmem>>) semaphore(%arg11 : memref<!tpu.dma_semaphore, #tpu.memory_space<semaphore_mem>>)
      %dma_wait3A_225 = arith.constant 0 : i32
      %dma_wait3A_226 = arith.constant 0 : i32
      %dma_wait3A_227 = arith.constant 0 : i32
      %dma_wait3A_228 = arith.constant 0 : i32
      %dma_wait3A_229 = tpu.memref_slice %arg9[%dma_wait3A_225, %dma_wait3A_226, %dma_wait3A_227, %dma_wait3A_228] : memref<2x4x128x16xf32, #tpu.memory_space<vmem>> -> memref<1x1x128x16xf32, #tpu.memory_space<vmem>>
      %dma_wait3A_230 = tpu.memref_squeeze %dma_wait3A_229 : memref<1x1x128x16xf32, #tpu.memory_space<vmem>> -> memref<128x16xf32, #tpu.memory_space<vmem>>
      %dma_wait3A_231 = arith.constant 0 : i32
      %dma_wait3A_232 = tpu.memref_slice %arg7[%add3A_171, %dma_wait3A_231] : memref<128x128xi32, #tpu.memory_space<vmem>> -> memref<1x128xi32, #tpu.memory_space<vmem>>
      %dma_wait3A_233 = tpu.memref_squeeze %dma_wait3A_232 : memref<1x128xi32, #tpu.memory_space<vmem>> -> memref<128xi32, #tpu.memory_space<vmem>>
      %dma_wait3A_234 = arith.constant 0 : i32
      %dma_wait3A_235 = arith.constant 0 : i32
      %dma_wait3A_236 = tpu.memref_slice %arg2[%dma_wait3A_234, %dma_wait3A_235] : memref<10112x16xf32, #tpu.memory_space<hbm>> -> memref<10112x16xf32, #tpu.memory_space<hbm>>
      tpu.wait_indirect_dma semaphore(%arg11 : memref<!tpu.dma_semaphore, #tpu.memory_space<semaphore_mem>>) src(%dma_wait3A_236 : memref<10112x16xf32, #tpu.memory_space<hbm>>) dst(%dma_wait3A_230 : memref<128x16xf32, #tpu.memory_space<vmem>>)
      %dma_wait3A_237 = arith.constant 0 : i32
      %dma_wait3A_238 = arith.constant 1 : i32
      %dma_wait3A_239 = arith.constant 0 : i32
      %dma_wait3A_240 = arith.constant 0 : i32
      %dma_wait3A_241 = tpu.memref_slice %arg9[%dma_wait3A_237, %dma_wait3A_238, %dma_wait3A_239, %dma_wait3A_240] : memref<2x4x128x16xf32, #tpu.memory_space<vmem>> -> memref<1x1x128x16xf32, #tpu.memory_space<vmem>>
      %dma_wait3A_242 = tpu.memref_squeeze %dma_wait3A_241 : memref<1x1x128x16xf32, #tpu.memory_space<vmem>> -> memref<128x16xf32, #tpu.memory_space<vmem>>
      %dma_wait3A_243 = arith.constant 0 : i32
      %dma_wait3A_244 = tpu.memref_slice %arg7[%add3A_184, %dma_wait3A_243] : memref<128x128xi32, #tpu.memory_space<vmem>> -> memref<1x128xi32, #tpu.memory_space<vmem>>
      %dma_wait3A_245 = tpu.memref_squeeze %dma_wait3A_244 : memref<1x128xi32, #tpu.memory_space<vmem>> -> memref<128xi32, #tpu.memory_space<vmem>>
      %dma_wait3A_246 = arith.constant 0 : i32
      %dma_wait3A_247 = arith.constant 0 : i32
      %dma_wait3A_248 = tpu.memref_slice %arg2[%dma_wait3A_246, %dma_wait3A_247] : memref<10112x16xf32, #tpu.memory_space<hbm>> -> memref<10112x16xf32, #tpu.memory_space<hbm>>
      tpu.wait_indirect_dma semaphore(%arg11 : memref<!tpu.dma_semaphore, #tpu.memory_space<semaphore_mem>>) src(%dma_wait3A_248 : memref<10112x16xf32, #tpu.memory_space<hbm>>) dst(%dma_wait3A_242 : memref<128x16xf32, #tpu.memory_space<vmem>>)
      %dma_wait3A_249 = arith.constant 0 : i32
      %dma_wait3A_250 = arith.constant 2 : i32
      %dma_wait3A_251 = arith.constant 0 : i32
      %dma_wait3A_252 = arith.constant 0 : i32
      %dma_wait3A_253 = tpu.memref_slice %arg9[%dma_wait3A_249, %dma_wait3A_250, %dma_wait3A_251, %dma_wait3A_252] : memref<2x4x128x16xf32, #tpu.memory_space<vmem>> -> memref<1x1x128x16xf32, #tpu.memory_space<vmem>>
      %dma_wait3A_254 = tpu.memref_squeeze %dma_wait3A_253 : memref<1x1x128x16xf32, #tpu.memory_space<vmem>> -> memref<128x16xf32, #tpu.memory_space<vmem>>
      %dma_wait3A_255 = arith.constant 0 : i32
      %dma_wait3A_256 = tpu.memref_slice %arg7[%add3A_198, %dma_wait3A_255] : memref<128x128xi32, #tpu.memory_space<vmem>> -> memref<1x128xi32, #tpu.memory_space<vmem>>
      %dma_wait3A_257 = tpu.memref_squeeze %dma_wait3A_256 : memref<1x128xi32, #tpu.memory_space<vmem>> -> memref<128xi32, #tpu.memory_space<vmem>>
      %dma_wait3A_258 = arith.constant 0 : i32
      %dma_wait3A_259 = arith.constant 0 : i32
      %dma_wait3A_260 = tpu.memref_slice %arg2[%dma_wait3A_258, %dma_wait3A_259] : memref<10112x16xf32, #tpu.memory_space<hbm>> -> memref<10112x16xf32, #tpu.memory_space<hbm>>
      tpu.wait_indirect_dma semaphore(%arg11 : memref<!tpu.dma_semaphore, #tpu.memory_space<semaphore_mem>>) src(%dma_wait3A_260 : memref<10112x16xf32, #tpu.memory_space<hbm>>) dst(%dma_wait3A_254 : memref<128x16xf32, #tpu.memory_space<vmem>>)
      %dma_wait3A_261 = arith.constant 0 : i32
      %dma_wait3A_262 = arith.constant 3 : i32
      %dma_wait3A_263 = arith.constant 0 : i32
      %dma_wait3A_264 = arith.constant 0 : i32
      %dma_wait3A_265 = tpu.memref_slice %arg9[%dma_wait3A_261, %dma_wait3A_262, %dma_wait3A_263, %dma_wait3A_264] : memref<2x4x128x16xf32, #tpu.memory_space<vmem>> -> memref<1x1x128x16xf32, #tpu.memory_space<vmem>>
      %dma_wait3A_266 = tpu.memref_squeeze %dma_wait3A_265 : memref<1x1x128x16xf32, #tpu.memory_space<vmem>> -> memref<128x16xf32, #tpu.memory_space<vmem>>
      %dma_wait3A_267 = arith.constant 0 : i32
      %dma_wait3A_268 = tpu.memref_slice %arg7[%add3A_212, %dma_wait3A_267] : memref<128x128xi32, #tpu.memory_space<vmem>> -> memref<1x128xi32, #tpu.memory_space<vmem>>
      %dma_wait3A_269 = tpu.memref_squeeze %dma_wait3A_268 : memref<1x128xi32, #tpu.memory_space<vmem>> -> memref<128xi32, #tpu.memory_space<vmem>>
      %dma_wait3A_270 = arith.constant 0 : i32
      %dma_wait3A_271 = arith.constant 0 : i32
      %dma_wait3A_272 = tpu.memref_slice %arg2[%dma_wait3A_270, %dma_wait3A_271] : memref<10112x16xf32, #tpu.memory_space<hbm>> -> memref<10112x16xf32, #tpu.memory_space<hbm>>
      tpu.wait_indirect_dma semaphore(%arg11 : memref<!tpu.dma_semaphore, #tpu.memory_space<semaphore_mem>>) src(%dma_wait3A_272 : memref<10112x16xf32, #tpu.memory_space<hbm>>) dst(%dma_wait3A_266 : memref<128x16xf32, #tpu.memory_space<vmem>>)
      %add3A_273 = arith.constant 0 : i32
      %add3A_274 = arith.addi %mul3A_167, %add3A_273 : i32
      %dma_start3A_275 = arith.constant 0 : i32
      %dma_start3A_276 = arith.constant 0 : i32
      %dma_start3A_277 = arith.constant 0 : i32
      %dma_start3A_278 = arith.constant 0 : i32
      %dma_start3A_279 = tpu.memref_slice %arg9[%dma_start3A_275, %dma_start3A_276, %dma_start3A_277, %dma_start3A_278] : memref<2x4x128x16xf32, #tpu.memory_space<vmem>> -> memref<1x1x128x16xf32, #tpu.memory_space<vmem>>
      %dma_start3A_280 = tpu.memref_squeeze %dma_start3A_279 : memref<1x1x128x16xf32, #tpu.memory_space<vmem>> -> memref<128x16xf32, #tpu.memory_space<vmem>>
      %dma_start3A_281 = arith.constant 0 : i32
      %dma_start3A_282 = tpu.memref_slice %arg8[%add3A_274, %dma_start3A_281] : memref<128x128xi32, #tpu.memory_space<vmem>> -> memref<1x128xi32, #tpu.memory_space<vmem>>
      %dma_start3A_283 = tpu.memref_squeeze %dma_start3A_282 : memref<1x128xi32, #tpu.memory_space<vmem>> -> memref<128xi32, #tpu.memory_space<vmem>>
      %dma_start3A_284 = arith.constant 0 : i32
      %dma_start3A_285 = arith.constant 0 : i32
      %dma_start3A_286 = tpu.memref_slice %arg14[%dma_start3A_284, %dma_start3A_285] : memref<10112x16xf32, #tpu.memory_space<vmem_shared>> -> memref<10112x16xf32, #tpu.memory_space<vmem_shared>>
      tpu.enqueue_indirect_dma source(%dma_start3A_280 : memref<128x16xf32, #tpu.memory_space<vmem>>) target(%dma_start3A_286 : memref<10112x16xf32, #tpu.memory_space<vmem_shared>>) offsets(%dma_start3A_283 : memref<128xi32, #tpu.memory_space<vmem>>) semaphore(%arg12 : memref<!tpu.dma_semaphore, #tpu.memory_space<semaphore_mem>>) {add = true}
      %add3A_287 = arith.constant 1 : i32
      %add3A_288 = arith.addi %mul3A_167, %add3A_287 : i32
      %dma_start3A_289 = arith.constant 0 : i32
      %dma_start3A_290 = arith.constant 1 : i32
      %dma_start3A_291 = arith.constant 0 : i32
      %dma_start3A_292 = arith.constant 0 : i32
      %dma_start3A_293 = tpu.memref_slice %arg9[%dma_start3A_289, %dma_start3A_290, %dma_start3A_291, %dma_start3A_292] : memref<2x4x128x16xf32, #tpu.memory_space<vmem>> -> memref<1x1x128x16xf32, #tpu.memory_space<vmem>>
      %dma_start3A_294 = tpu.memref_squeeze %dma_start3A_293 : memref<1x1x128x16xf32, #tpu.memory_space<vmem>> -> memref<128x16xf32, #tpu.memory_space<vmem>>
      %dma_start3A_295 = arith.constant 0 : i32
      %dma_start3A_296 = tpu.memref_slice %arg8[%add3A_288, %dma_start3A_295] : memref<128x128xi32, #tpu.memory_space<vmem>> -> memref<1x128xi32, #tpu.memory_space<vmem>>
      %dma_start3A_297 = tpu.memref_squeeze %dma_start3A_296 : memref<1x128xi32, #tpu.memory_space<vmem>> -> memref<128xi32, #tpu.memory_space<vmem>>
      %dma_start3A_298 = arith.constant 0 : i32
      %dma_start3A_299 = arith.constant 0 : i32
      %dma_start3A_300 = tpu.memref_slice %arg14[%dma_start3A_298, %dma_start3A_299] : memref<10112x16xf32, #tpu.memory_space<vmem_shared>> -> memref<10112x16xf32, #tpu.memory_space<vmem_shared>>
      tpu.enqueue_indirect_dma source(%dma_start3A_294 : memref<128x16xf32, #tpu.memory_space<vmem>>) target(%dma_start3A_300 : memref<10112x16xf32, #tpu.memory_space<vmem_shared>>) offsets(%dma_start3A_297 : memref<128xi32, #tpu.memory_space<vmem>>) semaphore(%arg12 : memref<!tpu.dma_semaphore, #tpu.memory_space<semaphore_mem>>) {add = true}
      %add3A_301 = arith.constant 2 : i32
      %add3A_302 = arith.addi %mul3A_167, %add3A_301 : i32
      %dma_start3A_303 = arith.constant 0 : i32
      %dma_start3A_304 = arith.constant 2 : i32
      %dma_start3A_305 = arith.constant 0 : i32
      %dma_start3A_306 = arith.constant 0 : i32
      %dma_start3A_307 = tpu.memref_slice %arg9[%dma_start3A_303, %dma_start3A_304, %dma_start3A_305, %dma_start3A_306] : memref<2x4x128x16xf32, #tpu.memory_space<vmem>> -> memref<1x1x128x16xf32, #tpu.memory_space<vmem>>
      %dma_start3A_308 = tpu.memref_squeeze %dma_start3A_307 : memref<1x1x128x16xf32, #tpu.memory_space<vmem>> -> memref<128x16xf32, #tpu.memory_space<vmem>>
      %dma_start3A_309 = arith.constant 0 : i32
      %dma_start3A_310 = tpu.memref_slice %arg8[%add3A_302, %dma_start3A_309] : memref<128x128xi32, #tpu.memory_space<vmem>> -> memref<1x128xi32, #tpu.memory_space<vmem>>
      %dma_start3A_311 = tpu.memref_squeeze %dma_start3A_310 : memref<1x128xi32, #tpu.memory_space<vmem>> -> memref<128xi32, #tpu.memory_space<vmem>>
      %dma_start3A_312 = arith.constant 0 : i32
      %dma_start3A_313 = arith.constant 0 : i32
      %dma_start3A_314 = tpu.memref_slice %arg14[%dma_start3A_312, %dma_start3A_313] : memref<10112x16xf32, #tpu.memory_space<vmem_shared>> -> memref<10112x16xf32, #tpu.memory_space<vmem_shared>>
      tpu.enqueue_indirect_dma source(%dma_start3A_308 : memref<128x16xf32, #tpu.memory_space<vmem>>) target(%dma_start3A_314 : memref<10112x16xf32, #tpu.memory_space<vmem_shared>>) offsets(%dma_start3A_311 : memref<128xi32, #tpu.memory_space<vmem>>) semaphore(%arg12 : memref<!tpu.dma_semaphore, #tpu.memory_space<semaphore_mem>>) {add = true}
      %add3A_315 = arith.constant 3 : i32
      %add3A_316 = arith.addi %mul3A_167, %add3A_315 : i32
      %dma_start3A_317 = arith.constant 0 : i32
      %dma_start3A_318 = arith.constant 3 : i32
      %dma_start3A_319 = arith.constant 0 : i32
      %dma_start3A_320 = arith.constant 0 : i32
      %dma_start3A_321 = tpu.memref_slice %arg9[%dma_start3A_317, %dma_start3A_318, %dma_start3A_319, %dma_start3A_320] : memref<2x4x128x16xf32, #tpu.memory_space<vmem>> -> memref<1x1x128x16xf32, #tpu.memory_space<vmem>>
      %dma_start3A_322 = tpu.memref_squeeze %dma_start3A_321 : memref<1x1x128x16xf32, #tpu.memory_space<vmem>> -> memref<128x16xf32, #tpu.memory_space<vmem>>
      %dma_start3A_323 = arith.constant 0 : i32
      %dma_start3A_324 = tpu.memref_slice %arg8[%add3A_316, %dma_start3A_323] : memref<128x128xi32, #tpu.memory_space<vmem>> -> memref<1x128xi32, #tpu.memory_space<vmem>>
      %dma_start3A_325 = tpu.memref_squeeze %dma_start3A_324 : memref<1x128xi32, #tpu.memory_space<vmem>> -> memref<128xi32, #tpu.memory_space<vmem>>
      %dma_start3A_326 = arith.constant 0 : i32
      %dma_start3A_327 = arith.constant 0 : i32
      %dma_start3A_328 = tpu.memref_slice %arg14[%dma_start3A_326, %dma_start3A_327] : memref<10112x16xf32, #tpu.memory_space<vmem_shared>> -> memref<10112x16xf32, #tpu.memory_space<vmem_shared>>
      tpu.enqueue_indirect_dma source(%dma_start3A_322 : memref<128x16xf32, #tpu.memory_space<vmem>>) target(%dma_start3A_328 : memref<10112x16xf32, #tpu.memory_space<vmem_shared>>) offsets(%dma_start3A_325 : memref<128xi32, #tpu.memory_space<vmem>>) semaphore(%arg12 : memref<!tpu.dma_semaphore, #tpu.memory_space<semaphore_mem>>) {add = true}
      %gt3A_329 = arith.constant 0 : i32
      %gt3A_330 = arith.cmpi sgt, %while3A_163, %gt3A_329 : i32
      %convert_element_type3A_331 = arith.extui %gt3A_330 : i1 to i32
      %cond3A_332 = arith.constant 0 : i32
      %cond3A_333 = arith.cmpi ne, %convert_element_type3A_331, %cond3A_332 : i32
      scf.if %cond3A_333 {
        %sub3A_496 = arith.constant 4 : i32
        %sub3A_497 = arith.subi %mul3A_167, %sub3A_496 : i32
        %add3A_498 = arith.constant 0 : i32
        %add3A_499 = arith.addi %sub3A_497, %add3A_498 : i32
        %dma_wait3A_500 = arith.constant 1 : i32
        %dma_wait3A_501 = arith.constant 0 : i32
        %dma_wait3A_502 = arith.constant 0 : i32
        %dma_wait3A_503 = arith.constant 0 : i32
        %dma_wait3A_504 = tpu.memref_slice %arg9[%dma_wait3A_500, %dma_wait3A_501, %dma_wait3A_502, %dma_wait3A_503] : memref<2x4x128x16xf32, #tpu.memory_space<vmem>> -> memref<1x1x128x16xf32, #tpu.memory_space<vmem>>
        %dma_wait3A_505 = tpu.memref_squeeze %dma_wait3A_504 : memref<1x1x128x16xf32, #tpu.memory_space<vmem>> -> memref<128x16xf32, #tpu.memory_space<vmem>>
        %dma_wait3A_506 = arith.constant 0 : i32
        %dma_wait3A_507 = tpu.memref_slice %arg8[%add3A_499, %dma_wait3A_506] : memref<128x128xi32, #tpu.memory_space<vmem>> -> memref<1x128xi32, #tpu.memory_space<vmem>>
        %dma_wait3A_508 = tpu.memref_squeeze %dma_wait3A_507 : memref<1x128xi32, #tpu.memory_space<vmem>> -> memref<128xi32, #tpu.memory_space<vmem>>
        %dma_wait3A_509 = arith.constant 0 : i32
        %dma_wait3A_510 = arith.constant 0 : i32
        %dma_wait3A_511 = tpu.memref_slice %arg14[%dma_wait3A_509, %dma_wait3A_510] : memref<10112x16xf32, #tpu.memory_space<vmem_shared>> -> memref<10112x16xf32, #tpu.memory_space<vmem_shared>>
        tpu.wait_indirect_dma semaphore(%arg13 : memref<!tpu.dma_semaphore, #tpu.memory_space<semaphore_mem>>) src(%dma_wait3A_505 : memref<128x16xf32, #tpu.memory_space<vmem>>) dst(%dma_wait3A_511 : memref<10112x16xf32, #tpu.memory_space<vmem_shared>>)
        %add3A_512 = arith.constant 1 : i32
        %add3A_513 = arith.addi %sub3A_497, %add3A_512 : i32
        %dma_wait3A_514 = arith.constant 1 : i32
        %dma_wait3A_515 = arith.constant 1 : i32
        %dma_wait3A_516 = arith.constant 0 : i32
        %dma_wait3A_517 = arith.constant 0 : i32
        %dma_wait3A_518 = tpu.memref_slice %arg9[%dma_wait3A_514, %dma_wait3A_515, %dma_wait3A_516, %dma_wait3A_517] : memref<2x4x128x16xf32, #tpu.memory_space<vmem>> -> memref<1x1x128x16xf32, #tpu.memory_space<vmem>>
        %dma_wait3A_519 = tpu.memref_squeeze %dma_wait3A_518 : memref<1x1x128x16xf32, #tpu.memory_space<vmem>> -> memref<128x16xf32, #tpu.memory_space<vmem>>
        %dma_wait3A_520 = arith.constant 0 : i32
        %dma_wait3A_521 = tpu.memref_slice %arg8[%add3A_513, %dma_wait3A_520] : memref<128x128xi32, #tpu.memory_space<vmem>> -> memref<1x128xi32, #tpu.memory_space<vmem>>
        %dma_wait3A_522 = tpu.memref_squeeze %dma_wait3A_521 : memref<1x128xi32, #tpu.memory_space<vmem>> -> memref<128xi32, #tpu.memory_space<vmem>>
        %dma_wait3A_523 = arith.constant 0 : i32
        %dma_wait3A_524 = arith.constant 0 : i32
        %dma_wait3A_525 = tpu.memref_slice %arg14[%dma_wait3A_523, %dma_wait3A_524] : memref<10112x16xf32, #tpu.memory_space<vmem_shared>> -> memref<10112x16xf32, #tpu.memory_space<vmem_shared>>
        tpu.wait_indirect_dma semaphore(%arg13 : memref<!tpu.dma_semaphore, #tpu.memory_space<semaphore_mem>>) src(%dma_wait3A_519 : memref<128x16xf32, #tpu.memory_space<vmem>>) dst(%dma_wait3A_525 : memref<10112x16xf32, #tpu.memory_space<vmem_shared>>)
        %add3A_526 = arith.constant 2 : i32
        %add3A_527 = arith.addi %sub3A_497, %add3A_526 : i32
        %dma_wait3A_528 = arith.constant 1 : i32
        %dma_wait3A_529 = arith.constant 2 : i32
        %dma_wait3A_530 = arith.constant 0 : i32
        %dma_wait3A_531 = arith.constant 0 : i32
        %dma_wait3A_532 = tpu.memref_slice %arg9[%dma_wait3A_528, %dma_wait3A_529, %dma_wait3A_530, %dma_wait3A_531] : memref<2x4x128x16xf32, #tpu.memory_space<vmem>> -> memref<1x1x128x16xf32, #tpu.memory_space<vmem>>
        %dma_wait3A_533 = tpu.memref_squeeze %dma_wait3A_532 : memref<1x1x128x16xf32, #tpu.memory_space<vmem>> -> memref<128x16xf32, #tpu.memory_space<vmem>>
        %dma_wait3A_534 = arith.constant 0 : i32
        %dma_wait3A_535 = tpu.memref_slice %arg8[%add3A_527, %dma_wait3A_534] : memref<128x128xi32, #tpu.memory_space<vmem>> -> memref<1x128xi32, #tpu.memory_space<vmem>>
        %dma_wait3A_536 = tpu.memref_squeeze %dma_wait3A_535 : memref<1x128xi32, #tpu.memory_space<vmem>> -> memref<128xi32, #tpu.memory_space<vmem>>
        %dma_wait3A_537 = arith.constant 0 : i32
        %dma_wait3A_538 = arith.constant 0 : i32
        %dma_wait3A_539 = tpu.memref_slice %arg14[%dma_wait3A_537, %dma_wait3A_538] : memref<10112x16xf32, #tpu.memory_space<vmem_shared>> -> memref<10112x16xf32, #tpu.memory_space<vmem_shared>>
        tpu.wait_indirect_dma semaphore(%arg13 : memref<!tpu.dma_semaphore, #tpu.memory_space<semaphore_mem>>) src(%dma_wait3A_533 : memref<128x16xf32, #tpu.memory_space<vmem>>) dst(%dma_wait3A_539 : memref<10112x16xf32, #tpu.memory_space<vmem_shared>>)
        %add3A_540 = arith.constant 3 : i32
        %add3A_541 = arith.addi %sub3A_497, %add3A_540 : i32
        %dma_wait3A_542 = arith.constant 1 : i32
        %dma_wait3A_543 = arith.constant 3 : i32
        %dma_wait3A_544 = arith.constant 0 : i32
        %dma_wait3A_545 = arith.constant 0 : i32
        %dma_wait3A_546 = tpu.memref_slice %arg9[%dma_wait3A_542, %dma_wait3A_543, %dma_wait3A_544, %dma_wait3A_545] : memref<2x4x128x16xf32, #tpu.memory_space<vmem>> -> memref<1x1x128x16xf32, #tpu.memory_space<vmem>>
        %dma_wait3A_547 = tpu.memref_squeeze %dma_wait3A_546 : memref<1x1x128x16xf32, #tpu.memory_space<vmem>> -> memref<128x16xf32, #tpu.memory_space<vmem>>
        %dma_wait3A_548 = arith.constant 0 : i32
        %dma_wait3A_549 = tpu.memref_slice %arg8[%add3A_541, %dma_wait3A_548] : memref<128x128xi32, #tpu.memory_space<vmem>> -> memref<1x128xi32, #tpu.memory_space<vmem>>
        %dma_wait3A_550 = tpu.memref_squeeze %dma_wait3A_549 : memref<1x128xi32, #tpu.memory_space<vmem>> -> memref<128xi32, #tpu.memory_space<vmem>>
        %dma_wait3A_551 = arith.constant 0 : i32
        %dma_wait3A_552 = arith.constant 0 : i32
        %dma_wait3A_553 = tpu.memref_slice %arg14[%dma_wait3A_551, %dma_wait3A_552] : memref<10112x16xf32, #tpu.memory_space<vmem_shared>> -> memref<10112x16xf32, #tpu.memory_space<vmem_shared>>
        tpu.wait_indirect_dma semaphore(%arg13 : memref<!tpu.dma_semaphore, #tpu.memory_space<semaphore_mem>>) src(%dma_wait3A_547 : memref<128x16xf32, #tpu.memory_space<vmem>>) dst(%dma_wait3A_553 : memref<10112x16xf32, #tpu.memory_space<vmem_shared>>)
      } else {
      }
      %add3A_334 = arith.constant 4 : i32
      %add3A_335 = arith.addi %mul3A_167, %add3A_334 : i32
      %add3A_336 = arith.constant 0 : i32
      %add3A_337 = arith.addi %add3A_335, %add3A_336 : i32
      %dma_start3A_338 = arith.constant 1 : i32
      %dma_start3A_339 = arith.constant 0 : i32
      %dma_start3A_340 = arith.constant 0 : i32
      %dma_start3A_341 = arith.constant 0 : i32
      %dma_start3A_342 = tpu.memref_slice %arg9[%dma_start3A_338, %dma_start3A_339, %dma_start3A_340, %dma_start3A_341] : memref<2x4x128x16xf32, #tpu.memory_space<vmem>> -> memref<1x1x128x16xf32, #tpu.memory_space<vmem>>
      %dma_start3A_343 = tpu.memref_squeeze %dma_start3A_342 : memref<1x1x128x16xf32, #tpu.memory_space<vmem>> -> memref<128x16xf32, #tpu.memory_space<vmem>>
      %dma_start3A_344 = arith.constant 0 : i32
      %dma_start3A_345 = tpu.memref_slice %arg7[%add3A_337, %dma_start3A_344] : memref<128x128xi32, #tpu.memory_space<vmem>> -> memref<1x128xi32, #tpu.memory_space<vmem>>
      %dma_start3A_346 = tpu.memref_squeeze %dma_start3A_345 : memref<1x128xi32, #tpu.memory_space<vmem>> -> memref<128xi32, #tpu.memory_space<vmem>>
      %dma_start3A_347 = arith.constant 0 : i32
      %dma_start3A_348 = arith.constant 0 : i32
      %dma_start3A_349 = tpu.memref_slice %arg2[%dma_start3A_347, %dma_start3A_348] : memref<10112x16xf32, #tpu.memory_space<hbm>> -> memref<10112x16xf32, #tpu.memory_space<hbm>>
      tpu.enqueue_indirect_dma source(%dma_start3A_349 : memref<10112x16xf32, #tpu.memory_space<hbm>>) target(%dma_start3A_343 : memref<128x16xf32, #tpu.memory_space<vmem>>) offsets(%dma_start3A_346 : memref<128xi32, #tpu.memory_space<vmem>>) semaphore(%arg11 : memref<!tpu.dma_semaphore, #tpu.memory_space<semaphore_mem>>)
      %add3A_350 = arith.constant 1 : i32
      %add3A_351 = arith.addi %add3A_335, %add3A_350 : i32
      %dma_start3A_352 = arith.constant 1 : i32
      %dma_start3A_353 = arith.constant 1 : i32
      %dma_start3A_354 = arith.constant 0 : i32
      %dma_start3A_355 = arith.constant 0 : i32
      %dma_start3A_356 = tpu.memref_slice %arg9[%dma_start3A_352, %dma_start3A_353, %dma_start3A_354, %dma_start3A_355] : memref<2x4x128x16xf32, #tpu.memory_space<vmem>> -> memref<1x1x128x16xf32, #tpu.memory_space<vmem>>
      %dma_start3A_357 = tpu.memref_squeeze %dma_start3A_356 : memref<1x1x128x16xf32, #tpu.memory_space<vmem>> -> memref<128x16xf32, #tpu.memory_space<vmem>>
      %dma_start3A_358 = arith.constant 0 : i32
      %dma_start3A_359 = tpu.memref_slice %arg7[%add3A_351, %dma_start3A_358] : memref<128x128xi32, #tpu.memory_space<vmem>> -> memref<1x128xi32, #tpu.memory_space<vmem>>
      %dma_start3A_360 = tpu.memref_squeeze %dma_start3A_359 : memref<1x128xi32, #tpu.memory_space<vmem>> -> memref<128xi32, #tpu.memory_space<vmem>>
      %dma_start3A_361 = arith.constant 0 : i32
      %dma_start3A_362 = arith.constant 0 : i32
      %dma_start3A_363 = tpu.memref_slice %arg2[%dma_start3A_361, %dma_start3A_362] : memref<10112x16xf32, #tpu.memory_space<hbm>> -> memref<10112x16xf32, #tpu.memory_space<hbm>>
      tpu.enqueue_indirect_dma source(%dma_start3A_363 : memref<10112x16xf32, #tpu.memory_space<hbm>>) target(%dma_start3A_357 : memref<128x16xf32, #tpu.memory_space<vmem>>) offsets(%dma_start3A_360 : memref<128xi32, #tpu.memory_space<vmem>>) semaphore(%arg11 : memref<!tpu.dma_semaphore, #tpu.memory_space<semaphore_mem>>)
      %add3A_364 = arith.constant 2 : i32
      %add3A_365 = arith.addi %add3A_335, %add3A_364 : i32
      %dma_start3A_366 = arith.constant 1 : i32
      %dma_start3A_367 = arith.constant 2 : i32
      %dma_start3A_368 = arith.constant 0 : i32
      %dma_start3A_369 = arith.constant 0 : i32
      %dma_start3A_370 = tpu.memref_slice %arg9[%dma_start3A_366, %dma_start3A_367, %dma_start3A_368, %dma_start3A_369] : memref<2x4x128x16xf32, #tpu.memory_space<vmem>> -> memref<1x1x128x16xf32, #tpu.memory_space<vmem>>
      %dma_start3A_371 = tpu.memref_squeeze %dma_start3A_370 : memref<1x1x128x16xf32, #tpu.memory_space<vmem>> -> memref<128x16xf32, #tpu.memory_space<vmem>>
      %dma_start3A_372 = arith.constant 0 : i32
      %dma_start3A_373 = tpu.memref_slice %arg7[%add3A_365, %dma_start3A_372] : memref<128x128xi32, #tpu.memory_space<vmem>> -> memref<1x128xi32, #tpu.memory_space<vmem>>
      %dma_start3A_374 = tpu.memref_squeeze %dma_start3A_373 : memref<1x128xi32, #tpu.memory_space<vmem>> -> memref<128xi32, #tpu.memory_space<vmem>>
      %dma_start3A_375 = arith.constant 0 : i32
      %dma_start3A_376 = arith.constant 0 : i32
      %dma_start3A_377 = tpu.memref_slice %arg2[%dma_start3A_375, %dma_start3A_376] : memref<10112x16xf32, #tpu.memory_space<hbm>> -> memref<10112x16xf32, #tpu.memory_space<hbm>>
      tpu.enqueue_indirect_dma source(%dma_start3A_377 : memref<10112x16xf32, #tpu.memory_space<hbm>>) target(%dma_start3A_371 : memref<128x16xf32, #tpu.memory_space<vmem>>) offsets(%dma_start3A_374 : memref<128xi32, #tpu.memory_space<vmem>>) semaphore(%arg11 : memref<!tpu.dma_semaphore, #tpu.memory_space<semaphore_mem>>)
      %add3A_378 = arith.constant 3 : i32
      %add3A_379 = arith.addi %add3A_335, %add3A_378 : i32
      %dma_start3A_380 = arith.constant 1 : i32
      %dma_start3A_381 = arith.constant 3 : i32
      %dma_start3A_382 = arith.constant 0 : i32
      %dma_start3A_383 = arith.constant 0 : i32
      %dma_start3A_384 = tpu.memref_slice %arg9[%dma_start3A_380, %dma_start3A_381, %dma_start3A_382, %dma_start3A_383] : memref<2x4x128x16xf32, #tpu.memory_space<vmem>> -> memref<1x1x128x16xf32, #tpu.memory_space<vmem>>
      %dma_start3A_385 = tpu.memref_squeeze %dma_start3A_384 : memref<1x1x128x16xf32, #tpu.memory_space<vmem>> -> memref<128x16xf32, #tpu.memory_space<vmem>>
      %dma_start3A_386 = arith.constant 0 : i32
      %dma_start3A_387 = tpu.memref_slice %arg7[%add3A_379, %dma_start3A_386] : memref<128x128xi32, #tpu.memory_space<vmem>> -> memref<1x128xi32, #tpu.memory_space<vmem>>
      %dma_start3A_388 = tpu.memref_squeeze %dma_start3A_387 : memref<1x128xi32, #tpu.memory_space<vmem>> -> memref<128xi32, #tpu.memory_space<vmem>>
      %dma_start3A_389 = arith.constant 0 : i32
      %dma_start3A_390 = arith.constant 0 : i32
      %dma_start3A_391 = tpu.memref_slice %arg2[%dma_start3A_389, %dma_start3A_390] : memref<10112x16xf32, #tpu.memory_space<hbm>> -> memref<10112x16xf32, #tpu.memory_space<hbm>>
      tpu.enqueue_indirect_dma source(%dma_start3A_391 : memref<10112x16xf32, #tpu.memory_space<hbm>>) target(%dma_start3A_385 : memref<128x16xf32, #tpu.memory_space<vmem>>) offsets(%dma_start3A_388 : memref<128xi32, #tpu.memory_space<vmem>>) semaphore(%arg11 : memref<!tpu.dma_semaphore, #tpu.memory_space<semaphore_mem>>)
      %dma_wait3A_392 = arith.constant 1 : i32
      %dma_wait3A_393 = arith.constant 0 : i32
      %dma_wait3A_394 = arith.constant 0 : i32
      %dma_wait3A_395 = arith.constant 0 : i32
      %dma_wait3A_396 = tpu.memref_slice %arg9[%dma_wait3A_392, %dma_wait3A_393, %dma_wait3A_394, %dma_wait3A_395] : memref<2x4x128x16xf32, #tpu.memory_space<vmem>> -> memref<1x1x128x16xf32, #tpu.memory_space<vmem>>
      %dma_wait3A_397 = tpu.memref_squeeze %dma_wait3A_396 : memref<1x1x128x16xf32, #tpu.memory_space<vmem>> -> memref<128x16xf32, #tpu.memory_space<vmem>>
      %dma_wait3A_398 = arith.constant 0 : i32
      %dma_wait3A_399 = tpu.memref_slice %arg7[%add3A_337, %dma_wait3A_398] : memref<128x128xi32, #tpu.memory_space<vmem>> -> memref<1x128xi32, #tpu.memory_space<vmem>>
      %dma_wait3A_400 = tpu.memref_squeeze %dma_wait3A_399 : memref<1x128xi32, #tpu.memory_space<vmem>> -> memref<128xi32, #tpu.memory_space<vmem>>
      %dma_wait3A_401 = arith.constant 0 : i32
      %dma_wait3A_402 = arith.constant 0 : i32
      %dma_wait3A_403 = tpu.memref_slice %arg2[%dma_wait3A_401, %dma_wait3A_402] : memref<10112x16xf32, #tpu.memory_space<hbm>> -> memref<10112x16xf32, #tpu.memory_space<hbm>>
      tpu.wait_indirect_dma semaphore(%arg11 : memref<!tpu.dma_semaphore, #tpu.memory_space<semaphore_mem>>) src(%dma_wait3A_403 : memref<10112x16xf32, #tpu.memory_space<hbm>>) dst(%dma_wait3A_397 : memref<128x16xf32, #tpu.memory_space<vmem>>)
      %dma_wait3A_404 = arith.constant 1 : i32
      %dma_wait3A_405 = arith.constant 1 : i32
      %dma_wait3A_406 = arith.constant 0 : i32
      %dma_wait3A_407 = arith.constant 0 : i32
      %dma_wait3A_408 = tpu.memref_slice %arg9[%dma_wait3A_404, %dma_wait3A_405, %dma_wait3A_406, %dma_wait3A_407] : memref<2x4x128x16xf32, #tpu.memory_space<vmem>> -> memref<1x1x128x16xf32, #tpu.memory_space<vmem>>
      %dma_wait3A_409 = tpu.memref_squeeze %dma_wait3A_408 : memref<1x1x128x16xf32, #tpu.memory_space<vmem>> -> memref<128x16xf32, #tpu.memory_space<vmem>>
      %dma_wait3A_410 = arith.constant 0 : i32
      %dma_wait3A_411 = tpu.memref_slice %arg7[%add3A_351, %dma_wait3A_410] : memref<128x128xi32, #tpu.memory_space<vmem>> -> memref<1x128xi32, #tpu.memory_space<vmem>>
      %dma_wait3A_412 = tpu.memref_squeeze %dma_wait3A_411 : memref<1x128xi32, #tpu.memory_space<vmem>> -> memref<128xi32, #tpu.memory_space<vmem>>
      %dma_wait3A_413 = arith.constant 0 : i32
      %dma_wait3A_414 = arith.constant 0 : i32
      %dma_wait3A_415 = tpu.memref_slice %arg2[%dma_wait3A_413, %dma_wait3A_414] : memref<10112x16xf32, #tpu.memory_space<hbm>> -> memref<10112x16xf32, #tpu.memory_space<hbm>>
      tpu.wait_indirect_dma semaphore(%arg11 : memref<!tpu.dma_semaphore, #tpu.memory_space<semaphore_mem>>) src(%dma_wait3A_415 : memref<10112x16xf32, #tpu.memory_space<hbm>>) dst(%dma_wait3A_409 : memref<128x16xf32, #tpu.memory_space<vmem>>)
      %dma_wait3A_416 = arith.constant 1 : i32
      %dma_wait3A_417 = arith.constant 2 : i32
      %dma_wait3A_418 = arith.constant 0 : i32
      %dma_wait3A_419 = arith.constant 0 : i32
      %dma_wait3A_420 = tpu.memref_slice %arg9[%dma_wait3A_416, %dma_wait3A_417, %dma_wait3A_418, %dma_wait3A_419] : memref<2x4x128x16xf32, #tpu.memory_space<vmem>> -> memref<1x1x128x16xf32, #tpu.memory_space<vmem>>
      %dma_wait3A_421 = tpu.memref_squeeze %dma_wait3A_420 : memref<1x1x128x16xf32, #tpu.memory_space<vmem>> -> memref<128x16xf32, #tpu.memory_space<vmem>>
      %dma_wait3A_422 = arith.constant 0 : i32
      %dma_wait3A_423 = tpu.memref_slice %arg7[%add3A_365, %dma_wait3A_422] : memref<128x128xi32, #tpu.memory_space<vmem>> -> memref<1x128xi32, #tpu.memory_space<vmem>>
      %dma_wait3A_424 = tpu.memref_squeeze %dma_wait3A_423 : memref<1x128xi32, #tpu.memory_space<vmem>> -> memref<128xi32, #tpu.memory_space<vmem>>
      %dma_wait3A_425 = arith.constant 0 : i32
      %dma_wait3A_426 = arith.constant 0 : i32
      %dma_wait3A_427 = tpu.memref_slice %arg2[%dma_wait3A_425, %dma_wait3A_426] : memref<10112x16xf32, #tpu.memory_space<hbm>> -> memref<10112x16xf32, #tpu.memory_space<hbm>>
      tpu.wait_indirect_dma semaphore(%arg11 : memref<!tpu.dma_semaphore, #tpu.memory_space<semaphore_mem>>) src(%dma_wait3A_427 : memref<10112x16xf32, #tpu.memory_space<hbm>>) dst(%dma_wait3A_421 : memref<128x16xf32, #tpu.memory_space<vmem>>)
      %dma_wait3A_428 = arith.constant 1 : i32
      %dma_wait3A_429 = arith.constant 3 : i32
      %dma_wait3A_430 = arith.constant 0 : i32
      %dma_wait3A_431 = arith.constant 0 : i32
      %dma_wait3A_432 = tpu.memref_slice %arg9[%dma_wait3A_428, %dma_wait3A_429, %dma_wait3A_430, %dma_wait3A_431] : memref<2x4x128x16xf32, #tpu.memory_space<vmem>> -> memref<1x1x128x16xf32, #tpu.memory_space<vmem>>
      %dma_wait3A_433 = tpu.memref_squeeze %dma_wait3A_432 : memref<1x1x128x16xf32, #tpu.memory_space<vmem>> -> memref<128x16xf32, #tpu.memory_space<vmem>>
      %dma_wait3A_434 = arith.constant 0 : i32
      %dma_wait3A_435 = tpu.memref_slice %arg7[%add3A_379, %dma_wait3A_434] : memref<128x128xi32, #tpu.memory_space<vmem>> -> memref<1x128xi32, #tpu.memory_space<vmem>>
      %dma_wait3A_436 = tpu.memref_squeeze %dma_wait3A_435 : memref<1x128xi32, #tpu.memory_space<vmem>> -> memref<128xi32, #tpu.memory_space<vmem>>
      %dma_wait3A_437 = arith.constant 0 : i32
      %dma_wait3A_438 = arith.constant 0 : i32
      %dma_wait3A_439 = tpu.memref_slice %arg2[%dma_wait3A_437, %dma_wait3A_438] : memref<10112x16xf32, #tpu.memory_space<hbm>> -> memref<10112x16xf32, #tpu.memory_space<hbm>>
      tpu.wait_indirect_dma semaphore(%arg11 : memref<!tpu.dma_semaphore, #tpu.memory_space<semaphore_mem>>) src(%dma_wait3A_439 : memref<10112x16xf32, #tpu.memory_space<hbm>>) dst(%dma_wait3A_433 : memref<128x16xf32, #tpu.memory_space<vmem>>)
      %add3A_440 = arith.constant 0 : i32
      %add3A_441 = arith.addi %add3A_335, %add3A_440 : i32
      %dma_start3A_442 = arith.constant 1 : i32
      %dma_start3A_443 = arith.constant 0 : i32
      %dma_start3A_444 = arith.constant 0 : i32
      %dma_start3A_445 = arith.constant 0 : i32
      %dma_start3A_446 = tpu.memref_slice %arg9[%dma_start3A_442, %dma_start3A_443, %dma_start3A_444, %dma_start3A_445] : memref<2x4x128x16xf32, #tpu.memory_space<vmem>> -> memref<1x1x128x16xf32, #tpu.memory_space<vmem>>
      %dma_start3A_447 = tpu.memref_squeeze %dma_start3A_446 : memref<1x1x128x16xf32, #tpu.memory_space<vmem>> -> memref<128x16xf32, #tpu.memory_space<vmem>>
      %dma_start3A_448 = arith.constant 0 : i32
      %dma_start3A_449 = tpu.memref_slice %arg8[%add3A_441, %dma_start3A_448] : memref<128x128xi32, #tpu.memory_space<vmem>> -> memref<1x128xi32, #tpu.memory_space<vmem>>
      %dma_start3A_450 = tpu.memref_squeeze %dma_start3A_449 : memref<1x128xi32, #tpu.memory_space<vmem>> -> memref<128xi32, #tpu.memory_space<vmem>>
      %dma_start3A_451 = arith.constant 0 : i32
      %dma_start3A_452 = arith.constant 0 : i32
      %dma_start3A_453 = tpu.memref_slice %arg14[%dma_start3A_451, %dma_start3A_452] : memref<10112x16xf32, #tpu.memory_space<vmem_shared>> -> memref<10112x16xf32, #tpu.memory_space<vmem_shared>>
      tpu.enqueue_indirect_dma source(%dma_start3A_447 : memref<128x16xf32, #tpu.memory_space<vmem>>) target(%dma_start3A_453 : memref<10112x16xf32, #tpu.memory_space<vmem_shared>>) offsets(%dma_start3A_450 : memref<128xi32, #tpu.memory_space<vmem>>) semaphore(%arg13 : memref<!tpu.dma_semaphore, #tpu.memory_space<semaphore_mem>>) {add = true}
      %add3A_454 = arith.constant 1 : i32
      %add3A_455 = arith.addi %add3A_335, %add3A_454 : i32
      %dma_start3A_456 = arith.constant 1 : i32
      %dma_start3A_457 = arith.constant 1 : i32
      %dma_start3A_458 = arith.constant 0 : i32
      %dma_start3A_459 = arith.constant 0 : i32
      %dma_start3A_460 = tpu.memref_slice %arg9[%dma_start3A_456, %dma_start3A_457, %dma_start3A_458, %dma_start3A_459] : memref<2x4x128x16xf32, #tpu.memory_space<vmem>> -> memref<1x1x128x16xf32, #tpu.memory_space<vmem>>
      %dma_start3A_461 = tpu.memref_squeeze %dma_start3A_460 : memref<1x1x128x16xf32, #tpu.memory_space<vmem>> -> memref<128x16xf32, #tpu.memory_space<vmem>>
      %dma_start3A_462 = arith.constant 0 : i32
      %dma_start3A_463 = tpu.memref_slice %arg8[%add3A_455, %dma_start3A_462] : memref<128x128xi32, #tpu.memory_space<vmem>> -> memref<1x128xi32, #tpu.memory_space<vmem>>
      %dma_start3A_464 = tpu.memref_squeeze %dma_start3A_463 : memref<1x128xi32, #tpu.memory_space<vmem>> -> memref<128xi32, #tpu.memory_space<vmem>>
      %dma_start3A_465 = arith.constant 0 : i32
      %dma_start3A_466 = arith.constant 0 : i32
      %dma_start3A_467 = tpu.memref_slice %arg14[%dma_start3A_465, %dma_start3A_466] : memref<10112x16xf32, #tpu.memory_space<vmem_shared>> -> memref<10112x16xf32, #tpu.memory_space<vmem_shared>>
      tpu.enqueue_indirect_dma source(%dma_start3A_461 : memref<128x16xf32, #tpu.memory_space<vmem>>) target(%dma_start3A_467 : memref<10112x16xf32, #tpu.memory_space<vmem_shared>>) offsets(%dma_start3A_464 : memref<128xi32, #tpu.memory_space<vmem>>) semaphore(%arg13 : memref<!tpu.dma_semaphore, #tpu.memory_space<semaphore_mem>>) {add = true}
      %add3A_468 = arith.constant 2 : i32
      %add3A_469 = arith.addi %add3A_335, %add3A_468 : i32
      %dma_start3A_470 = arith.constant 1 : i32
      %dma_start3A_471 = arith.constant 2 : i32
      %dma_start3A_472 = arith.constant 0 : i32
      %dma_start3A_473 = arith.constant 0 : i32
      %dma_start3A_474 = tpu.memref_slice %arg9[%dma_start3A_470, %dma_start3A_471, %dma_start3A_472, %dma_start3A_473] : memref<2x4x128x16xf32, #tpu.memory_space<vmem>> -> memref<1x1x128x16xf32, #tpu.memory_space<vmem>>
      %dma_start3A_475 = tpu.memref_squeeze %dma_start3A_474 : memref<1x1x128x16xf32, #tpu.memory_space<vmem>> -> memref<128x16xf32, #tpu.memory_space<vmem>>
      %dma_start3A_476 = arith.constant 0 : i32
      %dma_start3A_477 = tpu.memref_slice %arg8[%add3A_469, %dma_start3A_476] : memref<128x128xi32, #tpu.memory_space<vmem>> -> memref<1x128xi32, #tpu.memory_space<vmem>>
      %dma_start3A_478 = tpu.memref_squeeze %dma_start3A_477 : memref<1x128xi32, #tpu.memory_space<vmem>> -> memref<128xi32, #tpu.memory_space<vmem>>
      %dma_start3A_479 = arith.constant 0 : i32
      %dma_start3A_480 = arith.constant 0 : i32
      %dma_start3A_481 = tpu.memref_slice %arg14[%dma_start3A_479, %dma_start3A_480] : memref<10112x16xf32, #tpu.memory_space<vmem_shared>> -> memref<10112x16xf32, #tpu.memory_space<vmem_shared>>
      tpu.enqueue_indirect_dma source(%dma_start3A_475 : memref<128x16xf32, #tpu.memory_space<vmem>>) target(%dma_start3A_481 : memref<10112x16xf32, #tpu.memory_space<vmem_shared>>) offsets(%dma_start3A_478 : memref<128xi32, #tpu.memory_space<vmem>>) semaphore(%arg13 : memref<!tpu.dma_semaphore, #tpu.memory_space<semaphore_mem>>) {add = true}
      %add3A_482 = arith.constant 3 : i32
      %add3A_483 = arith.addi %add3A_335, %add3A_482 : i32
      %dma_start3A_484 = arith.constant 1 : i32
      %dma_start3A_485 = arith.constant 3 : i32
      %dma_start3A_486 = arith.constant 0 : i32
      %dma_start3A_487 = arith.constant 0 : i32
      %dma_start3A_488 = tpu.memref_slice %arg9[%dma_start3A_484, %dma_start3A_485, %dma_start3A_486, %dma_start3A_487] : memref<2x4x128x16xf32, #tpu.memory_space<vmem>> -> memref<1x1x128x16xf32, #tpu.memory_space<vmem>>
      %dma_start3A_489 = tpu.memref_squeeze %dma_start3A_488 : memref<1x1x128x16xf32, #tpu.memory_space<vmem>> -> memref<128x16xf32, #tpu.memory_space<vmem>>
      %dma_start3A_490 = arith.constant 0 : i32
      %dma_start3A_491 = tpu.memref_slice %arg8[%add3A_483, %dma_start3A_490] : memref<128x128xi32, #tpu.memory_space<vmem>> -> memref<1x128xi32, #tpu.memory_space<vmem>>
      %dma_start3A_492 = tpu.memref_squeeze %dma_start3A_491 : memref<1x128xi32, #tpu.memory_space<vmem>> -> memref<128xi32, #tpu.memory_space<vmem>>
      %dma_start3A_493 = arith.constant 0 : i32
      %dma_start3A_494 = arith.constant 0 : i32
      %dma_start3A_495 = tpu.memref_slice %arg14[%dma_start3A_493, %dma_start3A_494] : memref<10112x16xf32, #tpu.memory_space<vmem_shared>> -> memref<10112x16xf32, #tpu.memory_space<vmem_shared>>
      tpu.enqueue_indirect_dma source(%dma_start3A_489 : memref<128x16xf32, #tpu.memory_space<vmem>>) target(%dma_start3A_495 : memref<10112x16xf32, #tpu.memory_space<vmem_shared>>) offsets(%dma_start3A_492 : memref<128xi32, #tpu.memory_space<vmem>>) semaphore(%arg13 : memref<!tpu.dma_semaphore, #tpu.memory_space<semaphore_mem>>) {add = true}
    }
    %sub3A_40 = arith.constant 8 : i32
    %sub3A_41 = arith.subi %select_n3A_11, %sub3A_40 : i32
    %add3A_42 = arith.constant 0 : i32
    %add3A_43 = arith.addi %sub3A_41, %add3A_42 : i32
    %dma_wait3A = arith.constant 0 : i32
    %dma_wait3A_44 = arith.constant 0 : i32
    %dma_wait3A_45 = arith.constant 0 : i32
    %dma_wait3A_46 = arith.constant 0 : i32
    %dma_wait3A_47 = tpu.memref_slice %arg9[%dma_wait3A, %dma_wait3A_44, %dma_wait3A_45, %dma_wait3A_46] : memref<2x4x128x16xf32, #tpu.memory_space<vmem>> -> memref<1x1x128x16xf32, #tpu.memory_space<vmem>>
    %dma_wait3A_48 = tpu.memref_squeeze %dma_wait3A_47 : memref<1x1x128x16xf32, #tpu.memory_space<vmem>> -> memref<128x16xf32, #tpu.memory_space<vmem>>
    %dma_wait3A_49 = arith.constant 0 : i32
    %dma_wait3A_50 = tpu.memref_slice %arg8[%add3A_43, %dma_wait3A_49] : memref<128x128xi32, #tpu.memory_space<vmem>> -> memref<1x128xi32, #tpu.memory_space<vmem>>
    %dma_wait3A_51 = tpu.memref_squeeze %dma_wait3A_50 : memref<1x128xi32, #tpu.memory_space<vmem>> -> memref<128xi32, #tpu.memory_space<vmem>>
    %dma_wait3A_52 = arith.constant 0 : i32
    %dma_wait3A_53 = arith.constant 0 : i32
    %dma_wait3A_54 = tpu.memref_slice %arg14[%dma_wait3A_52, %dma_wait3A_53] : memref<10112x16xf32, #tpu.memory_space<vmem_shared>> -> memref<10112x16xf32, #tpu.memory_space<vmem_shared>>
    tpu.wait_indirect_dma semaphore(%arg12 : memref<!tpu.dma_semaphore, #tpu.memory_space<semaphore_mem>>) src(%dma_wait3A_48 : memref<128x16xf32, #tpu.memory_space<vmem>>) dst(%dma_wait3A_54 : memref<10112x16xf32, #tpu.memory_space<vmem_shared>>)
    %add3A_55 = arith.constant 1 : i32
    %add3A_56 = arith.addi %sub3A_41, %add3A_55 : i32
    %dma_wait3A_57 = arith.constant 0 : i32
    %dma_wait3A_58 = arith.constant 1 : i32
    %dma_wait3A_59 = arith.constant 0 : i32
    %dma_wait3A_60 = arith.constant 0 : i32
    %dma_wait3A_61 = tpu.memref_slice %arg9[%dma_wait3A_57, %dma_wait3A_58, %dma_wait3A_59, %dma_wait3A_60] : memref<2x4x128x16xf32, #tpu.memory_space<vmem>> -> memref<1x1x128x16xf32, #tpu.memory_space<vmem>>
    %dma_wait3A_62 = tpu.memref_squeeze %dma_wait3A_61 : memref<1x1x128x16xf32, #tpu.memory_space<vmem>> -> memref<128x16xf32, #tpu.memory_space<vmem>>
    %dma_wait3A_63 = arith.constant 0 : i32
    %dma_wait3A_64 = tpu.memref_slice %arg8[%add3A_56, %dma_wait3A_63] : memref<128x128xi32, #tpu.memory_space<vmem>> -> memref<1x128xi32, #tpu.memory_space<vmem>>
    %dma_wait3A_65 = tpu.memref_squeeze %dma_wait3A_64 : memref<1x128xi32, #tpu.memory_space<vmem>> -> memref<128xi32, #tpu.memory_space<vmem>>
    %dma_wait3A_66 = arith.constant 0 : i32
    %dma_wait3A_67 = arith.constant 0 : i32
    %dma_wait3A_68 = tpu.memref_slice %arg14[%dma_wait3A_66, %dma_wait3A_67] : memref<10112x16xf32, #tpu.memory_space<vmem_shared>> -> memref<10112x16xf32, #tpu.memory_space<vmem_shared>>
    tpu.wait_indirect_dma semaphore(%arg12 : memref<!tpu.dma_semaphore, #tpu.memory_space<semaphore_mem>>) src(%dma_wait3A_62 : memref<128x16xf32, #tpu.memory_space<vmem>>) dst(%dma_wait3A_68 : memref<10112x16xf32, #tpu.memory_space<vmem_shared>>)
    %add3A_69 = arith.constant 2 : i32
    %add3A_70 = arith.addi %sub3A_41, %add3A_69 : i32
    %dma_wait3A_71 = arith.constant 0 : i32
    %dma_wait3A_72 = arith.constant 2 : i32
    %dma_wait3A_73 = arith.constant 0 : i32
    %dma_wait3A_74 = arith.constant 0 : i32
    %dma_wait3A_75 = tpu.memref_slice %arg9[%dma_wait3A_71, %dma_wait3A_72, %dma_wait3A_73, %dma_wait3A_74] : memref<2x4x128x16xf32, #tpu.memory_space<vmem>> -> memref<1x1x128x16xf32, #tpu.memory_space<vmem>>
    %dma_wait3A_76 = tpu.memref_squeeze %dma_wait3A_75 : memref<1x1x128x16xf32, #tpu.memory_space<vmem>> -> memref<128x16xf32, #tpu.memory_space<vmem>>
    %dma_wait3A_77 = arith.constant 0 : i32
    %dma_wait3A_78 = tpu.memref_slice %arg8[%add3A_70, %dma_wait3A_77] : memref<128x128xi32, #tpu.memory_space<vmem>> -> memref<1x128xi32, #tpu.memory_space<vmem>>
    %dma_wait3A_79 = tpu.memref_squeeze %dma_wait3A_78 : memref<1x128xi32, #tpu.memory_space<vmem>> -> memref<128xi32, #tpu.memory_space<vmem>>
    %dma_wait3A_80 = arith.constant 0 : i32
    %dma_wait3A_81 = arith.constant 0 : i32
    %dma_wait3A_82 = tpu.memref_slice %arg14[%dma_wait3A_80, %dma_wait3A_81] : memref<10112x16xf32, #tpu.memory_space<vmem_shared>> -> memref<10112x16xf32, #tpu.memory_space<vmem_shared>>
    tpu.wait_indirect_dma semaphore(%arg12 : memref<!tpu.dma_semaphore, #tpu.memory_space<semaphore_mem>>) src(%dma_wait3A_76 : memref<128x16xf32, #tpu.memory_space<vmem>>) dst(%dma_wait3A_82 : memref<10112x16xf32, #tpu.memory_space<vmem_shared>>)
    %add3A_83 = arith.constant 3 : i32
    %add3A_84 = arith.addi %sub3A_41, %add3A_83 : i32
    %dma_wait3A_85 = arith.constant 0 : i32
    %dma_wait3A_86 = arith.constant 3 : i32
    %dma_wait3A_87 = arith.constant 0 : i32
    %dma_wait3A_88 = arith.constant 0 : i32
    %dma_wait3A_89 = tpu.memref_slice %arg9[%dma_wait3A_85, %dma_wait3A_86, %dma_wait3A_87, %dma_wait3A_88] : memref<2x4x128x16xf32, #tpu.memory_space<vmem>> -> memref<1x1x128x16xf32, #tpu.memory_space<vmem>>
    %dma_wait3A_90 = tpu.memref_squeeze %dma_wait3A_89 : memref<1x1x128x16xf32, #tpu.memory_space<vmem>> -> memref<128x16xf32, #tpu.memory_space<vmem>>
    %dma_wait3A_91 = arith.constant 0 : i32
    %dma_wait3A_92 = tpu.memref_slice %arg8[%add3A_84, %dma_wait3A_91] : memref<128x128xi32, #tpu.memory_space<vmem>> -> memref<1x128xi32, #tpu.memory_space<vmem>>
    %dma_wait3A_93 = tpu.memref_squeeze %dma_wait3A_92 : memref<1x128xi32, #tpu.memory_space<vmem>> -> memref<128xi32, #tpu.memory_space<vmem>>
    %dma_wait3A_94 = arith.constant 0 : i32
    %dma_wait3A_95 = arith.constant 0 : i32
    %dma_wait3A_96 = tpu.memref_slice %arg14[%dma_wait3A_94, %dma_wait3A_95] : memref<10112x16xf32, #tpu.memory_space<vmem_shared>> -> memref<10112x16xf32, #tpu.memory_space<vmem_shared>>
    tpu.wait_indirect_dma semaphore(%arg12 : memref<!tpu.dma_semaphore, #tpu.memory_space<semaphore_mem>>) src(%dma_wait3A_90 : memref<128x16xf32, #tpu.memory_space<vmem>>) dst(%dma_wait3A_96 : memref<10112x16xf32, #tpu.memory_space<vmem_shared>>)
    %sub3A_97 = arith.constant 4 : i32
    %sub3A_98 = arith.subi %select_n3A_11, %sub3A_97 : i32
    %add3A_99 = arith.constant 0 : i32
    %add3A_100 = arith.addi %sub3A_98, %add3A_99 : i32
    %dma_wait3A_101 = arith.constant 1 : i32
    %dma_wait3A_102 = arith.constant 0 : i32
    %dma_wait3A_103 = arith.constant 0 : i32
    %dma_wait3A_104 = arith.constant 0 : i32
    %dma_wait3A_105 = tpu.memref_slice %arg9[%dma_wait3A_101, %dma_wait3A_102, %dma_wait3A_103, %dma_wait3A_104] : memref<2x4x128x16xf32, #tpu.memory_space<vmem>> -> memref<1x1x128x16xf32, #tpu.memory_space<vmem>>
    %dma_wait3A_106 = tpu.memref_squeeze %dma_wait3A_105 : memref<1x1x128x16xf32, #tpu.memory_space<vmem>> -> memref<128x16xf32, #tpu.memory_space<vmem>>
    %dma_wait3A_107 = arith.constant 0 : i32
    %dma_wait3A_108 = tpu.memref_slice %arg8[%add3A_100, %dma_wait3A_107] : memref<128x128xi32, #tpu.memory_space<vmem>> -> memref<1x128xi32, #tpu.memory_space<vmem>>
    %dma_wait3A_109 = tpu.memref_squeeze %dma_wait3A_108 : memref<1x128xi32, #tpu.memory_space<vmem>> -> memref<128xi32, #tpu.memory_space<vmem>>
    %dma_wait3A_110 = arith.constant 0 : i32
    %dma_wait3A_111 = arith.constant 0 : i32
    %dma_wait3A_112 = tpu.memref_slice %arg14[%dma_wait3A_110, %dma_wait3A_111] : memref<10112x16xf32, #tpu.memory_space<vmem_shared>> -> memref<10112x16xf32, #tpu.memory_space<vmem_shared>>
    tpu.wait_indirect_dma semaphore(%arg13 : memref<!tpu.dma_semaphore, #tpu.memory_space<semaphore_mem>>) src(%dma_wait3A_106 : memref<128x16xf32, #tpu.memory_space<vmem>>) dst(%dma_wait3A_112 : memref<10112x16xf32, #tpu.memory_space<vmem_shared>>)
    %add3A_113 = arith.constant 1 : i32
    %add3A_114 = arith.addi %sub3A_98, %add3A_113 : i32
    %dma_wait3A_115 = arith.constant 1 : i32
    %dma_wait3A_116 = arith.constant 1 : i32
    %dma_wait3A_117 = arith.constant 0 : i32
    %dma_wait3A_118 = arith.constant 0 : i32
    %dma_wait3A_119 = tpu.memref_slice %arg9[%dma_wait3A_115, %dma_wait3A_116, %dma_wait3A_117, %dma_wait3A_118] : memref<2x4x128x16xf32, #tpu.memory_space<vmem>> -> memref<1x1x128x16xf32, #tpu.memory_space<vmem>>
    %dma_wait3A_120 = tpu.memref_squeeze %dma_wait3A_119 : memref<1x1x128x16xf32, #tpu.memory_space<vmem>> -> memref<128x16xf32, #tpu.memory_space<vmem>>
    %dma_wait3A_121 = arith.constant 0 : i32
    %dma_wait3A_122 = tpu.memref_slice %arg8[%add3A_114, %dma_wait3A_121] : memref<128x128xi32, #tpu.memory_space<vmem>> -> memref<1x128xi32, #tpu.memory_space<vmem>>
    %dma_wait3A_123 = tpu.memref_squeeze %dma_wait3A_122 : memref<1x128xi32, #tpu.memory_space<vmem>> -> memref<128xi32, #tpu.memory_space<vmem>>
    %dma_wait3A_124 = arith.constant 0 : i32
    %dma_wait3A_125 = arith.constant 0 : i32
    %dma_wait3A_126 = tpu.memref_slice %arg14[%dma_wait3A_124, %dma_wait3A_125] : memref<10112x16xf32, #tpu.memory_space<vmem_shared>> -> memref<10112x16xf32, #tpu.memory_space<vmem_shared>>
    tpu.wait_indirect_dma semaphore(%arg13 : memref<!tpu.dma_semaphore, #tpu.memory_space<semaphore_mem>>) src(%dma_wait3A_120 : memref<128x16xf32, #tpu.memory_space<vmem>>) dst(%dma_wait3A_126 : memref<10112x16xf32, #tpu.memory_space<vmem_shared>>)
    %add3A_127 = arith.constant 2 : i32
    %add3A_128 = arith.addi %sub3A_98, %add3A_127 : i32
    %dma_wait3A_129 = arith.constant 1 : i32
    %dma_wait3A_130 = arith.constant 2 : i32
    %dma_wait3A_131 = arith.constant 0 : i32
    %dma_wait3A_132 = arith.constant 0 : i32
    %dma_wait3A_133 = tpu.memref_slice %arg9[%dma_wait3A_129, %dma_wait3A_130, %dma_wait3A_131, %dma_wait3A_132] : memref<2x4x128x16xf32, #tpu.memory_space<vmem>> -> memref<1x1x128x16xf32, #tpu.memory_space<vmem>>
    %dma_wait3A_134 = tpu.memref_squeeze %dma_wait3A_133 : memref<1x1x128x16xf32, #tpu.memory_space<vmem>> -> memref<128x16xf32, #tpu.memory_space<vmem>>
    %dma_wait3A_135 = arith.constant 0 : i32
    %dma_wait3A_136 = tpu.memref_slice %arg8[%add3A_128, %dma_wait3A_135] : memref<128x128xi32, #tpu.memory_space<vmem>> -> memref<1x128xi32, #tpu.memory_space<vmem>>
    %dma_wait3A_137 = tpu.memref_squeeze %dma_wait3A_136 : memref<1x128xi32, #tpu.memory_space<vmem>> -> memref<128xi32, #tpu.memory_space<vmem>>
    %dma_wait3A_138 = arith.constant 0 : i32
    %dma_wait3A_139 = arith.constant 0 : i32
    %dma_wait3A_140 = tpu.memref_slice %arg14[%dma_wait3A_138, %dma_wait3A_139] : memref<10112x16xf32, #tpu.memory_space<vmem_shared>> -> memref<10112x16xf32, #tpu.memory_space<vmem_shared>>
    tpu.wait_indirect_dma semaphore(%arg13 : memref<!tpu.dma_semaphore, #tpu.memory_space<semaphore_mem>>) src(%dma_wait3A_134 : memref<128x16xf32, #tpu.memory_space<vmem>>) dst(%dma_wait3A_140 : memref<10112x16xf32, #tpu.memory_space<vmem_shared>>)
    %add3A_141 = arith.constant 3 : i32
    %add3A_142 = arith.addi %sub3A_98, %add3A_141 : i32
    %dma_wait3A_143 = arith.constant 1 : i32
    %dma_wait3A_144 = arith.constant 3 : i32
    %dma_wait3A_145 = arith.constant 0 : i32
    %dma_wait3A_146 = arith.constant 0 : i32
    %dma_wait3A_147 = tpu.memref_slice %arg9[%dma_wait3A_143, %dma_wait3A_144, %dma_wait3A_145, %dma_wait3A_146] : memref<2x4x128x16xf32, #tpu.memory_space<vmem>> -> memref<1x1x128x16xf32, #tpu.memory_space<vmem>>
    %dma_wait3A_148 = tpu.memref_squeeze %dma_wait3A_147 : memref<1x1x128x16xf32, #tpu.memory_space<vmem>> -> memref<128x16xf32, #tpu.memory_space<vmem>>
    %dma_wait3A_149 = arith.constant 0 : i32
    %dma_wait3A_150 = tpu.memref_slice %arg8[%add3A_142, %dma_wait3A_149] : memref<128x128xi32, #tpu.memory_space<vmem>> -> memref<1x128xi32, #tpu.memory_space<vmem>>
    %dma_wait3A_151 = tpu.memref_squeeze %dma_wait3A_150 : memref<1x128xi32, #tpu.memory_space<vmem>> -> memref<128xi32, #tpu.memory_space<vmem>>
    %dma_wait3A_152 = arith.constant 0 : i32
    %dma_wait3A_153 = arith.constant 0 : i32
    %dma_wait3A_154 = tpu.memref_slice %arg14[%dma_wait3A_152, %dma_wait3A_153] : memref<10112x16xf32, #tpu.memory_space<vmem_shared>> -> memref<10112x16xf32, #tpu.memory_space<vmem_shared>>
    tpu.wait_indirect_dma semaphore(%arg13 : memref<!tpu.dma_semaphore, #tpu.memory_space<semaphore_mem>>) src(%dma_wait3A_148 : memref<128x16xf32, #tpu.memory_space<vmem>>) dst(%dma_wait3A_154 : memref<10112x16xf32, #tpu.memory_space<vmem_shared>>)
    %barrier3A_155 = arith.constant 0 : index
    tpu.barrier barrier_id(%barrier3A_155)
    %mul3A_156 = arith.constant 632 : i32
    %mul3A_157 = arith.muli %arg1, %mul3A_156 : i32
    "tpu.region"() ({
      %run_scoped3A = tpu.sem_alloc : memref<!tpu.dma_semaphore, #tpu.memory_space<semaphore_mem>>
      %dma_start3A = arith.constant 0 : i32
      %dma_start3A_163 = tpu.memref_slice %arg14[%mul3A_157, %dma_start3A] : memref<10112x16xf32, #tpu.memory_space<vmem_shared>> -> memref<632x16xf32, #tpu.memory_space<vmem_shared>>
      %dma_start3A_164 = arith.constant 0 : i32
      %dma_start3A_165 = tpu.memref_slice %arg14[%mul3A_157, %dma_start3A_164] : memref<10112x16xf32, #tpu.memory_space<vmem_shared>> -> memref<632x16xf32, #tpu.memory_space<vmem_shared>>
      tpu.enqueue_dma source(%dma_start3A_165 : memref<632x16xf32, #tpu.memory_space<vmem_shared>>) target(%arg10 : memref<632x16xf32, #tpu.memory_space<vmem>>) target_semaphore(%run_scoped3A : memref<!tpu.dma_semaphore, #tpu.memory_space<semaphore_mem>>)
      %dma_wait3A_166 = arith.constant 0 : i32
      %dma_wait3A_167 = tpu.memref_slice %arg14[%mul3A_157, %dma_wait3A_166] : memref<10112x16xf32, #tpu.memory_space<vmem_shared>> -> memref<632x16xf32, #tpu.memory_space<vmem_shared>>
      %dma_wait3A_168 = arith.constant 0 : i32
      %dma_wait3A_169 = tpu.memref_slice %arg14[%mul3A_157, %dma_wait3A_168] : memref<10112x16xf32, #tpu.memory_space<vmem_shared>> -> memref<632x16xf32, #tpu.memory_space<vmem_shared>>
      tpu.wait_dma2 semaphore(%run_scoped3A : memref<!tpu.dma_semaphore, #tpu.memory_space<semaphore_mem>>) src(%dma_wait3A_169 : memref<632x16xf32, #tpu.memory_space<vmem_shared>>) dst(%arg10 : memref<632x16xf32, #tpu.memory_space<vmem>>)
      tpu.yield
    }) : () -> ()
    %mul3A_158 = arith.constant 10112 : i32
    %mul3A_159 = arith.muli %arg0, %mul3A_158 : i32
    %mul3A_160 = arith.constant 632 : i32
    %mul3A_161 = arith.muli %arg1, %mul3A_160 : i32
    %add3A_162 = arith.addi %mul3A_159, %mul3A_161 : i32
    "tpu.region"() ({
      %run_scoped3A = tpu.sem_alloc : memref<!tpu.dma_semaphore, #tpu.memory_space<semaphore_mem>>
      %dma_start3A = arith.constant 0 : i32
      %dma_start3A_163 = tpu.memref_slice %arg6[%add3A_162, %dma_start3A] : memref<20224x16xf32, #tpu.memory_space<hbm>> -> memref<632x16xf32, #tpu.memory_space<hbm>>
      %dma_start3A_164 = arith.constant 0 : i32
      %dma_start3A_165 = tpu.memref_slice %arg6[%add3A_162, %dma_start3A_164] : memref<20224x16xf32, #tpu.memory_space<hbm>> -> memref<632x16xf32, #tpu.memory_space<hbm>>
      tpu.enqueue_dma source(%arg10 : memref<632x16xf32, #tpu.memory_space<vmem>>) target(%dma_start3A_165 : memref<632x16xf32, #tpu.memory_space<hbm>>) target_semaphore(%run_scoped3A : memref<!tpu.dma_semaphore, #tpu.memory_space<semaphore_mem>>)
      %dma_wait3A_166 = arith.constant 0 : i32
      %dma_wait3A_167 = tpu.memref_slice %arg6[%add3A_162, %dma_wait3A_166] : memref<20224x16xf32, #tpu.memory_space<hbm>> -> memref<632x16xf32, #tpu.memory_space<hbm>>
      %dma_wait3A_168 = arith.constant 0 : i32
      %dma_wait3A_169 = tpu.memref_slice %arg6[%add3A_162, %dma_wait3A_168] : memref<20224x16xf32, #tpu.memory_space<hbm>> -> memref<632x16xf32, #tpu.memory_space<hbm>>
      tpu.wait_dma2 semaphore(%run_scoped3A : memref<!tpu.dma_semaphore, #tpu.memory_space<semaphore_mem>>) src(%arg10 : memref<632x16xf32, #tpu.memory_space<vmem>>) dst(%dma_wait3A_169 : memref<632x16xf32, #tpu.memory_space<hbm>>)
      tpu.yield
    }) : () -> ()
    return
  }
}

module attributes {stable_mosaic.version = 14 : i64} {
  func.func @_in_body(%arg0: memref<2x1264x8xf32, #tpu.memory_space<vmem>>, %arg1: memref<1250x1024xf32, #tpu.memory_space<vmem>>, %arg2: memref<1024x128xf32, #tpu.memory_space<vmem>>, %arg3: memref<1264x128xf32, #tpu.memory_space<vmem>>) attributes {dimension_semantics = [], scalar_prefetch = 0 : i64, scratch_operands = 0 : i64, tpu.core_type = #tpu.core_type<tc>} {
    %get3A = arith.constant 0 : index
    %get3A_0 = arith.constant 0 : index
    %get3A_1 = arith.constant 0 : index
    %get3A_2 = vector.load %arg0[%get3A, %get3A_0, %get3A_1] : memref<2x1264x8xf32, #tpu.memory_space<vmem>>, vector<1x1264x8xf32>
    %get3A_3 = vector.shape_cast %get3A_2 : vector<1x1264x8xf32> to vector<1264x8xf32>
    %get3A_4 = arith.constant 1 : index
    %get3A_5 = arith.constant 0 : index
    %get3A_6 = arith.constant 0 : index
    %get3A_7 = vector.load %arg0[%get3A_4, %get3A_5, %get3A_6] : memref<2x1264x8xf32, #tpu.memory_space<vmem>>, vector<1x1264x8xf32>
    %get3A_8 = vector.shape_cast %get3A_7 : vector<1x1264x8xf32> to vector<1264x8xf32>
    %add3A = arith.addf %get3A_3, %get3A_8 : vector<1264x8xf32>
    %add3A_9 = arith.constant 1.000000e+00 : f32
    %add3A_10 = vector.broadcast %add3A_9 : f32 to vector<1264x8xf32>
    %add3A_11 = arith.addf %add3A, %add3A_10 : vector<1264x8xf32>
    %rsqrt3A = math.rsqrt %add3A_11 : vector<1264x8xf32>
    %iota3A = tpu.iota {dimensions = array<i32: 1>} : vector<8x128xi32>
    %jit3A = arith.constant 16 : i32
    %div3A = vector.broadcast %jit3A : i32 to vector<8x128xi32>
    %div3A_12 = arith.divsi %iota3A, %div3A : vector<8x128xi32>
    %sign3A = arith.constant 0 : i32
    %sign3A_13 = vector.broadcast %sign3A : i32 to vector<8x128xi32>
    %sign3A_14 = arith.cmpi sgt, %iota3A, %sign3A_13 : vector<8x128xi32>
    %sign3A_15 = arith.extui %sign3A_14 : vector<8x128xi1> to vector<8x128xi32>
    %sign3A_16 = arith.constant 0 : i32
    %sign3A_17 = vector.broadcast %sign3A_16 : i32 to vector<8x128xi32>
    %sign3A_18 = arith.cmpi slt, %iota3A, %sign3A_17 : vector<8x128xi32>
    %sign3A_19 = arith.extui %sign3A_18 : vector<8x128xi1> to vector<8x128xi32>
    %sign3A_20 = arith.subi %sign3A_15, %sign3A_19 : vector<8x128xi32>
    %sign3A_21 = arith.constant 0 : i32
    %sign3A_22 = arith.cmpi sgt, %jit3A, %sign3A_21 : i32
    %sign3A_23 = arith.extui %sign3A_22 : i1 to i32
    %sign3A_24 = arith.constant 0 : i32
    %sign3A_25 = arith.cmpi slt, %jit3A, %sign3A_24 : i32
    %sign3A_26 = arith.extui %sign3A_25 : i1 to i32
    %sign3A_27 = arith.subi %sign3A_23, %sign3A_26 : i32
    %ne3A = vector.broadcast %sign3A_27 : i32 to vector<8x128xi32>
    %ne3A_28 = arith.cmpi ne, %sign3A_20, %ne3A : vector<8x128xi32>
    %rem3A = vector.broadcast %jit3A : i32 to vector<8x128xi32>
    %rem3A_29 = arith.remsi %iota3A, %rem3A : vector<8x128xi32>
    %ne3A_30 = arith.constant 0 : i32
    %ne3A_31 = vector.broadcast %ne3A_30 : i32 to vector<8x128xi32>
    %ne3A_32 = arith.cmpi ne, %rem3A_29, %ne3A_31 : vector<8x128xi32>
    %and3A = arith.andi %ne3A_28, %ne3A_32 : vector<8x128xi1>
    %sub3A = arith.constant 1 : i32
    %sub3A_33 = vector.broadcast %sub3A : i32 to vector<8x128xi32>
    %sub3A_34 = arith.subi %div3A_12, %sub3A_33 : vector<8x128xi32>
    %select_n3A = arith.select %and3A, %sub3A_34, %div3A_12 : vector<8x128xi1>, vector<8x128xi32>
    %iota3A_35 = tpu.iota {dimensions = array<i32: 0>} : vector<8x128xi32>
    %eq3A = arith.cmpi eq, %select_n3A, %iota3A_35 : vector<8x128xi32>
    %convert_element_type3A = arith.extui %eq3A : vector<8x128xi1> to vector<8x128xi32>
    %convert_element_type3A_36 = arith.sitofp %convert_element_type3A : vector<8x128xi32> to vector<8x128xf32>
    %dot_general3A = arith.constant dense<0.000000e+00> : vector<1264x128xf32>
    %dot_general3A_37 = tpu.matmul %rsqrt3A, %convert_element_type3A_36, %dot_general3A {dimension_numbers = #tpu.dot_dimension_numbers<[1], [0], [0], [1], [0, 0, 1, 1], [], []>, precision = #tpu.contract_precision<fp32>, transpose_lhs_hint = false} : vector<1264x8xf32>, vector<8x128xf32>, vector<1264x128xf32> -> vector<1264x128xf32>
    %get3A_38 = arith.constant 0 : index
    %get3A_39 = arith.constant 0 : index
    %get3A_40 = vector.load %arg1[%get3A_38, %get3A_39] : memref<1250x1024xf32, #tpu.memory_space<vmem>>, vector<1250x1024xf32>
    %get3A_41 = arith.constant 0 : index
    %get3A_42 = arith.constant 0 : index
    %get3A_43 = vector.load %arg2[%get3A_41, %get3A_42] : memref<1024x128xf32, #tpu.memory_space<vmem>>, vector<1024x128xf32>
    %dot_general3A_44 = arith.constant dense<0.000000e+00> : vector<1250x128xf32>
    %dot_general3A_45 = tpu.matmul %get3A_40, %get3A_43, %dot_general3A_44 {dimension_numbers = #tpu.dot_dimension_numbers<[1], [0], [0], [1], [0, 0, 1, 1], [], []>, transpose_lhs_hint = false} : vector<1250x1024xf32>, vector<1024x128xf32>, vector<1250x128xf32> -> vector<1250x128xf32>
    %slice3A = vector.extract_strided_slice %dot_general3A_37 {offsets = [0, 0], sizes = [1250, 128], strides = [1, 1]} : vector<1264x128xf32> to vector<1250x128xf32>
    %mul3A = arith.mulf %dot_general3A_45, %slice3A : vector<1250x128xf32>
    %swap3A = arith.constant 0 : index
    %swap3A_46 = arith.constant 0 : index
    %swap3A_47 = vector.load %arg3[%swap3A, %swap3A_46] : memref<1264x128xf32, #tpu.memory_space<vmem>>, vector<1250x128xf32>
    tpu.vector_store %arg3[%swap3A, %swap3A_46], %mul3A {strides = array<i32>} : memref<1264x128xf32, #tpu.memory_space<vmem>>, vector<1250x128xf32>,
    %broadcast_in_dim3A = arith.constant 0.000000e+00 : f32
    %broadcast_in_dim3A_48 = vector.broadcast %broadcast_in_dim3A : f32 to vector<14x128xf32>
    %swap3A_49 = arith.constant 1250 : index
    %swap3A_50 = arith.constant 0 : index
    %swap3A_51 = vector.load %arg3[%swap3A_49, %swap3A_50] : memref<1264x128xf32, #tpu.memory_space<vmem>>, vector<14x128xf32>
    tpu.vector_store %arg3[%swap3A_49, %swap3A_50], %broadcast_in_dim3A_48 {strides = array<i32>} : memref<1264x128xf32, #tpu.memory_space<vmem>>, vector<14x128xf32>,
    return
  }
}

module attributes {stable_mosaic.version = 14 : i64} {
  func.func @_out_body(%arg0: memref<2x1264x8xf32, #tpu.memory_space<vmem>>, %arg1: memref<2x1264x128xf32, #tpu.memory_space<vmem>>, %arg2: memref<1264x128xf32, #tpu.memory_space<vmem>>, %arg3: memref<1x128xf32, #tpu.memory_space<vmem>>, %arg4: memref<1250x128xf32, #tpu.memory_space<vmem>>) attributes {dimension_semantics = [], scalar_prefetch = 0 : i64, scratch_operands = 0 : i64, tpu.core_type = #tpu.core_type<tc>} {
    %get3A = arith.constant 0 : index
    %get3A_0 = arith.constant 0 : index
    %get3A_1 = arith.constant 0 : index
    %get3A_2 = vector.load %arg0[%get3A, %get3A_0, %get3A_1] : memref<2x1264x8xf32, #tpu.memory_space<vmem>>, vector<1x1264x8xf32>
    %get3A_3 = vector.shape_cast %get3A_2 : vector<1x1264x8xf32> to vector<1264x8xf32>
    %get3A_4 = arith.constant 1 : index
    %get3A_5 = arith.constant 0 : index
    %get3A_6 = arith.constant 0 : index
    %get3A_7 = vector.load %arg0[%get3A_4, %get3A_5, %get3A_6] : memref<2x1264x8xf32, #tpu.memory_space<vmem>>, vector<1x1264x8xf32>
    %get3A_8 = vector.shape_cast %get3A_7 : vector<1x1264x8xf32> to vector<1264x8xf32>
    %add3A = arith.addf %get3A_3, %get3A_8 : vector<1264x8xf32>
    %add3A_9 = arith.constant 1.000000e+00 : f32
    %add3A_10 = vector.broadcast %add3A_9 : f32 to vector<1264x8xf32>
    %add3A_11 = arith.addf %add3A, %add3A_10 : vector<1264x8xf32>
    %rsqrt3A = math.rsqrt %add3A_11 : vector<1264x8xf32>
    %iota3A = tpu.iota {dimensions = array<i32: 1>} : vector<8x128xi32>
    %jit3A = arith.constant 16 : i32
    %div3A = vector.broadcast %jit3A : i32 to vector<8x128xi32>
    %div3A_12 = arith.divsi %iota3A, %div3A : vector<8x128xi32>
    %sign3A = arith.constant 0 : i32
    %sign3A_13 = vector.broadcast %sign3A : i32 to vector<8x128xi32>
    %sign3A_14 = arith.cmpi sgt, %iota3A, %sign3A_13 : vector<8x128xi32>
    %sign3A_15 = arith.extui %sign3A_14 : vector<8x128xi1> to vector<8x128xi32>
    %sign3A_16 = arith.constant 0 : i32
    %sign3A_17 = vector.broadcast %sign3A_16 : i32 to vector<8x128xi32>
    %sign3A_18 = arith.cmpi slt, %iota3A, %sign3A_17 : vector<8x128xi32>
    %sign3A_19 = arith.extui %sign3A_18 : vector<8x128xi1> to vector<8x128xi32>
    %sign3A_20 = arith.subi %sign3A_15, %sign3A_19 : vector<8x128xi32>
    %sign3A_21 = arith.constant 0 : i32
    %sign3A_22 = arith.cmpi sgt, %jit3A, %sign3A_21 : i32
    %sign3A_23 = arith.extui %sign3A_22 : i1 to i32
    %sign3A_24 = arith.constant 0 : i32
    %sign3A_25 = arith.cmpi slt, %jit3A, %sign3A_24 : i32
    %sign3A_26 = arith.extui %sign3A_25 : i1 to i32
    %sign3A_27 = arith.subi %sign3A_23, %sign3A_26 : i32
    %ne3A = vector.broadcast %sign3A_27 : i32 to vector<8x128xi32>
    %ne3A_28 = arith.cmpi ne, %sign3A_20, %ne3A : vector<8x128xi32>
    %rem3A = vector.broadcast %jit3A : i32 to vector<8x128xi32>
    %rem3A_29 = arith.remsi %iota3A, %rem3A : vector<8x128xi32>
    %ne3A_30 = arith.constant 0 : i32
    %ne3A_31 = vector.broadcast %ne3A_30 : i32 to vector<8x128xi32>
    %ne3A_32 = arith.cmpi ne, %rem3A_29, %ne3A_31 : vector<8x128xi32>
    %and3A = arith.andi %ne3A_28, %ne3A_32 : vector<8x128xi1>
    %sub3A = arith.constant 1 : i32
    %sub3A_33 = vector.broadcast %sub3A : i32 to vector<8x128xi32>
    %sub3A_34 = arith.subi %div3A_12, %sub3A_33 : vector<8x128xi32>
    %select_n3A = arith.select %and3A, %sub3A_34, %div3A_12 : vector<8x128xi1>, vector<8x128xi32>
    %iota3A_35 = tpu.iota {dimensions = array<i32: 0>} : vector<8x128xi32>
    %eq3A = arith.cmpi eq, %select_n3A, %iota3A_35 : vector<8x128xi32>
    %convert_element_type3A = arith.extui %eq3A : vector<8x128xi1> to vector<8x128xi32>
    %convert_element_type3A_36 = arith.sitofp %convert_element_type3A : vector<8x128xi32> to vector<8x128xf32>
    %dot_general3A = arith.constant dense<0.000000e+00> : vector<1264x128xf32>
    %dot_general3A_37 = tpu.matmul %rsqrt3A, %convert_element_type3A_36, %dot_general3A {dimension_numbers = #tpu.dot_dimension_numbers<[1], [0], [0], [1], [0, 0, 1, 1], [], []>, precision = #tpu.contract_precision<fp32>, transpose_lhs_hint = false} : vector<1264x8xf32>, vector<8x128xf32>, vector<1264x128xf32> -> vector<1264x128xf32>
    %get3A_38 = arith.constant 0 : index
    %get3A_39 = arith.constant 0 : index
    %get3A_40 = arith.constant 0 : index
    %get3A_41 = vector.load %arg1[%get3A_38, %get3A_39, %get3A_40] : memref<2x1264x128xf32, #tpu.memory_space<vmem>>, vector<1x1250x128xf32>
    %get3A_42 = vector.shape_cast %get3A_41 : vector<1x1250x128xf32> to vector<1250x128xf32>
    %get3A_43 = arith.constant 1 : index
    %get3A_44 = arith.constant 0 : index
    %get3A_45 = arith.constant 0 : index
    %get3A_46 = vector.load %arg1[%get3A_43, %get3A_44, %get3A_45] : memref<2x1264x128xf32, #tpu.memory_space<vmem>>, vector<1x1250x128xf32>
    %get3A_47 = vector.shape_cast %get3A_46 : vector<1x1250x128xf32> to vector<1250x128xf32>
    %add3A_48 = arith.addf %get3A_42, %get3A_47 : vector<1250x128xf32>
    %get3A_49 = arith.constant 0 : index
    %get3A_50 = arith.constant 0 : index
    %get3A_51 = vector.load %arg2[%get3A_49, %get3A_50] : memref<1264x128xf32, #tpu.memory_space<vmem>>, vector<1250x128xf32>
    %add3A_52 = arith.addf %add3A_48, %get3A_51 : vector<1250x128xf32>
    %slice3A = vector.extract_strided_slice %dot_general3A_37 {offsets = [0, 0], sizes = [1250, 128], strides = [1, 1]} : vector<1264x128xf32> to vector<1250x128xf32>
    %mul3A = arith.mulf %add3A_52, %slice3A : vector<1250x128xf32>
    %get3A_53 = arith.constant 0 : index
    %get3A_54 = arith.constant 0 : index
    %get3A_55 = vector.load %arg3[%get3A_53, %get3A_54] : memref<1x128xf32, #tpu.memory_space<vmem>>, vector<1x128xf32>
    %add3A_56 = vector.broadcast %get3A_55 : vector<1x128xf32> to vector<1250x128xf32>
    %add3A_57 = arith.addf %mul3A, %add3A_56 : vector<1250x128xf32>
    %iota3A_58 = tpu.iota {dimensions = array<i32: 0>} : vector<128x128xi32>
    %jit3A_59 = arith.constant 16 : i32
    %div3A_60 = vector.broadcast %jit3A_59 : i32 to vector<128x128xi32>
    %div3A_61 = arith.divsi %iota3A_58, %div3A_60 : vector<128x128xi32>
    %sign3A_62 = arith.constant 0 : i32
    %sign3A_63 = vector.broadcast %sign3A_62 : i32 to vector<128x128xi32>
    %sign3A_64 = arith.cmpi sgt, %iota3A_58, %sign3A_63 : vector<128x128xi32>
    %sign3A_65 = arith.extui %sign3A_64 : vector<128x128xi1> to vector<128x128xi32>
    %sign3A_66 = arith.constant 0 : i32
    %sign3A_67 = vector.broadcast %sign3A_66 : i32 to vector<128x128xi32>
    %sign3A_68 = arith.cmpi slt, %iota3A_58, %sign3A_67 : vector<128x128xi32>
    %sign3A_69 = arith.extui %sign3A_68 : vector<128x128xi1> to vector<128x128xi32>
    %sign3A_70 = arith.subi %sign3A_65, %sign3A_69 : vector<128x128xi32>
    %sign3A_71 = arith.constant 0 : i32
    %sign3A_72 = arith.cmpi sgt, %jit3A_59, %sign3A_71 : i32
    %sign3A_73 = arith.extui %sign3A_72 : i1 to i32
    %sign3A_74 = arith.constant 0 : i32
    %sign3A_75 = arith.cmpi slt, %jit3A_59, %sign3A_74 : i32
    %sign3A_76 = arith.extui %sign3A_75 : i1 to i32
    %sign3A_77 = arith.subi %sign3A_73, %sign3A_76 : i32
    %ne3A_78 = vector.broadcast %sign3A_77 : i32 to vector<128x128xi32>
    %ne3A_79 = arith.cmpi ne, %sign3A_70, %ne3A_78 : vector<128x128xi32>
    %rem3A_80 = vector.broadcast %jit3A_59 : i32 to vector<128x128xi32>
    %rem3A_81 = arith.remsi %iota3A_58, %rem3A_80 : vector<128x128xi32>
    %ne3A_82 = arith.constant 0 : i32
    %ne3A_83 = vector.broadcast %ne3A_82 : i32 to vector<128x128xi32>
    %ne3A_84 = arith.cmpi ne, %rem3A_81, %ne3A_83 : vector<128x128xi32>
    %and3A_85 = arith.andi %ne3A_79, %ne3A_84 : vector<128x128xi1>
    %sub3A_86 = arith.constant 1 : i32
    %sub3A_87 = vector.broadcast %sub3A_86 : i32 to vector<128x128xi32>
    %sub3A_88 = arith.subi %div3A_61, %sub3A_87 : vector<128x128xi32>
    %select_n3A_89 = arith.select %and3A_85, %sub3A_88, %div3A_61 : vector<128x128xi1>, vector<128x128xi32>
    %iota3A_90 = tpu.iota {dimensions = array<i32: 1>} : vector<128x128xi32>
    %jit3A_91 = arith.constant 16 : i32
    %div3A_92 = vector.broadcast %jit3A_91 : i32 to vector<128x128xi32>
    %div3A_93 = arith.divsi %iota3A_90, %div3A_92 : vector<128x128xi32>
    %sign3A_94 = arith.constant 0 : i32
    %sign3A_95 = vector.broadcast %sign3A_94 : i32 to vector<128x128xi32>
    %sign3A_96 = arith.cmpi sgt, %iota3A_90, %sign3A_95 : vector<128x128xi32>
    %sign3A_97 = arith.extui %sign3A_96 : vector<128x128xi1> to vector<128x128xi32>
    %sign3A_98 = arith.constant 0 : i32
    %sign3A_99 = vector.broadcast %sign3A_98 : i32 to vector<128x128xi32>
    %sign3A_100 = arith.cmpi slt, %iota3A_90, %sign3A_99 : vector<128x128xi32>
    %sign3A_101 = arith.extui %sign3A_100 : vector<128x128xi1> to vector<128x128xi32>
    %sign3A_102 = arith.subi %sign3A_97, %sign3A_101 : vector<128x128xi32>
    %sign3A_103 = arith.constant 0 : i32
    %sign3A_104 = arith.cmpi sgt, %jit3A_91, %sign3A_103 : i32
    %sign3A_105 = arith.extui %sign3A_104 : i1 to i32
    %sign3A_106 = arith.constant 0 : i32
    %sign3A_107 = arith.cmpi slt, %jit3A_91, %sign3A_106 : i32
    %sign3A_108 = arith.extui %sign3A_107 : i1 to i32
    %sign3A_109 = arith.subi %sign3A_105, %sign3A_108 : i32
    %ne3A_110 = vector.broadcast %sign3A_109 : i32 to vector<128x128xi32>
    %ne3A_111 = arith.cmpi ne, %sign3A_102, %ne3A_110 : vector<128x128xi32>
    %rem3A_112 = vector.broadcast %jit3A_91 : i32 to vector<128x128xi32>
    %rem3A_113 = arith.remsi %iota3A_90, %rem3A_112 : vector<128x128xi32>
    %ne3A_114 = arith.constant 0 : i32
    %ne3A_115 = vector.broadcast %ne3A_114 : i32 to vector<128x128xi32>
    %ne3A_116 = arith.cmpi ne, %rem3A_113, %ne3A_115 : vector<128x128xi32>
    %and3A_117 = arith.andi %ne3A_111, %ne3A_116 : vector<128x128xi1>
    %sub3A_118 = arith.constant 1 : i32
    %sub3A_119 = vector.broadcast %sub3A_118 : i32 to vector<128x128xi32>
    %sub3A_120 = arith.subi %div3A_93, %sub3A_119 : vector<128x128xi32>
    %select_n3A_121 = arith.select %and3A_117, %sub3A_120, %div3A_93 : vector<128x128xi1>, vector<128x128xi32>
    %eq3A_122 = arith.cmpi eq, %select_n3A_89, %select_n3A_121 : vector<128x128xi32>
    %convert_element_type3A_123 = arith.extui %eq3A_122 : vector<128x128xi1> to vector<128x128xi32>
    %convert_element_type3A_124 = arith.sitofp %convert_element_type3A_123 : vector<128x128xi32> to vector<128x128xf32>
    %div3A_125 = arith.constant 1.600000e+01 : f32
    %div3A_126 = vector.broadcast %div3A_125 : f32 to vector<128x128xf32>
    %div3A_127 = arith.divf %convert_element_type3A_124, %div3A_126 : vector<128x128xf32>
    %dot_general3A_128 = arith.constant dense<0.000000e+00> : vector<1250x128xf32>
    %dot_general3A_129 = tpu.matmul %add3A_57, %div3A_127, %dot_general3A_128 {dimension_numbers = #tpu.dot_dimension_numbers<[1], [0], [0], [1], [0, 0, 1, 1], [], []>, transpose_lhs_hint = false} : vector<1250x128xf32>, vector<128x128xf32>, vector<1250x128xf32> -> vector<1250x128xf32>
    %sub3A_130 = arith.subf %add3A_57, %dot_general3A_129 : vector<1250x128xf32>
    %exp3A = math.exp %sub3A_130 : vector<1250x128xf32>
    %dot_general3A_131 = arith.constant dense<0.000000e+00> : vector<1250x128xf32>
    %dot_general3A_132 = tpu.matmul %exp3A, %convert_element_type3A_124, %dot_general3A_131 {dimension_numbers = #tpu.dot_dimension_numbers<[1], [0], [0], [1], [0, 0, 1, 1], [], []>, precision = #tpu.contract_precision<fp32>, transpose_lhs_hint = false} : vector<1250x128xf32>, vector<128x128xf32>, vector<1250x128xf32> -> vector<1250x128xf32>
    %log3A = math.log %dot_general3A_132 : vector<1250x128xf32>
    %sub3A_133 = arith.subf %sub3A_130, %log3A : vector<1250x128xf32>
    %swap3A = arith.constant 0 : index
    %swap3A_134 = arith.constant 0 : index
    %swap3A_135 = vector.load %arg4[%swap3A, %swap3A_134] : memref<1250x128xf32, #tpu.memory_space<vmem>>, vector<1250x128xf32>
    tpu.vector_store %arg4[%swap3A, %swap3A_134], %sub3A_133 {strides = array<i32>} : memref<1250x128xf32, #tpu.memory_space<vmem>>, vector<1250x128xf32>,
    return
  }
}

module attributes {stable_mosaic.version = 14 : i64} {
  func.func @_mid_body(%arg0: memref<2x1264x8xf32, #tpu.memory_space<vmem>>, %arg1: memref<2x1264x128xf32, #tpu.memory_space<vmem>>, %arg2: memref<1264x128xf32, #tpu.memory_space<vmem>>, %arg3: memref<1x128xf32, #tpu.memory_space<vmem>>, %arg4: memref<128x128xf32, #tpu.memory_space<vmem>>, %arg5: memref<1264x128xf32, #tpu.memory_space<vmem>>) attributes {dimension_semantics = [], scalar_prefetch = 0 : i64, scratch_operands = 0 : i64, tpu.core_type = #tpu.core_type<tc>} {
    %get3A = arith.constant 0 : index
    %get3A_0 = arith.constant 0 : index
    %get3A_1 = arith.constant 0 : index
    %get3A_2 = vector.load %arg0[%get3A, %get3A_0, %get3A_1] : memref<2x1264x8xf32, #tpu.memory_space<vmem>>, vector<1x1264x8xf32>
    %get3A_3 = vector.shape_cast %get3A_2 : vector<1x1264x8xf32> to vector<1264x8xf32>
    %get3A_4 = arith.constant 1 : index
    %get3A_5 = arith.constant 0 : index
    %get3A_6 = arith.constant 0 : index
    %get3A_7 = vector.load %arg0[%get3A_4, %get3A_5, %get3A_6] : memref<2x1264x8xf32, #tpu.memory_space<vmem>>, vector<1x1264x8xf32>
    %get3A_8 = vector.shape_cast %get3A_7 : vector<1x1264x8xf32> to vector<1264x8xf32>
    %add3A = arith.addf %get3A_3, %get3A_8 : vector<1264x8xf32>
    %add3A_9 = arith.constant 1.000000e+00 : f32
    %add3A_10 = vector.broadcast %add3A_9 : f32 to vector<1264x8xf32>
    %add3A_11 = arith.addf %add3A, %add3A_10 : vector<1264x8xf32>
    %rsqrt3A = math.rsqrt %add3A_11 : vector<1264x8xf32>
    %iota3A = tpu.iota {dimensions = array<i32: 1>} : vector<8x128xi32>
    %jit3A = arith.constant 16 : i32
    %div3A = vector.broadcast %jit3A : i32 to vector<8x128xi32>
    %div3A_12 = arith.divsi %iota3A, %div3A : vector<8x128xi32>
    %sign3A = arith.constant 0 : i32
    %sign3A_13 = vector.broadcast %sign3A : i32 to vector<8x128xi32>
    %sign3A_14 = arith.cmpi sgt, %iota3A, %sign3A_13 : vector<8x128xi32>
    %sign3A_15 = arith.extui %sign3A_14 : vector<8x128xi1> to vector<8x128xi32>
    %sign3A_16 = arith.constant 0 : i32
    %sign3A_17 = vector.broadcast %sign3A_16 : i32 to vector<8x128xi32>
    %sign3A_18 = arith.cmpi slt, %iota3A, %sign3A_17 : vector<8x128xi32>
    %sign3A_19 = arith.extui %sign3A_18 : vector<8x128xi1> to vector<8x128xi32>
    %sign3A_20 = arith.subi %sign3A_15, %sign3A_19 : vector<8x128xi32>
    %sign3A_21 = arith.constant 0 : i32
    %sign3A_22 = arith.cmpi sgt, %jit3A, %sign3A_21 : i32
    %sign3A_23 = arith.extui %sign3A_22 : i1 to i32
    %sign3A_24 = arith.constant 0 : i32
    %sign3A_25 = arith.cmpi slt, %jit3A, %sign3A_24 : i32
    %sign3A_26 = arith.extui %sign3A_25 : i1 to i32
    %sign3A_27 = arith.subi %sign3A_23, %sign3A_26 : i32
    %ne3A = vector.broadcast %sign3A_27 : i32 to vector<8x128xi32>
    %ne3A_28 = arith.cmpi ne, %sign3A_20, %ne3A : vector<8x128xi32>
    %rem3A = vector.broadcast %jit3A : i32 to vector<8x128xi32>
    %rem3A_29 = arith.remsi %iota3A, %rem3A : vector<8x128xi32>
    %ne3A_30 = arith.constant 0 : i32
    %ne3A_31 = vector.broadcast %ne3A_30 : i32 to vector<8x128xi32>
    %ne3A_32 = arith.cmpi ne, %rem3A_29, %ne3A_31 : vector<8x128xi32>
    %and3A = arith.andi %ne3A_28, %ne3A_32 : vector<8x128xi1>
    %sub3A = arith.constant 1 : i32
    %sub3A_33 = vector.broadcast %sub3A : i32 to vector<8x128xi32>
    %sub3A_34 = arith.subi %div3A_12, %sub3A_33 : vector<8x128xi32>
    %select_n3A = arith.select %and3A, %sub3A_34, %div3A_12 : vector<8x128xi1>, vector<8x128xi32>
    %iota3A_35 = tpu.iota {dimensions = array<i32: 0>} : vector<8x128xi32>
    %eq3A = arith.cmpi eq, %select_n3A, %iota3A_35 : vector<8x128xi32>
    %convert_element_type3A = arith.extui %eq3A : vector<8x128xi1> to vector<8x128xi32>
    %convert_element_type3A_36 = arith.sitofp %convert_element_type3A : vector<8x128xi32> to vector<8x128xf32>
    %dot_general3A = arith.constant dense<0.000000e+00> : vector<1264x128xf32>
    %dot_general3A_37 = tpu.matmul %rsqrt3A, %convert_element_type3A_36, %dot_general3A {dimension_numbers = #tpu.dot_dimension_numbers<[1], [0], [0], [1], [0, 0, 1, 1], [], []>, precision = #tpu.contract_precision<fp32>, transpose_lhs_hint = false} : vector<1264x8xf32>, vector<8x128xf32>, vector<1264x128xf32> -> vector<1264x128xf32>
    %get3A_38 = arith.constant 0 : index
    %get3A_39 = arith.constant 0 : index
    %get3A_40 = arith.constant 0 : index
    %get3A_41 = vector.load %arg1[%get3A_38, %get3A_39, %get3A_40] : memref<2x1264x128xf32, #tpu.memory_space<vmem>>, vector<1x1250x128xf32>
    %get3A_42 = vector.shape_cast %get3A_41 : vector<1x1250x128xf32> to vector<1250x128xf32>
    %get3A_43 = arith.constant 1 : index
    %get3A_44 = arith.constant 0 : index
    %get3A_45 = arith.constant 0 : index
    %get3A_46 = vector.load %arg1[%get3A_43, %get3A_44, %get3A_45] : memref<2x1264x128xf32, #tpu.memory_space<vmem>>, vector<1x1250x128xf32>
    %get3A_47 = vector.shape_cast %get3A_46 : vector<1x1250x128xf32> to vector<1250x128xf32>
    %add3A_48 = arith.addf %get3A_42, %get3A_47 : vector<1250x128xf32>
    %get3A_49 = arith.constant 0 : index
    %get3A_50 = arith.constant 0 : index
    %get3A_51 = vector.load %arg2[%get3A_49, %get3A_50] : memref<1264x128xf32, #tpu.memory_space<vmem>>, vector<1250x128xf32>
    %add3A_52 = arith.addf %add3A_48, %get3A_51 : vector<1250x128xf32>
    %slice3A = vector.extract_strided_slice %dot_general3A_37 {offsets = [0, 0], sizes = [1250, 128], strides = [1, 1]} : vector<1264x128xf32> to vector<1250x128xf32>
    %mul3A = arith.mulf %add3A_52, %slice3A : vector<1250x128xf32>
    %get3A_53 = arith.constant 0 : index
    %get3A_54 = arith.constant 0 : index
    %get3A_55 = vector.load %arg3[%get3A_53, %get3A_54] : memref<1x128xf32, #tpu.memory_space<vmem>>, vector<1x128xf32>
    %add3A_56 = vector.broadcast %get3A_55 : vector<1x128xf32> to vector<1250x128xf32>
    %add3A_57 = arith.addf %mul3A, %add3A_56 : vector<1250x128xf32>
    %max3A = arith.constant 0.000000e+00 : f32
    %max3A_58 = vector.broadcast %max3A : f32 to vector<1250x128xf32>
    %max3A_59 = arith.maximumf %add3A_57, %max3A_58 : vector<1250x128xf32>
    %get3A_60 = arith.constant 0 : index
    %get3A_61 = arith.constant 0 : index
    %get3A_62 = vector.load %arg4[%get3A_60, %get3A_61] : memref<128x128xf32, #tpu.memory_space<vmem>>, vector<128x128xf32>
    %dot_general3A_63 = arith.constant dense<0.000000e+00> : vector<1250x128xf32>
    %dot_general3A_64 = tpu.matmul %max3A_59, %get3A_62, %dot_general3A_63 {dimension_numbers = #tpu.dot_dimension_numbers<[1], [0], [0], [1], [0, 0, 1, 1], [], []>, transpose_lhs_hint = false} : vector<1250x128xf32>, vector<128x128xf32>, vector<1250x128xf32> -> vector<1250x128xf32>
    %slice3A_65 = vector.extract_strided_slice %dot_general3A_37 {offsets = [0, 0], sizes = [1250, 128], strides = [1, 1]} : vector<1264x128xf32> to vector<1250x128xf32>
    %mul3A_66 = arith.mulf %dot_general3A_64, %slice3A_65 : vector<1250x128xf32>
    %swap3A = arith.constant 0 : index
    %swap3A_67 = arith.constant 0 : index
    %swap3A_68 = vector.load %arg5[%swap3A, %swap3A_67] : memref<1264x128xf32, #tpu.memory_space<vmem>>, vector<1250x128xf32>
    tpu.vector_store %arg5[%swap3A, %swap3A_67], %mul3A_66 {strides = array<i32>} : memref<1264x128xf32, #tpu.memory_space<vmem>>, vector<1250x128xf32>,
    %broadcast_in_dim3A = arith.constant 0.000000e+00 : f32
    %broadcast_in_dim3A_69 = vector.broadcast %broadcast_in_dim3A : f32 to vector<14x128xf32>
    %swap3A_70 = arith.constant 1250 : index
    %swap3A_71 = arith.constant 0 : index
    %swap3A_72 = vector.load %arg5[%swap3A_70, %swap3A_71] : memref<1264x128xf32, #tpu.memory_space<vmem>>, vector<14x128xf32>
    tpu.vector_store %arg5[%swap3A_70, %swap3A_71], %broadcast_in_dim3A_69 {strides = array<i32>} : memref<1264x128xf32, #tpu.memory_space<vmem>>, vector<14x128xf32>,
    return
  }
}

</mosaic_0001>

<sc_bundles>
// kernel: kernel.11.cloned.1.call-start
scs
__scs_entry_jumppad:
0x0: {  	(pc) =	sbr.rel $0x88, $3  }
0x1: {  	(tag) =	ssettag $0x0;
	lr =	simm.s32 $0x1  }
0x2: {  	[smem:$0x3F9B] =	sst lr;
	_ =	strace $0xD0000000  }
0x3: {  	_ = 	snop  }
0x4: {  	_ = 	snop  }
0x5: {  	_ = 	snop  }
0x6: {  	_ = 	snop  }
0x7: {  	_ = 	snop  }
__scs_overlays_trampoline_lowered:
0x8: {  	[smem:$0x3FAA] =	sst s0  }
0x9: {  	[smem:$0x3FAB] =	sst s1  }
0xa: {  	[smem:$0x3FAC] =	sst s2  }
0xb: {  	[smem:$0x3FAD] =	sst s3  }
0xc: {  	[smem:$0x3FAE] =	sst s4  }
0xd: {  	[smem:$0x3FAF] =	sst s5  }
0xe: {  	[smem:$0x3FB0] =	sst s6  }
0xf: {  	[smem:$0x3FB1] =	sst s7  }
0x10: {  	[smem:$0x3FB2] =	sst s8  }
0x11: {  	[smem:$0x3FB3] =	sst s9;
	s0 =	simm.s32 @!p0 $0x0  }
0x12: {  	s1 =	sld [smem:$0x3F99];
	s0 =	simm.s32 @p0 $0x1  }
0x13: {  	[smem:$0x3FB4] =	sst s0;
	s0 =	simm.s32 @!p1 $0x0  }
0x14: {  	s2 =	sld [smem:$0x3F98];
	s0 =	simm.s32 @p1 $0x1  }
0x15: {  	[smem:$0x3FB5] =	sst s0;
	s0 =	simm.s32 @!p2 $0x0  }
0x16: {  	s3 =	sld [smem:$0x3FDB];
	s0 =	simm.s32 @p2 $0x1  }
0x17: {  	s4 =	simm.s32 $0x1BF5;
	[smem:$0x3FB7] =	sst s0  }
0x18: {  	s0 =	sld [smem:$0x3F9A];
	_ =	swait.ge [sflag:s4], $0x0  }
0x19: {  	s7 =	sld [smem:$0x3F9B]  }
0x1a: {  	s8 =	sadd.s32 $0xFFFFE003, lr  }
0x1b: {  	s9 =	sadd.s32 $0xFFFFFEF7, lr;
	s5 =	simm.s32 $0xFFFFFFFF;
	p2 =	slt.u32 s8, $0xFFFFF086  }
0x1c: {  	p1 =	slt.u32 s9, $0xF7A;
	s5 =	simm.s32 @!p2 $0x0  }
0x1d: {  	s5 =	simm.s32 @p1 $0x1;
	p0 =	seq.s32 s7, s2  }
0x1e: {  	s7 =	smul.u32 @!p0 $0xF7A, s2;
	p2 =	seq.s32 @!p0 s5, $0x0  }
0x1f: {  	s9 =	smul.u32 $0xF7A, s1;
	s8 =	simm.s32 @!p0 $0x1BF5;
	p2 =	por !p2, p0  }
0x20: {  	[sflag:s8] =	ssyncset.s32 @!p0 $0xFFFFF086;
	s6 =	sadd.s32 @!p0 s3, s7;
	s7 =	simm.s32 @!p0 $0x108  }
0x21: {  	s3 =	sadd.s32 s3, s9;
	s6 =	sadd.s32 @!p0 $0x88, s6;
	s7 =	simm.s32 @p2 $0x1082  }
0x22: {  	[simem:s7], [sflag:s8] =	dma.local @!p0 [hbm:s6], $0xF7A  }
0x23: {  	s9 =	sor.u32 $0xD0000000, s2;
	s6 =	simm.s32 $0x108;
	_ =	swait.ge @!p0 [sflag:s8], $0x0  }
0x24: {  	s3 =	sadd.s32 $0x88, s3;
	s6 =	simm.s32 @!p1 $0x1082;
	[sflag:s4] =	ssyncset.s32 $0xFFFFF086  }
0x25: {  	[simem:s6], [sflag:s4] =	dma.local [hbm:s3], $0xF7A  }
0x26: {  	[smem:$0x3F9B] =	sst s1;
	(tag) =	ssettag s2;
	_ =	strace s9  }
0x27: {  	s1 =	sld [smem:$0x3FAB]  }
0x28: {  	s2 =	sld [smem:$0x3FAC]  }
0x29: {  	s4 =	sld [smem:$0x3FAE]  }
0x2a: {  	p0 =	seq.s32 s5, $0x0;
	s5 =	sld [smem:$0x3FAF]  }
0x2b: {  	s6 =	sld [smem:$0x3FB0]  }
0x2c: {  	s7 =	sld [smem:$0x3FB1]  }
0x2d: {  	s3 =	simm.s32 $0x108;
	s8 =	sld [smem:$0x3FB2]  }
0x2e: {  	s3 =	simm.s32 @!p0 $0x1082;
	s9 =	sld [smem:$0x3FB3]  }
0x2f: {  	lr =	sadd.s32 s0, s3;
	s0 =	sld [smem:$0x3FAA]  }
0x30: {  	s3 =	sld [smem:$0x3FAD]  }
0x31: {  	[smem:$0x3FB6] =	sst s10  }
0x32: {  	s10 =	sld [smem:$0x3FB4];
	_ =	sdelay $0x3  }
0x33: {  	p0 =	seq.s32 s10, $0x1;
	s10 =	sld [smem:$0x3FB6];
	_ =	sdelay $0x3  }
0x34: {  	[smem:$0x3FB6] =	sst s10  }
0x35: {  	s10 =	sld [smem:$0x3FB5];
	_ =	sdelay $0x3  }
0x36: {  	p1 =	seq.s32 s10, $0x1;
	s10 =	sld [smem:$0x3FB6];
	_ =	sdelay $0x3  }
0x37: {  	[smem:$0x3FB6] =	sst s10  }
0x38: {  	s10 =	sld [smem:$0x3FB7]  }
0x39: {  	_ = 	snop;
	(pc) =	sbr.ind lr, $3  }
0x3a: {  	_ = 	snop  }
0x3b: {  	_ = 	snop  }
0x3c: {  	p2 =	seq.s32 s10, $0x1;
	s10 =	sld [smem:$0x3FB6]  }
0x3d: {  	_ =	shalt  }
0x3e: {  	_ =	shalt  }
0x3f: {  	_ =	shalt  }
0x40: {  	_ =	shalt  }
0x41: {  	_ =	shalt  }
0x42: {  	_ =	shalt  }
0x43: {  	_ =	shalt  }
0x44: {  	_ =	shalt  }
0x45: {  	_ =	shalt  }
0x46: {  	_ =	shalt  }
0x47: {  	_ =	shalt  }
0x48: {  	_ =	shalt  }
0x49: {  	_ =	shalt  }
0x4a: {  	_ =	shalt  }
0x4b: {  	_ =	shalt  }
0x4c: {  	_ =	shalt  }
0x4d: {  	_ =	shalt  }
0x4e: {  	_ =	shalt  }
0x4f: {  	_ =	shalt  }
0x50: {  	_ =	shalt  }
0x51: {  	_ =	shalt  }
0x52: {  	_ =	shalt  }
0x53: {  	_ =	shalt  }
0x54: {  	_ =	shalt  }
0x55: {  	_ =	shalt  }
0x56: {  	_ =	shalt  }
0x57: {  	_ =	shalt  }
0x58: {  	_ =	shalt  }
0x59: {  	_ =	shalt  }
0x5a: {  	_ =	shalt  }
0x5b: {  	_ =	shalt  }
0x5c: {  	_ =	shalt  }
0x5d: {  	_ =	shalt  }
0x5e: {  	_ =	shalt  }
0x5f: {  	_ =	shalt  }
0x60: {  	_ =	shalt  }
0x61: {  	_ =	shalt  }
0x62: {  	_ =	shalt  }
0x63: {  	_ =	shalt  }
0x64: {  	_ =	shalt  }
0x65: {  	_ =	shalt  }
0x66: {  	_ =	shalt  }
0x67: {  	_ =	shalt  }
0x68: {  	_ =	shalt  }
0x69: {  	_ =	shalt  }
0x6a: {  	_ =	shalt  }
0x6b: {  	_ =	shalt  }
0x6c: {  	_ =	shalt  }
0x6d: {  	_ =	shalt  }
0x6e: {  	_ =	shalt  }
0x6f: {  	_ =	shalt  }
0x70: {  	_ =	shalt  }
0x71: {  	_ =	shalt  }
0x72: {  	_ =	shalt  }
0x73: {  	_ =	shalt  }
0x74: {  	_ =	shalt  }
0x75: {  	_ =	shalt  }
0x76: {  	_ =	shalt  }
0x77: {  	_ =	shalt  }
0x78: {  	_ =	shalt  }
0x79: {  	_ =	shalt  }
0x7a: {  	_ =	shalt  }
0x7b: {  	_ =	shalt  }
0x7c: {  	_ =	shalt  }
0x7d: {  	_ =	shalt  }
0x7e: {  	_ =	shalt  }
0x7f: {  	_ =	shalt  }
0x80: {  	_ =	shalt  }
0x81: {  	_ =	shalt  }
0x82: {  	_ =	shalt  }
0x83: {  	_ =	shalt  }
0x84: {  	_ =	shalt  }
0x85: {  	_ =	shalt  }
0x86: {  	_ =	shalt  }
0x87: {  	_ =	shalt  }
.Lfunc_end0:
.L_simem_size_0:
called_computation.1_lowered:
.L_overlay_start_0:
0x88: {  	s2 =	sld [smem:$0x3FD9]  }
0x89: {  	s3 =	sld [smem:$0x3FFE];
	_ =	sdelay $0x1  }
0x8a: {  	s1 =	srdreg.scid  }
0x8b: {  	s0 =	sand.u32 $0x1, s1  }
0x8c: {  	s17 =	sshll.u32 s0, $0xA;
	s2 =	sadd.s32 s3, s2  }
0x8d: {  	s2 =	sadd.s32 s2, s17  }
0x8e: {  	[smem:$0x3FC2] =	sst s2  }
0x8f: {  	_ = 	snop  }
0x90: {  	s2 =	sld [smem:$0x3FD0];
	(tm) =	ssettm $0x1  }
0x91: {  	s18 =	sld [smem:$0x3FFB];
	_ =	sdelay $0x3  }
0x92: {  	_ =	strace s18  }
0x93: {  	s3 =	sld [smem:$0x3FFC];
	_ =	sdelay $0x3  }
0x94: {  	_ =	strace s3  }
0x95: {  	s3 =	sld [smem:$0x3FFD];
	_ =	sdelay $0x3  }
0x96: {  	_ =	strace s3  }
0x97: {  	_ =	strace $0x8FFFFFFF  }
0x98: {  	s19 =	sld [smem:$0x3FDB];
	_ =	sdelay $0x1  }
0x99: {  	s4 =	simm.s32 $_scs_section_size  }
0x9a: {  	s5 =	simm.s32 $_size__tile_overlayer_lowered;
	s6 =	simm.s32 $_tile_overlayer_lowered  }
0x9b: {  	s22 =	simm.s32 $0x1BFF;
	s21 =	sshll.u32 s6, $0x1;
	s3 =	sadd.s32 s4, s19  }
0x9c: {  	s7 =	simm.s32 $0x0;
	s20 =	sshll.u32 s5, $0x1;
	s5 =	sadd.s32 s21, s3  }
0x9d: {  	[timem:s7], [sflag:s22] =	dma.local [hbm:s5], s20  }
0x9e: {  	_ =	swait.ge [sflag:s22], s20  }
0x9f: {  	s4 =	ssub.s32 $0x0, s20;
	[sflag:s22] =	ssyncset.done $0x0  }
0xa0: {  	[sflag:s22] =	ssyncadd.s32 s4;
	_ =	sdelay $0x1  }
0xa1: {  	s23 =	simm.s32 $0x1B8B  }
0xa2: {  	_ =	swait.ge [sflag:s23], $0x1  }
0xa3: {  	[sflag:s23] =	ssyncset.done $0x0  }
0xa4: {  	s25 =	simm.s32 $0x1B8E;
	s24 =	sld [smem:$0x3FFE];
	[sflag:s23] =	ssyncadd.s32 $0xFFFFFFFF  }
0xa5: {  	s26 =	simm.s32 $execute0_lowered;
	[smem:$0x3FD2] =	sst s25  }
0xa6: {  	s5 =	sshll.u32 s26, $0x1;
	_ =	strace $0x80000049;
	[dreg:$0x1] =	wrdreg $0xFFFFFFFF  }
0xa7: {  	s28 =	simm.s32 $_size_execute0_lowered;
	s3 =	sadd.s32 s3, s5;
	[dreg:$0x0] =	wrdreg $0x0  }
0xa8: {  	s5 =	sshll.u32 s28, $0x1;
	[dreg:$0x2] =	wrdreg s3  }
0xa9: {  	[dreg:$0x3] =	wrdreg s5  }
0xaa: {  	[dreg:$0x4] =	wrdreg $0xC0  }
0xab: {  	_ =	task [dreg:s7], $0x5FFFF  }
0xac: {  	[dreg:$0x1] =	wrdreg $0xFFFFFFFF  }
0xad: {  	[dreg:$0x0] =	wrdreg $0x60  }
0xae: {  	[dreg:$0x2] =	wrdreg s2  }
0xaf: {  	[dreg:$0x3] =	wrdreg s24  }
0xb0: {  	[dreg:$0x4] =	wrdreg $0xE7800  }
0xb1: {  	[dreg:$0x5] =	wrdreg $0x9  }
0xb2: {  	_ =	task.clear_ibuf [dreg:s7], $0x6FFFF;
	_ =	strace $0x90000049  }
0xb3: {  	s29 =	simm.s32 $0x9;
	_ =	strace $0x8000004B  }
0xb4: {  	_ =	swait.ge [sflag:s29], $0x1  }
0xb5: {  	[sflag:s29] =	ssyncadd.s32 $0xFFFFFFFF  }
0xb6: {  	_ =	strace $0x9000004B  }
0xb7: {  	_ =	sfence  }
0xb8: {  	s30 =	sld [smem:$0x0];
	_ =	sdelay $0x2  }
0xb9: {  	s31 =	sshll.u32 s1, $0xD;
	s1 =	sshrl.u32 s1, $0x2  }
0xba: {  	s3 =	sand.u32 $0x4000, s31;
	s1 =	sadd.s32 s1, s30  }
0xbb: {  	s0 =	sor.u32 s3, s0;
	s1 =	sshll.u32 s1, $0x11  }
0xbc: {  	s0 =	sor.u32 s1, s0  }
0xbd: {  	s0 =	sadd.s32 $0x8F2B, s0  }
0xbe: {  	[sflag:s0] =	ssyncadd.remote.s32 $0x1  }
0xbf: {  	_ =	sfence.sel $0xFFFF  }
0xc0: {  	[dreg:$0x0] =	wrdreg $0xFFFFFFFF;
	(pc) =	sbr.abs _section_cstart, $3  }
0xc1: {  	[dreg:$0x1] =	wrdreg $0xFFFFFFFF  }
0xc2: {  	_ =	task.clear_ibuf [dreg:s7], $0x2FFFF;
	_ =	strace $0x9FFFFFFF  }
0xc3: {  	(tm) =	ssettm $0x7FFFFFFF  }
tec
execute0_lowered:
.L_overlay_start_1:
0x0: {  	(tag) =	ssettag $0x1  }
0x1: {  	s1 =	rddreg [dreg:$0x0]  }
0x2: {  	s6 =	rddreg [dreg:$0x1]  }
0x3: {  	s2 =	rddreg [dreg:$0x2];
	s4 =	simm.s32 $0x0  }
0x4: {  	s5 =	srdreg.scid;
	s3 =	stileid.u32;
	s13 =	simm.s32 $0x4000  }
0x5: {  	s14 =	simm.s32 $0x80;
	s15 =	simm.s32 $0x8000;
	s16 =	simm.s32 $0x8800  }
0x6: {  	s17 =	simm.s32 $0x9000;
	s18 =	simm.s32 $0x9800;
	s19 =	simm.s32 $0x1  }
0x7: {  	s20 =	simm.s32 $0xA000;
	s21 =	simm.s32 $0xA800;
	s22 =	simm.s32 $0xB000  }
0x8: {  	s23 =	simm.s32 $0xB800;
	s24 =	simm.s32 $0x2;
	s25 =	simm.s32 $0x3  }
0x9: {  	s26 =	simm.s32 $0x0;
	[smem:$0x7FF] =	sst s4;
	s7 =	sand.u32 $0x1, s5  }
0xa: {  	s28 =	sshll.u32 s3, $0x9;
	s8 =	smul.u32 $0x4F0, s3;
	s9 =	sshll.u32 s3, $0xB  }
0xb: {  	s29 =	smul.u32 $0x9E00, s3;
	p0 =	seq.s32 s7, $0x0;
	s5 =	sor.u32 $0x8000, s28  }
0xc: {  	s10 =	smul.u32 $0x4F00, s7;
	_ =	strace $0x8000004A;
	s30 =	ssub.s32 $0x2, s7  }
0xd: {  	s5 =	smov.u32 @p0 s9;
	s7 =	sshrl.u32 s30, $0x1;
	s31 =	sshrl.u32 s29, $0x2  }
0xe: {  	s9 =	sadd.s32 s5, s6;
	s8 =	sadd.s32 s8, s10;
	s5 =	sadd.s32 $0x16400, s6  }
0xf: {  	s10 =	simm.s32 $0xFFFFFFF0;
	s12 =	ssub.s32 s30, s7;
	s11 =	sadd.s32 s8, s6  }
0x10: {  	s6 =	sadd.s32 s31, s2;
	s10 =	simm.s32 @!p0 $0xFFFFFFFC;
	s7 =	sadd.s32 $0xC400, s9  }
0x11: {  	s8 =	sadd.s32 $0x2000, s9;
	[dreg:$0x4] =	wrdreg s10;
	s9 =	sadd.s32 $0x16A00, s11  }
0x12: {  	s10 =	smax.u32 s12, $0x1;
	s11 =	simm.s32 $0xC000;
	s12 =	simm.s32 $0x4  }
.LBB2_1:
0x13: {  	[tilespmem:s11], [sflag:$0x4] =	stream.linear.gather [hbm4b:s5+s4], $0x2780, $0x38;
	[tilespmem:$0x10F00] =	vst v63  }
0x14: {  	_ =	swait.ge [sflag:s12], $0x2780  }
0x15: {  	[sflag:s12] =	ssyncset.done $0x0  }
0x16: {  	[sflag:s12] =	ssyncadd.s32 $0xFFFFD880  }
0x17: {  	[spmem:s6] =	stream.linear.scatter [tilespmem:s11], [sflag:$0x4], $0x2780, $0x38;
	[tilespmem:$0x10F00] =	vst v63  }
0x18: {  	_ =	swait.ge [sflag:s12], $0x2780  }
0x19: {  	[sflag:s12] =	ssyncset.done $0x0  }
0x1a: {  	[sflag:s12] =	ssyncadd.s32 $0xFFFFD880  }
0x1b: {  	[tilespmem:s4], [sflag:$0x4] =	stream.linear.gather [hbm4b:s7+s4], $0x4000, $0x38;
	[tilespmem:$0x10F00] =	vst v63  }
0x1c: {  	_ =	swait.ge [sflag:s12], $0x4000  }
0x1d: {  	[sflag:s12] =	ssyncset.done $0x0  }
0x1e: {  	[sflag:s12] =	ssyncadd.s32 $0xFFFFC000  }
0x1f: {  	[tilespmem:s13], [sflag:$0x4] =	stream.linear.gather [hbm4b:s8+s4], $0x4000, $0x38;
	[tilespmem:$0x10F00] =	vst v63  }
0x20: {  	_ =	swait.ge [sflag:s12], $0x4000  }
0x21: {  	[sflag:s12] =	ssyncset.done $0x0  }
0x22: {  	p0 =	por $0x1, $0x1;
	[sflag:s12] =	ssyncadd.s32 $0xFFFFC000  }
0x23: {  	s28 =	simm.s32 @!p0 $0x2;
	[bflag:$0x0] =	sbarrier.arrive $0xFFFF  }
0x24: {  	_ =	swait.ge @!p0 [sflag:s28], $0x800  }
0x25: {  	[sflag:s28] =	ssyncset.done @!p0 $0x0  }
0x26: {  	[sflag:s28] =	ssyncadd.s32 @!p0 $0xFFFFF800  }
0x27: {  	_ =	swait.ge @!p0 [sflag:s28], $0x800  }
0x28: {  	[sflag:s28] =	ssyncset.done @!p0 $0x0  }
0x29: {  	[sflag:s28] =	ssyncadd.s32 @!p0 $0xFFFFF800  }
0x2a: {  	_ =	swait.ge @!p0 [sflag:s28], $0x800  }
0x2b: {  	[sflag:s28] =	ssyncset.done @!p0 $0x0  }
0x2c: {  	[sflag:s28] =	ssyncadd.s32 @!p0 $0xFFFFF800  }
0x2d: {  	_ =	swait.ge @!p0 [sflag:s28], $0x800  }
0x2e: {  	[sflag:s28] =	ssyncset.done @!p0 $0x0  }
0x2f: {  	[sflag:s28] =	ssyncadd.s32 @!p0 $0xFFFFF800;
	s28 =	simm.s32 $0x0  }
0x30: {  	[tilespmem:s15], [sflag:$0x1] =	stream.indirect.gather [hbm4b:s1+s14], $0x10, s28, s14, $0xb8;
	[tilespmem:$0x10F00] =	vst v63  }
0x31: {  	s28 =	simm.s32 $0x80  }
0x32: {  	[tilespmem:s16], [sflag:$0x1] =	stream.indirect.gather [hbm4b:s1+s14], $0x10, s28, s14, $0xb8;
	[tilespmem:$0x10F00] =	vst v63  }
0x33: {  	s28 =	simm.s32 $0x100  }
0x34: {  	[tilespmem:s17], [sflag:$0x1] =	stream.indirect.gather [hbm4b:s1+s14], $0x10, s28, s14, $0xb8;
	[tilespmem:$0x10F00] =	vst v63  }
0x35: {  	s28 =	simm.s32 $0x180  }
0x36: {  	[tilespmem:s18], [sflag:$0x1] =	stream.indirect.gather [hbm4b:s1+s14], $0x10, s28, s14, $0xb8;
	[tilespmem:$0x10F00] =	vst v63  }
0x37: {  	_ =	swait.ge [sflag:s19], $0x800  }
0x38: {  	[sflag:s19] =	ssyncset.done $0x0  }
0x39: {  	[sflag:s19] =	ssyncadd.s32 $0xFFFFF800  }
0x3a: {  	_ =	swait.ge [sflag:s19], $0x800  }
0x3b: {  	[sflag:s19] =	ssyncset.done $0x0  }
0x3c: {  	[sflag:s19] =	ssyncadd.s32 $0xFFFFF800  }
0x3d: {  	_ =	swait.ge [sflag:s19], $0x800  }
0x3e: {  	[sflag:s19] =	ssyncset.done $0x0  }
0x3f: {  	[sflag:s19] =	ssyncadd.s32 $0xFFFFF800  }
0x40: {  	_ =	swait.ge [sflag:s19], $0x800  }
0x41: {  	[sflag:s19] =	ssyncset.done $0x0  }
0x42: {  	s28 =	simm.s32 $0x4000;
	[sflag:s19] =	ssyncadd.s32 $0xFFFFF800  }
0x43: {  	[spmem:s2] =	stream.indirect.scatter.add.f32 [tilespmem:s15], [sflag:$0x2], $0x10, s28, s14, $0xb8;
	[tilespmem:$0x10F00] =	vst v63  }
0x44: {  	s28 =	simm.s32 $0x4080  }
0x45: {  	[spmem:s2] =	stream.indirect.scatter.add.f32 [tilespmem:s16], [sflag:$0x2], $0x10, s28, s14, $0xb8;
	[tilespmem:$0x10F00] =	vst v63  }
0x46: {  	s28 =	simm.s32 $0x4100  }
0x47: {  	[spmem:s2] =	stream.indirect.scatter.add.f32 [tilespmem:s17], [sflag:$0x2], $0x10, s28, s14, $0xb8;
	[tilespmem:$0x10F00] =	vst v63  }
0x48: {  	s29 =	simm.s32 @!p0 $0x3;
	s28 =	simm.s32 $0x4180  }
0x49: {  	[spmem:s2] =	stream.indirect.scatter.add.f32 [tilespmem:s18], [sflag:$0x2], $0x10, s28, s14, $0xb8;
	[tilespmem:$0x10F00] =	vst v63  }
0x4a: {  	_ =	swait.ge @!p0 [sflag:s29], $0x800  }
0x4b: {  	[sflag:s29] =	ssyncset.done @!p0 $0x0  }
0x4c: {  	[sflag:s29] =	ssyncadd.s32 @!p0 $0xFFFFF800  }
0x4d: {  	_ =	swait.ge @!p0 [sflag:s29], $0x800  }
0x4e: {  	[sflag:s29] =	ssyncset.done @!p0 $0x0  }
0x4f: {  	[sflag:s29] =	ssyncadd.s32 @!p0 $0xFFFFF800  }
0x50: {  	_ =	swait.ge @!p0 [sflag:s29], $0x800  }
0x51: {  	[sflag:s29] =	ssyncset.done @!p0 $0x0  }
0x52: {  	[sflag:s29] =	ssyncadd.s32 @!p0 $0xFFFFF800  }
0x53: {  	_ =	swait.ge @!p0 [sflag:s29], $0x800  }
0x54: {  	[sflag:s29] =	ssyncset.done @!p0 $0x0  }
0x55: {  	s28 =	simm.s32 $0x200;
	[sflag:s29] =	ssyncadd.s32 @!p0 $0xFFFFF800  }
0x56: {  	[tilespmem:s20], [sflag:$0x1] =	stream.indirect.gather [hbm4b:s1+s14], $0x10, s28, s14, $0xb8;
	[tilespmem:$0x10F00] =	vst v63  }
0x57: {  	s28 =	simm.s32 $0x280  }
0x58: {  	[tilespmem:s21], [sflag:$0x1] =	stream.indirect.gather [hbm4b:s1+s14], $0x10, s28, s14, $0xb8;
	[tilespmem:$0x10F00] =	vst v63  }
0x59: {  	s28 =	simm.s32 $0x300  }
0x5a: {  	[tilespmem:s22], [sflag:$0x1] =	stream.indirect.gather [hbm4b:s1+s14], $0x10, s28, s14, $0xb8;
	[tilespmem:$0x10F00] =	vst v63  }
0x5b: {  	s28 =	simm.s32 $0x380  }
0x5c: {  	[tilespmem:s23], [sflag:$0x1] =	stream.indirect.gather [hbm4b:s1+s14], $0x10, s28, s14, $0xb8;
	[tilespmem:$0x10F00] =	vst v63  }
0x5d: {  	_ =	swait.ge [sflag:s19], $0x800  }
0x5e: {  	[sflag:s19] =	ssyncset.done $0x0  }
0x5f: {  	[sflag:s19] =	ssyncadd.s32 $0xFFFFF800  }
0x60: {  	_ =	swait.ge [sflag:s19], $0x800  }
0x61: {  	[sflag:s19] =	ssyncset.done $0x0  }
0x62: {  	[sflag:s19] =	ssyncadd.s32 $0xFFFFF800  }
0x63: {  	_ =	swait.ge [sflag:s19], $0x800  }
0x64: {  	[sflag:s19] =	ssyncset.done $0x0  }
0x65: {  	[sflag:s19] =	ssyncadd.s32 $0xFFFFF800  }
0x66: {  	_ =	swait.ge [sflag:s19], $0x800  }
0x67: {  	[sflag:s19] =	ssyncset.done $0x0  }
0x68: {  	s28 =	simm.s32 $0x4200;
	[sflag:s19] =	ssyncadd.s32 $0xFFFFF800  }
0x69: {  	[spmem:s2] =	stream.indirect.scatter.add.f32 [tilespmem:s20], [sflag:$0x3], $0x10, s28, s14, $0xb8;
	[tilespmem:$0x10F00] =	vst v63  }
0x6a: {  	s28 =	rddreg [dreg:$0x4]  }
0x6b: {  	p0 =	sne.s32 s28, $0xFFFFFFFF  }
.Ltmp0:
0x6c: {  	s29 =	simm.s32 $0x4280;
	(pc) =	sbr.rel @!p0 .LBB2_3-.Ltmp0, $4  }
0x6d: {  	[spmem:s2] =	stream.indirect.scatter.add.f32 [tilespmem:s21], [sflag:$0x3], $0x10, s29, s14, $0xb8;
	[tilespmem:$0x10F00] =	vst v63  }
0x6e: {  	s29 =	simm.s32 $0x4300  }
0x6f: {  	[spmem:s2] =	stream.indirect.scatter.add.f32 [tilespmem:s22], [sflag:$0x3], $0x10, s29, s14, $0xb8;
	[tilespmem:$0x10F00] =	vst v63  }
0x70: {  	s30 =	simm.s32 $0x4380;
	s28 =	simm.s32 $0xFFFFFFFF;
	s29 =	simm.s32 $0x1000  }
.LBB2_2:
0x71: {  	[spmem:s2] =	stream.indirect.scatter.add.f32 [tilespmem:s23], [sflag:$0x3], $0x10, s30, s14, $0xb8;
	[tilespmem:$0x10F00] =	vst v63  }
0x72: {  	p0 =	seq.s32 s28, $0x0  }
0x73: {  	s30 =	simm.s32 @!p0 $0x2  }
0x74: {  	_ =	swait.ge @!p0 [sflag:s30], $0x800  }
0x75: {  	[sflag:s30] =	ssyncset.done @!p0 $0x0  }
0x76: {  	[sflag:s30] =	ssyncadd.s32 @!p0 $0xFFFFF800  }
0x77: {  	_ =	swait.ge @!p0 [sflag:s30], $0x800  }
0x78: {  	[sflag:s30] =	ssyncset.done @!p0 $0x0  }
0x79: {  	[sflag:s30] =	ssyncadd.s32 @!p0 $0xFFFFF800  }
0x7a: {  	_ =	swait.ge @!p0 [sflag:s30], $0x800  }
0x7b: {  	[sflag:s30] =	ssyncset.done @!p0 $0x0  }
0x7c: {  	[sflag:s30] =	ssyncadd.s32 @!p0 $0xFFFFF800  }
0x7d: {  	_ =	swait.ge @!p0 [sflag:s30], $0x800  }
0x7e: {  	[sflag:s30] =	ssyncset.done @!p0 $0x0  }
0x7f: {  	[sflag:s30] =	ssyncadd.s32 @!p0 $0xFFFFF800;
	s30 =	sshra.s32 s29, $0x2  }
0x80: {  	[tilespmem:s15], [sflag:$0x1] =	stream.indirect.gather [hbm4b:s1+s14], $0x10, s30, s14, $0xb8;
	[tilespmem:$0x10F00] =	vst v63  }
0x81: {  	s31 =	sadd.s32 $0x80, s30  }
0x82: {  	[tilespmem:s16], [sflag:$0x1] =	stream.indirect.gather [hbm4b:s1+s14], $0x10, s31, s14, $0xb8;
	[tilespmem:$0x10F00] =	vst v63  }
0x83: {  	s0 =	sadd.s32 $0x100, s30  }
0x84: {  	[tilespmem:s17], [sflag:$0x1] =	stream.indirect.gather [hbm4b:s1+s14], $0x10, s0, s14, $0xb8;
	[tilespmem:$0x10F00] =	vst v63  }
0x85: {  	s0 =	sadd.s32 $0x180, s30  }
0x86: {  	[tilespmem:s18], [sflag:$0x1] =	stream.indirect.gather [hbm4b:s1+s14], $0x10, s0, s14, $0xb8;
	[tilespmem:$0x10F00] =	vst v63  }
0x87: {  	_ =	swait.ge [sflag:s19], $0x800  }
0x88: {  	[sflag:s19] =	ssyncset.done $0x0  }
0x89: {  	[sflag:s19] =	ssyncadd.s32 $0xFFFFF800  }
0x8a: {  	_ =	swait.ge [sflag:s19], $0x800  }
0x8b: {  	[sflag:s19] =	ssyncset.done $0x0  }
0x8c: {  	[sflag:s19] =	ssyncadd.s32 $0xFFFFF800  }
0x8d: {  	_ =	swait.ge [sflag:s19], $0x800  }
0x8e: {  	[sflag:s19] =	ssyncset.done $0x0  }
0x8f: {  	[sflag:s19] =	ssyncadd.s32 $0xFFFFF800  }
0x90: {  	_ =	swait.ge [sflag:s19], $0x800  }
0x91: {  	[sflag:s19] =	ssyncset.done $0x0  }
0x92: {  	s0 =	sadd.s32 $0x4000, s30;
	[sflag:s19] =	ssyncadd.s32 $0xFFFFF800  }
0x93: {  	[spmem:s2] =	stream.indirect.scatter.add.f32 [tilespmem:s15], [sflag:$0x2], $0x10, s0, s14, $0xb8;
	[tilespmem:$0x10F00] =	vst v63  }
0x94: {  	s0 =	sadd.s32 $0x4080, s30  }
0x95: {  	[spmem:s2] =	stream.indirect.scatter.add.f32 [tilespmem:s16], [sflag:$0x2], $0x10, s0, s14, $0xb8;
	[tilespmem:$0x10F00] =	vst v63  }
0x96: {  	s0 =	sadd.s32 $0x4100, s30  }
0x97: {  	[spmem:s2] =	stream.indirect.scatter.add.f32 [tilespmem:s17], [sflag:$0x2], $0x10, s0, s14, $0xb8;
	[tilespmem:$0x10F00] =	vst v63  }
0x98: {  	s31 =	sadd.s32 $0x4180, s30;
	s0 =	simm.s32 @!p0 $0x3  }
0x99: {  	[spmem:s2] =	stream.indirect.scatter.add.f32 [tilespmem:s18], [sflag:$0x2], $0x10, s31, s14, $0xb8;
	[tilespmem:$0x10F00] =	vst v63  }
0x9a: {  	_ =	swait.ge @!p0 [sflag:s0], $0x800  }
0x9b: {  	[sflag:s0] =	ssyncset.done @!p0 $0x0  }
0x9c: {  	[sflag:s0] =	ssyncadd.s32 @!p0 $0xFFFFF800  }
0x9d: {  	_ =	swait.ge @!p0 [sflag:s0], $0x800  }
0x9e: {  	[sflag:s0] =	ssyncset.done @!p0 $0x0  }
0x9f: {  	[sflag:s0] =	ssyncadd.s32 @!p0 $0xFFFFF800  }
0xa0: {  	_ =	swait.ge @!p0 [sflag:s0], $0x800  }
0xa1: {  	[sflag:s0] =	ssyncset.done @!p0 $0x0  }
0xa2: {  	[sflag:s0] =	ssyncadd.s32 @!p0 $0xFFFFF800  }
0xa3: {  	_ =	swait.ge @!p0 [sflag:s0], $0x800  }
0xa4: {  	[sflag:s0] =	ssyncset.done @!p0 $0x0  }
0xa5: {  	s31 =	sadd.s32 $0x200, s30;
	[sflag:s0] =	ssyncadd.s32 @!p0 $0xFFFFF800  }
0xa6: {  	[tilespmem:s20], [sflag:$0x1] =	stream.indirect.gather [hbm4b:s1+s14], $0x10, s31, s14, $0xb8;
	[tilespmem:$0x10F00] =	vst v63  }
0xa7: {  	s31 =	sadd.s32 $0x280, s30  }
0xa8: {  	[tilespmem:s21], [sflag:$0x1] =	stream.indirect.gather [hbm4b:s1+s14], $0x10, s31, s14, $0xb8;
	[tilespmem:$0x10F00] =	vst v63  }
0xa9: {  	s31 =	sadd.s32 $0x300, s30  }
0xaa: {  	[tilespmem:s22], [sflag:$0x1] =	stream.indirect.gather [hbm4b:s1+s14], $0x10, s31, s14, $0xb8;
	[tilespmem:$0x10F00] =	vst v63  }
0xab: {  	s31 =	sadd.s32 $0x380, s30  }
0xac: {  	[tilespmem:s23], [sflag:$0x1] =	stream.indirect.gather [hbm4b:s1+s14], $0x10, s31, s14, $0xb8;
	[tilespmem:$0x10F00] =	vst v63  }
0xad: {  	_ =	swait.ge [sflag:s19], $0x800  }
0xae: {  	[sflag:s19] =	ssyncset.done $0x0  }
0xaf: {  	[sflag:s19] =	ssyncadd.s32 $0xFFFFF800  }
0xb0: {  	_ =	swait.ge [sflag:s19], $0x800  }
0xb1: {  	[sflag:s19] =	ssyncset.done $0x0  }
0xb2: {  	[sflag:s19] =	ssyncadd.s32 $0xFFFFF800  }
0xb3: {  	_ =	swait.ge [sflag:s19], $0x800  }
0xb4: {  	[sflag:s19] =	ssyncset.done $0x0  }
0xb5: {  	[sflag:s19] =	ssyncadd.s32 $0xFFFFF800  }
0xb6: {  	_ =	swait.ge [sflag:s19], $0x800  }
0xb7: {  	s28 =	sadd.s32 $0xFFFFFFFF, s28;
	[sflag:s19] =	ssyncset.done $0x0;
	s0 =	rddreg [dreg:$0x4]  }
0xb8: {  	s31 =	sadd.s32 $0x4200, s30;
	[sflag:s19] =	ssyncadd.s32 $0xFFFFF800;
	p0 =	sne.s32 s0, s28  }
0xb9: {  	[spmem:s2] =	stream.indirect.scatter.add.f32 [tilespmem:s20], [sflag:$0x3], $0x10, s31, s14, $0xb8;
	[tilespmem:$0x10F00] =	vst v63  }
.Ltmp1:
0xba: {  	_ = 	snop;
	(pc) =	sbr.rel @p0 .LBB2_2-.Ltmp1, $4  }
0xbb: {  	s31 =	sadd.s32 $0x4280, s30  }
0xbc: {  	[spmem:s2] =	stream.indirect.scatter.add.f32 [tilespmem:s21], [sflag:$0x3], $0x10, s31, s14, $0xb8;
	[tilespmem:$0x10F00] =	vst v63  }
0xbd: {  	s29 =	sadd.s32 $0x1000, s29;
	s31 =	sadd.s32 $0x4300, s30;
	s30 =	sadd.s32 $0x4380, s30  }
0xbe: {  	[spmem:s2] =	stream.indirect.scatter.add.f32 [tilespmem:s22], [sflag:$0x3], $0x10, s31, s14, $0xb8;
	[tilespmem:$0x10F00] =	vst v63  }
.LBB2_3:
0xbf: {  	[spmem:s2] =	stream.indirect.scatter.add.f32 [tilespmem:s23], [sflag:$0x3], $0x10, s30, s14, $0xb8;
	[tilespmem:$0x10F00] =	vst v63  }
0xc0: {  	_ =	swait.ge [sflag:s24], $0x800  }
0xc1: {  	[sflag:s24] =	ssyncset.done $0x0  }
0xc2: {  	[sflag:s24] =	ssyncadd.s32 $0xFFFFF800  }
0xc3: {  	_ =	swait.ge [sflag:s24], $0x800  }
0xc4: {  	[sflag:s24] =	ssyncset.done $0x0  }
0xc5: {  	[sflag:s24] =	ssyncadd.s32 $0xFFFFF800  }
0xc6: {  	_ =	swait.ge [sflag:s24], $0x800  }
0xc7: {  	[sflag:s24] =	ssyncset.done $0x0  }
0xc8: {  	[sflag:s24] =	ssyncadd.s32 $0xFFFFF800  }
0xc9: {  	_ =	swait.ge [sflag:s24], $0x800  }
0xca: {  	[sflag:s24] =	ssyncset.done $0x0  }
0xcb: {  	[sflag:s24] =	ssyncadd.s32 $0xFFFFF800  }
0xcc: {  	_ =	swait.ge [sflag:s25], $0x800  }
0xcd: {  	[sflag:s25] =	ssyncset.done $0x0  }
0xce: {  	[sflag:s25] =	ssyncadd.s32 $0xFFFFF800  }
0xcf: {  	_ =	swait.ge [sflag:s25], $0x800  }
0xd0: {  	[sflag:s25] =	ssyncset.done $0x0  }
0xd1: {  	[sflag:s25] =	ssyncadd.s32 $0xFFFFF800  }
0xd2: {  	_ =	swait.ge [sflag:s25], $0x800  }
0xd3: {  	[sflag:s25] =	ssyncset.done $0x0  }
0xd4: {  	[sflag:s25] =	ssyncadd.s32 $0xFFFFF800  }
0xd5: {  	_ =	swait.ge [sflag:s25], $0x800  }
0xd6: {  	[sflag:s25] =	ssyncset.done $0x0  }
0xd7: {  	[sflag:s25] =	ssyncadd.s32 $0xFFFFF800  }
0xd8: {  	[bflag:$0x0] =	sbarrier.arrive $0xFFFF  }
0xd9: {  	[tilespmem:s11], [sflag:$0x4] =	stream.linear.gather [spmem:s6], $0x2780, $0x38;
	[tilespmem:$0x10F00] =	vst v63  }
0xda: {  	s26 =	sadd.s32 $0x1, s26;
	_ =	swait.ge [sflag:s12], $0x2780  }
0xdb: {  	p0 =	sne.s32 s26, s10;
	[sflag:s12] =	ssyncset.done $0x0  }
.Ltmp2:
0xdc: {  	[sflag:s12] =	ssyncadd.s32 $0xFFFFD880;
	(pc) =	sbr.rel @p0 .LBB2_1-.Ltmp2, $4  }
0xdd: {  	[hbm4b:s9+s4] =	stream.linear.scatter [tilespmem:s11], [sflag:$0x4], $0x2780, $0x38;
	[tilespmem:$0x10F00] =	vst v63  }
0xde: {  	_ =	swait.ge [sflag:s12], $0x2780  }
0xdf: {  	[sflag:s12] =	ssyncset.done $0x0  }
0xe0: {  	[sflag:s12] =	ssyncadd.s32 $0xFFFFD880  }
0xe1: {  	_ =	sfence.sel $0x180000  }
0xe2: {  	[bflag:$0x0] =	sbarrier.arrive $0xFFFF  }
0xe3: {  	_ =	strace $0x9000004A  }
0xe4: {  	[bflag:$0x2] =	sbarrier.arrive $0xFFFF  }
0xe5: {  	p0 =	sne.s32 s3, $0x0;
	s0 =	rddreg [dreg:$0x3]  }
0xe6: {  	s0 =	sadd.s32 @!p0 $0x100000, s0  }
0xe7: {  	[sflag:s0] =	ssyncadd.tile.s32 @!p0 $0x1;
	_ =	shalt  }
.Lfunc_end2:
_tile_overlayer_lowered:
.L_overlay_start_2:
0xe8: {  	(tag) =	ssettag $0x2  }
0xe9: {  	s0 =	rddreg [dreg:$0x0];
	s2 =	stileid.u32  }
0xea: {  	s1 =	rddreg [dreg:$0x1];
	p0 =	sne.s32 s2, $0x0  }
0xeb: {  	s3 =	rddreg [dreg:$0x2];
	[bflag:$0x3] =	sbarrier.arrive $0xFFFF;
	s2 =	simm.s32 @!p0 $0x1C04  }
0xec: {  	[timem:s3], [sflag:s2] =	dma.local @!p0 [hbm:s0], s1  }
0xed: {  	s0 =	simm.s32 @!p0 $0x4  }
0xee: {  	_ =	swait.ge @!p0 [sflag:s0], s1  }
0xef: {  	s1 =	ssub.s32 @!p0 $0x0, s1;
	[sflag:s0] =	ssyncset.done @!p0 $0x0  }
0xf0: {  	[sflag:s0] =	ssyncadd.s32 @!p0 s1  }
0xf1: {  	[bflag:$0x3] =	sbarrier.arrive $0xFFFF  }
0xf2: {  	_ =	shalt  }

// kernel: kernel.14.cloned.1.call-start
scs
__scs_entry_jumppad:
0x0: {  	(pc) =	sbr.rel $0x88, $3  }
0x1: {  	(tag) =	ssettag $0x0;
	lr =	simm.s32 $0x1  }
0x2: {  	[smem:$0x3F9B] =	sst lr;
	_ =	strace $0xD0000000  }
0x3: {  	_ = 	snop  }
0x4: {  	_ = 	snop  }
0x5: {  	_ = 	snop  }
0x6: {  	_ = 	snop  }
0x7: {  	_ = 	snop  }
__scs_overlays_trampoline_lowered:
0x8: {  	[smem:$0x3FAA] =	sst s0  }
0x9: {  	[smem:$0x3FAB] =	sst s1  }
0xa: {  	[smem:$0x3FAC] =	sst s2  }
0xb: {  	[smem:$0x3FAD] =	sst s3  }
0xc: {  	[smem:$0x3FAE] =	sst s4  }
0xd: {  	[smem:$0x3FAF] =	sst s5  }
0xe: {  	[smem:$0x3FB0] =	sst s6  }
0xf: {  	[smem:$0x3FB1] =	sst s7  }
0x10: {  	[smem:$0x3FB2] =	sst s8  }
0x11: {  	[smem:$0x3FB3] =	sst s9;
	s0 =	simm.s32 @!p0 $0x0  }
0x12: {  	s1 =	sld [smem:$0x3F99];
	s0 =	simm.s32 @p0 $0x1  }
0x13: {  	[smem:$0x3FB4] =	sst s0;
	s0 =	simm.s32 @!p1 $0x0  }
0x14: {  	s2 =	sld [smem:$0x3F98];
	s0 =	simm.s32 @p1 $0x1  }
0x15: {  	[smem:$0x3FB5] =	sst s0;
	s0 =	simm.s32 @!p2 $0x0  }
0x16: {  	s3 =	sld [smem:$0x3FDB];
	s0 =	simm.s32 @p2 $0x1  }
0x17: {  	s4 =	simm.s32 $0x1BF5;
	[smem:$0x3FB7] =	sst s0  }
0x18: {  	s0 =	sld [smem:$0x3F9A];
	_ =	swait.ge [sflag:s4], $0x0  }
0x19: {  	s7 =	sld [smem:$0x3F9B]  }
0x1a: {  	s8 =	sadd.s32 $0xFFFFE003, lr  }
0x1b: {  	s9 =	sadd.s32 $0xFFFFFEF7, lr;
	s5 =	simm.s32 $0xFFFFFFFF;
	p2 =	slt.u32 s8, $0xFFFFF086  }
0x1c: {  	p1 =	slt.u32 s9, $0xF7A;
	s5 =	simm.s32 @!p2 $0x0  }
0x1d: {  	s5 =	simm.s32 @p1 $0x1;
	p0 =	seq.s32 s7, s2  }
0x1e: {  	s7 =	smul.u32 @!p0 $0xF7A, s2;
	p2 =	seq.s32 @!p0 s5, $0x0  }
0x1f: {  	s9 =	smul.u32 $0xF7A, s1;
	s8 =	simm.s32 @!p0 $0x1BF5;
	p2 =	por !p2, p0  }
0x20: {  	[sflag:s8] =	ssyncset.s32 @!p0 $0xFFFFF086;
	s6 =	sadd.s32 @!p0 s3, s7;
	s7 =	simm.s32 @!p0 $0x108  }
0x21: {  	s3 =	sadd.s32 s3, s9;
	s6 =	sadd.s32 @!p0 $0x88, s6;
	s7 =	simm.s32 @p2 $0x1082  }
0x22: {  	[simem:s7], [sflag:s8] =	dma.local @!p0 [hbm:s6], $0xF7A  }
0x23: {  	s9 =	sor.u32 $0xD0000000, s2;
	s6 =	simm.s32 $0x108;
	_ =	swait.ge @!p0 [sflag:s8], $0x0  }
0x24: {  	s3 =	sadd.s32 $0x88, s3;
	s6 =	simm.s32 @!p1 $0x1082;
	[sflag:s4] =	ssyncset.s32 $0xFFFFF086  }
0x25: {  	[simem:s6], [sflag:s4] =	dma.local [hbm:s3], $0xF7A  }
0x26: {  	[smem:$0x3F9B] =	sst s1;
	(tag) =	ssettag s2;
	_ =	strace s9  }
0x27: {  	s1 =	sld [smem:$0x3FAB]  }
0x28: {  	s2 =	sld [smem:$0x3FAC]  }
0x29: {  	s4 =	sld [smem:$0x3FAE]  }
0x2a: {  	p0 =	seq.s32 s5, $0x0;
	s5 =	sld [smem:$0x3FAF]  }
0x2b: {  	s6 =	sld [smem:$0x3FB0]  }
0x2c: {  	s7 =	sld [smem:$0x3FB1]  }
0x2d: {  	s3 =	simm.s32 $0x108;
	s8 =	sld [smem:$0x3FB2]  }
0x2e: {  	s3 =	simm.s32 @!p0 $0x1082;
	s9 =	sld [smem:$0x3FB3]  }
0x2f: {  	lr =	sadd.s32 s0, s3;
	s0 =	sld [smem:$0x3FAA]  }
0x30: {  	s3 =	sld [smem:$0x3FAD]  }
0x31: {  	[smem:$0x3FB6] =	sst s10  }
0x32: {  	s10 =	sld [smem:$0x3FB4];
	_ =	sdelay $0x3  }
0x33: {  	p0 =	seq.s32 s10, $0x1;
	s10 =	sld [smem:$0x3FB6];
	_ =	sdelay $0x3  }
0x34: {  	[smem:$0x3FB6] =	sst s10  }
0x35: {  	s10 =	sld [smem:$0x3FB5];
	_ =	sdelay $0x3  }
0x36: {  	p1 =	seq.s32 s10, $0x1;
	s10 =	sld [smem:$0x3FB6];
	_ =	sdelay $0x3  }
0x37: {  	[smem:$0x3FB6] =	sst s10  }
0x38: {  	s10 =	sld [smem:$0x3FB7]  }
0x39: {  	_ = 	snop;
	(pc) =	sbr.ind lr, $3  }
0x3a: {  	_ = 	snop  }
0x3b: {  	_ = 	snop  }
0x3c: {  	p2 =	seq.s32 s10, $0x1;
	s10 =	sld [smem:$0x3FB6]  }
0x3d: {  	_ =	shalt  }
0x3e: {  	_ =	shalt  }
0x3f: {  	_ =	shalt  }
0x40: {  	_ =	shalt  }
0x41: {  	_ =	shalt  }
0x42: {  	_ =	shalt  }
0x43: {  	_ =	shalt  }
0x44: {  	_ =	shalt  }
0x45: {  	_ =	shalt  }
0x46: {  	_ =	shalt  }
0x47: {  	_ =	shalt  }
0x48: {  	_ =	shalt  }
0x49: {  	_ =	shalt  }
0x4a: {  	_ =	shalt  }
0x4b: {  	_ =	shalt  }
0x4c: {  	_ =	shalt  }
0x4d: {  	_ =	shalt  }
0x4e: {  	_ =	shalt  }
0x4f: {  	_ =	shalt  }
0x50: {  	_ =	shalt  }
0x51: {  	_ =	shalt  }
0x52: {  	_ =	shalt  }
0x53: {  	_ =	shalt  }
0x54: {  	_ =	shalt  }
0x55: {  	_ =	shalt  }
0x56: {  	_ =	shalt  }
0x57: {  	_ =	shalt  }
0x58: {  	_ =	shalt  }
0x59: {  	_ =	shalt  }
0x5a: {  	_ =	shalt  }
0x5b: {  	_ =	shalt  }
0x5c: {  	_ =	shalt  }
0x5d: {  	_ =	shalt  }
0x5e: {  	_ =	shalt  }
0x5f: {  	_ =	shalt  }
0x60: {  	_ =	shalt  }
0x61: {  	_ =	shalt  }
0x62: {  	_ =	shalt  }
0x63: {  	_ =	shalt  }
0x64: {  	_ =	shalt  }
0x65: {  	_ =	shalt  }
0x66: {  	_ =	shalt  }
0x67: {  	_ =	shalt  }
0x68: {  	_ =	shalt  }
0x69: {  	_ =	shalt  }
0x6a: {  	_ =	shalt  }
0x6b: {  	_ =	shalt  }
0x6c: {  	_ =	shalt  }
0x6d: {  	_ =	shalt  }
0x6e: {  	_ =	shalt  }
0x6f: {  	_ =	shalt  }
0x70: {  	_ =	shalt  }
0x71: {  	_ =	shalt  }
0x72: {  	_ =	shalt  }
0x73: {  	_ =	shalt  }
0x74: {  	_ =	shalt  }
0x75: {  	_ =	shalt  }
0x76: {  	_ =	shalt  }
0x77: {  	_ =	shalt  }
0x78: {  	_ =	shalt  }
0x79: {  	_ =	shalt  }
0x7a: {  	_ =	shalt  }
0x7b: {  	_ =	shalt  }
0x7c: {  	_ =	shalt  }
0x7d: {  	_ =	shalt  }
0x7e: {  	_ =	shalt  }
0x7f: {  	_ =	shalt  }
0x80: {  	_ =	shalt  }
0x81: {  	_ =	shalt  }
0x82: {  	_ =	shalt  }
0x83: {  	_ =	shalt  }
0x84: {  	_ =	shalt  }
0x85: {  	_ =	shalt  }
0x86: {  	_ =	shalt  }
0x87: {  	_ =	shalt  }
.Lfunc_end0:
.L_simem_size_0:
called_computation.2_lowered:
.L_overlay_start_0:
0x88: {  	s2 =	sld [smem:$0x3FD9]  }
0x89: {  	s3 =	sld [smem:$0x3FFE];
	_ =	sdelay $0x1  }
0x8a: {  	s1 =	srdreg.scid  }
0x8b: {  	s0 =	sand.u32 $0x1, s1  }
0x8c: {  	s17 =	sshll.u32 s0, $0xA;
	s2 =	sadd.s32 s3, s2  }
0x8d: {  	s2 =	sadd.s32 s2, s17  }
0x8e: {  	[smem:$0x3FC2] =	sst s2  }
0x8f: {  	_ = 	snop  }
0x90: {  	s2 =	sld [smem:$0x3FD0];
	(tm) =	ssettm $0x1  }
0x91: {  	s18 =	sld [smem:$0x3FFB];
	_ =	sdelay $0x3  }
0x92: {  	_ =	strace s18  }
0x93: {  	s3 =	sld [smem:$0x3FFC];
	_ =	sdelay $0x3  }
0x94: {  	_ =	strace s3  }
0x95: {  	s3 =	sld [smem:$0x3FFD];
	_ =	sdelay $0x3  }
0x96: {  	_ =	strace s3  }
0x97: {  	_ =	strace $0x8FFFFFFF  }
0x98: {  	s19 =	sld [smem:$0x3FDB];
	_ =	sdelay $0x1  }
0x99: {  	s4 =	simm.s32 $_scs_section_size  }
0x9a: {  	s5 =	simm.s32 $_size__tile_overlayer_lowered;
	s6 =	simm.s32 $_tile_overlayer_lowered  }
0x9b: {  	s22 =	simm.s32 $0x1BFF;
	s21 =	sshll.u32 s6, $0x1;
	s3 =	sadd.s32 s4, s19  }
0x9c: {  	s7 =	simm.s32 $0x0;
	s20 =	sshll.u32 s5, $0x1;
	s5 =	sadd.s32 s21, s3  }
0x9d: {  	[timem:s7], [sflag:s22] =	dma.local [hbm:s5], s20  }
0x9e: {  	_ =	swait.ge [sflag:s22], s20  }
0x9f: {  	s4 =	ssub.s32 $0x0, s20;
	[sflag:s22] =	ssyncset.done $0x0  }
0xa0: {  	[sflag:s22] =	ssyncadd.s32 s4;
	_ =	sdelay $0x1  }
0xa1: {  	s23 =	simm.s32 $0x1B8B  }
0xa2: {  	_ =	swait.ge [sflag:s23], $0x1  }
0xa3: {  	[sflag:s23] =	ssyncset.done $0x0  }
0xa4: {  	s25 =	simm.s32 $0x1B8E;
	s24 =	sld [smem:$0x3FFE];
	[sflag:s23] =	ssyncadd.s32 $0xFFFFFFFF  }
0xa5: {  	s26 =	simm.s32 $execute0_lowered;
	[smem:$0x3FD2] =	sst s25  }
0xa6: {  	s5 =	sshll.u32 s26, $0x1;
	_ =	strace $0x8000004C;
	[dreg:$0x1] =	wrdreg $0xFFFFFFFF  }
0xa7: {  	s28 =	simm.s32 $_size_execute0_lowered;
	s3 =	sadd.s32 s3, s5;
	[dreg:$0x0] =	wrdreg $0x0  }
0xa8: {  	s5 =	sshll.u32 s28, $0x1;
	[dreg:$0x2] =	wrdreg s3  }
0xa9: {  	[dreg:$0x3] =	wrdreg s5  }
0xaa: {  	[dreg:$0x4] =	wrdreg $0xC0  }
0xab: {  	_ =	task [dreg:s7], $0x5FFFF  }
0xac: {  	[dreg:$0x1] =	wrdreg $0xFFFFFFFF  }
0xad: {  	[dreg:$0x0] =	wrdreg $0x60  }
0xae: {  	[dreg:$0x2] =	wrdreg s2  }
0xaf: {  	[dreg:$0x3] =	wrdreg s24  }
0xb0: {  	[dreg:$0x4] =	wrdreg $0xE7800  }
0xb1: {  	[dreg:$0x5] =	wrdreg $0x9  }
0xb2: {  	_ =	task.clear_ibuf [dreg:s7], $0x6FFFF;
	_ =	strace $0x9000004C  }
0xb3: {  	s29 =	simm.s32 $0x9;
	_ =	strace $0x8000004E  }
0xb4: {  	_ =	swait.ge [sflag:s29], $0x1  }
0xb5: {  	[sflag:s29] =	ssyncadd.s32 $0xFFFFFFFF  }
0xb6: {  	_ =	strace $0x9000004E  }
0xb7: {  	_ =	sfence  }
0xb8: {  	s30 =	sld [smem:$0x0];
	_ =	sdelay $0x2  }
0xb9: {  	s31 =	sshll.u32 s1, $0xD;
	s1 =	sshrl.u32 s1, $0x2  }
0xba: {  	s3 =	sand.u32 $0x4000, s31;
	s1 =	sadd.s32 s1, s30  }
0xbb: {  	s0 =	sor.u32 s3, s0;
	s1 =	sshll.u32 s1, $0x11  }
0xbc: {  	s0 =	sor.u32 s1, s0  }
0xbd: {  	s0 =	sadd.s32 $0x8F2B, s0  }
0xbe: {  	[sflag:s0] =	ssyncadd.remote.s32 $0x1  }
0xbf: {  	_ =	sfence.sel $0xFFFF  }
0xc0: {  	[dreg:$0x0] =	wrdreg $0xFFFFFFFF;
	(pc) =	sbr.abs _section_cstart, $3  }
0xc1: {  	[dreg:$0x1] =	wrdreg $0xFFFFFFFF  }
0xc2: {  	_ =	task.clear_ibuf [dreg:s7], $0x2FFFF;
	_ =	strace $0x9FFFFFFF  }
0xc3: {  	(tm) =	ssettm $0x7FFFFFFF  }
tec
execute0_lowered:
.L_overlay_start_1:
0x0: {  	(tag) =	ssettag $0x1  }
0x1: {  	s1 =	rddreg [dreg:$0x0]  }
0x2: {  	s6 =	rddreg [dreg:$0x1]  }
0x3: {  	s2 =	rddreg [dreg:$0x2];
	s4 =	simm.s32 $0x0  }
0x4: {  	s5 =	srdreg.scid;
	s3 =	stileid.u32;
	s13 =	simm.s32 $0x4000  }
0x5: {  	s14 =	simm.s32 $0x80;
	s15 =	simm.s32 $0x8000;
	s16 =	simm.s32 $0x8800  }
0x6: {  	s17 =	simm.s32 $0x9000;
	s18 =	simm.s32 $0x9800;
	s19 =	simm.s32 $0x1  }
0x7: {  	s20 =	simm.s32 $0xA000;
	s21 =	simm.s32 $0xA800;
	s22 =	simm.s32 $0xB000  }
0x8: {  	s23 =	simm.s32 $0xB800;
	s24 =	simm.s32 $0x2;
	s25 =	simm.s32 $0x3  }
0x9: {  	s26 =	simm.s32 $0x0;
	[smem:$0x7FF] =	sst s4;
	s7 =	sand.u32 $0x1, s5  }
0xa: {  	s28 =	sshll.u32 s3, $0x9;
	s8 =	smul.u32 $0x4F0, s3;
	s9 =	sshll.u32 s3, $0xB  }
0xb: {  	s29 =	smul.u32 $0x9E00, s3;
	p0 =	seq.s32 s7, $0x0;
	s5 =	sor.u32 $0x8000, s28  }
0xc: {  	s10 =	smul.u32 $0x4F00, s7;
	_ =	strace $0x8000004D;
	s30 =	ssub.s32 $0x2, s7  }
0xd: {  	s5 =	smov.u32 @p0 s9;
	s7 =	sshrl.u32 s30, $0x1;
	s31 =	sshrl.u32 s29, $0x2  }
0xe: {  	s9 =	sadd.s32 s5, s6;
	s8 =	sadd.s32 s8, s10;
	s5 =	sadd.s32 $0x16400, s6  }
0xf: {  	s10 =	simm.s32 $0xFFFFFFF0;
	s12 =	ssub.s32 s30, s7;
	s11 =	sadd.s32 s8, s6  }
0x10: {  	s6 =	sadd.s32 s31, s2;
	s10 =	simm.s32 @!p0 $0xFFFFFFFC;
	s7 =	sadd.s32 $0xC400, s9  }
0x11: {  	s8 =	sadd.s32 $0x2000, s9;
	[dreg:$0x4] =	wrdreg s10;
	s9 =	sadd.s32 $0x16A00, s11  }
0x12: {  	s10 =	smax.u32 s12, $0x1;
	s11 =	simm.s32 $0xC000;
	s12 =	simm.s32 $0x4  }
.LBB2_1:
0x13: {  	[tilespmem:s11], [sflag:$0x4] =	stream.linear.gather [hbm4b:s5+s4], $0x2780, $0x38;
	[tilespmem:$0x10F00] =	vst v63  }
0x14: {  	_ =	swait.ge [sflag:s12], $0x2780  }
0x15: {  	[sflag:s12] =	ssyncset.done $0x0  }
0x16: {  	[sflag:s12] =	ssyncadd.s32 $0xFFFFD880  }
0x17: {  	[spmem:s6] =	stream.linear.scatter [tilespmem:s11], [sflag:$0x4], $0x2780, $0x38;
	[tilespmem:$0x10F00] =	vst v63  }
0x18: {  	_ =	swait.ge [sflag:s12], $0x2780  }
0x19: {  	[sflag:s12] =	ssyncset.done $0x0  }
0x1a: {  	[sflag:s12] =	ssyncadd.s32 $0xFFFFD880  }
0x1b: {  	[tilespmem:s4], [sflag:$0x4] =	stream.linear.gather [hbm4b:s7+s4], $0x4000, $0x38;
	[tilespmem:$0x10F00] =	vst v63  }
0x1c: {  	_ =	swait.ge [sflag:s12], $0x4000  }
0x1d: {  	[sflag:s12] =	ssyncset.done $0x0  }
0x1e: {  	[sflag:s12] =	ssyncadd.s32 $0xFFFFC000  }
0x1f: {  	[tilespmem:s13], [sflag:$0x4] =	stream.linear.gather [hbm4b:s8+s4], $0x4000, $0x38;
	[tilespmem:$0x10F00] =	vst v63  }
0x20: {  	_ =	swait.ge [sflag:s12], $0x4000  }
0x21: {  	[sflag:s12] =	ssyncset.done $0x0  }
0x22: {  	p0 =	por $0x1, $0x1;
	[sflag:s12] =	ssyncadd.s32 $0xFFFFC000  }
0x23: {  	s28 =	simm.s32 @!p0 $0x2;
	[bflag:$0x0] =	sbarrier.arrive $0xFFFF  }
0x24: {  	_ =	swait.ge @!p0 [sflag:s28], $0x800  }
0x25: {  	[sflag:s28] =	ssyncset.done @!p0 $0x0  }
0x26: {  	[sflag:s28] =	ssyncadd.s32 @!p0 $0xFFFFF800  }
0x27: {  	_ =	swait.ge @!p0 [sflag:s28], $0x800  }
0x28: {  	[sflag:s28] =	ssyncset.done @!p0 $0x0  }
0x29: {  	[sflag:s28] =	ssyncadd.s32 @!p0 $0xFFFFF800  }
0x2a: {  	_ =	swait.ge @!p0 [sflag:s28], $0x800  }
0x2b: {  	[sflag:s28] =	ssyncset.done @!p0 $0x0  }
0x2c: {  	[sflag:s28] =	ssyncadd.s32 @!p0 $0xFFFFF800  }
0x2d: {  	_ =	swait.ge @!p0 [sflag:s28], $0x800  }
0x2e: {  	[sflag:s28] =	ssyncset.done @!p0 $0x0  }
0x2f: {  	[sflag:s28] =	ssyncadd.s32 @!p0 $0xFFFFF800;
	s28 =	simm.s32 $0x0  }
0x30: {  	[tilespmem:s15], [sflag:$0x1] =	stream.indirect.gather [hbm4b:s1+s14], $0x10, s28, s14, $0xb8;
	[tilespmem:$0x10F00] =	vst v63  }
0x31: {  	s28 =	simm.s32 $0x80  }
0x32: {  	[tilespmem:s16], [sflag:$0x1] =	stream.indirect.gather [hbm4b:s1+s14], $0x10, s28, s14, $0xb8;
	[tilespmem:$0x10F00] =	vst v63  }
0x33: {  	s28 =	simm.s32 $0x100  }
0x34: {  	[tilespmem:s17], [sflag:$0x1] =	stream.indirect.gather [hbm4b:s1+s14], $0x10, s28, s14, $0xb8;
	[tilespmem:$0x10F00] =	vst v63  }
0x35: {  	s28 =	simm.s32 $0x180  }
0x36: {  	[tilespmem:s18], [sflag:$0x1] =	stream.indirect.gather [hbm4b:s1+s14], $0x10, s28, s14, $0xb8;
	[tilespmem:$0x10F00] =	vst v63  }
0x37: {  	_ =	swait.ge [sflag:s19], $0x800  }
0x38: {  	[sflag:s19] =	ssyncset.done $0x0  }
0x39: {  	[sflag:s19] =	ssyncadd.s32 $0xFFFFF800  }
0x3a: {  	_ =	swait.ge [sflag:s19], $0x800  }
0x3b: {  	[sflag:s19] =	ssyncset.done $0x0  }
0x3c: {  	[sflag:s19] =	ssyncadd.s32 $0xFFFFF800  }
0x3d: {  	_ =	swait.ge [sflag:s19], $0x800  }
0x3e: {  	[sflag:s19] =	ssyncset.done $0x0  }
0x3f: {  	[sflag:s19] =	ssyncadd.s32 $0xFFFFF800  }
0x40: {  	_ =	swait.ge [sflag:s19], $0x800  }
0x41: {  	[sflag:s19] =	ssyncset.done $0x0  }
0x42: {  	s28 =	simm.s32 $0x4000;
	[sflag:s19] =	ssyncadd.s32 $0xFFFFF800  }
0x43: {  	[spmem:s2] =	stream.indirect.scatter.add.f32 [tilespmem:s15], [sflag:$0x2], $0x10, s28, s14, $0xb8;
	[tilespmem:$0x10F00] =	vst v63  }
0x44: {  	s28 =	simm.s32 $0x4080  }
0x45: {  	[spmem:s2] =	stream.indirect.scatter.add.f32 [tilespmem:s16], [sflag:$0x2], $0x10, s28, s14, $0xb8;
	[tilespmem:$0x10F00] =	vst v63  }
0x46: {  	s28 =	simm.s32 $0x4100  }
0x47: {  	[spmem:s2] =	stream.indirect.scatter.add.f32 [tilespmem:s17], [sflag:$0x2], $0x10, s28, s14, $0xb8;
	[tilespmem:$0x10F00] =	vst v63  }
0x48: {  	s29 =	simm.s32 @!p0 $0x3;
	s28 =	simm.s32 $0x4180  }
0x49: {  	[spmem:s2] =	stream.indirect.scatter.add.f32 [tilespmem:s18], [sflag:$0x2], $0x10, s28, s14, $0xb8;
	[tilespmem:$0x10F00] =	vst v63  }
0x4a: {  	_ =	swait.ge @!p0 [sflag:s29], $0x800  }
0x4b: {  	[sflag:s29] =	ssyncset.done @!p0 $0x0  }
0x4c: {  	[sflag:s29] =	ssyncadd.s32 @!p0 $0xFFFFF800  }
0x4d: {  	_ =	swait.ge @!p0 [sflag:s29], $0x800  }
0x4e: {  	[sflag:s29] =	ssyncset.done @!p0 $0x0  }
0x4f: {  	[sflag:s29] =	ssyncadd.s32 @!p0 $0xFFFFF800  }
0x50: {  	_ =	swait.ge @!p0 [sflag:s29], $0x800  }
0x51: {  	[sflag:s29] =	ssyncset.done @!p0 $0x0  }
0x52: {  	[sflag:s29] =	ssyncadd.s32 @!p0 $0xFFFFF800  }
0x53: {  	_ =	swait.ge @!p0 [sflag:s29], $0x800  }
0x54: {  	[sflag:s29] =	ssyncset.done @!p0 $0x0  }
0x55: {  	s28 =	simm.s32 $0x200;
	[sflag:s29] =	ssyncadd.s32 @!p0 $0xFFFFF800  }
0x56: {  	[tilespmem:s20], [sflag:$0x1] =	stream.indirect.gather [hbm4b:s1+s14], $0x10, s28, s14, $0xb8;
	[tilespmem:$0x10F00] =	vst v63  }
0x57: {  	s28 =	simm.s32 $0x280  }
0x58: {  	[tilespmem:s21], [sflag:$0x1] =	stream.indirect.gather [hbm4b:s1+s14], $0x10, s28, s14, $0xb8;
	[tilespmem:$0x10F00] =	vst v63  }
0x59: {  	s28 =	simm.s32 $0x300  }
0x5a: {  	[tilespmem:s22], [sflag:$0x1] =	stream.indirect.gather [hbm4b:s1+s14], $0x10, s28, s14, $0xb8;
	[tilespmem:$0x10F00] =	vst v63  }
0x5b: {  	s28 =	simm.s32 $0x380  }
0x5c: {  	[tilespmem:s23], [sflag:$0x1] =	stream.indirect.gather [hbm4b:s1+s14], $0x10, s28, s14, $0xb8;
	[tilespmem:$0x10F00] =	vst v63  }
0x5d: {  	_ =	swait.ge [sflag:s19], $0x800  }
0x5e: {  	[sflag:s19] =	ssyncset.done $0x0  }
0x5f: {  	[sflag:s19] =	ssyncadd.s32 $0xFFFFF800  }
0x60: {  	_ =	swait.ge [sflag:s19], $0x800  }
0x61: {  	[sflag:s19] =	ssyncset.done $0x0  }
0x62: {  	[sflag:s19] =	ssyncadd.s32 $0xFFFFF800  }
0x63: {  	_ =	swait.ge [sflag:s19], $0x800  }
0x64: {  	[sflag:s19] =	ssyncset.done $0x0  }
0x65: {  	[sflag:s19] =	ssyncadd.s32 $0xFFFFF800  }
0x66: {  	_ =	swait.ge [sflag:s19], $0x800  }
0x67: {  	[sflag:s19] =	ssyncset.done $0x0  }
0x68: {  	s28 =	simm.s32 $0x4200;
	[sflag:s19] =	ssyncadd.s32 $0xFFFFF800  }
0x69: {  	[spmem:s2] =	stream.indirect.scatter.add.f32 [tilespmem:s20], [sflag:$0x3], $0x10, s28, s14, $0xb8;
	[tilespmem:$0x10F00] =	vst v63  }
0x6a: {  	s28 =	rddreg [dreg:$0x4]  }
0x6b: {  	p0 =	sne.s32 s28, $0xFFFFFFFF  }
.Ltmp0:
0x6c: {  	s29 =	simm.s32 $0x4280;
	(pc) =	sbr.rel @!p0 .LBB2_3-.Ltmp0, $4  }
0x6d: {  	[spmem:s2] =	stream.indirect.scatter.add.f32 [tilespmem:s21], [sflag:$0x3], $0x10, s29, s14, $0xb8;
	[tilespmem:$0x10F00] =	vst v63  }
0x6e: {  	s29 =	simm.s32 $0x4300  }
0x6f: {  	[spmem:s2] =	stream.indirect.scatter.add.f32 [tilespmem:s22], [sflag:$0x3], $0x10, s29, s14, $0xb8;
	[tilespmem:$0x10F00] =	vst v63  }
0x70: {  	s30 =	simm.s32 $0x4380;
	s28 =	simm.s32 $0xFFFFFFFF;
	s29 =	simm.s32 $0x1000  }
.LBB2_2:
0x71: {  	[spmem:s2] =	stream.indirect.scatter.add.f32 [tilespmem:s23], [sflag:$0x3], $0x10, s30, s14, $0xb8;
	[tilespmem:$0x10F00] =	vst v63  }
0x72: {  	p0 =	seq.s32 s28, $0x0  }
0x73: {  	s30 =	simm.s32 @!p0 $0x2  }
0x74: {  	_ =	swait.ge @!p0 [sflag:s30], $0x800  }
0x75: {  	[sflag:s30] =	ssyncset.done @!p0 $0x0  }
0x76: {  	[sflag:s30] =	ssyncadd.s32 @!p0 $0xFFFFF800  }
0x77: {  	_ =	swait.ge @!p0 [sflag:s30], $0x800  }
0x78: {  	[sflag:s30] =	ssyncset.done @!p0 $0x0  }
0x79: {  	[sflag:s30] =	ssyncadd.s32 @!p0 $0xFFFFF800  }
0x7a: {  	_ =	swait.ge @!p0 [sflag:s30], $0x800  }
0x7b: {  	[sflag:s30] =	ssyncset.done @!p0 $0x0  }
0x7c: {  	[sflag:s30] =	ssyncadd.s32 @!p0 $0xFFFFF800  }
0x7d: {  	_ =	swait.ge @!p0 [sflag:s30], $0x800  }
0x7e: {  	[sflag:s30] =	ssyncset.done @!p0 $0x0  }
0x7f: {  	[sflag:s30] =	ssyncadd.s32 @!p0 $0xFFFFF800;
	s30 =	sshra.s32 s29, $0x2  }
0x80: {  	[tilespmem:s15], [sflag:$0x1] =	stream.indirect.gather [hbm4b:s1+s14], $0x10, s30, s14, $0xb8;
	[tilespmem:$0x10F00] =	vst v63  }
0x81: {  	s31 =	sadd.s32 $0x80, s30  }
0x82: {  	[tilespmem:s16], [sflag:$0x1] =	stream.indirect.gather [hbm4b:s1+s14], $0x10, s31, s14, $0xb8;
	[tilespmem:$0x10F00] =	vst v63  }
0x83: {  	s0 =	sadd.s32 $0x100, s30  }
0x84: {  	[tilespmem:s17], [sflag:$0x1] =	stream.indirect.gather [hbm4b:s1+s14], $0x10, s0, s14, $0xb8;
	[tilespmem:$0x10F00] =	vst v63  }
0x85: {  	s0 =	sadd.s32 $0x180, s30  }
0x86: {  	[tilespmem:s18], [sflag:$0x1] =	stream.indirect.gather [hbm4b:s1+s14], $0x10, s0, s14, $0xb8;
	[tilespmem:$0x10F00] =	vst v63  }
0x87: {  	_ =	swait.ge [sflag:s19], $0x800  }
0x88: {  	[sflag:s19] =	ssyncset.done $0x0  }
0x89: {  	[sflag:s19] =	ssyncadd.s32 $0xFFFFF800  }
0x8a: {  	_ =	swait.ge [sflag:s19], $0x800  }
0x8b: {  	[sflag:s19] =	ssyncset.done $0x0  }
0x8c: {  	[sflag:s19] =	ssyncadd.s32 $0xFFFFF800  }
0x8d: {  	_ =	swait.ge [sflag:s19], $0x800  }
0x8e: {  	[sflag:s19] =	ssyncset.done $0x0  }
0x8f: {  	[sflag:s19] =	ssyncadd.s32 $0xFFFFF800  }
0x90: {  	_ =	swait.ge [sflag:s19], $0x800  }
0x91: {  	[sflag:s19] =	ssyncset.done $0x0  }
0x92: {  	s0 =	sadd.s32 $0x4000, s30;
	[sflag:s19] =	ssyncadd.s32 $0xFFFFF800  }
0x93: {  	[spmem:s2] =	stream.indirect.scatter.add.f32 [tilespmem:s15], [sflag:$0x2], $0x10, s0, s14, $0xb8;
	[tilespmem:$0x10F00] =	vst v63  }
0x94: {  	s0 =	sadd.s32 $0x4080, s30  }
0x95: {  	[spmem:s2] =	stream.indirect.scatter.add.f32 [tilespmem:s16], [sflag:$0x2], $0x10, s0, s14, $0xb8;
	[tilespmem:$0x10F00] =	vst v63  }
0x96: {  	s0 =	sadd.s32 $0x4100, s30  }
0x97: {  	[spmem:s2] =	stream.indirect.scatter.add.f32 [tilespmem:s17], [sflag:$0x2], $0x10, s0, s14, $0xb8;
	[tilespmem:$0x10F00] =	vst v63  }
0x98: {  	s31 =	sadd.s32 $0x4180, s30;
	s0 =	simm.s32 @!p0 $0x3  }
0x99: {  	[spmem:s2] =	stream.indirect.scatter.add.f32 [tilespmem:s18], [sflag:$0x2], $0x10, s31, s14, $0xb8;
	[tilespmem:$0x10F00] =	vst v63  }
0x9a: {  	_ =	swait.ge @!p0 [sflag:s0], $0x800  }
0x9b: {  	[sflag:s0] =	ssyncset.done @!p0 $0x0  }
0x9c: {  	[sflag:s0] =	ssyncadd.s32 @!p0 $0xFFFFF800  }
0x9d: {  	_ =	swait.ge @!p0 [sflag:s0], $0x800  }
0x9e: {  	[sflag:s0] =	ssyncset.done @!p0 $0x0  }
0x9f: {  	[sflag:s0] =	ssyncadd.s32 @!p0 $0xFFFFF800  }
0xa0: {  	_ =	swait.ge @!p0 [sflag:s0], $0x800  }
0xa1: {  	[sflag:s0] =	ssyncset.done @!p0 $0x0  }
0xa2: {  	[sflag:s0] =	ssyncadd.s32 @!p0 $0xFFFFF800  }
0xa3: {  	_ =	swait.ge @!p0 [sflag:s0], $0x800  }
0xa4: {  	[sflag:s0] =	ssyncset.done @!p0 $0x0  }
0xa5: {  	s31 =	sadd.s32 $0x200, s30;
	[sflag:s0] =	ssyncadd.s32 @!p0 $0xFFFFF800  }
0xa6: {  	[tilespmem:s20], [sflag:$0x1] =	stream.indirect.gather [hbm4b:s1+s14], $0x10, s31, s14, $0xb8;
	[tilespmem:$0x10F00] =	vst v63  }
0xa7: {  	s31 =	sadd.s32 $0x280, s30  }
0xa8: {  	[tilespmem:s21], [sflag:$0x1] =	stream.indirect.gather [hbm4b:s1+s14], $0x10, s31, s14, $0xb8;
	[tilespmem:$0x10F00] =	vst v63  }
0xa9: {  	s31 =	sadd.s32 $0x300, s30  }
0xaa: {  	[tilespmem:s22], [sflag:$0x1] =	stream.indirect.gather [hbm4b:s1+s14], $0x10, s31, s14, $0xb8;
	[tilespmem:$0x10F00] =	vst v63  }
0xab: {  	s31 =	sadd.s32 $0x380, s30  }
0xac: {  	[tilespmem:s23], [sflag:$0x1] =	stream.indirect.gather [hbm4b:s1+s14], $0x10, s31, s14, $0xb8;
	[tilespmem:$0x10F00] =	vst v63  }
0xad: {  	_ =	swait.ge [sflag:s19], $0x800  }
0xae: {  	[sflag:s19] =	ssyncset.done $0x0  }
0xaf: {  	[sflag:s19] =	ssyncadd.s32 $0xFFFFF800  }
0xb0: {  	_ =	swait.ge [sflag:s19], $0x800  }
0xb1: {  	[sflag:s19] =	ssyncset.done $0x0  }
0xb2: {  	[sflag:s19] =	ssyncadd.s32 $0xFFFFF800  }
0xb3: {  	_ =	swait.ge [sflag:s19], $0x800  }
0xb4: {  	[sflag:s19] =	ssyncset.done $0x0  }
0xb5: {  	[sflag:s19] =	ssyncadd.s32 $0xFFFFF800  }
0xb6: {  	_ =	swait.ge [sflag:s19], $0x800  }
0xb7: {  	s28 =	sadd.s32 $0xFFFFFFFF, s28;
	[sflag:s19] =	ssyncset.done $0x0;
	s0 =	rddreg [dreg:$0x4]  }
0xb8: {  	s31 =	sadd.s32 $0x4200, s30;
	[sflag:s19] =	ssyncadd.s32 $0xFFFFF800;
	p0 =	sne.s32 s0, s28  }
0xb9: {  	[spmem:s2] =	stream.indirect.scatter.add.f32 [tilespmem:s20], [sflag:$0x3], $0x10, s31, s14, $0xb8;
	[tilespmem:$0x10F00] =	vst v63  }
.Ltmp1:
0xba: {  	_ = 	snop;
	(pc) =	sbr.rel @p0 .LBB2_2-.Ltmp1, $4  }
0xbb: {  	s31 =	sadd.s32 $0x4280, s30  }
0xbc: {  	[spmem:s2] =	stream.indirect.scatter.add.f32 [tilespmem:s21], [sflag:$0x3], $0x10, s31, s14, $0xb8;
	[tilespmem:$0x10F00] =	vst v63  }
0xbd: {  	s29 =	sadd.s32 $0x1000, s29;
	s31 =	sadd.s32 $0x4300, s30;
	s30 =	sadd.s32 $0x4380, s30  }
0xbe: {  	[spmem:s2] =	stream.indirect.scatter.add.f32 [tilespmem:s22], [sflag:$0x3], $0x10, s31, s14, $0xb8;
	[tilespmem:$0x10F00] =	vst v63  }
.LBB2_3:
0xbf: {  	[spmem:s2] =	stream.indirect.scatter.add.f32 [tilespmem:s23], [sflag:$0x3], $0x10, s30, s14, $0xb8;
	[tilespmem:$0x10F00] =	vst v63  }
0xc0: {  	_ =	swait.ge [sflag:s24], $0x800  }
0xc1: {  	[sflag:s24] =	ssyncset.done $0x0  }
0xc2: {  	[sflag:s24] =	ssyncadd.s32 $0xFFFFF800  }
0xc3: {  	_ =	swait.ge [sflag:s24], $0x800  }
0xc4: {  	[sflag:s24] =	ssyncset.done $0x0  }
0xc5: {  	[sflag:s24] =	ssyncadd.s32 $0xFFFFF800  }
0xc6: {  	_ =	swait.ge [sflag:s24], $0x800  }
0xc7: {  	[sflag:s24] =	ssyncset.done $0x0  }
0xc8: {  	[sflag:s24] =	ssyncadd.s32 $0xFFFFF800  }
0xc9: {  	_ =	swait.ge [sflag:s24], $0x800  }
0xca: {  	[sflag:s24] =	ssyncset.done $0x0  }
0xcb: {  	[sflag:s24] =	ssyncadd.s32 $0xFFFFF800  }
0xcc: {  	_ =	swait.ge [sflag:s25], $0x800  }
0xcd: {  	[sflag:s25] =	ssyncset.done $0x0  }
0xce: {  	[sflag:s25] =	ssyncadd.s32 $0xFFFFF800  }
0xcf: {  	_ =	swait.ge [sflag:s25], $0x800  }
0xd0: {  	[sflag:s25] =	ssyncset.done $0x0  }
0xd1: {  	[sflag:s25] =	ssyncadd.s32 $0xFFFFF800  }
0xd2: {  	_ =	swait.ge [sflag:s25], $0x800  }
0xd3: {  	[sflag:s25] =	ssyncset.done $0x0  }
0xd4: {  	[sflag:s25] =	ssyncadd.s32 $0xFFFFF800  }
0xd5: {  	_ =	swait.ge [sflag:s25], $0x800  }
0xd6: {  	[sflag:s25] =	ssyncset.done $0x0  }
0xd7: {  	[sflag:s25] =	ssyncadd.s32 $0xFFFFF800  }
0xd8: {  	[bflag:$0x0] =	sbarrier.arrive $0xFFFF  }
0xd9: {  	[tilespmem:s11], [sflag:$0x4] =	stream.linear.gather [spmem:s6], $0x2780, $0x38;
	[tilespmem:$0x10F00] =	vst v63  }
0xda: {  	s26 =	sadd.s32 $0x1, s26;
	_ =	swait.ge [sflag:s12], $0x2780  }
0xdb: {  	p0 =	sne.s32 s26, s10;
	[sflag:s12] =	ssyncset.done $0x0  }
.Ltmp2:
0xdc: {  	[sflag:s12] =	ssyncadd.s32 $0xFFFFD880;
	(pc) =	sbr.rel @p0 .LBB2_1-.Ltmp2, $4  }
0xdd: {  	[hbm4b:s9+s4] =	stream.linear.scatter [tilespmem:s11], [sflag:$0x4], $0x2780, $0x38;
	[tilespmem:$0x10F00] =	vst v63  }
0xde: {  	_ =	swait.ge [sflag:s12], $0x2780  }
0xdf: {  	[sflag:s12] =	ssyncset.done $0x0  }
0xe0: {  	[sflag:s12] =	ssyncadd.s32 $0xFFFFD880  }
0xe1: {  	_ =	sfence.sel $0x180000  }
0xe2: {  	[bflag:$0x0] =	sbarrier.arrive $0xFFFF  }
0xe3: {  	_ =	strace $0x9000004D  }
0xe4: {  	[bflag:$0x2] =	sbarrier.arrive $0xFFFF  }
0xe5: {  	p0 =	sne.s32 s3, $0x0;
	s0 =	rddreg [dreg:$0x3]  }
0xe6: {  	s0 =	sadd.s32 @!p0 $0x100000, s0  }
0xe7: {  	[sflag:s0] =	ssyncadd.tile.s32 @!p0 $0x1;
	_ =	shalt  }
.Lfunc_end2:
_tile_overlayer_lowered:
.L_overlay_start_2:
0xe8: {  	(tag) =	ssettag $0x2  }
0xe9: {  	s0 =	rddreg [dreg:$0x0];
	s2 =	stileid.u32  }
0xea: {  	s1 =	rddreg [dreg:$0x1];
	p0 =	sne.s32 s2, $0x0  }
0xeb: {  	s3 =	rddreg [dreg:$0x2];
	[bflag:$0x3] =	sbarrier.arrive $0xFFFF;
	s2 =	simm.s32 @!p0 $0x1C04  }
0xec: {  	[timem:s3], [sflag:s2] =	dma.local @!p0 [hbm:s0], s1  }
0xed: {  	s0 =	simm.s32 @!p0 $0x4  }
0xee: {  	_ =	swait.ge @!p0 [sflag:s0], s1  }
0xef: {  	s1 =	ssub.s32 @!p0 $0x0, s1;
	[sflag:s0] =	ssyncset.done @!p0 $0x0  }
0xf0: {  	[sflag:s0] =	ssyncadd.s32 @!p0 s1  }
0xf1: {  	[bflag:$0x3] =	sbarrier.arrive $0xFFFF  }
0xf2: {  	_ =	shalt  }

// kernel: kernel.8.cloned.1.call-start
scs
__scs_entry_jumppad:
0x0: {  	(pc) =	sbr.rel $0x88, $3  }
0x1: {  	(tag) =	ssettag $0x0;
	lr =	simm.s32 $0x1  }
0x2: {  	[smem:$0x3F9B] =	sst lr;
	_ =	strace $0xD0000000  }
0x3: {  	_ = 	snop  }
0x4: {  	_ = 	snop  }
0x5: {  	_ = 	snop  }
0x6: {  	_ = 	snop  }
0x7: {  	_ = 	snop  }
__scs_overlays_trampoline_lowered:
0x8: {  	[smem:$0x3FAA] =	sst s0  }
0x9: {  	[smem:$0x3FAB] =	sst s1  }
0xa: {  	[smem:$0x3FAC] =	sst s2  }
0xb: {  	[smem:$0x3FAD] =	sst s3  }
0xc: {  	[smem:$0x3FAE] =	sst s4  }
0xd: {  	[smem:$0x3FAF] =	sst s5  }
0xe: {  	[smem:$0x3FB0] =	sst s6  }
0xf: {  	[smem:$0x3FB1] =	sst s7  }
0x10: {  	[smem:$0x3FB2] =	sst s8  }
0x11: {  	[smem:$0x3FB3] =	sst s9;
	s0 =	simm.s32 @!p0 $0x0  }
0x12: {  	s1 =	sld [smem:$0x3F99];
	s0 =	simm.s32 @p0 $0x1  }
0x13: {  	[smem:$0x3FB4] =	sst s0;
	s0 =	simm.s32 @!p1 $0x0  }
0x14: {  	s2 =	sld [smem:$0x3F98];
	s0 =	simm.s32 @p1 $0x1  }
0x15: {  	[smem:$0x3FB5] =	sst s0;
	s0 =	simm.s32 @!p2 $0x0  }
0x16: {  	s3 =	sld [smem:$0x3FDB];
	s0 =	simm.s32 @p2 $0x1  }
0x17: {  	s4 =	simm.s32 $0x1BF5;
	[smem:$0x3FB7] =	sst s0  }
0x18: {  	s0 =	sld [smem:$0x3F9A];
	_ =	swait.ge [sflag:s4], $0x0  }
0x19: {  	s7 =	sld [smem:$0x3F9B]  }
0x1a: {  	s8 =	sadd.s32 $0xFFFFE003, lr  }
0x1b: {  	s9 =	sadd.s32 $0xFFFFFEF7, lr;
	s5 =	simm.s32 $0xFFFFFFFF;
	p2 =	slt.u32 s8, $0xFFFFF086  }
0x1c: {  	p1 =	slt.u32 s9, $0xF7A;
	s5 =	simm.s32 @!p2 $0x0  }
0x1d: {  	s5 =	simm.s32 @p1 $0x1;
	p0 =	seq.s32 s7, s2  }
0x1e: {  	s7 =	smul.u32 @!p0 $0xF7A, s2;
	p2 =	seq.s32 @!p0 s5, $0x0  }
0x1f: {  	s9 =	smul.u32 $0xF7A, s1;
	s8 =	simm.s32 @!p0 $0x1BF5;
	p2 =	por !p2, p0  }
0x20: {  	[sflag:s8] =	ssyncset.s32 @!p0 $0xFFFFF086;
	s6 =	sadd.s32 @!p0 s3, s7;
	s7 =	simm.s32 @!p0 $0x108  }
0x21: {  	s3 =	sadd.s32 s3, s9;
	s6 =	sadd.s32 @!p0 $0x88, s6;
	s7 =	simm.s32 @p2 $0x1082  }
0x22: {  	[simem:s7], [sflag:s8] =	dma.local @!p0 [hbm:s6], $0xF7A  }
0x23: {  	s9 =	sor.u32 $0xD0000000, s2;
	s6 =	simm.s32 $0x108;
	_ =	swait.ge @!p0 [sflag:s8], $0x0  }
0x24: {  	s3 =	sadd.s32 $0x88, s3;
	s6 =	simm.s32 @!p1 $0x1082;
	[sflag:s4] =	ssyncset.s32 $0xFFFFF086  }
0x25: {  	[simem:s6], [sflag:s4] =	dma.local [hbm:s3], $0xF7A  }
0x26: {  	[smem:$0x3F9B] =	sst s1;
	(tag) =	ssettag s2;
	_ =	strace s9  }
0x27: {  	s1 =	sld [smem:$0x3FAB]  }
0x28: {  	s2 =	sld [smem:$0x3FAC]  }
0x29: {  	s4 =	sld [smem:$0x3FAE]  }
0x2a: {  	p0 =	seq.s32 s5, $0x0;
	s5 =	sld [smem:$0x3FAF]  }
0x2b: {  	s6 =	sld [smem:$0x3FB0]  }
0x2c: {  	s7 =	sld [smem:$0x3FB1]  }
0x2d: {  	s3 =	simm.s32 $0x108;
	s8 =	sld [smem:$0x3FB2]  }
0x2e: {  	s3 =	simm.s32 @!p0 $0x1082;
	s9 =	sld [smem:$0x3FB3]  }
0x2f: {  	lr =	sadd.s32 s0, s3;
	s0 =	sld [smem:$0x3FAA]  }
0x30: {  	s3 =	sld [smem:$0x3FAD]  }
0x31: {  	[smem:$0x3FB6] =	sst s10  }
0x32: {  	s10 =	sld [smem:$0x3FB4];
	_ =	sdelay $0x3  }
0x33: {  	p0 =	seq.s32 s10, $0x1;
	s10 =	sld [smem:$0x3FB6];
	_ =	sdelay $0x3  }
0x34: {  	[smem:$0x3FB6] =	sst s10  }
0x35: {  	s10 =	sld [smem:$0x3FB5];
	_ =	sdelay $0x3  }
0x36: {  	p1 =	seq.s32 s10, $0x1;
	s10 =	sld [smem:$0x3FB6];
	_ =	sdelay $0x3  }
0x37: {  	[smem:$0x3FB6] =	sst s10  }
0x38: {  	s10 =	sld [smem:$0x3FB7]  }
0x39: {  	_ = 	snop;
	(pc) =	sbr.ind lr, $3  }
0x3a: {  	_ = 	snop  }
0x3b: {  	_ = 	snop  }
0x3c: {  	p2 =	seq.s32 s10, $0x1;
	s10 =	sld [smem:$0x3FB6]  }
0x3d: {  	_ =	shalt  }
0x3e: {  	_ =	shalt  }
0x3f: {  	_ =	shalt  }
0x40: {  	_ =	shalt  }
0x41: {  	_ =	shalt  }
0x42: {  	_ =	shalt  }
0x43: {  	_ =	shalt  }
0x44: {  	_ =	shalt  }
0x45: {  	_ =	shalt  }
0x46: {  	_ =	shalt  }
0x47: {  	_ =	shalt  }
0x48: {  	_ =	shalt  }
0x49: {  	_ =	shalt  }
0x4a: {  	_ =	shalt  }
0x4b: {  	_ =	shalt  }
0x4c: {  	_ =	shalt  }
0x4d: {  	_ =	shalt  }
0x4e: {  	_ =	shalt  }
0x4f: {  	_ =	shalt  }
0x50: {  	_ =	shalt  }
0x51: {  	_ =	shalt  }
0x52: {  	_ =	shalt  }
0x53: {  	_ =	shalt  }
0x54: {  	_ =	shalt  }
0x55: {  	_ =	shalt  }
0x56: {  	_ =	shalt  }
0x57: {  	_ =	shalt  }
0x58: {  	_ =	shalt  }
0x59: {  	_ =	shalt  }
0x5a: {  	_ =	shalt  }
0x5b: {  	_ =	shalt  }
0x5c: {  	_ =	shalt  }
0x5d: {  	_ =	shalt  }
0x5e: {  	_ =	shalt  }
0x5f: {  	_ =	shalt  }
0x60: {  	_ =	shalt  }
0x61: {  	_ =	shalt  }
0x62: {  	_ =	shalt  }
0x63: {  	_ =	shalt  }
0x64: {  	_ =	shalt  }
0x65: {  	_ =	shalt  }
0x66: {  	_ =	shalt  }
0x67: {  	_ =	shalt  }
0x68: {  	_ =	shalt  }
0x69: {  	_ =	shalt  }
0x6a: {  	_ =	shalt  }
0x6b: {  	_ =	shalt  }
0x6c: {  	_ =	shalt  }
0x6d: {  	_ =	shalt  }
0x6e: {  	_ =	shalt  }
0x6f: {  	_ =	shalt  }
0x70: {  	_ =	shalt  }
0x71: {  	_ =	shalt  }
0x72: {  	_ =	shalt  }
0x73: {  	_ =	shalt  }
0x74: {  	_ =	shalt  }
0x75: {  	_ =	shalt  }
0x76: {  	_ =	shalt  }
0x77: {  	_ =	shalt  }
0x78: {  	_ =	shalt  }
0x79: {  	_ =	shalt  }
0x7a: {  	_ =	shalt  }
0x7b: {  	_ =	shalt  }
0x7c: {  	_ =	shalt  }
0x7d: {  	_ =	shalt  }
0x7e: {  	_ =	shalt  }
0x7f: {  	_ =	shalt  }
0x80: {  	_ =	shalt  }
0x81: {  	_ =	shalt  }
0x82: {  	_ =	shalt  }
0x83: {  	_ =	shalt  }
0x84: {  	_ =	shalt  }
0x85: {  	_ =	shalt  }
0x86: {  	_ =	shalt  }
0x87: {  	_ =	shalt  }
.Lfunc_end0:
.L_simem_size_0:
called_computation_lowered:
.L_overlay_start_0:
0x88: {  	s2 =	sld [smem:$0x3FD9]  }
0x89: {  	s3 =	sld [smem:$0x3FFE];
	_ =	sdelay $0x1  }
0x8a: {  	s1 =	srdreg.scid  }
0x8b: {  	s0 =	sand.u32 $0x1, s1  }
0x8c: {  	s17 =	sshll.u32 s0, $0xA;
	s2 =	sadd.s32 s3, s2  }
0x8d: {  	s2 =	sadd.s32 s2, s17  }
0x8e: {  	[smem:$0x3FC2] =	sst s2  }
0x8f: {  	_ = 	snop  }
0x90: {  	s2 =	sld [smem:$0x3FD0];
	(tm) =	ssettm $0x1  }
0x91: {  	s18 =	sld [smem:$0x3FFB];
	_ =	sdelay $0x3  }
0x92: {  	_ =	strace s18  }
0x93: {  	s3 =	sld [smem:$0x3FFC];
	_ =	sdelay $0x3  }
0x94: {  	_ =	strace s3  }
0x95: {  	s3 =	sld [smem:$0x3FFD];
	_ =	sdelay $0x3  }
0x96: {  	_ =	strace s3  }
0x97: {  	_ =	strace $0x8FFFFFFF  }
0x98: {  	s19 =	sld [smem:$0x3FDB];
	_ =	sdelay $0x1  }
0x99: {  	s4 =	simm.s32 $_scs_section_size  }
0x9a: {  	s5 =	simm.s32 $_size__tile_overlayer_lowered;
	s6 =	simm.s32 $_tile_overlayer_lowered  }
0x9b: {  	s22 =	simm.s32 $0x1BFF;
	s21 =	sshll.u32 s6, $0x1;
	s3 =	sadd.s32 s4, s19  }
0x9c: {  	s7 =	simm.s32 $0x0;
	s20 =	sshll.u32 s5, $0x1;
	s5 =	sadd.s32 s21, s3  }
0x9d: {  	[timem:s7], [sflag:s22] =	dma.local [hbm:s5], s20  }
0x9e: {  	_ =	swait.ge [sflag:s22], s20  }
0x9f: {  	s4 =	ssub.s32 $0x0, s20;
	[sflag:s22] =	ssyncset.done $0x0  }
0xa0: {  	[sflag:s22] =	ssyncadd.s32 s4;
	_ =	sdelay $0x1  }
0xa1: {  	s23 =	simm.s32 $0x1B8B  }
0xa2: {  	_ =	swait.ge [sflag:s23], $0x1  }
0xa3: {  	[sflag:s23] =	ssyncset.done $0x0  }
0xa4: {  	s25 =	simm.s32 $0x1B8E;
	s24 =	sld [smem:$0x3FFE];
	[sflag:s23] =	ssyncadd.s32 $0xFFFFFFFF  }
0xa5: {  	s26 =	simm.s32 $execute0_lowered;
	[smem:$0x3FD2] =	sst s25  }
0xa6: {  	s5 =	sshll.u32 s26, $0x1;
	_ =	strace $0x80000046;
	[dreg:$0x1] =	wrdreg $0xFFFFFFFF  }
0xa7: {  	s28 =	simm.s32 $_size_execute0_lowered;
	s3 =	sadd.s32 s3, s5;
	[dreg:$0x0] =	wrdreg $0x0  }
0xa8: {  	s5 =	sshll.u32 s28, $0x1;
	[dreg:$0x2] =	wrdreg s3  }
0xa9: {  	[dreg:$0x3] =	wrdreg s5  }
0xaa: {  	[dreg:$0x4] =	wrdreg $0xC0  }
0xab: {  	_ =	task [dreg:s7], $0x5FFFF  }
0xac: {  	[dreg:$0x1] =	wrdreg $0xFFFFFFFF  }
0xad: {  	[dreg:$0x0] =	wrdreg $0x60  }
0xae: {  	[dreg:$0x2] =	wrdreg s24  }
0xaf: {  	[dreg:$0x3] =	wrdreg s2  }
0xb0: {  	[dreg:$0x4] =	wrdreg $0x2AF80  }
0xb1: {  	[dreg:$0x5] =	wrdreg $0x9  }
0xb2: {  	_ =	task.clear_ibuf [dreg:s7], $0x6FFFF;
	_ =	strace $0x90000046  }
0xb3: {  	s29 =	simm.s32 $0x9;
	_ =	strace $0x80000048  }
0xb4: {  	_ =	swait.ge [sflag:s29], $0x1  }
0xb5: {  	[sflag:s29] =	ssyncadd.s32 $0xFFFFFFFF  }
0xb6: {  	_ =	strace $0x90000048  }
0xb7: {  	_ =	sfence  }
0xb8: {  	s30 =	sld [smem:$0x0];
	_ =	sdelay $0x2  }
0xb9: {  	s31 =	sshll.u32 s1, $0xD;
	s1 =	sshrl.u32 s1, $0x2  }
0xba: {  	s3 =	sand.u32 $0x4000, s31;
	s1 =	sadd.s32 s1, s30  }
0xbb: {  	s0 =	sor.u32 s3, s0;
	s1 =	sshll.u32 s1, $0x11  }
0xbc: {  	s0 =	sor.u32 s1, s0  }
0xbd: {  	s0 =	sadd.s32 $0x8F2B, s0  }
0xbe: {  	[sflag:s0] =	ssyncadd.remote.s32 $0x1  }
0xbf: {  	_ =	sfence.sel $0xFFFF  }
0xc0: {  	[dreg:$0x0] =	wrdreg $0xFFFFFFFF;
	(pc) =	sbr.abs _section_cstart, $3  }
0xc1: {  	[dreg:$0x1] =	wrdreg $0xFFFFFFFF  }
0xc2: {  	_ =	task.clear_ibuf [dreg:s7], $0x2FFFF;
	_ =	strace $0x9FFFFFFF  }
0xc3: {  	(tm) =	ssettm $0x7FFFFFFF  }
tec
execute0_lowered:
.L_overlay_start_1:
0x0: {  	(tag) =	ssettag $0x1  }
0x1: {  	s5 =	rddreg [dreg:$0x0]  }
0x2: {  	s1 =	srdreg.scid;
	s8 =	rddreg [dreg:$0x1]  }
0x3: {  	s0 =	stileid.u32;
	s2 =	rddreg [dreg:$0x2]  }
0x4: {  	s3 =	simm.s32 $0x0;
	s12 =	simm.s32 $0x2800;
	s13 =	simm.s32 $0x80  }
0x5: {  	s14 =	simm.s32 $0x0;
	s4 =	sand.u32 $0x1, s1;
	s30 =	sshll.u32 s0, $0x1  }
0x6: {  	s7 =	smul.u32 $0x278, s0;
	[smem:$0x7FF] =	sst s3;
	s1 =	sor.u32 s4, s30  }
0x7: {  	s9 =	smul.u32 $0x2780, s4;
	s31 =	ssub.s32 $0x2, s4;
	s4 =	sadd.s32 $0xC200, s5  }
0x8: {  	s6 =	smul.u32 $0x500, s1;
	s1 =	rddreg [dreg:$0x3];
	s11 =	sshrl.u32 s31, $0x1  }
0x9: {  	_ =	strace $0x80000047;
	s9 =	sadd.s32 s7, s9;
	s11 =	ssub.s32 s31, s11  }
0xa: {  	s10 =	sadd.s32 s6, s5;
	s5 =	sadd.s32 $0xC000, s5;
	s9 =	sshrl.u32 s9, $0x3  }
0xb: {  	s6 =	sadd.s32 s7, s2;
	s7 =	sadd.s32 $0x2000, s10;
	s8 =	sadd.s32 s8, s9  }
0xc: {  	s9 =	smax.u32 s11, $0x1;
	s10 =	simm.s32 $0x2880;
	s11 =	simm.s32 $0x1  }
.LBB2_1:
0xd: {  	[tilespmem:s10], [sflag:$0x1] =	stream.linear.gather [hbm4b:s5+s3], $0x278, $0x38;
	[tilespmem:$0x2D70] =	vst v63  }
0xe: {  	_ =	swait.ge [sflag:s11], $0x278  }
0xf: {  	[sflag:s11] =	ssyncset.done $0x0  }
0x10: {  	[sflag:s11] =	ssyncadd.s32 $0xFFFFFD88  }
0x11: {  	[spmem:s6] =	stream.linear.scatter [tilespmem:s10], [sflag:$0x1], $0x278, $0x38;
	[tilespmem:$0x2D70] =	vst v63  }
0x12: {  	_ =	swait.ge [sflag:s11], $0x278  }
0x13: {  	[sflag:s11] =	ssyncset.done $0x0  }
0x14: {  	[sflag:s11] =	ssyncadd.s32 $0xFFFFFD88  }
0x15: {  	[tilespmem:s12], [sflag:$0x1] =	stream.linear.gather [hbm4b:s4+s3], $0x80, $0x38;
	[tilespmem:$0x2D70] =	vst v63  }
0x16: {  	_ =	swait.ge [sflag:s11], $0x80  }
0x17: {  	[sflag:s11] =	ssyncset.done $0x0  }
0x18: {  	[sflag:s11] =	ssyncadd.s32 $0xFFFFFF80  }
0x19: {  	[tilespmem:s3], [sflag:$0x1] =	stream.linear.gather [hbm4b:s7+s3], $0x2800, $0x38;
	[tilespmem:$0x2D70] =	vst v63  }
0x1a: {  	_ =	swait.ge [sflag:s11], $0x2800  }
0x1b: {  	[sflag:s11] =	ssyncset.done $0x0  }
0x1c: {  	[sflag:s11] =	ssyncadd.s32 $0xFFFFD800  }
0x1d: {  	s15 =	simm.s32 $0x0;
	[bflag:$0x0] =	sbarrier.arrive $0xFFFF  }
0x1e: {  	[spmem:s2] =	stream.indirect.scatter.add.f32 [tilespmem:s12], [sflag:$0x1], $0x1, s15, s13, $0xb8;
	[tilespmem:$0x2D70] =	vst v63  }
0x1f: {  	_ =	swait.ge [sflag:s11], $0x80  }
0x20: {  	s15 =	simm.s32 $0x200;
	[sflag:s11] =	ssyncset.done $0x0  }
.LBB2_2:
0x21: {  	s16 =	sshra.s32 s15, $0x2;
	[sflag:s11] =	ssyncadd.s32 $0xFFFFFF80;
	p0 =	sne.s32 s15, $0x9E00  }
0x22: {  	[spmem:s2] =	stream.indirect.scatter.add.f32 [tilespmem:s12], [sflag:$0x1], $0x1, s16, s13, $0xb8;
	[tilespmem:$0x2D70] =	vst v63  }
.Ltmp0:
0x23: {  	_ = 	snop;
	(pc) =	sbr.rel @p0 .LBB2_2-.Ltmp0, $4  }
0x24: {  	_ = 	snop  }
0x25: {  	s15 =	sadd.s32 $0x200, s15  }
0x26: {  	_ =	swait.ge [sflag:s11], $0x80  }
0x27: {  	[sflag:s11] =	ssyncset.done $0x0  }
0x28: {  	[sflag:s11] =	ssyncadd.s32 $0xFFFFFF80  }
0x29: {  	[bflag:$0x0] =	sbarrier.arrive $0xFFFF  }
0x2a: {  	[tilespmem:s10], [sflag:$0x1] =	stream.linear.gather [spmem:s6], $0x278, $0x38;
	[tilespmem:$0x2D70] =	vst v63  }
0x2b: {  	s14 =	sadd.s32 $0x1, s14;
	_ =	swait.ge [sflag:s11], $0x278  }
0x2c: {  	p0 =	sne.s32 s14, s9;
	[sflag:s11] =	ssyncset.done $0x0  }
.Ltmp1:
0x2d: {  	[sflag:s11] =	ssyncadd.s32 $0xFFFFFD88;
	(pc) =	sbr.rel @p0 .LBB2_1-.Ltmp1, $4  }
0x2e: {  	[hbm4b:s8+s3] =	stream.linear.scatter [tilespmem:s10], [sflag:$0x1], $0x278, $0x38;
	[tilespmem:$0x2D70] =	vst v63  }
0x2f: {  	_ =	swait.ge [sflag:s11], $0x278  }
0x30: {  	[sflag:s11] =	ssyncset.done $0x0  }
0x31: {  	[sflag:s11] =	ssyncadd.s32 $0xFFFFFD88  }
0x32: {  	_ =	sfence.sel $0x180000  }
0x33: {  	[bflag:$0x0] =	sbarrier.arrive $0xFFFF  }
0x34: {  	p0 =	sne.s32 s0, $0x0;
	_ =	strace $0x90000047  }
0x35: {  	s0 =	sadd.s32 @!p0 $0x100000, s1;
	[bflag:$0x2] =	sbarrier.arrive $0xFFFF  }
0x36: {  	[sflag:s0] =	ssyncadd.tile.s32 @!p0 $0x1;
	_ =	shalt  }
.Lfunc_end2:
_tile_overlayer_lowered:
.L_overlay_start_2:
0x37: {  	(tag) =	ssettag $0x2  }
0x38: {  	s0 =	rddreg [dreg:$0x0];
	s2 =	stileid.u32  }
0x39: {  	s1 =	rddreg [dreg:$0x1];
	p0 =	sne.s32 s2, $0x0  }
0x3a: {  	s3 =	rddreg [dreg:$0x2];
	[bflag:$0x3] =	sbarrier.arrive $0xFFFF;
	s2 =	simm.s32 @!p0 $0x1C01  }
0x3b: {  	[timem:s3], [sflag:s2] =	dma.local @!p0 [hbm:s0], s1  }
0x3c: {  	s0 =	simm.s32 @!p0 $0x1  }
0x3d: {  	_ =	swait.ge @!p0 [sflag:s0], s1  }
0x3e: {  	s1 =	ssub.s32 @!p0 $0x0, s1;
	[sflag:s0] =	ssyncset.done @!p0 $0x0  }
0x3f: {  	[sflag:s0] =	ssyncadd.s32 @!p0 s1  }
0x40: {  	[bflag:$0x3] =	sbarrier.arrive $0xFFFF  }
0x41: {  	_ =	shalt  }

</sc_bundles>
